<compile_context>
chip_gen: v7x
topology: tpu7x:2x2x1
jax: 0.10.2.dev20260603
libtpu: 0.0.44.dev20260713+nightly
codegen_flags: <defaults>
</compile_context>

<pallas_src>
import functools

import jax
import jax.numpy as jnp
from jax import lax
from jax.experimental import pallas as pl
from jax.experimental.pallas import tpu as pltpu
from jax.experimental.pallas import tpu_sc as plsc

N = 20000
NPAD = 20008
NMS_PRE = 4096
NMS_POST = 500
NMS_THRESH = 0.1
SENTINEL = N

SR, SC_ = 256, 128
NSORT = SR * SC_

BLK = 512
NBLK = NMS_PRE // BLK



def _bitonic_stage(key, idx, riota, ciota, k, j):
    if j >= SC_:
        jr = j // SC_
        hi = (riota & jr) != 0
        pk = jnp.where(hi, pltpu.roll(key, jr, 0), pltpu.roll(key, SR - jr, 0))
        pi = jnp.where(hi, pltpu.roll(idx, jr, 0), pltpu.roll(idx, SR - jr, 0))
        jbit = ~hi
    else:
        hi = (ciota & j) != 0
        pk = jnp.where(hi, pltpu.roll(key, j, 1), pltpu.roll(key, SC_ - j, 1))
        pi = jnp.where(hi, pltpu.roll(idx, j, 1), pltpu.roll(idx, SC_ - j, 1))
        jbit = ~hi
    if k >= SC_:
        kbit = (riota & (k // SC_)) == 0
    else:
        kbit = (ciota & k) == 0
    own_first = (key > pk) | ((key == pk) & (idx < pi))
    take = (kbit == jbit) != own_first
    return jnp.where(take, pk, key), jnp.where(take, pi, idx)


def _sort_body(key_ref, idx_ref, oidx_ref):
    key = key_ref[...]
    idx = idx_ref[...]
    riota = lax.broadcasted_iota(jnp.int32, (SR, SC_), 0)
    ciota = lax.broadcasted_iota(jnp.int32, (SR, SC_), 1)
    kk = 2
    while kk <= NSORT:
        j = kk // 2
        while j >= 1:
            key, idx = _bitonic_stage(key, idx, riota, ciota, kk, j)
            j //= 2
        kk *= 2
    oidx_ref[...] = idx


_sort_call = pl.pallas_call(
    _sort_body,
    out_shape=jax.ShapeDtypeStruct((SR, SC_), jnp.int32),
)



_NCORES = 2
_NSUB = 16
_NW = _NCORES * _NSUB


def _make_row_gather(nrows):
    per_w = nrows // _NW
    mesh = plsc.VectorSubcoreMesh(core_axis_name="c", subcore_axis_name="s", num_cores=_NCORES, num_subcores=_NSUB)

    @functools.partial(
        pl.kernel,
        out_type=jax.ShapeDtypeStruct((nrows, 8), jnp.float32),
        mesh=mesh,
        compiler_params=pltpu.CompilerParams(use_tc_tiling_on_sc=False, needs_layout_passes=False),
        scratch_types=[
            pltpu.VMEM((per_w,), jnp.int32),
            pltpu.VMEM((per_w, 8), jnp.float32),
            pltpu.SemaphoreType.DMA,
        ],
    )
    def gather_rows(table_hbm, idx_hbm, out_hbm, idx_v, rows_v, sem):
        wid = lax.axis_index("s") * _NCORES + lax.axis_index("c")
        base = wid * per_w
        pltpu.sync_copy(idx_hbm.at[pl.ds(base, per_w)], idx_v)
        pltpu.async_copy(table_hbm.at[idx_v], rows_v, sem).wait()
        pltpu.sync_copy(rows_v, out_hbm.at[pl.ds(base, per_w)])

    return gather_rows


_gather_cand = functools.lru_cache(None)(_make_row_gather)





def _nms_body(cxr, cyr, wr, hr, cxc, cyc, wc, hc, keep_ref, alive_ref):
    alive_ref[...] = jnp.ones((1, NMS_PRE), jnp.float32)
    colpos = lax.broadcasted_iota(jnp.int32, (1, NMS_PRE), 1)

    xmin_c = cxc[...] - wc[...] * 0.5
    xmax_c = cxc[...] + wc[...] * 0.5
    ymin_c = cyc[...] - hc[...] * 0.5
    ymax_c = cyc[...] + hc[...] * 0.5
    area_c = wc[...] * hc[...]

    for b in range(NBLK):
        base = b * BLK
        rs = pl.ds(base, BLK)
        cxb, wb = cxr[rs, :], wr[rs, :]
        cyb, hb = cyr[rs, :], hr[rs, :]
        xmin_r = cxb - wb * 0.5
        xmax_r = cxb + wb * 0.5
        ymin_r = cyb - hb * 0.5
        ymax_r = cyb + hb * 0.5
        area_r = wb * hb

        cs = slice(base, NMS_PRE)
        iw = jnp.clip(jnp.minimum(xmax_r, xmax_c[:, cs])
                      - jnp.maximum(xmin_r, xmin_c[:, cs]), 0.0, None)
        ih = jnp.clip(jnp.minimum(ymax_r, ymax_c[:, cs])
                      - jnp.maximum(ymin_r, ymin_c[:, cs]), 0.0, None)
        inter = iw * ih
        union = area_r + area_c[:, cs] - inter
        iou = inter / jnp.clip(union, 1e-08, None)
        rowpos = lax.broadcasted_iota(jnp.int32, (BLK, 1), 0)
        supf = ((iou > NMS_THRESH) & (colpos[:, cs] - base > rowpos)
                ).astype(jnp.float32)

        sup_blk = supf[:, :BLK]
        alive0 = alive_ref[:, base:base + BLK]

        def jacobi_cond(carry):
            _, changed, t = carry
            return changed & (t < BLK)

        def jacobi_body(carry):
            keep, _, t = carry
            s = jnp.dot(keep, sup_blk, preferred_element_type=jnp.float32)
            mid = alive0 * (s < 0.5).astype(jnp.float32)
            s2 = jnp.dot(mid, sup_blk, preferred_element_type=jnp.float32)
            keep_new = alive0 * (s2 < 0.5).astype(jnp.float32)
            changed = jnp.any(keep_new != keep)
            return keep_new, changed, t + 1

        alive_blk, _, _ = lax.while_loop(
            jacobi_cond, jacobi_body, (alive0, jnp.bool_(True), jnp.int32(0)))
        alive_ref[:, base:base + BLK] = alive_blk

        s = jnp.dot(alive_blk, supf, preferred_element_type=jnp.float32)
        alive_ref[:, base:] = alive_ref[:, base:] * (s < 0.5).astype(jnp.float32)

    keep_ref[...] = alive_ref[...]


_nms_call = pl.pallas_call(
    _nms_body,
    out_shape=jax.ShapeDtypeStruct((1, NMS_PRE), jnp.float32),
    scratch_shapes=[
        pltpu.VMEM((1, NMS_PRE), jnp.float32),
    ],
)



def _make_finalize():
    nrows = 512
    per_w = nrows // _NW
    mesh = plsc.VectorSubcoreMesh(core_axis_name="c", subcore_axis_name="s", num_cores=_NCORES, num_subcores=_NSUB)

    @functools.partial(
        pl.kernel,
        out_type=(jax.ShapeDtypeStruct((nrows, 8), jnp.float32),
                  jax.ShapeDtypeStruct((nrows,), jnp.float32),
                  jax.ShapeDtypeStruct((nrows,), jnp.float32)),
        mesh=mesh,
        compiler_params=pltpu.CompilerParams(use_tc_tiling_on_sc=False, needs_layout_passes=False),
        scratch_types=[
            pltpu.VMEM((NMS_PRE,), jnp.float32),
            pltpu.VMEM((NMS_PRE,), jnp.int32),
            pltpu.VMEM((nrows,), jnp.int32),
            pltpu.VMEM((per_w,), jnp.int32),
            pltpu.VMEM((per_w, 8), jnp.float32),
            pltpu.VMEM((per_w,), jnp.float32),
            pltpu.VMEM((per_w,), jnp.float32),
            pltpu.SemaphoreType.DMA,
        ],
    )
    def finalize(keep_hbm, cand_hbm, table_hbm, sc_hbm, lb_hbm,
                 obox_hbm, osc_hbm, olb_hbm,
                 keep_v, cand_v, slots_v, idx_v, rows_v, s_v, l_v, sem):
        wid = lax.axis_index("s") * _NCORES + lax.axis_index("c")
        base = wid * per_w
        pltpu.sync_copy(keep_hbm, keep_v)
        pltpu.sync_copy(cand_hbm, cand_v)
        sent = jnp.full((16,), SENTINEL, jnp.int32)
        for i in range(nrows // 16):
            slots_v[pl.ds(i * 16, 16)] = sent

        def body(i, carry):
            kv = keep_v[pl.ds(i * 16, 16)]
            incl = plsc.cumsum(kv)
            ranks = (incl + carry).astype(jnp.int32) - 1
            valid = (kv > 0.5) & (ranks < NMS_POST)
            slot = jnp.where(valid, ranks, 0)
            cv = cand_v[pl.ds(i * 16, 16)]
            plsc.store_scatter(slots_v, [slot], cv, mask=valid)
            return carry + jnp.sum(kv)

        lax.fori_loop(0, NMS_PRE // 16, body, jnp.float32(0.0))

        idx_v[...] = slots_v[pl.ds(base, per_w)]
        pltpu.async_copy(table_hbm.at[idx_v], rows_v, sem).wait()
        pltpu.async_copy(sc_hbm.at[idx_v], s_v, sem).wait()
        pltpu.async_copy(lb_hbm.at[idx_v], l_v, sem).wait()
        pltpu.sync_copy(rows_v, obox_hbm.at[pl.ds(base, per_w)])
        pltpu.sync_copy(s_v, osc_hbm.at[pl.ds(base, per_w)])
        pltpu.sync_copy(l_v, olb_hbm.at[pl.ds(base, per_w)])

    return finalize


_finalize = functools.lru_cache(None)(_make_finalize)



def kernel(boxes, scores, labels):
    keys = lax.bitcast_convert_type(scores, jnp.int32)
    keys = jnp.concatenate([keys, jnp.full((NSORT - N,), -1, jnp.int32)])
    idx = jnp.arange(NSORT, dtype=jnp.int32)
    sorted_idx = _sort_call(keys.reshape(SR, SC_), idx.reshape(SR, SC_))
    cand = sorted_idx.reshape(-1)[:NMS_PRE]

    boxes8 = jnp.zeros((NPAD, 8), jnp.float32).at[:N, :7].set(boxes)
    scores_p = jnp.zeros((NPAD,), jnp.float32).at[:N].set(scores)
    labels_p = jnp.zeros((NPAD,), jnp.float32).at[:N].set(
        labels.astype(jnp.float32))

    cb = _gather_cand(NMS_PRE)(boxes8, cand)
    cx, cy, w, h = cb[:, 0], cb[:, 1], cb[:, 3], cb[:, 4]

    keep = _nms_call(cx[:, None], cy[:, None], w[:, None], h[:, None],
                     cx[None, :], cy[None, :], w[None, :], h[None, :])

    fb, fs, fl = _finalize()(keep.reshape(NMS_PRE), cand,
                             boxes8, scores_p, labels_p)
    return (fl[:NMS_POST][None, :], fs[:NMS_POST][None, :],
            fb[:NMS_POST, :7][None, :, :])

# --- scband reference (transcript-rebuilt; emitter-appended) ---
"""Pipeline reference for scband-onnxwrapper-62775241998749 (READ-ONLY COPY).

The authoritative reference and input builder live on the scoring server;
editing this copy changes nothing except your own understanding.
"""

import jax, jax.numpy as jnp
import numpy as np

N = 20000
NMS_PRE = 4096
NMS_POST = 500
NMS_THRESH = 0.1


def _nms_keep_indices(boxes, scores):
    # topk pre-filter (torch.topk returns sorted descending, same as argsort here)
    cand = jnp.argsort(-scores)[:NMS_PRE]
    b = boxes[cand]
    xmin = b[:, 0] - b[:, 3] / 2.0
    xmax = b[:, 0] + b[:, 3] / 2.0
    ymin = b[:, 1] - b[:, 4] / 2.0
    ymax = b[:, 1] + b[:, 4] / 2.0
    area = b[:, 3] * b[:, 4]
    pos = jnp.arange(NMS_PRE)

    def body(i, keep):
        iw = jnp.clip(jnp.minimum(xmax[i], xmax) - jnp.maximum(xmin[i], xmin), 0.0, None)
        ih = jnp.clip(jnp.minimum(ymax[i], ymax) - jnp.maximum(ymin[i], ymin), 0.0, None)
        inter = iw * ih
        union = area[i] + area - inter
        iou = inter / jnp.clip(union, 1e-08, None)
        sup = (iou > NMS_THRESH) & (pos > i)
        return jnp.where(keep[i], keep & ~sup, keep)

    keep = jax.lax.fori_loop(0, NMS_PRE, body, jnp.ones((NMS_PRE,), dtype=bool))
    ranks = jnp.cumsum(keep.astype(jnp.int32)) - 1
    valid = keep & (ranks < NMS_POST)
    slots = jnp.where(valid, ranks, NMS_POST)
    idx_pad = jnp.zeros((NMS_POST,), dtype=cand.dtype).at[slots].set(cand, mode="drop")
    mask = jnp.zeros((NMS_POST,), dtype=jnp.float32).at[slots].set(1.0, mode="drop")
    return idx_pad, mask


def setup_inputs(seed: int = 0):
    key = jax.random.key(seed)
    k1, k2, k3 = jax.random.split(key, 3)
    u = jax.random.uniform(k1, (N, 7), dtype=jnp.float32)
    centers = u[:, :3] * 100.0
    sizes = u[:, 3:6] * 4.0 + 1.0
    heading = u[:, 6:7] * 3.14159
    boxes = jnp.concatenate([centers, sizes, heading], axis=1)
    scores = jax.random.uniform(k2, (N,), dtype=jnp.float32)
    labels = jax.random.randint(k3, (N,), 0, 3)
    return {"boxes": boxes, "scores": scores, "labels": labels}


def reference(boxes, scores, labels):
    idx_pad, mask = _nms_keep_indices(boxes, scores)
    final_boxes = jnp.take(boxes, idx_pad, axis=0) * mask[:, None]
    final_scores = jnp.take(scores, idx_pad, axis=0) * mask
    final_labels = jnp.take(labels, idx_pad, axis=0).astype(jnp.float32) * mask
    return (final_labels[None, :], final_scores[None, :], final_boxes[None, :, :])

if __name__ == "__main__":
    import jax
    _d = setup_inputs()
    print(jax.jit(kernel)(*tuple(_d.values())))

</pallas_src>

<mosaic_0001>
#map = affine_map<(d0, d1) -> (0)>
#map1 = affine_map<(d0, d1) -> (0, 0)>
module attributes {stable_mosaic.version = 14 : i64} {
  func.func @finalize(%arg0: i32, %arg1: i32, %arg2: memref<4096xf32, #tpu.memory_space<hbm>>, %arg3: memref<4096xi32, #tpu.memory_space<hbm>>, %arg4: memref<20008x8xf32, #tpu.memory_space<hbm>>, %arg5: memref<20008xf32, #tpu.memory_space<hbm>>, %arg6: memref<20008xf32, #tpu.memory_space<hbm>>, %arg7: memref<512x8xf32, #tpu.memory_space<hbm>>, %arg8: memref<512xf32, #tpu.memory_space<hbm>>, %arg9: memref<512xf32, #tpu.memory_space<hbm>>, %arg10: memref<4096xf32, #tpu.memory_space<vmem>>, %arg11: memref<4096xi32, #tpu.memory_space<vmem>>, %arg12: memref<512xi32, #tpu.memory_space<vmem>>, %arg13: memref<16xi32, #tpu.memory_space<vmem>>, %arg14: memref<16x8xf32, #tpu.memory_space<vmem>>, %arg15: memref<16xf32, #tpu.memory_space<vmem>>, %arg16: memref<16xf32, #tpu.memory_space<vmem>>, %arg17: memref<!tpu.dma_semaphore, #tpu.memory_space<semaphore_mem>>) attributes {dimension_semantics = [#tpu.dimension_semantics<core_parallel>, #tpu.dimension_semantics<subcore_parallel>], iteration_bounds = array<i64: 2, 16>, scalar_prefetch = 0 : i64, scratch_operands = 8 : i64, tpu.core_type = #tpu.core_type<sc_vector_subcore>, window_params = [{transform_indices = #map}, {transform_indices = #map}, {transform_indices = #map1}, {transform_indices = #map}, {transform_indices = #map}, {transform_indices = #map1}, {transform_indices = #map}, {transform_indices = #map}]} {
    %mul3A = arith.constant 2 : i32
    %mul3A_0 = arith.muli %arg1, %mul3A : i32
    %add3A = arith.addi %mul3A_0, %arg0 : i32
    %mul3A_1 = arith.constant 16 : i32
    %mul3A_2 = arith.muli %add3A, %mul3A_1 : i32
    "tpu.region"() ({
      %run_scoped3A = tpu.sem_alloc : memref<!tpu.dma_semaphore, #tpu.memory_space<semaphore_mem>>
      tpu.enqueue_dma source(%arg2 : memref<4096xf32, #tpu.memory_space<hbm>>) target(%arg10 : memref<4096xf32, #tpu.memory_space<vmem>>) target_semaphore(%run_scoped3A : memref<!tpu.dma_semaphore, #tpu.memory_space<semaphore_mem>>)
      tpu.wait_dma2 semaphore(%run_scoped3A : memref<!tpu.dma_semaphore, #tpu.memory_space<semaphore_mem>>) src(%arg2 : memref<4096xf32, #tpu.memory_space<hbm>>) dst(%arg10 : memref<4096xf32, #tpu.memory_space<vmem>>)
      tpu.yield
    }) : () -> ()
    "tpu.region"() ({
      %run_scoped3A = tpu.sem_alloc : memref<!tpu.dma_semaphore, #tpu.memory_space<semaphore_mem>>
      tpu.enqueue_dma source(%arg3 : memref<4096xi32, #tpu.memory_space<hbm>>) target(%arg11 : memref<4096xi32, #tpu.memory_space<vmem>>) target_semaphore(%run_scoped3A : memref<!tpu.dma_semaphore, #tpu.memory_space<semaphore_mem>>)
      tpu.wait_dma2 semaphore(%run_scoped3A : memref<!tpu.dma_semaphore, #tpu.memory_space<semaphore_mem>>) src(%arg3 : memref<4096xi32, #tpu.memory_space<hbm>>) dst(%arg11 : memref<4096xi32, #tpu.memory_space<vmem>>)
      tpu.yield
    }) : () -> ()
    %broadcast_in_dim3A = arith.constant 20000 : i32
    %broadcast_in_dim3A_3 = vector.broadcast %broadcast_in_dim3A : i32 to vector<16xi32>
    %swap3A = arith.constant 0 : index
    %swap3A_4 = tpu.vector_load %arg12[%swap3A] {strides = array<i32>} : memref<512xi32, #tpu.memory_space<vmem>>, vector<16xi32>,
    tpu.vector_store %arg12[%swap3A], %broadcast_in_dim3A_3 {strides = array<i32>} : memref<512xi32, #tpu.memory_space<vmem>>, vector<16xi32>,
    %swap3A_5 = arith.constant 16 : index
    %swap3A_6 = tpu.vector_load %arg12[%swap3A_5] {strides = array<i32>} : memref<512xi32, #tpu.memory_space<vmem>>, vector<16xi32>,
    tpu.vector_store %arg12[%swap3A_5], %broadcast_in_dim3A_3 {strides = array<i32>} : memref<512xi32, #tpu.memory_space<vmem>>, vector<16xi32>,
    %swap3A_7 = arith.constant 32 : index
    %swap3A_8 = tpu.vector_load %arg12[%swap3A_7] {strides = array<i32>} : memref<512xi32, #tpu.memory_space<vmem>>, vector<16xi32>,
    tpu.vector_store %arg12[%swap3A_7], %broadcast_in_dim3A_3 {strides = array<i32>} : memref<512xi32, #tpu.memory_space<vmem>>, vector<16xi32>,
    %swap3A_9 = arith.constant 48 : index
    %swap3A_10 = tpu.vector_load %arg12[%swap3A_9] {strides = array<i32>} : memref<512xi32, #tpu.memory_space<vmem>>, vector<16xi32>,
    tpu.vector_store %arg12[%swap3A_9], %broadcast_in_dim3A_3 {strides = array<i32>} : memref<512xi32, #tpu.memory_space<vmem>>, vector<16xi32>,
    %swap3A_11 = arith.constant 64 : index
    %swap3A_12 = tpu.vector_load %arg12[%swap3A_11] {strides = array<i32>} : memref<512xi32, #tpu.memory_space<vmem>>, vector<16xi32>,
    tpu.vector_store %arg12[%swap3A_11], %broadcast_in_dim3A_3 {strides = array<i32>} : memref<512xi32, #tpu.memory_space<vmem>>, vector<16xi32>,
    %swap3A_13 = arith.constant 80 : index
    %swap3A_14 = tpu.vector_load %arg12[%swap3A_13] {strides = array<i32>} : memref<512xi32, #tpu.memory_space<vmem>>, vector<16xi32>,
    tpu.vector_store %arg12[%swap3A_13], %broadcast_in_dim3A_3 {strides = array<i32>} : memref<512xi32, #tpu.memory_space<vmem>>, vector<16xi32>,
    %swap3A_15 = arith.constant 96 : index
    %swap3A_16 = tpu.vector_load %arg12[%swap3A_15] {strides = array<i32>} : memref<512xi32, #tpu.memory_space<vmem>>, vector<16xi32>,
    tpu.vector_store %arg12[%swap3A_15], %broadcast_in_dim3A_3 {strides = array<i32>} : memref<512xi32, #tpu.memory_space<vmem>>, vector<16xi32>,
    %swap3A_17 = arith.constant 112 : index
    %swap3A_18 = tpu.vector_load %arg12[%swap3A_17] {strides = array<i32>} : memref<512xi32, #tpu.memory_space<vmem>>, vector<16xi32>,
    tpu.vector_store %arg12[%swap3A_17], %broadcast_in_dim3A_3 {strides = array<i32>} : memref<512xi32, #tpu.memory_space<vmem>>, vector<16xi32>,
    %swap3A_19 = arith.constant 128 : index
    %swap3A_20 = tpu.vector_load %arg12[%swap3A_19] {strides = array<i32>} : memref<512xi32, #tpu.memory_space<vmem>>, vector<16xi32>,
    tpu.vector_store %arg12[%swap3A_19], %broadcast_in_dim3A_3 {strides = array<i32>} : memref<512xi32, #tpu.memory_space<vmem>>, vector<16xi32>,
    %swap3A_21 = arith.constant 144 : index
    %swap3A_22 = tpu.vector_load %arg12[%swap3A_21] {strides = array<i32>} : memref<512xi32, #tpu.memory_space<vmem>>, vector<16xi32>,
    tpu.vector_store %arg12[%swap3A_21], %broadcast_in_dim3A_3 {strides = array<i32>} : memref<512xi32, #tpu.memory_space<vmem>>, vector<16xi32>,
    %swap3A_23 = arith.constant 160 : index
    %swap3A_24 = tpu.vector_load %arg12[%swap3A_23] {strides = array<i32>} : memref<512xi32, #tpu.memory_space<vmem>>, vector<16xi32>,
    tpu.vector_store %arg12[%swap3A_23], %broadcast_in_dim3A_3 {strides = array<i32>} : memref<512xi32, #tpu.memory_space<vmem>>, vector<16xi32>,
    %swap3A_25 = arith.constant 176 : index
    %swap3A_26 = tpu.vector_load %arg12[%swap3A_25] {strides = array<i32>} : memref<512xi32, #tpu.memory_space<vmem>>, vector<16xi32>,
    tpu.vector_store %arg12[%swap3A_25], %broadcast_in_dim3A_3 {strides = array<i32>} : memref<512xi32, #tpu.memory_space<vmem>>, vector<16xi32>,
    %swap3A_27 = arith.constant 192 : index
    %swap3A_28 = tpu.vector_load %arg12[%swap3A_27] {strides = array<i32>} : memref<512xi32, #tpu.memory_space<vmem>>, vector<16xi32>,
    tpu.vector_store %arg12[%swap3A_27], %broadcast_in_dim3A_3 {strides = array<i32>} : memref<512xi32, #tpu.memory_space<vmem>>, vector<16xi32>,
    %swap3A_29 = arith.constant 208 : index
    %swap3A_30 = tpu.vector_load %arg12[%swap3A_29] {strides = array<i32>} : memref<512xi32, #tpu.memory_space<vmem>>, vector<16xi32>,
    tpu.vector_store %arg12[%swap3A_29], %broadcast_in_dim3A_3 {strides = array<i32>} : memref<512xi32, #tpu.memory_space<vmem>>, vector<16xi32>,
    %swap3A_31 = arith.constant 224 : index
    %swap3A_32 = tpu.vector_load %arg12[%swap3A_31] {strides = array<i32>} : memref<512xi32, #tpu.memory_space<vmem>>, vector<16xi32>,
    tpu.vector_store %arg12[%swap3A_31], %broadcast_in_dim3A_3 {strides = array<i32>} : memref<512xi32, #tpu.memory_space<vmem>>, vector<16xi32>,
    %swap3A_33 = arith.constant 240 : index
    %swap3A_34 = tpu.vector_load %arg12[%swap3A_33] {strides = array<i32>} : memref<512xi32, #tpu.memory_space<vmem>>, vector<16xi32>,
    tpu.vector_store %arg12[%swap3A_33], %broadcast_in_dim3A_3 {strides = array<i32>} : memref<512xi32, #tpu.memory_space<vmem>>, vector<16xi32>,
    %swap3A_35 = arith.constant 256 : index
    %swap3A_36 = tpu.vector_load %arg12[%swap3A_35] {strides = array<i32>} : memref<512xi32, #tpu.memory_space<vmem>>, vector<16xi32>,
    tpu.vector_store %arg12[%swap3A_35], %broadcast_in_dim3A_3 {strides = array<i32>} : memref<512xi32, #tpu.memory_space<vmem>>, vector<16xi32>,
    %swap3A_37 = arith.constant 272 : index
    %swap3A_38 = tpu.vector_load %arg12[%swap3A_37] {strides = array<i32>} : memref<512xi32, #tpu.memory_space<vmem>>, vector<16xi32>,
    tpu.vector_store %arg12[%swap3A_37], %broadcast_in_dim3A_3 {strides = array<i32>} : memref<512xi32, #tpu.memory_space<vmem>>, vector<16xi32>,
    %swap3A_39 = arith.constant 288 : index
    %swap3A_40 = tpu.vector_load %arg12[%swap3A_39] {strides = array<i32>} : memref<512xi32, #tpu.memory_space<vmem>>, vector<16xi32>,
    tpu.vector_store %arg12[%swap3A_39], %broadcast_in_dim3A_3 {strides = array<i32>} : memref<512xi32, #tpu.memory_space<vmem>>, vector<16xi32>,
    %swap3A_41 = arith.constant 304 : index
    %swap3A_42 = tpu.vector_load %arg12[%swap3A_41] {strides = array<i32>} : memref<512xi32, #tpu.memory_space<vmem>>, vector<16xi32>,
    tpu.vector_store %arg12[%swap3A_41], %broadcast_in_dim3A_3 {strides = array<i32>} : memref<512xi32, #tpu.memory_space<vmem>>, vector<16xi32>,
    %swap3A_43 = arith.constant 320 : index
    %swap3A_44 = tpu.vector_load %arg12[%swap3A_43] {strides = array<i32>} : memref<512xi32, #tpu.memory_space<vmem>>, vector<16xi32>,
    tpu.vector_store %arg12[%swap3A_43], %broadcast_in_dim3A_3 {strides = array<i32>} : memref<512xi32, #tpu.memory_space<vmem>>, vector<16xi32>,
    %swap3A_45 = arith.constant 336 : index
    %swap3A_46 = tpu.vector_load %arg12[%swap3A_45] {strides = array<i32>} : memref<512xi32, #tpu.memory_space<vmem>>, vector<16xi32>,
    tpu.vector_store %arg12[%swap3A_45], %broadcast_in_dim3A_3 {strides = array<i32>} : memref<512xi32, #tpu.memory_space<vmem>>, vector<16xi32>,
    %swap3A_47 = arith.constant 352 : index
    %swap3A_48 = tpu.vector_load %arg12[%swap3A_47] {strides = array<i32>} : memref<512xi32, #tpu.memory_space<vmem>>, vector<16xi32>,
    tpu.vector_store %arg12[%swap3A_47], %broadcast_in_dim3A_3 {strides = array<i32>} : memref<512xi32, #tpu.memory_space<vmem>>, vector<16xi32>,
    %swap3A_49 = arith.constant 368 : index
    %swap3A_50 = tpu.vector_load %arg12[%swap3A_49] {strides = array<i32>} : memref<512xi32, #tpu.memory_space<vmem>>, vector<16xi32>,
    tpu.vector_store %arg12[%swap3A_49], %broadcast_in_dim3A_3 {strides = array<i32>} : memref<512xi32, #tpu.memory_space<vmem>>, vector<16xi32>,
    %swap3A_51 = arith.constant 384 : index
    %swap3A_52 = tpu.vector_load %arg12[%swap3A_51] {strides = array<i32>} : memref<512xi32, #tpu.memory_space<vmem>>, vector<16xi32>,
    tpu.vector_store %arg12[%swap3A_51], %broadcast_in_dim3A_3 {strides = array<i32>} : memref<512xi32, #tpu.memory_space<vmem>>, vector<16xi32>,
    %swap3A_53 = arith.constant 400 : index
    %swap3A_54 = tpu.vector_load %arg12[%swap3A_53] {strides = array<i32>} : memref<512xi32, #tpu.memory_space<vmem>>, vector<16xi32>,
    tpu.vector_store %arg12[%swap3A_53], %broadcast_in_dim3A_3 {strides = array<i32>} : memref<512xi32, #tpu.memory_space<vmem>>, vector<16xi32>,
    %swap3A_55 = arith.constant 416 : index
    %swap3A_56 = tpu.vector_load %arg12[%swap3A_55] {strides = array<i32>} : memref<512xi32, #tpu.memory_space<vmem>>, vector<16xi32>,
    tpu.vector_store %arg12[%swap3A_55], %broadcast_in_dim3A_3 {strides = array<i32>} : memref<512xi32, #tpu.memory_space<vmem>>, vector<16xi32>,
    %swap3A_57 = arith.constant 432 : index
    %swap3A_58 = tpu.vector_load %arg12[%swap3A_57] {strides = array<i32>} : memref<512xi32, #tpu.memory_space<vmem>>, vector<16xi32>,
    tpu.vector_store %arg12[%swap3A_57], %broadcast_in_dim3A_3 {strides = array<i32>} : memref<512xi32, #tpu.memory_space<vmem>>, vector<16xi32>,
    %swap3A_59 = arith.constant 448 : index
    %swap3A_60 = tpu.vector_load %arg12[%swap3A_59] {strides = array<i32>} : memref<512xi32, #tpu.memory_space<vmem>>, vector<16xi32>,
    tpu.vector_store %arg12[%swap3A_59], %broadcast_in_dim3A_3 {strides = array<i32>} : memref<512xi32, #tpu.memory_space<vmem>>, vector<16xi32>,
    %swap3A_61 = arith.constant 464 : index
    %swap3A_62 = tpu.vector_load %arg12[%swap3A_61] {strides = array<i32>} : memref<512xi32, #tpu.memory_space<vmem>>, vector<16xi32>,
    tpu.vector_store %arg12[%swap3A_61], %broadcast_in_dim3A_3 {strides = array<i32>} : memref<512xi32, #tpu.memory_space<vmem>>, vector<16xi32>,
    %swap3A_63 = arith.constant 480 : index
    %swap3A_64 = tpu.vector_load %arg12[%swap3A_63] {strides = array<i32>} : memref<512xi32, #tpu.memory_space<vmem>>, vector<16xi32>,
    tpu.vector_store %arg12[%swap3A_63], %broadcast_in_dim3A_3 {strides = array<i32>} : memref<512xi32, #tpu.memory_space<vmem>>, vector<16xi32>,
    %swap3A_65 = arith.constant 496 : index
    %swap3A_66 = tpu.vector_load %arg12[%swap3A_65] {strides = array<i32>} : memref<512xi32, #tpu.memory_space<vmem>>, vector<16xi32>,
    tpu.vector_store %arg12[%swap3A_65], %broadcast_in_dim3A_3 {strides = array<i32>} : memref<512xi32, #tpu.memory_space<vmem>>, vector<16xi32>,
    %scan3A = arith.constant 0.000000e+00 : f32
    %scan3A_67 = arith.constant 0 : i32
    %scan3A_68 = arith.constant 256 : i32
    %scan3A_69 = arith.addi %scan3A_67, %scan3A_68 : i32
    %scan3A_70 = arith.constant 1 : i32
    %scan3A_71 = scf.for %scan3A_88 = %scan3A_67 to %scan3A_69 step %scan3A_70 iter_args(%scan3A_89 = %scan3A) -> (f32)  : i32 {
      %mul3A_90 = arith.constant 16 : i32
      %mul3A_91 = arith.muli %scan3A_88, %mul3A_90 : i32
      %get3A_92 = arith.index_cast %mul3A_91 : i32 to index
      %get3A_93 = tpu.vector_load %arg10[%get3A_92] {strides = array<i32>} : memref<4096xf32, #tpu.memory_space<vmem>>, vector<16xf32>,
      %broadcast_in_dim3A_94 = arith.constant true
      %broadcast_in_dim3A_95 = vector.broadcast %broadcast_in_dim3A_94 : i1 to vector<16xi1>
      %masked_cumsum3A = tpu.scan <sum>, %get3A_93 masked %broadcast_in_dim3A_95 : vector<16xf32>, vector<16xi1> -> vector<16xf32>
      %add3A_96 = vector.broadcast %scan3A_89 : f32 to vector<16xf32>
      %add3A_97 = arith.addf %masked_cumsum3A, %add3A_96 : vector<16xf32>
      %convert_element_type3A = arith.fptosi %add3A_97 : vector<16xf32> to vector<16xi32>
      %sub3A = arith.constant 1 : i32
      %sub3A_98 = vector.broadcast %sub3A : i32 to vector<16xi32>
      %sub3A_99 = arith.subi %convert_element_type3A, %sub3A_98 : vector<16xi32>
      %gt3A = arith.constant 5.000000e-01 : f32
      %gt3A_100 = vector.broadcast %gt3A : f32 to vector<16xf32>
      %gt3A_101 = arith.cmpf ogt, %get3A_93, %gt3A_100 : vector<16xf32>
      %lt3A = arith.constant 500 : i32
      %lt3A_102 = vector.broadcast %lt3A : i32 to vector<16xi32>
      %lt3A_103 = arith.cmpi slt, %sub3A_99, %lt3A_102 : vector<16xi32>
      %and3A = arith.andi %gt3A_101, %lt3A_103 : vector<16xi1>
      %jit3A = arith.constant 0 : i32
      %broadcast_in_dim3A_104 = vector.broadcast %jit3A : i32 to vector<16xi32>
      %select_n3A = arith.select %and3A, %sub3A_99, %broadcast_in_dim3A_104 : vector<16xi1>, vector<16xi32>
      %mul3A_105 = arith.constant 16 : i32
      %mul3A_106 = arith.muli %scan3A_88, %mul3A_105 : i32
      %get3A_107 = arith.index_cast %mul3A_106 : i32 to index
      %get3A_108 = tpu.vector_load %arg11[%get3A_107] {strides = array<i32>} : memref<4096xi32, #tpu.memory_space<vmem>>, vector<16xi32>,
      tpu.vector_store_idx %arg12[%select_n3A], %get3A_108 masked %and3A : memref<512xi32, #tpu.memory_space<vmem>>[vector<16xi32>], vector<16xi32>, vector<16xi1>
      %reduce_sum3A = arith.constant true
      %reduce_sum3A_109 = vector.broadcast %reduce_sum3A : i1 to vector<16xi1>
      %reduce_sum3A_110 = tpu.scan <sum>, %get3A_93 masked %reduce_sum3A_109 : vector<16xf32>, vector<16xi1> -> vector<16xf32>
      %reduce_sum3A_111 = vector.extract %reduce_sum3A_110[15] : f32 from vector<16xf32>
      %add3A_112 = arith.addf %scan3A_89, %reduce_sum3A_111 : f32
      scf.yield %add3A_112 : f32
    }
    %scan3A_72 = arith.constant 256 : i32
    %get3A = arith.index_cast %mul3A_2 : i32 to index
    %get3A_73 = tpu.vector_load %arg12[%get3A] {strides = array<i32>} : memref<512xi32, #tpu.memory_space<vmem>>, vector<16xi32>,
    %swap3A_74 = arith.constant 0 : index
    %swap3A_75 = tpu.vector_load %arg13[%swap3A_74] {strides = array<i32>} : memref<16xi32, #tpu.memory_space<vmem>>, vector<16xi32>,
    tpu.vector_store %arg13[%swap3A_74], %get3A_73 {strides = array<i32>} : memref<16xi32, #tpu.memory_space<vmem>>, vector<16xi32>,
    %dma_start3A = arith.constant 0 : i32
    %dma_start3A_76 = arith.constant 0 : i32
    %dma_start3A_77 = tpu.memref_slice %arg4[%dma_start3A, %dma_start3A_76] : memref<20008x8xf32, #tpu.memory_space<hbm>> -> memref<20008x8xf32, #tpu.memory_space<hbm>>
    tpu.enqueue_indirect_dma source(%dma_start3A_77 : memref<20008x8xf32, #tpu.memory_space<hbm>>) target(%arg14 : memref<16x8xf32, #tpu.memory_space<vmem>>) offsets(%arg13 : memref<16xi32, #tpu.memory_space<vmem>>) semaphore(%arg17 : memref<!tpu.dma_semaphore, #tpu.memory_space<semaphore_mem>>)
    %dma_wait3A = arith.constant 0 : i32
    %dma_wait3A_78 = arith.constant 0 : i32
    %dma_wait3A_79 = tpu.memref_slice %arg4[%dma_wait3A, %dma_wait3A_78] : memref<20008x8xf32, #tpu.memory_space<hbm>> -> memref<20008x8xf32, #tpu.memory_space<hbm>>
    tpu.wait_indirect_dma semaphore(%arg17 : memref<!tpu.dma_semaphore, #tpu.memory_space<semaphore_mem>>) src(%dma_wait3A_79 : memref<20008x8xf32, #tpu.memory_space<hbm>>) dst(%arg14 : memref<16x8xf32, #tpu.memory_space<vmem>>)
    %dma_start3A_80 = arith.constant 0 : i32
    %dma_start3A_81 = tpu.memref_slice %arg5[%dma_start3A_80] : memref<20008xf32, #tpu.memory_space<hbm>> -> memref<20008xf32, #tpu.memory_space<hbm>>
    tpu.enqueue_indirect_dma source(%dma_start3A_81 : memref<20008xf32, #tpu.memory_space<hbm>>) target(%arg15 : memref<16xf32, #tpu.memory_space<vmem>>) offsets(%arg13 : memref<16xi32, #tpu.memory_space<vmem>>) semaphore(%arg17 : memref<!tpu.dma_semaphore, #tpu.memory_space<semaphore_mem>>)
    %dma_wait3A_82 = arith.constant 0 : i32
    %dma_wait3A_83 = tpu.memref_slice %arg5[%dma_wait3A_82] : memref<20008xf32, #tpu.memory_space<hbm>> -> memref<20008xf32, #tpu.memory_space<hbm>>
    tpu.wait_indirect_dma semaphore(%arg17 : memref<!tpu.dma_semaphore, #tpu.memory_space<semaphore_mem>>) src(%dma_wait3A_83 : memref<20008xf32, #tpu.memory_space<hbm>>) dst(%arg15 : memref<16xf32, #tpu.memory_space<vmem>>)
    %dma_start3A_84 = arith.constant 0 : i32
    %dma_start3A_85 = tpu.memref_slice %arg6[%dma_start3A_84] : memref<20008xf32, #tpu.memory_space<hbm>> -> memref<20008xf32, #tpu.memory_space<hbm>>
    tpu.enqueue_indirect_dma source(%dma_start3A_85 : memref<20008xf32, #tpu.memory_space<hbm>>) target(%arg16 : memref<16xf32, #tpu.memory_space<vmem>>) offsets(%arg13 : memref<16xi32, #tpu.memory_space<vmem>>) semaphore(%arg17 : memref<!tpu.dma_semaphore, #tpu.memory_space<semaphore_mem>>)
    %dma_wait3A_86 = arith.constant 0 : i32
    %dma_wait3A_87 = tpu.memref_slice %arg6[%dma_wait3A_86] : memref<20008xf32, #tpu.memory_space<hbm>> -> memref<20008xf32, #tpu.memory_space<hbm>>
    tpu.wait_indirect_dma semaphore(%arg17 : memref<!tpu.dma_semaphore, #tpu.memory_space<semaphore_mem>>) src(%dma_wait3A_87 : memref<20008xf32, #tpu.memory_space<hbm>>) dst(%arg16 : memref<16xf32, #tpu.memory_space<vmem>>)
    "tpu.region"() ({
      %run_scoped3A = tpu.sem_alloc : memref<!tpu.dma_semaphore, #tpu.memory_space<semaphore_mem>>
      %dma_start3A_88 = arith.constant 0 : i32
      %dma_start3A_89 = tpu.memref_slice %arg7[%mul3A_2, %dma_start3A_88] : memref<512x8xf32, #tpu.memory_space<hbm>> -> memref<16x8xf32, #tpu.memory_space<hbm>>
      %dma_start3A_90 = arith.constant 0 : i32
      %dma_start3A_91 = tpu.memref_slice %arg7[%mul3A_2, %dma_start3A_90] : memref<512x8xf32, #tpu.memory_space<hbm>> -> memref<16x8xf32, #tpu.memory_space<hbm>>
      tpu.enqueue_dma source(%arg14 : memref<16x8xf32, #tpu.memory_space<vmem>>) target(%dma_start3A_91 : memref<16x8xf32, #tpu.memory_space<hbm>>) target_semaphore(%run_scoped3A : memref<!tpu.dma_semaphore, #tpu.memory_space<semaphore_mem>>)
      %dma_wait3A_92 = arith.constant 0 : i32
      %dma_wait3A_93 = tpu.memref_slice %arg7[%mul3A_2, %dma_wait3A_92] : memref<512x8xf32, #tpu.memory_space<hbm>> -> memref<16x8xf32, #tpu.memory_space<hbm>>
      %dma_wait3A_94 = arith.constant 0 : i32
      %dma_wait3A_95 = tpu.memref_slice %arg7[%mul3A_2, %dma_wait3A_94] : memref<512x8xf32, #tpu.memory_space<hbm>> -> memref<16x8xf32, #tpu.memory_space<hbm>>
      tpu.wait_dma2 semaphore(%run_scoped3A : memref<!tpu.dma_semaphore, #tpu.memory_space<semaphore_mem>>) src(%arg14 : memref<16x8xf32, #tpu.memory_space<vmem>>) dst(%dma_wait3A_95 : memref<16x8xf32, #tpu.memory_space<hbm>>)
      tpu.yield
    }) : () -> ()
    "tpu.region"() ({
      %run_scoped3A = tpu.sem_alloc : memref<!tpu.dma_semaphore, #tpu.memory_space<semaphore_mem>>
      %dma_start3A_88 = tpu.memref_slice %arg8[%mul3A_2] : memref<512xf32, #tpu.memory_space<hbm>> -> memref<16xf32, #tpu.memory_space<hbm>>
      %dma_start3A_89 = tpu.memref_slice %arg8[%mul3A_2] : memref<512xf32, #tpu.memory_space<hbm>> -> memref<16xf32, #tpu.memory_space<hbm>>
      tpu.enqueue_dma source(%arg15 : memref<16xf32, #tpu.memory_space<vmem>>) target(%dma_start3A_89 : memref<16xf32, #tpu.memory_space<hbm>>) target_semaphore(%run_scoped3A : memref<!tpu.dma_semaphore, #tpu.memory_space<semaphore_mem>>)
      %dma_wait3A_90 = tpu.memref_slice %arg8[%mul3A_2] : memref<512xf32, #tpu.memory_space<hbm>> -> memref<16xf32, #tpu.memory_space<hbm>>
      %dma_wait3A_91 = tpu.memref_slice %arg8[%mul3A_2] : memref<512xf32, #tpu.memory_space<hbm>> -> memref<16xf32, #tpu.memory_space<hbm>>
      tpu.wait_dma2 semaphore(%run_scoped3A : memref<!tpu.dma_semaphore, #tpu.memory_space<semaphore_mem>>) src(%arg15 : memref<16xf32, #tpu.memory_space<vmem>>) dst(%dma_wait3A_91 : memref<16xf32, #tpu.memory_space<hbm>>)
      tpu.yield
    }) : () -> ()
    "tpu.region"() ({
      %run_scoped3A = tpu.sem_alloc : memref<!tpu.dma_semaphore, #tpu.memory_space<semaphore_mem>>
      %dma_start3A_88 = tpu.memref_slice %arg9[%mul3A_2] : memref<512xf32, #tpu.memory_space<hbm>> -> memref<16xf32, #tpu.memory_space<hbm>>
      %dma_start3A_89 = tpu.memref_slice %arg9[%mul3A_2] : memref<512xf32, #tpu.memory_space<hbm>> -> memref<16xf32, #tpu.memory_space<hbm>>
      tpu.enqueue_dma source(%arg16 : memref<16xf32, #tpu.memory_space<vmem>>) target(%dma_start3A_89 : memref<16xf32, #tpu.memory_space<hbm>>) target_semaphore(%run_scoped3A : memref<!tpu.dma_semaphore, #tpu.memory_space<semaphore_mem>>)
      %dma_wait3A_90 = tpu.memref_slice %arg9[%mul3A_2] : memref<512xf32, #tpu.memory_space<hbm>> -> memref<16xf32, #tpu.memory_space<hbm>>
      %dma_wait3A_91 = tpu.memref_slice %arg9[%mul3A_2] : memref<512xf32, #tpu.memory_space<hbm>> -> memref<16xf32, #tpu.memory_space<hbm>>
      tpu.wait_dma2 semaphore(%run_scoped3A : memref<!tpu.dma_semaphore, #tpu.memory_space<semaphore_mem>>) src(%arg16 : memref<16xf32, #tpu.memory_space<vmem>>) dst(%dma_wait3A_91 : memref<16xf32, #tpu.memory_space<hbm>>)
      tpu.yield
    }) : () -> ()
    return
  }
}

#map = affine_map<(d0, d1) -> (0, 0)>
#map1 = affine_map<(d0, d1) -> (0)>
module attributes {stable_mosaic.version = 14 : i64} {
  func.func @gather_rows(%arg0: i32, %arg1: i32, %arg2: memref<20008x8xf32, #tpu.memory_space<hbm>>, %arg3: memref<4096xi32, #tpu.memory_space<hbm>>, %arg4: memref<4096x8xf32, #tpu.memory_space<hbm>>, %arg5: memref<128xi32, #tpu.memory_space<vmem>>, %arg6: memref<128x8xf32, #tpu.memory_space<vmem>>, %arg7: memref<!tpu.dma_semaphore, #tpu.memory_space<semaphore_mem>>) attributes {dimension_semantics = [#tpu.dimension_semantics<core_parallel>, #tpu.dimension_semantics<subcore_parallel>], iteration_bounds = array<i64: 2, 16>, scalar_prefetch = 0 : i64, scratch_operands = 3 : i64, tpu.core_type = #tpu.core_type<sc_vector_subcore>, window_params = [{transform_indices = #map}, {transform_indices = #map1}, {transform_indices = #map}]} {
    %mul3A = arith.constant 2 : i32
    %mul3A_0 = arith.muli %arg1, %mul3A : i32
    %add3A = arith.addi %mul3A_0, %arg0 : i32
    %mul3A_1 = arith.constant 128 : i32
    %mul3A_2 = arith.muli %add3A, %mul3A_1 : i32
    "tpu.region"() ({
      %run_scoped3A = tpu.sem_alloc : memref<!tpu.dma_semaphore, #tpu.memory_space<semaphore_mem>>
      %dma_start3A_7 = tpu.memref_slice %arg3[%mul3A_2] : memref<4096xi32, #tpu.memory_space<hbm>> -> memref<128xi32, #tpu.memory_space<hbm>>
      %dma_start3A_8 = tpu.memref_slice %arg3[%mul3A_2] : memref<4096xi32, #tpu.memory_space<hbm>> -> memref<128xi32, #tpu.memory_space<hbm>>
      tpu.enqueue_dma source(%dma_start3A_8 : memref<128xi32, #tpu.memory_space<hbm>>) target(%arg5 : memref<128xi32, #tpu.memory_space<vmem>>) target_semaphore(%run_scoped3A : memref<!tpu.dma_semaphore, #tpu.memory_space<semaphore_mem>>)
      %dma_wait3A_9 = tpu.memref_slice %arg3[%mul3A_2] : memref<4096xi32, #tpu.memory_space<hbm>> -> memref<128xi32, #tpu.memory_space<hbm>>
      %dma_wait3A_10 = tpu.memref_slice %arg3[%mul3A_2] : memref<4096xi32, #tpu.memory_space<hbm>> -> memref<128xi32, #tpu.memory_space<hbm>>
      tpu.wait_dma2 semaphore(%run_scoped3A : memref<!tpu.dma_semaphore, #tpu.memory_space<semaphore_mem>>) src(%dma_wait3A_10 : memref<128xi32, #tpu.memory_space<hbm>>) dst(%arg5 : memref<128xi32, #tpu.memory_space<vmem>>)
      tpu.yield
    }) : () -> ()
    %dma_start3A = arith.constant 0 : i32
    %dma_start3A_3 = arith.constant 0 : i32
    %dma_start3A_4 = tpu.memref_slice %arg2[%dma_start3A, %dma_start3A_3] : memref<20008x8xf32, #tpu.memory_space<hbm>> -> memref<20008x8xf32, #tpu.memory_space<hbm>>
    tpu.enqueue_indirect_dma source(%dma_start3A_4 : memref<20008x8xf32, #tpu.memory_space<hbm>>) target(%arg6 : memref<128x8xf32, #tpu.memory_space<vmem>>) offsets(%arg5 : memref<128xi32, #tpu.memory_space<vmem>>) semaphore(%arg7 : memref<!tpu.dma_semaphore, #tpu.memory_space<semaphore_mem>>)
    %dma_wait3A = arith.constant 0 : i32
    %dma_wait3A_5 = arith.constant 0 : i32
    %dma_wait3A_6 = tpu.memref_slice %arg2[%dma_wait3A, %dma_wait3A_5] : memref<20008x8xf32, #tpu.memory_space<hbm>> -> memref<20008x8xf32, #tpu.memory_space<hbm>>
    tpu.wait_indirect_dma semaphore(%arg7 : memref<!tpu.dma_semaphore, #tpu.memory_space<semaphore_mem>>) src(%dma_wait3A_6 : memref<20008x8xf32, #tpu.memory_space<hbm>>) dst(%arg6 : memref<128x8xf32, #tpu.memory_space<vmem>>)
    "tpu.region"() ({
      %run_scoped3A = tpu.sem_alloc : memref<!tpu.dma_semaphore, #tpu.memory_space<semaphore_mem>>
      %dma_start3A_7 = arith.constant 0 : i32
      %dma_start3A_8 = tpu.memref_slice %arg4[%mul3A_2, %dma_start3A_7] : memref<4096x8xf32, #tpu.memory_space<hbm>> -> memref<128x8xf32, #tpu.memory_space<hbm>>
      %dma_start3A_9 = arith.constant 0 : i32
      %dma_start3A_10 = tpu.memref_slice %arg4[%mul3A_2, %dma_start3A_9] : memref<4096x8xf32, #tpu.memory_space<hbm>> -> memref<128x8xf32, #tpu.memory_space<hbm>>
      tpu.enqueue_dma source(%arg6 : memref<128x8xf32, #tpu.memory_space<vmem>>) target(%dma_start3A_10 : memref<128x8xf32, #tpu.memory_space<hbm>>) target_semaphore(%run_scoped3A : memref<!tpu.dma_semaphore, #tpu.memory_space<semaphore_mem>>)
      %dma_wait3A_11 = arith.constant 0 : i32
      %dma_wait3A_12 = tpu.memref_slice %arg4[%mul3A_2, %dma_wait3A_11] : memref<4096x8xf32, #tpu.memory_space<hbm>> -> memref<128x8xf32, #tpu.memory_space<hbm>>
      %dma_wait3A_13 = arith.constant 0 : i32
      %dma_wait3A_14 = tpu.memref_slice %arg4[%mul3A_2, %dma_wait3A_13] : memref<4096x8xf32, #tpu.memory_space<hbm>> -> memref<128x8xf32, #tpu.memory_space<hbm>>
      tpu.wait_dma2 semaphore(%run_scoped3A : memref<!tpu.dma_semaphore, #tpu.memory_space<semaphore_mem>>) src(%arg6 : memref<128x8xf32, #tpu.memory_space<vmem>>) dst(%dma_wait3A_14 : memref<128x8xf32, #tpu.memory_space<hbm>>)
      tpu.yield
    }) : () -> ()
    return
  }
}

module attributes {stable_mosaic.version = 14 : i64} {
  func.func @_sort_body(%arg0: memref<256x128xi32, #tpu.memory_space<vmem>>, %arg1: memref<256x128xi32, #tpu.memory_space<vmem>>, %arg2: memref<256x128xi32, #tpu.memory_space<vmem>>) attributes {dimension_semantics = [], scalar_prefetch = 0 : i64, scratch_operands = 0 : i64, tpu.core_type = #tpu.core_type<tc>} {
    %get3A = arith.constant 0 : index
    %get3A_0 = arith.constant 0 : index
    %get3A_1 = vector.load %arg0[%get3A, %get3A_0] : memref<256x128xi32, #tpu.memory_space<vmem>>, vector<256x128xi32>
    %get3A_2 = arith.constant 0 : index
    %get3A_3 = arith.constant 0 : index
    %get3A_4 = vector.load %arg1[%get3A_2, %get3A_3] : memref<256x128xi32, #tpu.memory_space<vmem>>, vector<256x128xi32>
    %iota3A = tpu.iota {dimensions = array<i32: 0>} : vector<256x128xi32>
    %iota3A_5 = tpu.iota {dimensions = array<i32: 1>} : vector<256x128xi32>
    %and3A = arith.constant 1 : i32
    %and3A_6 = vector.broadcast %and3A : i32 to vector<256x128xi32>
    %and3A_7 = arith.andi %iota3A_5, %and3A_6 : vector<256x128xi32>
    %ne3A = arith.constant 0 : i32
    %ne3A_8 = vector.broadcast %ne3A : i32 to vector<256x128xi32>
    %ne3A_9 = arith.cmpi ne, %and3A_7, %ne3A_8 : vector<256x128xi32>
    %roll3A = arith.constant 1 : i32
    %roll3A_10 = tpu.dynamic_rotate %get3A_1 by %roll3A dim 1 : vector<256x128xi32>, i32 -> vector<256x128xi32>
    %roll3A_11 = arith.constant 127 : i32
    %roll3A_12 = tpu.dynamic_rotate %get3A_1 by %roll3A_11 dim 1 : vector<256x128xi32>, i32 -> vector<256x128xi32>
    %select_n3A = arith.select %ne3A_9, %roll3A_10, %roll3A_12 : vector<256x128xi1>, vector<256x128xi32>
    %roll3A_13 = arith.constant 1 : i32
    %roll3A_14 = tpu.dynamic_rotate %get3A_4 by %roll3A_13 dim 1 : vector<256x128xi32>, i32 -> vector<256x128xi32>
    %roll3A_15 = arith.constant 127 : i32
    %roll3A_16 = tpu.dynamic_rotate %get3A_4 by %roll3A_15 dim 1 : vector<256x128xi32>, i32 -> vector<256x128xi32>
    %select_n3A_17 = arith.select %ne3A_9, %roll3A_14, %roll3A_16 : vector<256x128xi1>, vector<256x128xi32>
    %not3A = arith.constant dense<true> : vector<256x128xi1>
    %not3A_18 = arith.xori %ne3A_9, %not3A : vector<256x128xi1>
    %and3A_19 = arith.constant 2 : i32
    %and3A_20 = vector.broadcast %and3A_19 : i32 to vector<256x128xi32>
    %and3A_21 = arith.andi %iota3A_5, %and3A_20 : vector<256x128xi32>
    %eq3A = arith.constant 0 : i32
    %eq3A_22 = vector.broadcast %eq3A : i32 to vector<256x128xi32>
    %eq3A_23 = arith.cmpi eq, %and3A_21, %eq3A_22 : vector<256x128xi32>
    %gt3A = arith.cmpi sgt, %get3A_1, %select_n3A : vector<256x128xi32>
    %eq3A_24 = arith.cmpi eq, %get3A_1, %select_n3A : vector<256x128xi32>
    %lt3A = arith.cmpi slt, %get3A_4, %select_n3A_17 : vector<256x128xi32>
    %and3A_25 = arith.andi %eq3A_24, %lt3A : vector<256x128xi1>
    %or3A = arith.ori %gt3A, %and3A_25 : vector<256x128xi1>
    %eq3A_26 = arith.xori %eq3A_23, %not3A_18 : vector<256x128xi1>
    %eq3A_27 = arith.constant dense<true> : vector<256x128xi1>
    %eq3A_28 = arith.xori %eq3A_26, %eq3A_27 : vector<256x128xi1>
    %ne3A_29 = arith.xori %eq3A_28, %or3A : vector<256x128xi1>
    %select_n3A_30 = arith.select %ne3A_29, %select_n3A, %get3A_1 : vector<256x128xi1>, vector<256x128xi32>
    %select_n3A_31 = arith.select %ne3A_29, %select_n3A_17, %get3A_4 : vector<256x128xi1>, vector<256x128xi32>
    %and3A_32 = arith.constant 2 : i32
    %and3A_33 = vector.broadcast %and3A_32 : i32 to vector<256x128xi32>
    %and3A_34 = arith.andi %iota3A_5, %and3A_33 : vector<256x128xi32>
    %ne3A_35 = arith.constant 0 : i32
    %ne3A_36 = vector.broadcast %ne3A_35 : i32 to vector<256x128xi32>
    %ne3A_37 = arith.cmpi ne, %and3A_34, %ne3A_36 : vector<256x128xi32>
    %roll3A_38 = arith.constant 2 : i32
    %roll3A_39 = tpu.dynamic_rotate %select_n3A_30 by %roll3A_38 dim 1 : vector<256x128xi32>, i32 -> vector<256x128xi32>
    %roll3A_40 = arith.constant 126 : i32
    %roll3A_41 = tpu.dynamic_rotate %select_n3A_30 by %roll3A_40 dim 1 : vector<256x128xi32>, i32 -> vector<256x128xi32>
    %select_n3A_42 = arith.select %ne3A_37, %roll3A_39, %roll3A_41 : vector<256x128xi1>, vector<256x128xi32>
    %roll3A_43 = arith.constant 2 : i32
    %roll3A_44 = tpu.dynamic_rotate %select_n3A_31 by %roll3A_43 dim 1 : vector<256x128xi32>, i32 -> vector<256x128xi32>
    %roll3A_45 = arith.constant 126 : i32
    %roll3A_46 = tpu.dynamic_rotate %select_n3A_31 by %roll3A_45 dim 1 : vector<256x128xi32>, i32 -> vector<256x128xi32>
    %select_n3A_47 = arith.select %ne3A_37, %roll3A_44, %roll3A_46 : vector<256x128xi1>, vector<256x128xi32>
    %not3A_48 = arith.constant dense<true> : vector<256x128xi1>
    %not3A_49 = arith.xori %ne3A_37, %not3A_48 : vector<256x128xi1>
    %and3A_50 = arith.constant 4 : i32
    %and3A_51 = vector.broadcast %and3A_50 : i32 to vector<256x128xi32>
    %and3A_52 = arith.andi %iota3A_5, %and3A_51 : vector<256x128xi32>
    %eq3A_53 = arith.constant 0 : i32
    %eq3A_54 = vector.broadcast %eq3A_53 : i32 to vector<256x128xi32>
    %eq3A_55 = arith.cmpi eq, %and3A_52, %eq3A_54 : vector<256x128xi32>
    %gt3A_56 = arith.cmpi sgt, %select_n3A_30, %select_n3A_42 : vector<256x128xi32>
    %eq3A_57 = arith.cmpi eq, %select_n3A_30, %select_n3A_42 : vector<256x128xi32>
    %lt3A_58 = arith.cmpi slt, %select_n3A_31, %select_n3A_47 : vector<256x128xi32>
    %and3A_59 = arith.andi %eq3A_57, %lt3A_58 : vector<256x128xi1>
    %or3A_60 = arith.ori %gt3A_56, %and3A_59 : vector<256x128xi1>
    %eq3A_61 = arith.xori %eq3A_55, %not3A_49 : vector<256x128xi1>
    %eq3A_62 = arith.constant dense<true> : vector<256x128xi1>
    %eq3A_63 = arith.xori %eq3A_61, %eq3A_62 : vector<256x128xi1>
    %ne3A_64 = arith.xori %eq3A_63, %or3A_60 : vector<256x128xi1>
    %select_n3A_65 = arith.select %ne3A_64, %select_n3A_42, %select_n3A_30 : vector<256x128xi1>, vector<256x128xi32>
    %select_n3A_66 = arith.select %ne3A_64, %select_n3A_47, %select_n3A_31 : vector<256x128xi1>, vector<256x128xi32>
    %and3A_67 = arith.constant 1 : i32
    %and3A_68 = vector.broadcast %and3A_67 : i32 to vector<256x128xi32>
    %and3A_69 = arith.andi %iota3A_5, %and3A_68 : vector<256x128xi32>
    %ne3A_70 = arith.constant 0 : i32
    %ne3A_71 = vector.broadcast %ne3A_70 : i32 to vector<256x128xi32>
    %ne3A_72 = arith.cmpi ne, %and3A_69, %ne3A_71 : vector<256x128xi32>
    %roll3A_73 = arith.constant 1 : i32
    %roll3A_74 = tpu.dynamic_rotate %select_n3A_65 by %roll3A_73 dim 1 : vector<256x128xi32>, i32 -> vector<256x128xi32>
    %roll3A_75 = arith.constant 127 : i32
    %roll3A_76 = tpu.dynamic_rotate %select_n3A_65 by %roll3A_75 dim 1 : vector<256x128xi32>, i32 -> vector<256x128xi32>
    %select_n3A_77 = arith.select %ne3A_72, %roll3A_74, %roll3A_76 : vector<256x128xi1>, vector<256x128xi32>
    %roll3A_78 = arith.constant 1 : i32
    %roll3A_79 = tpu.dynamic_rotate %select_n3A_66 by %roll3A_78 dim 1 : vector<256x128xi32>, i32 -> vector<256x128xi32>
    %roll3A_80 = arith.constant 127 : i32
    %roll3A_81 = tpu.dynamic_rotate %select_n3A_66 by %roll3A_80 dim 1 : vector<256x128xi32>, i32 -> vector<256x128xi32>
    %select_n3A_82 = arith.select %ne3A_72, %roll3A_79, %roll3A_81 : vector<256x128xi1>, vector<256x128xi32>
    %not3A_83 = arith.constant dense<true> : vector<256x128xi1>
    %not3A_84 = arith.xori %ne3A_72, %not3A_83 : vector<256x128xi1>
    %and3A_85 = arith.constant 4 : i32
    %and3A_86 = vector.broadcast %and3A_85 : i32 to vector<256x128xi32>
    %and3A_87 = arith.andi %iota3A_5, %and3A_86 : vector<256x128xi32>
    %eq3A_88 = arith.constant 0 : i32
    %eq3A_89 = vector.broadcast %eq3A_88 : i32 to vector<256x128xi32>
    %eq3A_90 = arith.cmpi eq, %and3A_87, %eq3A_89 : vector<256x128xi32>
    %gt3A_91 = arith.cmpi sgt, %select_n3A_65, %select_n3A_77 : vector<256x128xi32>
    %eq3A_92 = arith.cmpi eq, %select_n3A_65, %select_n3A_77 : vector<256x128xi32>
    %lt3A_93 = arith.cmpi slt, %select_n3A_66, %select_n3A_82 : vector<256x128xi32>
    %and3A_94 = arith.andi %eq3A_92, %lt3A_93 : vector<256x128xi1>
    %or3A_95 = arith.ori %gt3A_91, %and3A_94 : vector<256x128xi1>
    %eq3A_96 = arith.xori %eq3A_90, %not3A_84 : vector<256x128xi1>
    %eq3A_97 = arith.constant dense<true> : vector<256x128xi1>
    %eq3A_98 = arith.xori %eq3A_96, %eq3A_97 : vector<256x128xi1>
    %ne3A_99 = arith.xori %eq3A_98, %or3A_95 : vector<256x128xi1>
    %select_n3A_100 = arith.select %ne3A_99, %select_n3A_77, %select_n3A_65 : vector<256x128xi1>, vector<256x128xi32>
    %select_n3A_101 = arith.select %ne3A_99, %select_n3A_82, %select_n3A_66 : vector<256x128xi1>, vector<256x128xi32>
    %and3A_102 = arith.constant 4 : i32
    %and3A_103 = vector.broadcast %and3A_102 : i32 to vector<256x128xi32>
    %and3A_104 = arith.andi %iota3A_5, %and3A_103 : vector<256x128xi32>
    %ne3A_105 = arith.constant 0 : i32
    %ne3A_106 = vector.broadcast %ne3A_105 : i32 to vector<256x128xi32>
    %ne3A_107 = arith.cmpi ne, %and3A_104, %ne3A_106 : vector<256x128xi32>
    %roll3A_108 = arith.constant 4 : i32
    %roll3A_109 = tpu.dynamic_rotate %select_n3A_100 by %roll3A_108 dim 1 : vector<256x128xi32>, i32 -> vector<256x128xi32>
    %roll3A_110 = arith.constant 124 : i32
    %roll3A_111 = tpu.dynamic_rotate %select_n3A_100 by %roll3A_110 dim 1 : vector<256x128xi32>, i32 -> vector<256x128xi32>
    %select_n3A_112 = arith.select %ne3A_107, %roll3A_109, %roll3A_111 : vector<256x128xi1>, vector<256x128xi32>
    %roll3A_113 = arith.constant 4 : i32
    %roll3A_114 = tpu.dynamic_rotate %select_n3A_101 by %roll3A_113 dim 1 : vector<256x128xi32>, i32 -> vector<256x128xi32>
    %roll3A_115 = arith.constant 124 : i32
    %roll3A_116 = tpu.dynamic_rotate %select_n3A_101 by %roll3A_115 dim 1 : vector<256x128xi32>, i32 -> vector<256x128xi32>
    %select_n3A_117 = arith.select %ne3A_107, %roll3A_114, %roll3A_116 : vector<256x128xi1>, vector<256x128xi32>
    %not3A_118 = arith.constant dense<true> : vector<256x128xi1>
    %not3A_119 = arith.xori %ne3A_107, %not3A_118 : vector<256x128xi1>
    %and3A_120 = arith.constant 8 : i32
    %and3A_121 = vector.broadcast %and3A_120 : i32 to vector<256x128xi32>
    %and3A_122 = arith.andi %iota3A_5, %and3A_121 : vector<256x128xi32>
    %eq3A_123 = arith.constant 0 : i32
    %eq3A_124 = vector.broadcast %eq3A_123 : i32 to vector<256x128xi32>
    %eq3A_125 = arith.cmpi eq, %and3A_122, %eq3A_124 : vector<256x128xi32>
    %gt3A_126 = arith.cmpi sgt, %select_n3A_100, %select_n3A_112 : vector<256x128xi32>
    %eq3A_127 = arith.cmpi eq, %select_n3A_100, %select_n3A_112 : vector<256x128xi32>
    %lt3A_128 = arith.cmpi slt, %select_n3A_101, %select_n3A_117 : vector<256x128xi32>
    %and3A_129 = arith.andi %eq3A_127, %lt3A_128 : vector<256x128xi1>
    %or3A_130 = arith.ori %gt3A_126, %and3A_129 : vector<256x128xi1>
    %eq3A_131 = arith.xori %eq3A_125, %not3A_119 : vector<256x128xi1>
    %eq3A_132 = arith.constant dense<true> : vector<256x128xi1>
    %eq3A_133 = arith.xori %eq3A_131, %eq3A_132 : vector<256x128xi1>
    %ne3A_134 = arith.xori %eq3A_133, %or3A_130 : vector<256x128xi1>
    %select_n3A_135 = arith.select %ne3A_134, %select_n3A_112, %select_n3A_100 : vector<256x128xi1>, vector<256x128xi32>
    %select_n3A_136 = arith.select %ne3A_134, %select_n3A_117, %select_n3A_101 : vector<256x128xi1>, vector<256x128xi32>
    %and3A_137 = arith.constant 2 : i32
    %and3A_138 = vector.broadcast %and3A_137 : i32 to vector<256x128xi32>
    %and3A_139 = arith.andi %iota3A_5, %and3A_138 : vector<256x128xi32>
    %ne3A_140 = arith.constant 0 : i32
    %ne3A_141 = vector.broadcast %ne3A_140 : i32 to vector<256x128xi32>
    %ne3A_142 = arith.cmpi ne, %and3A_139, %ne3A_141 : vector<256x128xi32>
    %roll3A_143 = arith.constant 2 : i32
    %roll3A_144 = tpu.dynamic_rotate %select_n3A_135 by %roll3A_143 dim 1 : vector<256x128xi32>, i32 -> vector<256x128xi32>
    %roll3A_145 = arith.constant 126 : i32
    %roll3A_146 = tpu.dynamic_rotate %select_n3A_135 by %roll3A_145 dim 1 : vector<256x128xi32>, i32 -> vector<256x128xi32>
    %select_n3A_147 = arith.select %ne3A_142, %roll3A_144, %roll3A_146 : vector<256x128xi1>, vector<256x128xi32>
    %roll3A_148 = arith.constant 2 : i32
    %roll3A_149 = tpu.dynamic_rotate %select_n3A_136 by %roll3A_148 dim 1 : vector<256x128xi32>, i32 -> vector<256x128xi32>
    %roll3A_150 = arith.constant 126 : i32
    %roll3A_151 = tpu.dynamic_rotate %select_n3A_136 by %roll3A_150 dim 1 : vector<256x128xi32>, i32 -> vector<256x128xi32>
    %select_n3A_152 = arith.select %ne3A_142, %roll3A_149, %roll3A_151 : vector<256x128xi1>, vector<256x128xi32>
    %not3A_153 = arith.constant dense<true> : vector<256x128xi1>
    %not3A_154 = arith.xori %ne3A_142, %not3A_153 : vector<256x128xi1>
    %and3A_155 = arith.constant 8 : i32
    %and3A_156 = vector.broadcast %and3A_155 : i32 to vector<256x128xi32>
    %and3A_157 = arith.andi %iota3A_5, %and3A_156 : vector<256x128xi32>
    %eq3A_158 = arith.constant 0 : i32
    %eq3A_159 = vector.broadcast %eq3A_158 : i32 to vector<256x128xi32>
    %eq3A_160 = arith.cmpi eq, %and3A_157, %eq3A_159 : vector<256x128xi32>
    %gt3A_161 = arith.cmpi sgt, %select_n3A_135, %select_n3A_147 : vector<256x128xi32>
    %eq3A_162 = arith.cmpi eq, %select_n3A_135, %select_n3A_147 : vector<256x128xi32>
    %lt3A_163 = arith.cmpi slt, %select_n3A_136, %select_n3A_152 : vector<256x128xi32>
    %and3A_164 = arith.andi %eq3A_162, %lt3A_163 : vector<256x128xi1>
    %or3A_165 = arith.ori %gt3A_161, %and3A_164 : vector<256x128xi1>
    %eq3A_166 = arith.xori %eq3A_160, %not3A_154 : vector<256x128xi1>
    %eq3A_167 = arith.constant dense<true> : vector<256x128xi1>
    %eq3A_168 = arith.xori %eq3A_166, %eq3A_167 : vector<256x128xi1>
    %ne3A_169 = arith.xori %eq3A_168, %or3A_165 : vector<256x128xi1>
    %select_n3A_170 = arith.select %ne3A_169, %select_n3A_147, %select_n3A_135 : vector<256x128xi1>, vector<256x128xi32>
    %select_n3A_171 = arith.select %ne3A_169, %select_n3A_152, %select_n3A_136 : vector<256x128xi1>, vector<256x128xi32>
    %and3A_172 = arith.constant 1 : i32
    %and3A_173 = vector.broadcast %and3A_172 : i32 to vector<256x128xi32>
    %and3A_174 = arith.andi %iota3A_5, %and3A_173 : vector<256x128xi32>
    %ne3A_175 = arith.constant 0 : i32
    %ne3A_176 = vector.broadcast %ne3A_175 : i32 to vector<256x128xi32>
    %ne3A_177 = arith.cmpi ne, %and3A_174, %ne3A_176 : vector<256x128xi32>
    %roll3A_178 = arith.constant 1 : i32
    %roll3A_179 = tpu.dynamic_rotate %select_n3A_170 by %roll3A_178 dim 1 : vector<256x128xi32>, i32 -> vector<256x128xi32>
    %roll3A_180 = arith.constant 127 : i32
    %roll3A_181 = tpu.dynamic_rotate %select_n3A_170 by %roll3A_180 dim 1 : vector<256x128xi32>, i32 -> vector<256x128xi32>
    %select_n3A_182 = arith.select %ne3A_177, %roll3A_179, %roll3A_181 : vector<256x128xi1>, vector<256x128xi32>
    %roll3A_183 = arith.constant 1 : i32
    %roll3A_184 = tpu.dynamic_rotate %select_n3A_171 by %roll3A_183 dim 1 : vector<256x128xi32>, i32 -> vector<256x128xi32>
    %roll3A_185 = arith.constant 127 : i32
    %roll3A_186 = tpu.dynamic_rotate %select_n3A_171 by %roll3A_185 dim 1 : vector<256x128xi32>, i32 -> vector<256x128xi32>
    %select_n3A_187 = arith.select %ne3A_177, %roll3A_184, %roll3A_186 : vector<256x128xi1>, vector<256x128xi32>
    %not3A_188 = arith.constant dense<true> : vector<256x128xi1>
    %not3A_189 = arith.xori %ne3A_177, %not3A_188 : vector<256x128xi1>
    %and3A_190 = arith.constant 8 : i32
    %and3A_191 = vector.broadcast %and3A_190 : i32 to vector<256x128xi32>
    %and3A_192 = arith.andi %iota3A_5, %and3A_191 : vector<256x128xi32>
    %eq3A_193 = arith.constant 0 : i32
    %eq3A_194 = vector.broadcast %eq3A_193 : i32 to vector<256x128xi32>
    %eq3A_195 = arith.cmpi eq, %and3A_192, %eq3A_194 : vector<256x128xi32>
    %gt3A_196 = arith.cmpi sgt, %select_n3A_170, %select_n3A_182 : vector<256x128xi32>
    %eq3A_197 = arith.cmpi eq, %select_n3A_170, %select_n3A_182 : vector<256x128xi32>
    %lt3A_198 = arith.cmpi slt, %select_n3A_171, %select_n3A_187 : vector<256x128xi32>
    %and3A_199 = arith.andi %eq3A_197, %lt3A_198 : vector<256x128xi1>
    %or3A_200 = arith.ori %gt3A_196, %and3A_199 : vector<256x128xi1>
    %eq3A_201 = arith.xori %eq3A_195, %not3A_189 : vector<256x128xi1>
    %eq3A_202 = arith.constant dense<true> : vector<256x128xi1>
    %eq3A_203 = arith.xori %eq3A_201, %eq3A_202 : vector<256x128xi1>
    %ne3A_204 = arith.xori %eq3A_203, %or3A_200 : vector<256x128xi1>
    %select_n3A_205 = arith.select %ne3A_204, %select_n3A_182, %select_n3A_170 : vector<256x128xi1>, vector<256x128xi32>
    %select_n3A_206 = arith.select %ne3A_204, %select_n3A_187, %select_n3A_171 : vector<256x128xi1>, vector<256x128xi32>
    %and3A_207 = arith.constant 8 : i32
    %and3A_208 = vector.broadcast %and3A_207 : i32 to vector<256x128xi32>
    %and3A_209 = arith.andi %iota3A_5, %and3A_208 : vector<256x128xi32>
    %ne3A_210 = arith.constant 0 : i32
    %ne3A_211 = vector.broadcast %ne3A_210 : i32 to vector<256x128xi32>
    %ne3A_212 = arith.cmpi ne, %and3A_209, %ne3A_211 : vector<256x128xi32>
    %roll3A_213 = arith.constant 8 : i32
    %roll3A_214 = tpu.dynamic_rotate %select_n3A_205 by %roll3A_213 dim 1 : vector<256x128xi32>, i32 -> vector<256x128xi32>
    %roll3A_215 = arith.constant 120 : i32
    %roll3A_216 = tpu.dynamic_rotate %select_n3A_205 by %roll3A_215 dim 1 : vector<256x128xi32>, i32 -> vector<256x128xi32>
    %select_n3A_217 = arith.select %ne3A_212, %roll3A_214, %roll3A_216 : vector<256x128xi1>, vector<256x128xi32>
    %roll3A_218 = arith.constant 8 : i32
    %roll3A_219 = tpu.dynamic_rotate %select_n3A_206 by %roll3A_218 dim 1 : vector<256x128xi32>, i32 -> vector<256x128xi32>
    %roll3A_220 = arith.constant 120 : i32
    %roll3A_221 = tpu.dynamic_rotate %select_n3A_206 by %roll3A_220 dim 1 : vector<256x128xi32>, i32 -> vector<256x128xi32>
    %select_n3A_222 = arith.select %ne3A_212, %roll3A_219, %roll3A_221 : vector<256x128xi1>, vector<256x128xi32>
    %not3A_223 = arith.constant dense<true> : vector<256x128xi1>
    %not3A_224 = arith.xori %ne3A_212, %not3A_223 : vector<256x128xi1>
    %and3A_225 = arith.constant 16 : i32
    %and3A_226 = vector.broadcast %and3A_225 : i32 to vector<256x128xi32>
    %and3A_227 = arith.andi %iota3A_5, %and3A_226 : vector<256x128xi32>
    %eq3A_228 = arith.constant 0 : i32
    %eq3A_229 = vector.broadcast %eq3A_228 : i32 to vector<256x128xi32>
    %eq3A_230 = arith.cmpi eq, %and3A_227, %eq3A_229 : vector<256x128xi32>
    %gt3A_231 = arith.cmpi sgt, %select_n3A_205, %select_n3A_217 : vector<256x128xi32>
    %eq3A_232 = arith.cmpi eq, %select_n3A_205, %select_n3A_217 : vector<256x128xi32>
    %lt3A_233 = arith.cmpi slt, %select_n3A_206, %select_n3A_222 : vector<256x128xi32>
    %and3A_234 = arith.andi %eq3A_232, %lt3A_233 : vector<256x128xi1>
    %or3A_235 = arith.ori %gt3A_231, %and3A_234 : vector<256x128xi1>
    %eq3A_236 = arith.xori %eq3A_230, %not3A_224 : vector<256x128xi1>
    %eq3A_237 = arith.constant dense<true> : vector<256x128xi1>
    %eq3A_238 = arith.xori %eq3A_236, %eq3A_237 : vector<256x128xi1>
    %ne3A_239 = arith.xori %eq3A_238, %or3A_235 : vector<256x128xi1>
    %select_n3A_240 = arith.select %ne3A_239, %select_n3A_217, %select_n3A_205 : vector<256x128xi1>, vector<256x128xi32>
    %select_n3A_241 = arith.select %ne3A_239, %select_n3A_222, %select_n3A_206 : vector<256x128xi1>, vector<256x128xi32>
    %and3A_242 = arith.constant 4 : i32
    %and3A_243 = vector.broadcast %and3A_242 : i32 to vector<256x128xi32>
    %and3A_244 = arith.andi %iota3A_5, %and3A_243 : vector<256x128xi32>
    %ne3A_245 = arith.constant 0 : i32
    %ne3A_246 = vector.broadcast %ne3A_245 : i32 to vector<256x128xi32>
    %ne3A_247 = arith.cmpi ne, %and3A_244, %ne3A_246 : vector<256x128xi32>
    %roll3A_248 = arith.constant 4 : i32
    %roll3A_249 = tpu.dynamic_rotate %select_n3A_240 by %roll3A_248 dim 1 : vector<256x128xi32>, i32 -> vector<256x128xi32>
    %roll3A_250 = arith.constant 124 : i32
    %roll3A_251 = tpu.dynamic_rotate %select_n3A_240 by %roll3A_250 dim 1 : vector<256x128xi32>, i32 -> vector<256x128xi32>
    %select_n3A_252 = arith.select %ne3A_247, %roll3A_249, %roll3A_251 : vector<256x128xi1>, vector<256x128xi32>
    %roll3A_253 = arith.constant 4 : i32
    %roll3A_254 = tpu.dynamic_rotate %select_n3A_241 by %roll3A_253 dim 1 : vector<256x128xi32>, i32 -> vector<256x128xi32>
    %roll3A_255 = arith.constant 124 : i32
    %roll3A_256 = tpu.dynamic_rotate %select_n3A_241 by %roll3A_255 dim 1 : vector<256x128xi32>, i32 -> vector<256x128xi32>
    %select_n3A_257 = arith.select %ne3A_247, %roll3A_254, %roll3A_256 : vector<256x128xi1>, vector<256x128xi32>
    %not3A_258 = arith.constant dense<true> : vector<256x128xi1>
    %not3A_259 = arith.xori %ne3A_247, %not3A_258 : vector<256x128xi1>
    %and3A_260 = arith.constant 16 : i32
    %and3A_261 = vector.broadcast %and3A_260 : i32 to vector<256x128xi32>
    %and3A_262 = arith.andi %iota3A_5, %and3A_261 : vector<256x128xi32>
    %eq3A_263 = arith.constant 0 : i32
    %eq3A_264 = vector.broadcast %eq3A_263 : i32 to vector<256x128xi32>
    %eq3A_265 = arith.cmpi eq, %and3A_262, %eq3A_264 : vector<256x128xi32>
    %gt3A_266 = arith.cmpi sgt, %select_n3A_240, %select_n3A_252 : vector<256x128xi32>
    %eq3A_267 = arith.cmpi eq, %select_n3A_240, %select_n3A_252 : vector<256x128xi32>
    %lt3A_268 = arith.cmpi slt, %select_n3A_241, %select_n3A_257 : vector<256x128xi32>
    %and3A_269 = arith.andi %eq3A_267, %lt3A_268 : vector<256x128xi1>
    %or3A_270 = arith.ori %gt3A_266, %and3A_269 : vector<256x128xi1>
    %eq3A_271 = arith.xori %eq3A_265, %not3A_259 : vector<256x128xi1>
    %eq3A_272 = arith.constant dense<true> : vector<256x128xi1>
    %eq3A_273 = arith.xori %eq3A_271, %eq3A_272 : vector<256x128xi1>
    %ne3A_274 = arith.xori %eq3A_273, %or3A_270 : vector<256x128xi1>
    %select_n3A_275 = arith.select %ne3A_274, %select_n3A_252, %select_n3A_240 : vector<256x128xi1>, vector<256x128xi32>
    %select_n3A_276 = arith.select %ne3A_274, %select_n3A_257, %select_n3A_241 : vector<256x128xi1>, vector<256x128xi32>
    %and3A_277 = arith.constant 2 : i32
    %and3A_278 = vector.broadcast %and3A_277 : i32 to vector<256x128xi32>
    %and3A_279 = arith.andi %iota3A_5, %and3A_278 : vector<256x128xi32>
    %ne3A_280 = arith.constant 0 : i32
    %ne3A_281 = vector.broadcast %ne3A_280 : i32 to vector<256x128xi32>
    %ne3A_282 = arith.cmpi ne, %and3A_279, %ne3A_281 : vector<256x128xi32>
    %roll3A_283 = arith.constant 2 : i32
    %roll3A_284 = tpu.dynamic_rotate %select_n3A_275 by %roll3A_283 dim 1 : vector<256x128xi32>, i32 -> vector<256x128xi32>
    %roll3A_285 = arith.constant 126 : i32
    %roll3A_286 = tpu.dynamic_rotate %select_n3A_275 by %roll3A_285 dim 1 : vector<256x128xi32>, i32 -> vector<256x128xi32>
    %select_n3A_287 = arith.select %ne3A_282, %roll3A_284, %roll3A_286 : vector<256x128xi1>, vector<256x128xi32>
    %roll3A_288 = arith.constant 2 : i32
    %roll3A_289 = tpu.dynamic_rotate %select_n3A_276 by %roll3A_288 dim 1 : vector<256x128xi32>, i32 -> vector<256x128xi32>
    %roll3A_290 = arith.constant 126 : i32
    %roll3A_291 = tpu.dynamic_rotate %select_n3A_276 by %roll3A_290 dim 1 : vector<256x128xi32>, i32 -> vector<256x128xi32>
    %select_n3A_292 = arith.select %ne3A_282, %roll3A_289, %roll3A_291 : vector<256x128xi1>, vector<256x128xi32>
    %not3A_293 = arith.constant dense<true> : vector<256x128xi1>
    %not3A_294 = arith.xori %ne3A_282, %not3A_293 : vector<256x128xi1>
    %and3A_295 = arith.constant 16 : i32
    %and3A_296 = vector.broadcast %and3A_295 : i32 to vector<256x128xi32>
    %and3A_297 = arith.andi %iota3A_5, %and3A_296 : vector<256x128xi32>
    %eq3A_298 = arith.constant 0 : i32
    %eq3A_299 = vector.broadcast %eq3A_298 : i32 to vector<256x128xi32>
    %eq3A_300 = arith.cmpi eq, %and3A_297, %eq3A_299 : vector<256x128xi32>
    %gt3A_301 = arith.cmpi sgt, %select_n3A_275, %select_n3A_287 : vector<256x128xi32>
    %eq3A_302 = arith.cmpi eq, %select_n3A_275, %select_n3A_287 : vector<256x128xi32>
    %lt3A_303 = arith.cmpi slt, %select_n3A_276, %select_n3A_292 : vector<256x128xi32>
    %and3A_304 = arith.andi %eq3A_302, %lt3A_303 : vector<256x128xi1>
    %or3A_305 = arith.ori %gt3A_301, %and3A_304 : vector<256x128xi1>
    %eq3A_306 = arith.xori %eq3A_300, %not3A_294 : vector<256x128xi1>
    %eq3A_307 = arith.constant dense<true> : vector<256x128xi1>
    %eq3A_308 = arith.xori %eq3A_306, %eq3A_307 : vector<256x128xi1>
    %ne3A_309 = arith.xori %eq3A_308, %or3A_305 : vector<256x128xi1>
    %select_n3A_310 = arith.select %ne3A_309, %select_n3A_287, %select_n3A_275 : vector<256x128xi1>, vector<256x128xi32>
    %select_n3A_311 = arith.select %ne3A_309, %select_n3A_292, %select_n3A_276 : vector<256x128xi1>, vector<256x128xi32>
    %and3A_312 = arith.constant 1 : i32
    %and3A_313 = vector.broadcast %and3A_312 : i32 to vector<256x128xi32>
    %and3A_314 = arith.andi %iota3A_5, %and3A_313 : vector<256x128xi32>
    %ne3A_315 = arith.constant 0 : i32
    %ne3A_316 = vector.broadcast %ne3A_315 : i32 to vector<256x128xi32>
    %ne3A_317 = arith.cmpi ne, %and3A_314, %ne3A_316 : vector<256x128xi32>
    %roll3A_318 = arith.constant 1 : i32
    %roll3A_319 = tpu.dynamic_rotate %select_n3A_310 by %roll3A_318 dim 1 : vector<256x128xi32>, i32 -> vector<256x128xi32>
    %roll3A_320 = arith.constant 127 : i32
    %roll3A_321 = tpu.dynamic_rotate %select_n3A_310 by %roll3A_320 dim 1 : vector<256x128xi32>, i32 -> vector<256x128xi32>
    %select_n3A_322 = arith.select %ne3A_317, %roll3A_319, %roll3A_321 : vector<256x128xi1>, vector<256x128xi32>
    %roll3A_323 = arith.constant 1 : i32
    %roll3A_324 = tpu.dynamic_rotate %select_n3A_311 by %roll3A_323 dim 1 : vector<256x128xi32>, i32 -> vector<256x128xi32>
    %roll3A_325 = arith.constant 127 : i32
    %roll3A_326 = tpu.dynamic_rotate %select_n3A_311 by %roll3A_325 dim 1 : vector<256x128xi32>, i32 -> vector<256x128xi32>
    %select_n3A_327 = arith.select %ne3A_317, %roll3A_324, %roll3A_326 : vector<256x128xi1>, vector<256x128xi32>
    %not3A_328 = arith.constant dense<true> : vector<256x128xi1>
    %not3A_329 = arith.xori %ne3A_317, %not3A_328 : vector<256x128xi1>
    %and3A_330 = arith.constant 16 : i32
    %and3A_331 = vector.broadcast %and3A_330 : i32 to vector<256x128xi32>
    %and3A_332 = arith.andi %iota3A_5, %and3A_331 : vector<256x128xi32>
    %eq3A_333 = arith.constant 0 : i32
    %eq3A_334 = vector.broadcast %eq3A_333 : i32 to vector<256x128xi32>
    %eq3A_335 = arith.cmpi eq, %and3A_332, %eq3A_334 : vector<256x128xi32>
    %gt3A_336 = arith.cmpi sgt, %select_n3A_310, %select_n3A_322 : vector<256x128xi32>
    %eq3A_337 = arith.cmpi eq, %select_n3A_310, %select_n3A_322 : vector<256x128xi32>
    %lt3A_338 = arith.cmpi slt, %select_n3A_311, %select_n3A_327 : vector<256x128xi32>
    %and3A_339 = arith.andi %eq3A_337, %lt3A_338 : vector<256x128xi1>
    %or3A_340 = arith.ori %gt3A_336, %and3A_339 : vector<256x128xi1>
    %eq3A_341 = arith.xori %eq3A_335, %not3A_329 : vector<256x128xi1>
    %eq3A_342 = arith.constant dense<true> : vector<256x128xi1>
    %eq3A_343 = arith.xori %eq3A_341, %eq3A_342 : vector<256x128xi1>
    %ne3A_344 = arith.xori %eq3A_343, %or3A_340 : vector<256x128xi1>
    %select_n3A_345 = arith.select %ne3A_344, %select_n3A_322, %select_n3A_310 : vector<256x128xi1>, vector<256x128xi32>
    %select_n3A_346 = arith.select %ne3A_344, %select_n3A_327, %select_n3A_311 : vector<256x128xi1>, vector<256x128xi32>
    %and3A_347 = arith.constant 16 : i32
    %and3A_348 = vector.broadcast %and3A_347 : i32 to vector<256x128xi32>
    %and3A_349 = arith.andi %iota3A_5, %and3A_348 : vector<256x128xi32>
    %ne3A_350 = arith.constant 0 : i32
    %ne3A_351 = vector.broadcast %ne3A_350 : i32 to vector<256x128xi32>
    %ne3A_352 = arith.cmpi ne, %and3A_349, %ne3A_351 : vector<256x128xi32>
    %roll3A_353 = arith.constant 16 : i32
    %roll3A_354 = tpu.dynamic_rotate %select_n3A_345 by %roll3A_353 dim 1 : vector<256x128xi32>, i32 -> vector<256x128xi32>
    %roll3A_355 = arith.constant 112 : i32
    %roll3A_356 = tpu.dynamic_rotate %select_n3A_345 by %roll3A_355 dim 1 : vector<256x128xi32>, i32 -> vector<256x128xi32>
    %select_n3A_357 = arith.select %ne3A_352, %roll3A_354, %roll3A_356 : vector<256x128xi1>, vector<256x128xi32>
    %roll3A_358 = arith.constant 16 : i32
    %roll3A_359 = tpu.dynamic_rotate %select_n3A_346 by %roll3A_358 dim 1 : vector<256x128xi32>, i32 -> vector<256x128xi32>
    %roll3A_360 = arith.constant 112 : i32
    %roll3A_361 = tpu.dynamic_rotate %select_n3A_346 by %roll3A_360 dim 1 : vector<256x128xi32>, i32 -> vector<256x128xi32>
    %select_n3A_362 = arith.select %ne3A_352, %roll3A_359, %roll3A_361 : vector<256x128xi1>, vector<256x128xi32>
    %not3A_363 = arith.constant dense<true> : vector<256x128xi1>
    %not3A_364 = arith.xori %ne3A_352, %not3A_363 : vector<256x128xi1>
    %and3A_365 = arith.constant 32 : i32
    %and3A_366 = vector.broadcast %and3A_365 : i32 to vector<256x128xi32>
    %and3A_367 = arith.andi %iota3A_5, %and3A_366 : vector<256x128xi32>
    %eq3A_368 = arith.constant 0 : i32
    %eq3A_369 = vector.broadcast %eq3A_368 : i32 to vector<256x128xi32>
    %eq3A_370 = arith.cmpi eq, %and3A_367, %eq3A_369 : vector<256x128xi32>
    %gt3A_371 = arith.cmpi sgt, %select_n3A_345, %select_n3A_357 : vector<256x128xi32>
    %eq3A_372 = arith.cmpi eq, %select_n3A_345, %select_n3A_357 : vector<256x128xi32>
    %lt3A_373 = arith.cmpi slt, %select_n3A_346, %select_n3A_362 : vector<256x128xi32>
    %and3A_374 = arith.andi %eq3A_372, %lt3A_373 : vector<256x128xi1>
    %or3A_375 = arith.ori %gt3A_371, %and3A_374 : vector<256x128xi1>
    %eq3A_376 = arith.xori %eq3A_370, %not3A_364 : vector<256x128xi1>
    %eq3A_377 = arith.constant dense<true> : vector<256x128xi1>
    %eq3A_378 = arith.xori %eq3A_376, %eq3A_377 : vector<256x128xi1>
    %ne3A_379 = arith.xori %eq3A_378, %or3A_375 : vector<256x128xi1>
    %select_n3A_380 = arith.select %ne3A_379, %select_n3A_357, %select_n3A_345 : vector<256x128xi1>, vector<256x128xi32>
    %select_n3A_381 = arith.select %ne3A_379, %select_n3A_362, %select_n3A_346 : vector<256x128xi1>, vector<256x128xi32>
    %and3A_382 = arith.constant 8 : i32
    %and3A_383 = vector.broadcast %and3A_382 : i32 to vector<256x128xi32>
    %and3A_384 = arith.andi %iota3A_5, %and3A_383 : vector<256x128xi32>
    %ne3A_385 = arith.constant 0 : i32
    %ne3A_386 = vector.broadcast %ne3A_385 : i32 to vector<256x128xi32>
    %ne3A_387 = arith.cmpi ne, %and3A_384, %ne3A_386 : vector<256x128xi32>
    %roll3A_388 = arith.constant 8 : i32
    %roll3A_389 = tpu.dynamic_rotate %select_n3A_380 by %roll3A_388 dim 1 : vector<256x128xi32>, i32 -> vector<256x128xi32>
    %roll3A_390 = arith.constant 120 : i32
    %roll3A_391 = tpu.dynamic_rotate %select_n3A_380 by %roll3A_390 dim 1 : vector<256x128xi32>, i32 -> vector<256x128xi32>
    %select_n3A_392 = arith.select %ne3A_387, %roll3A_389, %roll3A_391 : vector<256x128xi1>, vector<256x128xi32>
    %roll3A_393 = arith.constant 8 : i32
    %roll3A_394 = tpu.dynamic_rotate %select_n3A_381 by %roll3A_393 dim 1 : vector<256x128xi32>, i32 -> vector<256x128xi32>
    %roll3A_395 = arith.constant 120 : i32
    %roll3A_396 = tpu.dynamic_rotate %select_n3A_381 by %roll3A_395 dim 1 : vector<256x128xi32>, i32 -> vector<256x128xi32>
    %select_n3A_397 = arith.select %ne3A_387, %roll3A_394, %roll3A_396 : vector<256x128xi1>, vector<256x128xi32>
    %not3A_398 = arith.constant dense<true> : vector<256x128xi1>
    %not3A_399 = arith.xori %ne3A_387, %not3A_398 : vector<256x128xi1>
    %and3A_400 = arith.constant 32 : i32
    %and3A_401 = vector.broadcast %and3A_400 : i32 to vector<256x128xi32>
    %and3A_402 = arith.andi %iota3A_5, %and3A_401 : vector<256x128xi32>
    %eq3A_403 = arith.constant 0 : i32
    %eq3A_404 = vector.broadcast %eq3A_403 : i32 to vector<256x128xi32>
    %eq3A_405 = arith.cmpi eq, %and3A_402, %eq3A_404 : vector<256x128xi32>
    %gt3A_406 = arith.cmpi sgt, %select_n3A_380, %select_n3A_392 : vector<256x128xi32>
    %eq3A_407 = arith.cmpi eq, %select_n3A_380, %select_n3A_392 : vector<256x128xi32>
    %lt3A_408 = arith.cmpi slt, %select_n3A_381, %select_n3A_397 : vector<256x128xi32>
    %and3A_409 = arith.andi %eq3A_407, %lt3A_408 : vector<256x128xi1>
    %or3A_410 = arith.ori %gt3A_406, %and3A_409 : vector<256x128xi1>
    %eq3A_411 = arith.xori %eq3A_405, %not3A_399 : vector<256x128xi1>
    %eq3A_412 = arith.constant dense<true> : vector<256x128xi1>
    %eq3A_413 = arith.xori %eq3A_411, %eq3A_412 : vector<256x128xi1>
    %ne3A_414 = arith.xori %eq3A_413, %or3A_410 : vector<256x128xi1>
    %select_n3A_415 = arith.select %ne3A_414, %select_n3A_392, %select_n3A_380 : vector<256x128xi1>, vector<256x128xi32>
    %select_n3A_416 = arith.select %ne3A_414, %select_n3A_397, %select_n3A_381 : vector<256x128xi1>, vector<256x128xi32>
    %and3A_417 = arith.constant 4 : i32
    %and3A_418 = vector.broadcast %and3A_417 : i32 to vector<256x128xi32>
    %and3A_419 = arith.andi %iota3A_5, %and3A_418 : vector<256x128xi32>
    %ne3A_420 = arith.constant 0 : i32
    %ne3A_421 = vector.broadcast %ne3A_420 : i32 to vector<256x128xi32>
    %ne3A_422 = arith.cmpi ne, %and3A_419, %ne3A_421 : vector<256x128xi32>
    %roll3A_423 = arith.constant 4 : i32
    %roll3A_424 = tpu.dynamic_rotate %select_n3A_415 by %roll3A_423 dim 1 : vector<256x128xi32>, i32 -> vector<256x128xi32>
    %roll3A_425 = arith.constant 124 : i32
    %roll3A_426 = tpu.dynamic_rotate %select_n3A_415 by %roll3A_425 dim 1 : vector<256x128xi32>, i32 -> vector<256x128xi32>
    %select_n3A_427 = arith.select %ne3A_422, %roll3A_424, %roll3A_426 : vector<256x128xi1>, vector<256x128xi32>
    %roll3A_428 = arith.constant 4 : i32
    %roll3A_429 = tpu.dynamic_rotate %select_n3A_416 by %roll3A_428 dim 1 : vector<256x128xi32>, i32 -> vector<256x128xi32>
    %roll3A_430 = arith.constant 124 : i32
    %roll3A_431 = tpu.dynamic_rotate %select_n3A_416 by %roll3A_430 dim 1 : vector<256x128xi32>, i32 -> vector<256x128xi32>
    %select_n3A_432 = arith.select %ne3A_422, %roll3A_429, %roll3A_431 : vector<256x128xi1>, vector<256x128xi32>
    %not3A_433 = arith.constant dense<true> : vector<256x128xi1>
    %not3A_434 = arith.xori %ne3A_422, %not3A_433 : vector<256x128xi1>
    %and3A_435 = arith.constant 32 : i32
    %and3A_436 = vector.broadcast %and3A_435 : i32 to vector<256x128xi32>
    %and3A_437 = arith.andi %iota3A_5, %and3A_436 : vector<256x128xi32>
    %eq3A_438 = arith.constant 0 : i32
    %eq3A_439 = vector.broadcast %eq3A_438 : i32 to vector<256x128xi32>
    %eq3A_440 = arith.cmpi eq, %and3A_437, %eq3A_439 : vector<256x128xi32>
    %gt3A_441 = arith.cmpi sgt, %select_n3A_415, %select_n3A_427 : vector<256x128xi32>
    %eq3A_442 = arith.cmpi eq, %select_n3A_415, %select_n3A_427 : vector<256x128xi32>
    %lt3A_443 = arith.cmpi slt, %select_n3A_416, %select_n3A_432 : vector<256x128xi32>
    %and3A_444 = arith.andi %eq3A_442, %lt3A_443 : vector<256x128xi1>
    %or3A_445 = arith.ori %gt3A_441, %and3A_444 : vector<256x128xi1>
    %eq3A_446 = arith.xori %eq3A_440, %not3A_434 : vector<256x128xi1>
    %eq3A_447 = arith.constant dense<true> : vector<256x128xi1>
    %eq3A_448 = arith.xori %eq3A_446, %eq3A_447 : vector<256x128xi1>
    %ne3A_449 = arith.xori %eq3A_448, %or3A_445 : vector<256x128xi1>
    %select_n3A_450 = arith.select %ne3A_449, %select_n3A_427, %select_n3A_415 : vector<256x128xi1>, vector<256x128xi32>
    %select_n3A_451 = arith.select %ne3A_449, %select_n3A_432, %select_n3A_416 : vector<256x128xi1>, vector<256x128xi32>
    %and3A_452 = arith.constant 2 : i32
    %and3A_453 = vector.broadcast %and3A_452 : i32 to vector<256x128xi32>
    %and3A_454 = arith.andi %iota3A_5, %and3A_453 : vector<256x128xi32>
    %ne3A_455 = arith.constant 0 : i32
    %ne3A_456 = vector.broadcast %ne3A_455 : i32 to vector<256x128xi32>
    %ne3A_457 = arith.cmpi ne, %and3A_454, %ne3A_456 : vector<256x128xi32>
    %roll3A_458 = arith.constant 2 : i32
    %roll3A_459 = tpu.dynamic_rotate %select_n3A_450 by %roll3A_458 dim 1 : vector<256x128xi32>, i32 -> vector<256x128xi32>
    %roll3A_460 = arith.constant 126 : i32
    %roll3A_461 = tpu.dynamic_rotate %select_n3A_450 by %roll3A_460 dim 1 : vector<256x128xi32>, i32 -> vector<256x128xi32>
    %select_n3A_462 = arith.select %ne3A_457, %roll3A_459, %roll3A_461 : vector<256x128xi1>, vector<256x128xi32>
    %roll3A_463 = arith.constant 2 : i32
    %roll3A_464 = tpu.dynamic_rotate %select_n3A_451 by %roll3A_463 dim 1 : vector<256x128xi32>, i32 -> vector<256x128xi32>
    %roll3A_465 = arith.constant 126 : i32
    %roll3A_466 = tpu.dynamic_rotate %select_n3A_451 by %roll3A_465 dim 1 : vector<256x128xi32>, i32 -> vector<256x128xi32>
    %select_n3A_467 = arith.select %ne3A_457, %roll3A_464, %roll3A_466 : vector<256x128xi1>, vector<256x128xi32>
    %not3A_468 = arith.constant dense<true> : vector<256x128xi1>
    %not3A_469 = arith.xori %ne3A_457, %not3A_468 : vector<256x128xi1>
    %and3A_470 = arith.constant 32 : i32
    %and3A_471 = vector.broadcast %and3A_470 : i32 to vector<256x128xi32>
    %and3A_472 = arith.andi %iota3A_5, %and3A_471 : vector<256x128xi32>
    %eq3A_473 = arith.constant 0 : i32
    %eq3A_474 = vector.broadcast %eq3A_473 : i32 to vector<256x128xi32>
    %eq3A_475 = arith.cmpi eq, %and3A_472, %eq3A_474 : vector<256x128xi32>
    %gt3A_476 = arith.cmpi sgt, %select_n3A_450, %select_n3A_462 : vector<256x128xi32>
    %eq3A_477 = arith.cmpi eq, %select_n3A_450, %select_n3A_462 : vector<256x128xi32>
    %lt3A_478 = arith.cmpi slt, %select_n3A_451, %select_n3A_467 : vector<256x128xi32>
    %and3A_479 = arith.andi %eq3A_477, %lt3A_478 : vector<256x128xi1>
    %or3A_480 = arith.ori %gt3A_476, %and3A_479 : vector<256x128xi1>
    %eq3A_481 = arith.xori %eq3A_475, %not3A_469 : vector<256x128xi1>
    %eq3A_482 = arith.constant dense<true> : vector<256x128xi1>
    %eq3A_483 = arith.xori %eq3A_481, %eq3A_482 : vector<256x128xi1>
    %ne3A_484 = arith.xori %eq3A_483, %or3A_480 : vector<256x128xi1>
    %select_n3A_485 = arith.select %ne3A_484, %select_n3A_462, %select_n3A_450 : vector<256x128xi1>, vector<256x128xi32>
    %select_n3A_486 = arith.select %ne3A_484, %select_n3A_467, %select_n3A_451 : vector<256x128xi1>, vector<256x128xi32>
    %and3A_487 = arith.constant 1 : i32
    %and3A_488 = vector.broadcast %and3A_487 : i32 to vector<256x128xi32>
    %and3A_489 = arith.andi %iota3A_5, %and3A_488 : vector<256x128xi32>
    %ne3A_490 = arith.constant 0 : i32
    %ne3A_491 = vector.broadcast %ne3A_490 : i32 to vector<256x128xi32>
    %ne3A_492 = arith.cmpi ne, %and3A_489, %ne3A_491 : vector<256x128xi32>
    %roll3A_493 = arith.constant 1 : i32
    %roll3A_494 = tpu.dynamic_rotate %select_n3A_485 by %roll3A_493 dim 1 : vector<256x128xi32>, i32 -> vector<256x128xi32>
    %roll3A_495 = arith.constant 127 : i32
    %roll3A_496 = tpu.dynamic_rotate %select_n3A_485 by %roll3A_495 dim 1 : vector<256x128xi32>, i32 -> vector<256x128xi32>
    %select_n3A_497 = arith.select %ne3A_492, %roll3A_494, %roll3A_496 : vector<256x128xi1>, vector<256x128xi32>
    %roll3A_498 = arith.constant 1 : i32
    %roll3A_499 = tpu.dynamic_rotate %select_n3A_486 by %roll3A_498 dim 1 : vector<256x128xi32>, i32 -> vector<256x128xi32>
    %roll3A_500 = arith.constant 127 : i32
    %roll3A_501 = tpu.dynamic_rotate %select_n3A_486 by %roll3A_500 dim 1 : vector<256x128xi32>, i32 -> vector<256x128xi32>
    %select_n3A_502 = arith.select %ne3A_492, %roll3A_499, %roll3A_501 : vector<256x128xi1>, vector<256x128xi32>
    %not3A_503 = arith.constant dense<true> : vector<256x128xi1>
    %not3A_504 = arith.xori %ne3A_492, %not3A_503 : vector<256x128xi1>
    %and3A_505 = arith.constant 32 : i32
    %and3A_506 = vector.broadcast %and3A_505 : i32 to vector<256x128xi32>
    %and3A_507 = arith.andi %iota3A_5, %and3A_506 : vector<256x128xi32>
    %eq3A_508 = arith.constant 0 : i32
    %eq3A_509 = vector.broadcast %eq3A_508 : i32 to vector<256x128xi32>
    %eq3A_510 = arith.cmpi eq, %and3A_507, %eq3A_509 : vector<256x128xi32>
    %gt3A_511 = arith.cmpi sgt, %select_n3A_485, %select_n3A_497 : vector<256x128xi32>
    %eq3A_512 = arith.cmpi eq, %select_n3A_485, %select_n3A_497 : vector<256x128xi32>
    %lt3A_513 = arith.cmpi slt, %select_n3A_486, %select_n3A_502 : vector<256x128xi32>
    %and3A_514 = arith.andi %eq3A_512, %lt3A_513 : vector<256x128xi1>
    %or3A_515 = arith.ori %gt3A_511, %and3A_514 : vector<256x128xi1>
    %eq3A_516 = arith.xori %eq3A_510, %not3A_504 : vector<256x128xi1>
    %eq3A_517 = arith.constant dense<true> : vector<256x128xi1>
    %eq3A_518 = arith.xori %eq3A_516, %eq3A_517 : vector<256x128xi1>
    %ne3A_519 = arith.xori %eq3A_518, %or3A_515 : vector<256x128xi1>
    %select_n3A_520 = arith.select %ne3A_519, %select_n3A_497, %select_n3A_485 : vector<256x128xi1>, vector<256x128xi32>
    %select_n3A_521 = arith.select %ne3A_519, %select_n3A_502, %select_n3A_486 : vector<256x128xi1>, vector<256x128xi32>
    %and3A_522 = arith.constant 32 : i32
    %and3A_523 = vector.broadcast %and3A_522 : i32 to vector<256x128xi32>
    %and3A_524 = arith.andi %iota3A_5, %and3A_523 : vector<256x128xi32>
    %ne3A_525 = arith.constant 0 : i32
    %ne3A_526 = vector.broadcast %ne3A_525 : i32 to vector<256x128xi32>
    %ne3A_527 = arith.cmpi ne, %and3A_524, %ne3A_526 : vector<256x128xi32>
    %roll3A_528 = arith.constant 32 : i32
    %roll3A_529 = tpu.dynamic_rotate %select_n3A_520 by %roll3A_528 dim 1 : vector<256x128xi32>, i32 -> vector<256x128xi32>
    %roll3A_530 = arith.constant 96 : i32
    %roll3A_531 = tpu.dynamic_rotate %select_n3A_520 by %roll3A_530 dim 1 : vector<256x128xi32>, i32 -> vector<256x128xi32>
    %select_n3A_532 = arith.select %ne3A_527, %roll3A_529, %roll3A_531 : vector<256x128xi1>, vector<256x128xi32>
    %roll3A_533 = arith.constant 32 : i32
    %roll3A_534 = tpu.dynamic_rotate %select_n3A_521 by %roll3A_533 dim 1 : vector<256x128xi32>, i32 -> vector<256x128xi32>
    %roll3A_535 = arith.constant 96 : i32
    %roll3A_536 = tpu.dynamic_rotate %select_n3A_521 by %roll3A_535 dim 1 : vector<256x128xi32>, i32 -> vector<256x128xi32>
    %select_n3A_537 = arith.select %ne3A_527, %roll3A_534, %roll3A_536 : vector<256x128xi1>, vector<256x128xi32>
    %not3A_538 = arith.constant dense<true> : vector<256x128xi1>
    %not3A_539 = arith.xori %ne3A_527, %not3A_538 : vector<256x128xi1>
    %and3A_540 = arith.constant 64 : i32
    %and3A_541 = vector.broadcast %and3A_540 : i32 to vector<256x128xi32>
    %and3A_542 = arith.andi %iota3A_5, %and3A_541 : vector<256x128xi32>
    %eq3A_543 = arith.constant 0 : i32
    %eq3A_544 = vector.broadcast %eq3A_543 : i32 to vector<256x128xi32>
    %eq3A_545 = arith.cmpi eq, %and3A_542, %eq3A_544 : vector<256x128xi32>
    %gt3A_546 = arith.cmpi sgt, %select_n3A_520, %select_n3A_532 : vector<256x128xi32>
    %eq3A_547 = arith.cmpi eq, %select_n3A_520, %select_n3A_532 : vector<256x128xi32>
    %lt3A_548 = arith.cmpi slt, %select_n3A_521, %select_n3A_537 : vector<256x128xi32>
    %and3A_549 = arith.andi %eq3A_547, %lt3A_548 : vector<256x128xi1>
    %or3A_550 = arith.ori %gt3A_546, %and3A_549 : vector<256x128xi1>
    %eq3A_551 = arith.xori %eq3A_545, %not3A_539 : vector<256x128xi1>
    %eq3A_552 = arith.constant dense<true> : vector<256x128xi1>
    %eq3A_553 = arith.xori %eq3A_551, %eq3A_552 : vector<256x128xi1>
    %ne3A_554 = arith.xori %eq3A_553, %or3A_550 : vector<256x128xi1>
    %select_n3A_555 = arith.select %ne3A_554, %select_n3A_532, %select_n3A_520 : vector<256x128xi1>, vector<256x128xi32>
    %select_n3A_556 = arith.select %ne3A_554, %select_n3A_537, %select_n3A_521 : vector<256x128xi1>, vector<256x128xi32>
    %and3A_557 = arith.constant 16 : i32
    %and3A_558 = vector.broadcast %and3A_557 : i32 to vector<256x128xi32>
    %and3A_559 = arith.andi %iota3A_5, %and3A_558 : vector<256x128xi32>
    %ne3A_560 = arith.constant 0 : i32
    %ne3A_561 = vector.broadcast %ne3A_560 : i32 to vector<256x128xi32>
    %ne3A_562 = arith.cmpi ne, %and3A_559, %ne3A_561 : vector<256x128xi32>
    %roll3A_563 = arith.constant 16 : i32
    %roll3A_564 = tpu.dynamic_rotate %select_n3A_555 by %roll3A_563 dim 1 : vector<256x128xi32>, i32 -> vector<256x128xi32>
    %roll3A_565 = arith.constant 112 : i32
    %roll3A_566 = tpu.dynamic_rotate %select_n3A_555 by %roll3A_565 dim 1 : vector<256x128xi32>, i32 -> vector<256x128xi32>
    %select_n3A_567 = arith.select %ne3A_562, %roll3A_564, %roll3A_566 : vector<256x128xi1>, vector<256x128xi32>
    %roll3A_568 = arith.constant 16 : i32
    %roll3A_569 = tpu.dynamic_rotate %select_n3A_556 by %roll3A_568 dim 1 : vector<256x128xi32>, i32 -> vector<256x128xi32>
    %roll3A_570 = arith.constant 112 : i32
    %roll3A_571 = tpu.dynamic_rotate %select_n3A_556 by %roll3A_570 dim 1 : vector<256x128xi32>, i32 -> vector<256x128xi32>
    %select_n3A_572 = arith.select %ne3A_562, %roll3A_569, %roll3A_571 : vector<256x128xi1>, vector<256x128xi32>
    %not3A_573 = arith.constant dense<true> : vector<256x128xi1>
    %not3A_574 = arith.xori %ne3A_562, %not3A_573 : vector<256x128xi1>
    %and3A_575 = arith.constant 64 : i32
    %and3A_576 = vector.broadcast %and3A_575 : i32 to vector<256x128xi32>
    %and3A_577 = arith.andi %iota3A_5, %and3A_576 : vector<256x128xi32>
    %eq3A_578 = arith.constant 0 : i32
    %eq3A_579 = vector.broadcast %eq3A_578 : i32 to vector<256x128xi32>
    %eq3A_580 = arith.cmpi eq, %and3A_577, %eq3A_579 : vector<256x128xi32>
    %gt3A_581 = arith.cmpi sgt, %select_n3A_555, %select_n3A_567 : vector<256x128xi32>
    %eq3A_582 = arith.cmpi eq, %select_n3A_555, %select_n3A_567 : vector<256x128xi32>
    %lt3A_583 = arith.cmpi slt, %select_n3A_556, %select_n3A_572 : vector<256x128xi32>
    %and3A_584 = arith.andi %eq3A_582, %lt3A_583 : vector<256x128xi1>
    %or3A_585 = arith.ori %gt3A_581, %and3A_584 : vector<256x128xi1>
    %eq3A_586 = arith.xori %eq3A_580, %not3A_574 : vector<256x128xi1>
    %eq3A_587 = arith.constant dense<true> : vector<256x128xi1>
    %eq3A_588 = arith.xori %eq3A_586, %eq3A_587 : vector<256x128xi1>
    %ne3A_589 = arith.xori %eq3A_588, %or3A_585 : vector<256x128xi1>
    %select_n3A_590 = arith.select %ne3A_589, %select_n3A_567, %select_n3A_555 : vector<256x128xi1>, vector<256x128xi32>
    %select_n3A_591 = arith.select %ne3A_589, %select_n3A_572, %select_n3A_556 : vector<256x128xi1>, vector<256x128xi32>
    %and3A_592 = arith.constant 8 : i32
    %and3A_593 = vector.broadcast %and3A_592 : i32 to vector<256x128xi32>
    %and3A_594 = arith.andi %iota3A_5, %and3A_593 : vector<256x128xi32>
    %ne3A_595 = arith.constant 0 : i32
    %ne3A_596 = vector.broadcast %ne3A_595 : i32 to vector<256x128xi32>
    %ne3A_597 = arith.cmpi ne, %and3A_594, %ne3A_596 : vector<256x128xi32>
    %roll3A_598 = arith.constant 8 : i32
    %roll3A_599 = tpu.dynamic_rotate %select_n3A_590 by %roll3A_598 dim 1 : vector<256x128xi32>, i32 -> vector<256x128xi32>
    %roll3A_600 = arith.constant 120 : i32
    %roll3A_601 = tpu.dynamic_rotate %select_n3A_590 by %roll3A_600 dim 1 : vector<256x128xi32>, i32 -> vector<256x128xi32>
    %select_n3A_602 = arith.select %ne3A_597, %roll3A_599, %roll3A_601 : vector<256x128xi1>, vector<256x128xi32>
    %roll3A_603 = arith.constant 8 : i32
    %roll3A_604 = tpu.dynamic_rotate %select_n3A_591 by %roll3A_603 dim 1 : vector<256x128xi32>, i32 -> vector<256x128xi32>
    %roll3A_605 = arith.constant 120 : i32
    %roll3A_606 = tpu.dynamic_rotate %select_n3A_591 by %roll3A_605 dim 1 : vector<256x128xi32>, i32 -> vector<256x128xi32>
    %select_n3A_607 = arith.select %ne3A_597, %roll3A_604, %roll3A_606 : vector<256x128xi1>, vector<256x128xi32>
    %not3A_608 = arith.constant dense<true> : vector<256x128xi1>
    %not3A_609 = arith.xori %ne3A_597, %not3A_608 : vector<256x128xi1>
    %and3A_610 = arith.constant 64 : i32
    %and3A_611 = vector.broadcast %and3A_610 : i32 to vector<256x128xi32>
    %and3A_612 = arith.andi %iota3A_5, %and3A_611 : vector<256x128xi32>
    %eq3A_613 = arith.constant 0 : i32
    %eq3A_614 = vector.broadcast %eq3A_613 : i32 to vector<256x128xi32>
    %eq3A_615 = arith.cmpi eq, %and3A_612, %eq3A_614 : vector<256x128xi32>
    %gt3A_616 = arith.cmpi sgt, %select_n3A_590, %select_n3A_602 : vector<256x128xi32>
    %eq3A_617 = arith.cmpi eq, %select_n3A_590, %select_n3A_602 : vector<256x128xi32>
    %lt3A_618 = arith.cmpi slt, %select_n3A_591, %select_n3A_607 : vector<256x128xi32>
    %and3A_619 = arith.andi %eq3A_617, %lt3A_618 : vector<256x128xi1>
    %or3A_620 = arith.ori %gt3A_616, %and3A_619 : vector<256x128xi1>
    %eq3A_621 = arith.xori %eq3A_615, %not3A_609 : vector<256x128xi1>
    %eq3A_622 = arith.constant dense<true> : vector<256x128xi1>
    %eq3A_623 = arith.xori %eq3A_621, %eq3A_622 : vector<256x128xi1>
    %ne3A_624 = arith.xori %eq3A_623, %or3A_620 : vector<256x128xi1>
    %select_n3A_625 = arith.select %ne3A_624, %select_n3A_602, %select_n3A_590 : vector<256x128xi1>, vector<256x128xi32>
    %select_n3A_626 = arith.select %ne3A_624, %select_n3A_607, %select_n3A_591 : vector<256x128xi1>, vector<256x128xi32>
    %and3A_627 = arith.constant 4 : i32
    %and3A_628 = vector.broadcast %and3A_627 : i32 to vector<256x128xi32>
    %and3A_629 = arith.andi %iota3A_5, %and3A_628 : vector<256x128xi32>
    %ne3A_630 = arith.constant 0 : i32
    %ne3A_631 = vector.broadcast %ne3A_630 : i32 to vector<256x128xi32>
    %ne3A_632 = arith.cmpi ne, %and3A_629, %ne3A_631 : vector<256x128xi32>
    %roll3A_633 = arith.constant 4 : i32
    %roll3A_634 = tpu.dynamic_rotate %select_n3A_625 by %roll3A_633 dim 1 : vector<256x128xi32>, i32 -> vector<256x128xi32>
    %roll3A_635 = arith.constant 124 : i32
    %roll3A_636 = tpu.dynamic_rotate %select_n3A_625 by %roll3A_635 dim 1 : vector<256x128xi32>, i32 -> vector<256x128xi32>
    %select_n3A_637 = arith.select %ne3A_632, %roll3A_634, %roll3A_636 : vector<256x128xi1>, vector<256x128xi32>
    %roll3A_638 = arith.constant 4 : i32
    %roll3A_639 = tpu.dynamic_rotate %select_n3A_626 by %roll3A_638 dim 1 : vector<256x128xi32>, i32 -> vector<256x128xi32>
    %roll3A_640 = arith.constant 124 : i32
    %roll3A_641 = tpu.dynamic_rotate %select_n3A_626 by %roll3A_640 dim 1 : vector<256x128xi32>, i32 -> vector<256x128xi32>
    %select_n3A_642 = arith.select %ne3A_632, %roll3A_639, %roll3A_641 : vector<256x128xi1>, vector<256x128xi32>
    %not3A_643 = arith.constant dense<true> : vector<256x128xi1>
    %not3A_644 = arith.xori %ne3A_632, %not3A_643 : vector<256x128xi1>
    %and3A_645 = arith.constant 64 : i32
    %and3A_646 = vector.broadcast %and3A_645 : i32 to vector<256x128xi32>
    %and3A_647 = arith.andi %iota3A_5, %and3A_646 : vector<256x128xi32>
    %eq3A_648 = arith.constant 0 : i32
    %eq3A_649 = vector.broadcast %eq3A_648 : i32 to vector<256x128xi32>
    %eq3A_650 = arith.cmpi eq, %and3A_647, %eq3A_649 : vector<256x128xi32>
    %gt3A_651 = arith.cmpi sgt, %select_n3A_625, %select_n3A_637 : vector<256x128xi32>
    %eq3A_652 = arith.cmpi eq, %select_n3A_625, %select_n3A_637 : vector<256x128xi32>
    %lt3A_653 = arith.cmpi slt, %select_n3A_626, %select_n3A_642 : vector<256x128xi32>
    %and3A_654 = arith.andi %eq3A_652, %lt3A_653 : vector<256x128xi1>
    %or3A_655 = arith.ori %gt3A_651, %and3A_654 : vector<256x128xi1>
    %eq3A_656 = arith.xori %eq3A_650, %not3A_644 : vector<256x128xi1>
    %eq3A_657 = arith.constant dense<true> : vector<256x128xi1>
    %eq3A_658 = arith.xori %eq3A_656, %eq3A_657 : vector<256x128xi1>
    %ne3A_659 = arith.xori %eq3A_658, %or3A_655 : vector<256x128xi1>
    %select_n3A_660 = arith.select %ne3A_659, %select_n3A_637, %select_n3A_625 : vector<256x128xi1>, vector<256x128xi32>
    %select_n3A_661 = arith.select %ne3A_659, %select_n3A_642, %select_n3A_626 : vector<256x128xi1>, vector<256x128xi32>
    %and3A_662 = arith.constant 2 : i32
    %and3A_663 = vector.broadcast %and3A_662 : i32 to vector<256x128xi32>
    %and3A_664 = arith.andi %iota3A_5, %and3A_663 : vector<256x128xi32>
    %ne3A_665 = arith.constant 0 : i32
    %ne3A_666 = vector.broadcast %ne3A_665 : i32 to vector<256x128xi32>
    %ne3A_667 = arith.cmpi ne, %and3A_664, %ne3A_666 : vector<256x128xi32>
    %roll3A_668 = arith.constant 2 : i32
    %roll3A_669 = tpu.dynamic_rotate %select_n3A_660 by %roll3A_668 dim 1 : vector<256x128xi32>, i32 -> vector<256x128xi32>
    %roll3A_670 = arith.constant 126 : i32
    %roll3A_671 = tpu.dynamic_rotate %select_n3A_660 by %roll3A_670 dim 1 : vector<256x128xi32>, i32 -> vector<256x128xi32>
    %select_n3A_672 = arith.select %ne3A_667, %roll3A_669, %roll3A_671 : vector<256x128xi1>, vector<256x128xi32>
    %roll3A_673 = arith.constant 2 : i32
    %roll3A_674 = tpu.dynamic_rotate %select_n3A_661 by %roll3A_673 dim 1 : vector<256x128xi32>, i32 -> vector<256x128xi32>
    %roll3A_675 = arith.constant 126 : i32
    %roll3A_676 = tpu.dynamic_rotate %select_n3A_661 by %roll3A_675 dim 1 : vector<256x128xi32>, i32 -> vector<256x128xi32>
    %select_n3A_677 = arith.select %ne3A_667, %roll3A_674, %roll3A_676 : vector<256x128xi1>, vector<256x128xi32>
    %not3A_678 = arith.constant dense<true> : vector<256x128xi1>
    %not3A_679 = arith.xori %ne3A_667, %not3A_678 : vector<256x128xi1>
    %and3A_680 = arith.constant 64 : i32
    %and3A_681 = vector.broadcast %and3A_680 : i32 to vector<256x128xi32>
    %and3A_682 = arith.andi %iota3A_5, %and3A_681 : vector<256x128xi32>
    %eq3A_683 = arith.constant 0 : i32
    %eq3A_684 = vector.broadcast %eq3A_683 : i32 to vector<256x128xi32>
    %eq3A_685 = arith.cmpi eq, %and3A_682, %eq3A_684 : vector<256x128xi32>
    %gt3A_686 = arith.cmpi sgt, %select_n3A_660, %select_n3A_672 : vector<256x128xi32>
    %eq3A_687 = arith.cmpi eq, %select_n3A_660, %select_n3A_672 : vector<256x128xi32>
    %lt3A_688 = arith.cmpi slt, %select_n3A_661, %select_n3A_677 : vector<256x128xi32>
    %and3A_689 = arith.andi %eq3A_687, %lt3A_688 : vector<256x128xi1>
    %or3A_690 = arith.ori %gt3A_686, %and3A_689 : vector<256x128xi1>
    %eq3A_691 = arith.xori %eq3A_685, %not3A_679 : vector<256x128xi1>
    %eq3A_692 = arith.constant dense<true> : vector<256x128xi1>
    %eq3A_693 = arith.xori %eq3A_691, %eq3A_692 : vector<256x128xi1>
    %ne3A_694 = arith.xori %eq3A_693, %or3A_690 : vector<256x128xi1>
    %select_n3A_695 = arith.select %ne3A_694, %select_n3A_672, %select_n3A_660 : vector<256x128xi1>, vector<256x128xi32>
    %select_n3A_696 = arith.select %ne3A_694, %select_n3A_677, %select_n3A_661 : vector<256x128xi1>, vector<256x128xi32>
    %and3A_697 = arith.constant 1 : i32
    %and3A_698 = vector.broadcast %and3A_697 : i32 to vector<256x128xi32>
    %and3A_699 = arith.andi %iota3A_5, %and3A_698 : vector<256x128xi32>
    %ne3A_700 = arith.constant 0 : i32
    %ne3A_701 = vector.broadcast %ne3A_700 : i32 to vector<256x128xi32>
    %ne3A_702 = arith.cmpi ne, %and3A_699, %ne3A_701 : vector<256x128xi32>
    %roll3A_703 = arith.constant 1 : i32
    %roll3A_704 = tpu.dynamic_rotate %select_n3A_695 by %roll3A_703 dim 1 : vector<256x128xi32>, i32 -> vector<256x128xi32>
    %roll3A_705 = arith.constant 127 : i32
    %roll3A_706 = tpu.dynamic_rotate %select_n3A_695 by %roll3A_705 dim 1 : vector<256x128xi32>, i32 -> vector<256x128xi32>
    %select_n3A_707 = arith.select %ne3A_702, %roll3A_704, %roll3A_706 : vector<256x128xi1>, vector<256x128xi32>
    %roll3A_708 = arith.constant 1 : i32
    %roll3A_709 = tpu.dynamic_rotate %select_n3A_696 by %roll3A_708 dim 1 : vector<256x128xi32>, i32 -> vector<256x128xi32>
    %roll3A_710 = arith.constant 127 : i32
    %roll3A_711 = tpu.dynamic_rotate %select_n3A_696 by %roll3A_710 dim 1 : vector<256x128xi32>, i32 -> vector<256x128xi32>
    %select_n3A_712 = arith.select %ne3A_702, %roll3A_709, %roll3A_711 : vector<256x128xi1>, vector<256x128xi32>
    %not3A_713 = arith.constant dense<true> : vector<256x128xi1>
    %not3A_714 = arith.xori %ne3A_702, %not3A_713 : vector<256x128xi1>
    %and3A_715 = arith.constant 64 : i32
    %and3A_716 = vector.broadcast %and3A_715 : i32 to vector<256x128xi32>
    %and3A_717 = arith.andi %iota3A_5, %and3A_716 : vector<256x128xi32>
    %eq3A_718 = arith.constant 0 : i32
    %eq3A_719 = vector.broadcast %eq3A_718 : i32 to vector<256x128xi32>
    %eq3A_720 = arith.cmpi eq, %and3A_717, %eq3A_719 : vector<256x128xi32>
    %gt3A_721 = arith.cmpi sgt, %select_n3A_695, %select_n3A_707 : vector<256x128xi32>
    %eq3A_722 = arith.cmpi eq, %select_n3A_695, %select_n3A_707 : vector<256x128xi32>
    %lt3A_723 = arith.cmpi slt, %select_n3A_696, %select_n3A_712 : vector<256x128xi32>
    %and3A_724 = arith.andi %eq3A_722, %lt3A_723 : vector<256x128xi1>
    %or3A_725 = arith.ori %gt3A_721, %and3A_724 : vector<256x128xi1>
    %eq3A_726 = arith.xori %eq3A_720, %not3A_714 : vector<256x128xi1>
    %eq3A_727 = arith.constant dense<true> : vector<256x128xi1>
    %eq3A_728 = arith.xori %eq3A_726, %eq3A_727 : vector<256x128xi1>
    %ne3A_729 = arith.xori %eq3A_728, %or3A_725 : vector<256x128xi1>
    %select_n3A_730 = arith.select %ne3A_729, %select_n3A_707, %select_n3A_695 : vector<256x128xi1>, vector<256x128xi32>
    %select_n3A_731 = arith.select %ne3A_729, %select_n3A_712, %select_n3A_696 : vector<256x128xi1>, vector<256x128xi32>
    %and3A_732 = arith.constant 64 : i32
    %and3A_733 = vector.broadcast %and3A_732 : i32 to vector<256x128xi32>
    %and3A_734 = arith.andi %iota3A_5, %and3A_733 : vector<256x128xi32>
    %ne3A_735 = arith.constant 0 : i32
    %ne3A_736 = vector.broadcast %ne3A_735 : i32 to vector<256x128xi32>
    %ne3A_737 = arith.cmpi ne, %and3A_734, %ne3A_736 : vector<256x128xi32>
    %roll3A_738 = arith.constant 64 : i32
    %roll3A_739 = tpu.dynamic_rotate %select_n3A_730 by %roll3A_738 dim 1 : vector<256x128xi32>, i32 -> vector<256x128xi32>
    %roll3A_740 = arith.constant 64 : i32
    %roll3A_741 = tpu.dynamic_rotate %select_n3A_730 by %roll3A_740 dim 1 : vector<256x128xi32>, i32 -> vector<256x128xi32>
    %select_n3A_742 = arith.select %ne3A_737, %roll3A_739, %roll3A_741 : vector<256x128xi1>, vector<256x128xi32>
    %roll3A_743 = arith.constant 64 : i32
    %roll3A_744 = tpu.dynamic_rotate %select_n3A_731 by %roll3A_743 dim 1 : vector<256x128xi32>, i32 -> vector<256x128xi32>
    %roll3A_745 = arith.constant 64 : i32
    %roll3A_746 = tpu.dynamic_rotate %select_n3A_731 by %roll3A_745 dim 1 : vector<256x128xi32>, i32 -> vector<256x128xi32>
    %select_n3A_747 = arith.select %ne3A_737, %roll3A_744, %roll3A_746 : vector<256x128xi1>, vector<256x128xi32>
    %not3A_748 = arith.constant dense<true> : vector<256x128xi1>
    %not3A_749 = arith.xori %ne3A_737, %not3A_748 : vector<256x128xi1>
    %and3A_750 = arith.constant 1 : i32
    %and3A_751 = vector.broadcast %and3A_750 : i32 to vector<256x128xi32>
    %and3A_752 = arith.andi %iota3A, %and3A_751 : vector<256x128xi32>
    %eq3A_753 = arith.constant 0 : i32
    %eq3A_754 = vector.broadcast %eq3A_753 : i32 to vector<256x128xi32>
    %eq3A_755 = arith.cmpi eq, %and3A_752, %eq3A_754 : vector<256x128xi32>
    %gt3A_756 = arith.cmpi sgt, %select_n3A_730, %select_n3A_742 : vector<256x128xi32>
    %eq3A_757 = arith.cmpi eq, %select_n3A_730, %select_n3A_742 : vector<256x128xi32>
    %lt3A_758 = arith.cmpi slt, %select_n3A_731, %select_n3A_747 : vector<256x128xi32>
    %and3A_759 = arith.andi %eq3A_757, %lt3A_758 : vector<256x128xi1>
    %or3A_760 = arith.ori %gt3A_756, %and3A_759 : vector<256x128xi1>
    %eq3A_761 = arith.xori %eq3A_755, %not3A_749 : vector<256x128xi1>
    %eq3A_762 = arith.constant dense<true> : vector<256x128xi1>
    %eq3A_763 = arith.xori %eq3A_761, %eq3A_762 : vector<256x128xi1>
    %ne3A_764 = arith.xori %eq3A_763, %or3A_760 : vector<256x128xi1>
    %select_n3A_765 = arith.select %ne3A_764, %select_n3A_742, %select_n3A_730 : vector<256x128xi1>, vector<256x128xi32>
    %select_n3A_766 = arith.select %ne3A_764, %select_n3A_747, %select_n3A_731 : vector<256x128xi1>, vector<256x128xi32>
    %and3A_767 = arith.constant 32 : i32
    %and3A_768 = vector.broadcast %and3A_767 : i32 to vector<256x128xi32>
    %and3A_769 = arith.andi %iota3A_5, %and3A_768 : vector<256x128xi32>
    %ne3A_770 = arith.constant 0 : i32
    %ne3A_771 = vector.broadcast %ne3A_770 : i32 to vector<256x128xi32>
    %ne3A_772 = arith.cmpi ne, %and3A_769, %ne3A_771 : vector<256x128xi32>
    %roll3A_773 = arith.constant 32 : i32
    %roll3A_774 = tpu.dynamic_rotate %select_n3A_765 by %roll3A_773 dim 1 : vector<256x128xi32>, i32 -> vector<256x128xi32>
    %roll3A_775 = arith.constant 96 : i32
    %roll3A_776 = tpu.dynamic_rotate %select_n3A_765 by %roll3A_775 dim 1 : vector<256x128xi32>, i32 -> vector<256x128xi32>
    %select_n3A_777 = arith.select %ne3A_772, %roll3A_774, %roll3A_776 : vector<256x128xi1>, vector<256x128xi32>
    %roll3A_778 = arith.constant 32 : i32
    %roll3A_779 = tpu.dynamic_rotate %select_n3A_766 by %roll3A_778 dim 1 : vector<256x128xi32>, i32 -> vector<256x128xi32>
    %roll3A_780 = arith.constant 96 : i32
    %roll3A_781 = tpu.dynamic_rotate %select_n3A_766 by %roll3A_780 dim 1 : vector<256x128xi32>, i32 -> vector<256x128xi32>
    %select_n3A_782 = arith.select %ne3A_772, %roll3A_779, %roll3A_781 : vector<256x128xi1>, vector<256x128xi32>
    %not3A_783 = arith.constant dense<true> : vector<256x128xi1>
    %not3A_784 = arith.xori %ne3A_772, %not3A_783 : vector<256x128xi1>
    %and3A_785 = arith.constant 1 : i32
    %and3A_786 = vector.broadcast %and3A_785 : i32 to vector<256x128xi32>
    %and3A_787 = arith.andi %iota3A, %and3A_786 : vector<256x128xi32>
    %eq3A_788 = arith.constant 0 : i32
    %eq3A_789 = vector.broadcast %eq3A_788 : i32 to vector<256x128xi32>
    %eq3A_790 = arith.cmpi eq, %and3A_787, %eq3A_789 : vector<256x128xi32>
    %gt3A_791 = arith.cmpi sgt, %select_n3A_765, %select_n3A_777 : vector<256x128xi32>
    %eq3A_792 = arith.cmpi eq, %select_n3A_765, %select_n3A_777 : vector<256x128xi32>
    %lt3A_793 = arith.cmpi slt, %select_n3A_766, %select_n3A_782 : vector<256x128xi32>
    %and3A_794 = arith.andi %eq3A_792, %lt3A_793 : vector<256x128xi1>
    %or3A_795 = arith.ori %gt3A_791, %and3A_794 : vector<256x128xi1>
    %eq3A_796 = arith.xori %eq3A_790, %not3A_784 : vector<256x128xi1>
    %eq3A_797 = arith.constant dense<true> : vector<256x128xi1>
    %eq3A_798 = arith.xori %eq3A_796, %eq3A_797 : vector<256x128xi1>
    %ne3A_799 = arith.xori %eq3A_798, %or3A_795 : vector<256x128xi1>
    %select_n3A_800 = arith.select %ne3A_799, %select_n3A_777, %select_n3A_765 : vector<256x128xi1>, vector<256x128xi32>
    %select_n3A_801 = arith.select %ne3A_799, %select_n3A_782, %select_n3A_766 : vector<256x128xi1>, vector<256x128xi32>
    %and3A_802 = arith.constant 16 : i32
    %and3A_803 = vector.broadcast %and3A_802 : i32 to vector<256x128xi32>
    %and3A_804 = arith.andi %iota3A_5, %and3A_803 : vector<256x128xi32>
    %ne3A_805 = arith.constant 0 : i32
    %ne3A_806 = vector.broadcast %ne3A_805 : i32 to vector<256x128xi32>
    %ne3A_807 = arith.cmpi ne, %and3A_804, %ne3A_806 : vector<256x128xi32>
    %roll3A_808 = arith.constant 16 : i32
    %roll3A_809 = tpu.dynamic_rotate %select_n3A_800 by %roll3A_808 dim 1 : vector<256x128xi32>, i32 -> vector<256x128xi32>
    %roll3A_810 = arith.constant 112 : i32
    %roll3A_811 = tpu.dynamic_rotate %select_n3A_800 by %roll3A_810 dim 1 : vector<256x128xi32>, i32 -> vector<256x128xi32>
    %select_n3A_812 = arith.select %ne3A_807, %roll3A_809, %roll3A_811 : vector<256x128xi1>, vector<256x128xi32>
    %roll3A_813 = arith.constant 16 : i32
    %roll3A_814 = tpu.dynamic_rotate %select_n3A_801 by %roll3A_813 dim 1 : vector<256x128xi32>, i32 -> vector<256x128xi32>
    %roll3A_815 = arith.constant 112 : i32
    %roll3A_816 = tpu.dynamic_rotate %select_n3A_801 by %roll3A_815 dim 1 : vector<256x128xi32>, i32 -> vector<256x128xi32>
    %select_n3A_817 = arith.select %ne3A_807, %roll3A_814, %roll3A_816 : vector<256x128xi1>, vector<256x128xi32>
    %not3A_818 = arith.constant dense<true> : vector<256x128xi1>
    %not3A_819 = arith.xori %ne3A_807, %not3A_818 : vector<256x128xi1>
    %and3A_820 = arith.constant 1 : i32
    %and3A_821 = vector.broadcast %and3A_820 : i32 to vector<256x128xi32>
    %and3A_822 = arith.andi %iota3A, %and3A_821 : vector<256x128xi32>
    %eq3A_823 = arith.constant 0 : i32
    %eq3A_824 = vector.broadcast %eq3A_823 : i32 to vector<256x128xi32>
    %eq3A_825 = arith.cmpi eq, %and3A_822, %eq3A_824 : vector<256x128xi32>
    %gt3A_826 = arith.cmpi sgt, %select_n3A_800, %select_n3A_812 : vector<256x128xi32>
    %eq3A_827 = arith.cmpi eq, %select_n3A_800, %select_n3A_812 : vector<256x128xi32>
    %lt3A_828 = arith.cmpi slt, %select_n3A_801, %select_n3A_817 : vector<256x128xi32>
    %and3A_829 = arith.andi %eq3A_827, %lt3A_828 : vector<256x128xi1>
    %or3A_830 = arith.ori %gt3A_826, %and3A_829 : vector<256x128xi1>
    %eq3A_831 = arith.xori %eq3A_825, %not3A_819 : vector<256x128xi1>
    %eq3A_832 = arith.constant dense<true> : vector<256x128xi1>
    %eq3A_833 = arith.xori %eq3A_831, %eq3A_832 : vector<256x128xi1>
    %ne3A_834 = arith.xori %eq3A_833, %or3A_830 : vector<256x128xi1>
    %select_n3A_835 = arith.select %ne3A_834, %select_n3A_812, %select_n3A_800 : vector<256x128xi1>, vector<256x128xi32>
    %select_n3A_836 = arith.select %ne3A_834, %select_n3A_817, %select_n3A_801 : vector<256x128xi1>, vector<256x128xi32>
    %and3A_837 = arith.constant 8 : i32
    %and3A_838 = vector.broadcast %and3A_837 : i32 to vector<256x128xi32>
    %and3A_839 = arith.andi %iota3A_5, %and3A_838 : vector<256x128xi32>
    %ne3A_840 = arith.constant 0 : i32
    %ne3A_841 = vector.broadcast %ne3A_840 : i32 to vector<256x128xi32>
    %ne3A_842 = arith.cmpi ne, %and3A_839, %ne3A_841 : vector<256x128xi32>
    %roll3A_843 = arith.constant 8 : i32
    %roll3A_844 = tpu.dynamic_rotate %select_n3A_835 by %roll3A_843 dim 1 : vector<256x128xi32>, i32 -> vector<256x128xi32>
    %roll3A_845 = arith.constant 120 : i32
    %roll3A_846 = tpu.dynamic_rotate %select_n3A_835 by %roll3A_845 dim 1 : vector<256x128xi32>, i32 -> vector<256x128xi32>
    %select_n3A_847 = arith.select %ne3A_842, %roll3A_844, %roll3A_846 : vector<256x128xi1>, vector<256x128xi32>
    %roll3A_848 = arith.constant 8 : i32
    %roll3A_849 = tpu.dynamic_rotate %select_n3A_836 by %roll3A_848 dim 1 : vector<256x128xi32>, i32 -> vector<256x128xi32>
    %roll3A_850 = arith.constant 120 : i32
    %roll3A_851 = tpu.dynamic_rotate %select_n3A_836 by %roll3A_850 dim 1 : vector<256x128xi32>, i32 -> vector<256x128xi32>
    %select_n3A_852 = arith.select %ne3A_842, %roll3A_849, %roll3A_851 : vector<256x128xi1>, vector<256x128xi32>
    %not3A_853 = arith.constant dense<true> : vector<256x128xi1>
    %not3A_854 = arith.xori %ne3A_842, %not3A_853 : vector<256x128xi1>
    %and3A_855 = arith.constant 1 : i32
    %and3A_856 = vector.broadcast %and3A_855 : i32 to vector<256x128xi32>
    %and3A_857 = arith.andi %iota3A, %and3A_856 : vector<256x128xi32>
    %eq3A_858 = arith.constant 0 : i32
    %eq3A_859 = vector.broadcast %eq3A_858 : i32 to vector<256x128xi32>
    %eq3A_860 = arith.cmpi eq, %and3A_857, %eq3A_859 : vector<256x128xi32>
    %gt3A_861 = arith.cmpi sgt, %select_n3A_835, %select_n3A_847 : vector<256x128xi32>
    %eq3A_862 = arith.cmpi eq, %select_n3A_835, %select_n3A_847 : vector<256x128xi32>
    %lt3A_863 = arith.cmpi slt, %select_n3A_836, %select_n3A_852 : vector<256x128xi32>
    %and3A_864 = arith.andi %eq3A_862, %lt3A_863 : vector<256x128xi1>
    %or3A_865 = arith.ori %gt3A_861, %and3A_864 : vector<256x128xi1>
    %eq3A_866 = arith.xori %eq3A_860, %not3A_854 : vector<256x128xi1>
    %eq3A_867 = arith.constant dense<true> : vector<256x128xi1>
    %eq3A_868 = arith.xori %eq3A_866, %eq3A_867 : vector<256x128xi1>
    %ne3A_869 = arith.xori %eq3A_868, %or3A_865 : vector<256x128xi1>
    %select_n3A_870 = arith.select %ne3A_869, %select_n3A_847, %select_n3A_835 : vector<256x128xi1>, vector<256x128xi32>
    %select_n3A_871 = arith.select %ne3A_869, %select_n3A_852, %select_n3A_836 : vector<256x128xi1>, vector<256x128xi32>
    %and3A_872 = arith.constant 4 : i32
    %and3A_873 = vector.broadcast %and3A_872 : i32 to vector<256x128xi32>
    %and3A_874 = arith.andi %iota3A_5, %and3A_873 : vector<256x128xi32>
    %ne3A_875 = arith.constant 0 : i32
    %ne3A_876 = vector.broadcast %ne3A_875 : i32 to vector<256x128xi32>
    %ne3A_877 = arith.cmpi ne, %and3A_874, %ne3A_876 : vector<256x128xi32>
    %roll3A_878 = arith.constant 4 : i32
    %roll3A_879 = tpu.dynamic_rotate %select_n3A_870 by %roll3A_878 dim 1 : vector<256x128xi32>, i32 -> vector<256x128xi32>
    %roll3A_880 = arith.constant 124 : i32
    %roll3A_881 = tpu.dynamic_rotate %select_n3A_870 by %roll3A_880 dim 1 : vector<256x128xi32>, i32 -> vector<256x128xi32>
    %select_n3A_882 = arith.select %ne3A_877, %roll3A_879, %roll3A_881 : vector<256x128xi1>, vector<256x128xi32>
    %roll3A_883 = arith.constant 4 : i32
    %roll3A_884 = tpu.dynamic_rotate %select_n3A_871 by %roll3A_883 dim 1 : vector<256x128xi32>, i32 -> vector<256x128xi32>
    %roll3A_885 = arith.constant 124 : i32
    %roll3A_886 = tpu.dynamic_rotate %select_n3A_871 by %roll3A_885 dim 1 : vector<256x128xi32>, i32 -> vector<256x128xi32>
    %select_n3A_887 = arith.select %ne3A_877, %roll3A_884, %roll3A_886 : vector<256x128xi1>, vector<256x128xi32>
    %not3A_888 = arith.constant dense<true> : vector<256x128xi1>
    %not3A_889 = arith.xori %ne3A_877, %not3A_888 : vector<256x128xi1>
    %and3A_890 = arith.constant 1 : i32
    %and3A_891 = vector.broadcast %and3A_890 : i32 to vector<256x128xi32>
    %and3A_892 = arith.andi %iota3A, %and3A_891 : vector<256x128xi32>
    %eq3A_893 = arith.constant 0 : i32
    %eq3A_894 = vector.broadcast %eq3A_893 : i32 to vector<256x128xi32>
    %eq3A_895 = arith.cmpi eq, %and3A_892, %eq3A_894 : vector<256x128xi32>
    %gt3A_896 = arith.cmpi sgt, %select_n3A_870, %select_n3A_882 : vector<256x128xi32>
    %eq3A_897 = arith.cmpi eq, %select_n3A_870, %select_n3A_882 : vector<256x128xi32>
    %lt3A_898 = arith.cmpi slt, %select_n3A_871, %select_n3A_887 : vector<256x128xi32>
    %and3A_899 = arith.andi %eq3A_897, %lt3A_898 : vector<256x128xi1>
    %or3A_900 = arith.ori %gt3A_896, %and3A_899 : vector<256x128xi1>
    %eq3A_901 = arith.xori %eq3A_895, %not3A_889 : vector<256x128xi1>
    %eq3A_902 = arith.constant dense<true> : vector<256x128xi1>
    %eq3A_903 = arith.xori %eq3A_901, %eq3A_902 : vector<256x128xi1>
    %ne3A_904 = arith.xori %eq3A_903, %or3A_900 : vector<256x128xi1>
    %select_n3A_905 = arith.select %ne3A_904, %select_n3A_882, %select_n3A_870 : vector<256x128xi1>, vector<256x128xi32>
    %select_n3A_906 = arith.select %ne3A_904, %select_n3A_887, %select_n3A_871 : vector<256x128xi1>, vector<256x128xi32>
    %and3A_907 = arith.constant 2 : i32
    %and3A_908 = vector.broadcast %and3A_907 : i32 to vector<256x128xi32>
    %and3A_909 = arith.andi %iota3A_5, %and3A_908 : vector<256x128xi32>
    %ne3A_910 = arith.constant 0 : i32
    %ne3A_911 = vector.broadcast %ne3A_910 : i32 to vector<256x128xi32>
    %ne3A_912 = arith.cmpi ne, %and3A_909, %ne3A_911 : vector<256x128xi32>
    %roll3A_913 = arith.constant 2 : i32
    %roll3A_914 = tpu.dynamic_rotate %select_n3A_905 by %roll3A_913 dim 1 : vector<256x128xi32>, i32 -> vector<256x128xi32>
    %roll3A_915 = arith.constant 126 : i32
    %roll3A_916 = tpu.dynamic_rotate %select_n3A_905 by %roll3A_915 dim 1 : vector<256x128xi32>, i32 -> vector<256x128xi32>
    %select_n3A_917 = arith.select %ne3A_912, %roll3A_914, %roll3A_916 : vector<256x128xi1>, vector<256x128xi32>
    %roll3A_918 = arith.constant 2 : i32
    %roll3A_919 = tpu.dynamic_rotate %select_n3A_906 by %roll3A_918 dim 1 : vector<256x128xi32>, i32 -> vector<256x128xi32>
    %roll3A_920 = arith.constant 126 : i32
    %roll3A_921 = tpu.dynamic_rotate %select_n3A_906 by %roll3A_920 dim 1 : vector<256x128xi32>, i32 -> vector<256x128xi32>
    %select_n3A_922 = arith.select %ne3A_912, %roll3A_919, %roll3A_921 : vector<256x128xi1>, vector<256x128xi32>
    %not3A_923 = arith.constant dense<true> : vector<256x128xi1>
    %not3A_924 = arith.xori %ne3A_912, %not3A_923 : vector<256x128xi1>
    %and3A_925 = arith.constant 1 : i32
    %and3A_926 = vector.broadcast %and3A_925 : i32 to vector<256x128xi32>
    %and3A_927 = arith.andi %iota3A, %and3A_926 : vector<256x128xi32>
    %eq3A_928 = arith.constant 0 : i32
    %eq3A_929 = vector.broadcast %eq3A_928 : i32 to vector<256x128xi32>
    %eq3A_930 = arith.cmpi eq, %and3A_927, %eq3A_929 : vector<256x128xi32>
    %gt3A_931 = arith.cmpi sgt, %select_n3A_905, %select_n3A_917 : vector<256x128xi32>
    %eq3A_932 = arith.cmpi eq, %select_n3A_905, %select_n3A_917 : vector<256x128xi32>
    %lt3A_933 = arith.cmpi slt, %select_n3A_906, %select_n3A_922 : vector<256x128xi32>
    %and3A_934 = arith.andi %eq3A_932, %lt3A_933 : vector<256x128xi1>
    %or3A_935 = arith.ori %gt3A_931, %and3A_934 : vector<256x128xi1>
    %eq3A_936 = arith.xori %eq3A_930, %not3A_924 : vector<256x128xi1>
    %eq3A_937 = arith.constant dense<true> : vector<256x128xi1>
    %eq3A_938 = arith.xori %eq3A_936, %eq3A_937 : vector<256x128xi1>
    %ne3A_939 = arith.xori %eq3A_938, %or3A_935 : vector<256x128xi1>
    %select_n3A_940 = arith.select %ne3A_939, %select_n3A_917, %select_n3A_905 : vector<256x128xi1>, vector<256x128xi32>
    %select_n3A_941 = arith.select %ne3A_939, %select_n3A_922, %select_n3A_906 : vector<256x128xi1>, vector<256x128xi32>
    %and3A_942 = arith.constant 1 : i32
    %and3A_943 = vector.broadcast %and3A_942 : i32 to vector<256x128xi32>
    %and3A_944 = arith.andi %iota3A_5, %and3A_943 : vector<256x128xi32>
    %ne3A_945 = arith.constant 0 : i32
    %ne3A_946 = vector.broadcast %ne3A_945 : i32 to vector<256x128xi32>
    %ne3A_947 = arith.cmpi ne, %and3A_944, %ne3A_946 : vector<256x128xi32>
    %roll3A_948 = arith.constant 1 : i32
    %roll3A_949 = tpu.dynamic_rotate %select_n3A_940 by %roll3A_948 dim 1 : vector<256x128xi32>, i32 -> vector<256x128xi32>
    %roll3A_950 = arith.constant 127 : i32
    %roll3A_951 = tpu.dynamic_rotate %select_n3A_940 by %roll3A_950 dim 1 : vector<256x128xi32>, i32 -> vector<256x128xi32>
    %select_n3A_952 = arith.select %ne3A_947, %roll3A_949, %roll3A_951 : vector<256x128xi1>, vector<256x128xi32>
    %roll3A_953 = arith.constant 1 : i32
    %roll3A_954 = tpu.dynamic_rotate %select_n3A_941 by %roll3A_953 dim 1 : vector<256x128xi32>, i32 -> vector<256x128xi32>
    %roll3A_955 = arith.constant 127 : i32
    %roll3A_956 = tpu.dynamic_rotate %select_n3A_941 by %roll3A_955 dim 1 : vector<256x128xi32>, i32 -> vector<256x128xi32>
    %select_n3A_957 = arith.select %ne3A_947, %roll3A_954, %roll3A_956 : vector<256x128xi1>, vector<256x128xi32>
    %not3A_958 = arith.constant dense<true> : vector<256x128xi1>
    %not3A_959 = arith.xori %ne3A_947, %not3A_958 : vector<256x128xi1>
    %and3A_960 = arith.constant 1 : i32
    %and3A_961 = vector.broadcast %and3A_960 : i32 to vector<256x128xi32>
    %and3A_962 = arith.andi %iota3A, %and3A_961 : vector<256x128xi32>
    %eq3A_963 = arith.constant 0 : i32
    %eq3A_964 = vector.broadcast %eq3A_963 : i32 to vector<256x128xi32>
    %eq3A_965 = arith.cmpi eq, %and3A_962, %eq3A_964 : vector<256x128xi32>
    %gt3A_966 = arith.cmpi sgt, %select_n3A_940, %select_n3A_952 : vector<256x128xi32>
    %eq3A_967 = arith.cmpi eq, %select_n3A_940, %select_n3A_952 : vector<256x128xi32>
    %lt3A_968 = arith.cmpi slt, %select_n3A_941, %select_n3A_957 : vector<256x128xi32>
    %and3A_969 = arith.andi %eq3A_967, %lt3A_968 : vector<256x128xi1>
    %or3A_970 = arith.ori %gt3A_966, %and3A_969 : vector<256x128xi1>
    %eq3A_971 = arith.xori %eq3A_965, %not3A_959 : vector<256x128xi1>
    %eq3A_972 = arith.constant dense<true> : vector<256x128xi1>
    %eq3A_973 = arith.xori %eq3A_971, %eq3A_972 : vector<256x128xi1>
    %ne3A_974 = arith.xori %eq3A_973, %or3A_970 : vector<256x128xi1>
    %select_n3A_975 = arith.select %ne3A_974, %select_n3A_952, %select_n3A_940 : vector<256x128xi1>, vector<256x128xi32>
    %select_n3A_976 = arith.select %ne3A_974, %select_n3A_957, %select_n3A_941 : vector<256x128xi1>, vector<256x128xi32>
    %and3A_977 = arith.constant 1 : i32
    %and3A_978 = vector.broadcast %and3A_977 : i32 to vector<256x128xi32>
    %and3A_979 = arith.andi %iota3A, %and3A_978 : vector<256x128xi32>
    %ne3A_980 = arith.constant 0 : i32
    %ne3A_981 = vector.broadcast %ne3A_980 : i32 to vector<256x128xi32>
    %ne3A_982 = arith.cmpi ne, %and3A_979, %ne3A_981 : vector<256x128xi32>
    %roll3A_983 = arith.constant 1 : i32
    %roll3A_984 = tpu.dynamic_rotate %select_n3A_975 by %roll3A_983 dim 0 : vector<256x128xi32>, i32 -> vector<256x128xi32>
    %roll3A_985 = arith.constant 255 : i32
    %roll3A_986 = tpu.dynamic_rotate %select_n3A_975 by %roll3A_985 dim 0 : vector<256x128xi32>, i32 -> vector<256x128xi32>
    %select_n3A_987 = arith.select %ne3A_982, %roll3A_984, %roll3A_986 : vector<256x128xi1>, vector<256x128xi32>
    %roll3A_988 = arith.constant 1 : i32
    %roll3A_989 = tpu.dynamic_rotate %select_n3A_976 by %roll3A_988 dim 0 : vector<256x128xi32>, i32 -> vector<256x128xi32>
    %roll3A_990 = arith.constant 255 : i32
    %roll3A_991 = tpu.dynamic_rotate %select_n3A_976 by %roll3A_990 dim 0 : vector<256x128xi32>, i32 -> vector<256x128xi32>
    %select_n3A_992 = arith.select %ne3A_982, %roll3A_989, %roll3A_991 : vector<256x128xi1>, vector<256x128xi32>
    %not3A_993 = arith.constant dense<true> : vector<256x128xi1>
    %not3A_994 = arith.xori %ne3A_982, %not3A_993 : vector<256x128xi1>
    %and3A_995 = arith.constant 2 : i32
    %and3A_996 = vector.broadcast %and3A_995 : i32 to vector<256x128xi32>
    %and3A_997 = arith.andi %iota3A, %and3A_996 : vector<256x128xi32>
    %eq3A_998 = arith.constant 0 : i32
    %eq3A_999 = vector.broadcast %eq3A_998 : i32 to vector<256x128xi32>
    %eq3A_1000 = arith.cmpi eq, %and3A_997, %eq3A_999 : vector<256x128xi32>
    %gt3A_1001 = arith.cmpi sgt, %select_n3A_975, %select_n3A_987 : vector<256x128xi32>
    %eq3A_1002 = arith.cmpi eq, %select_n3A_975, %select_n3A_987 : vector<256x128xi32>
    %lt3A_1003 = arith.cmpi slt, %select_n3A_976, %select_n3A_992 : vector<256x128xi32>
    %and3A_1004 = arith.andi %eq3A_1002, %lt3A_1003 : vector<256x128xi1>
    %or3A_1005 = arith.ori %gt3A_1001, %and3A_1004 : vector<256x128xi1>
    %eq3A_1006 = arith.xori %eq3A_1000, %not3A_994 : vector<256x128xi1>
    %eq3A_1007 = arith.constant dense<true> : vector<256x128xi1>
    %eq3A_1008 = arith.xori %eq3A_1006, %eq3A_1007 : vector<256x128xi1>
    %ne3A_1009 = arith.xori %eq3A_1008, %or3A_1005 : vector<256x128xi1>
    %select_n3A_1010 = arith.select %ne3A_1009, %select_n3A_987, %select_n3A_975 : vector<256x128xi1>, vector<256x128xi32>
    %select_n3A_1011 = arith.select %ne3A_1009, %select_n3A_992, %select_n3A_976 : vector<256x128xi1>, vector<256x128xi32>
    %and3A_1012 = arith.constant 64 : i32
    %and3A_1013 = vector.broadcast %and3A_1012 : i32 to vector<256x128xi32>
    %and3A_1014 = arith.andi %iota3A_5, %and3A_1013 : vector<256x128xi32>
    %ne3A_1015 = arith.constant 0 : i32
    %ne3A_1016 = vector.broadcast %ne3A_1015 : i32 to vector<256x128xi32>
    %ne3A_1017 = arith.cmpi ne, %and3A_1014, %ne3A_1016 : vector<256x128xi32>
    %roll3A_1018 = arith.constant 64 : i32
    %roll3A_1019 = tpu.dynamic_rotate %select_n3A_1010 by %roll3A_1018 dim 1 : vector<256x128xi32>, i32 -> vector<256x128xi32>
    %roll3A_1020 = arith.constant 64 : i32
    %roll3A_1021 = tpu.dynamic_rotate %select_n3A_1010 by %roll3A_1020 dim 1 : vector<256x128xi32>, i32 -> vector<256x128xi32>
    %select_n3A_1022 = arith.select %ne3A_1017, %roll3A_1019, %roll3A_1021 : vector<256x128xi1>, vector<256x128xi32>
    %roll3A_1023 = arith.constant 64 : i32
    %roll3A_1024 = tpu.dynamic_rotate %select_n3A_1011 by %roll3A_1023 dim 1 : vector<256x128xi32>, i32 -> vector<256x128xi32>
    %roll3A_1025 = arith.constant 64 : i32
    %roll3A_1026 = tpu.dynamic_rotate %select_n3A_1011 by %roll3A_1025 dim 1 : vector<256x128xi32>, i32 -> vector<256x128xi32>
    %select_n3A_1027 = arith.select %ne3A_1017, %roll3A_1024, %roll3A_1026 : vector<256x128xi1>, vector<256x128xi32>
    %not3A_1028 = arith.constant dense<true> : vector<256x128xi1>
    %not3A_1029 = arith.xori %ne3A_1017, %not3A_1028 : vector<256x128xi1>
    %and3A_1030 = arith.constant 2 : i32
    %and3A_1031 = vector.broadcast %and3A_1030 : i32 to vector<256x128xi32>
    %and3A_1032 = arith.andi %iota3A, %and3A_1031 : vector<256x128xi32>
    %eq3A_1033 = arith.constant 0 : i32
    %eq3A_1034 = vector.broadcast %eq3A_1033 : i32 to vector<256x128xi32>
    %eq3A_1035 = arith.cmpi eq, %and3A_1032, %eq3A_1034 : vector<256x128xi32>
    %gt3A_1036 = arith.cmpi sgt, %select_n3A_1010, %select_n3A_1022 : vector<256x128xi32>
    %eq3A_1037 = arith.cmpi eq, %select_n3A_1010, %select_n3A_1022 : vector<256x128xi32>
    %lt3A_1038 = arith.cmpi slt, %select_n3A_1011, %select_n3A_1027 : vector<256x128xi32>
    %and3A_1039 = arith.andi %eq3A_1037, %lt3A_1038 : vector<256x128xi1>
    %or3A_1040 = arith.ori %gt3A_1036, %and3A_1039 : vector<256x128xi1>
    %eq3A_1041 = arith.xori %eq3A_1035, %not3A_1029 : vector<256x128xi1>
    %eq3A_1042 = arith.constant dense<true> : vector<256x128xi1>
    %eq3A_1043 = arith.xori %eq3A_1041, %eq3A_1042 : vector<256x128xi1>
    %ne3A_1044 = arith.xori %eq3A_1043, %or3A_1040 : vector<256x128xi1>
    %select_n3A_1045 = arith.select %ne3A_1044, %select_n3A_1022, %select_n3A_1010 : vector<256x128xi1>, vector<256x128xi32>
    %select_n3A_1046 = arith.select %ne3A_1044, %select_n3A_1027, %select_n3A_1011 : vector<256x128xi1>, vector<256x128xi32>
    %and3A_1047 = arith.constant 32 : i32
    %and3A_1048 = vector.broadcast %and3A_1047 : i32 to vector<256x128xi32>
    %and3A_1049 = arith.andi %iota3A_5, %and3A_1048 : vector<256x128xi32>
    %ne3A_1050 = arith.constant 0 : i32
    %ne3A_1051 = vector.broadcast %ne3A_1050 : i32 to vector<256x128xi32>
    %ne3A_1052 = arith.cmpi ne, %and3A_1049, %ne3A_1051 : vector<256x128xi32>
    %roll3A_1053 = arith.constant 32 : i32
    %roll3A_1054 = tpu.dynamic_rotate %select_n3A_1045 by %roll3A_1053 dim 1 : vector<256x128xi32>, i32 -> vector<256x128xi32>
    %roll3A_1055 = arith.constant 96 : i32
    %roll3A_1056 = tpu.dynamic_rotate %select_n3A_1045 by %roll3A_1055 dim 1 : vector<256x128xi32>, i32 -> vector<256x128xi32>
    %select_n3A_1057 = arith.select %ne3A_1052, %roll3A_1054, %roll3A_1056 : vector<256x128xi1>, vector<256x128xi32>
    %roll3A_1058 = arith.constant 32 : i32
    %roll3A_1059 = tpu.dynamic_rotate %select_n3A_1046 by %roll3A_1058 dim 1 : vector<256x128xi32>, i32 -> vector<256x128xi32>
    %roll3A_1060 = arith.constant 96 : i32
    %roll3A_1061 = tpu.dynamic_rotate %select_n3A_1046 by %roll3A_1060 dim 1 : vector<256x128xi32>, i32 -> vector<256x128xi32>
    %select_n3A_1062 = arith.select %ne3A_1052, %roll3A_1059, %roll3A_1061 : vector<256x128xi1>, vector<256x128xi32>
    %not3A_1063 = arith.constant dense<true> : vector<256x128xi1>
    %not3A_1064 = arith.xori %ne3A_1052, %not3A_1063 : vector<256x128xi1>
    %and3A_1065 = arith.constant 2 : i32
    %and3A_1066 = vector.broadcast %and3A_1065 : i32 to vector<256x128xi32>
    %and3A_1067 = arith.andi %iota3A, %and3A_1066 : vector<256x128xi32>
    %eq3A_1068 = arith.constant 0 : i32
    %eq3A_1069 = vector.broadcast %eq3A_1068 : i32 to vector<256x128xi32>
    %eq3A_1070 = arith.cmpi eq, %and3A_1067, %eq3A_1069 : vector<256x128xi32>
    %gt3A_1071 = arith.cmpi sgt, %select_n3A_1045, %select_n3A_1057 : vector<256x128xi32>
    %eq3A_1072 = arith.cmpi eq, %select_n3A_1045, %select_n3A_1057 : vector<256x128xi32>
    %lt3A_1073 = arith.cmpi slt, %select_n3A_1046, %select_n3A_1062 : vector<256x128xi32>
    %and3A_1074 = arith.andi %eq3A_1072, %lt3A_1073 : vector<256x128xi1>
    %or3A_1075 = arith.ori %gt3A_1071, %and3A_1074 : vector<256x128xi1>
    %eq3A_1076 = arith.xori %eq3A_1070, %not3A_1064 : vector<256x128xi1>
    %eq3A_1077 = arith.constant dense<true> : vector<256x128xi1>
    %eq3A_1078 = arith.xori %eq3A_1076, %eq3A_1077 : vector<256x128xi1>
    %ne3A_1079 = arith.xori %eq3A_1078, %or3A_1075 : vector<256x128xi1>
    %select_n3A_1080 = arith.select %ne3A_1079, %select_n3A_1057, %select_n3A_1045 : vector<256x128xi1>, vector<256x128xi32>
    %select_n3A_1081 = arith.select %ne3A_1079, %select_n3A_1062, %select_n3A_1046 : vector<256x128xi1>, vector<256x128xi32>
    %and3A_1082 = arith.constant 16 : i32
    %and3A_1083 = vector.broadcast %and3A_1082 : i32 to vector<256x128xi32>
    %and3A_1084 = arith.andi %iota3A_5, %and3A_1083 : vector<256x128xi32>
    %ne3A_1085 = arith.constant 0 : i32
    %ne3A_1086 = vector.broadcast %ne3A_1085 : i32 to vector<256x128xi32>
    %ne3A_1087 = arith.cmpi ne, %and3A_1084, %ne3A_1086 : vector<256x128xi32>
    %roll3A_1088 = arith.constant 16 : i32
    %roll3A_1089 = tpu.dynamic_rotate %select_n3A_1080 by %roll3A_1088 dim 1 : vector<256x128xi32>, i32 -> vector<256x128xi32>
    %roll3A_1090 = arith.constant 112 : i32
    %roll3A_1091 = tpu.dynamic_rotate %select_n3A_1080 by %roll3A_1090 dim 1 : vector<256x128xi32>, i32 -> vector<256x128xi32>
    %select_n3A_1092 = arith.select %ne3A_1087, %roll3A_1089, %roll3A_1091 : vector<256x128xi1>, vector<256x128xi32>
    %roll3A_1093 = arith.constant 16 : i32
    %roll3A_1094 = tpu.dynamic_rotate %select_n3A_1081 by %roll3A_1093 dim 1 : vector<256x128xi32>, i32 -> vector<256x128xi32>
    %roll3A_1095 = arith.constant 112 : i32
    %roll3A_1096 = tpu.dynamic_rotate %select_n3A_1081 by %roll3A_1095 dim 1 : vector<256x128xi32>, i32 -> vector<256x128xi32>
    %select_n3A_1097 = arith.select %ne3A_1087, %roll3A_1094, %roll3A_1096 : vector<256x128xi1>, vector<256x128xi32>
    %not3A_1098 = arith.constant dense<true> : vector<256x128xi1>
    %not3A_1099 = arith.xori %ne3A_1087, %not3A_1098 : vector<256x128xi1>
    %and3A_1100 = arith.constant 2 : i32
    %and3A_1101 = vector.broadcast %and3A_1100 : i32 to vector<256x128xi32>
    %and3A_1102 = arith.andi %iota3A, %and3A_1101 : vector<256x128xi32>
    %eq3A_1103 = arith.constant 0 : i32
    %eq3A_1104 = vector.broadcast %eq3A_1103 : i32 to vector<256x128xi32>
    %eq3A_1105 = arith.cmpi eq, %and3A_1102, %eq3A_1104 : vector<256x128xi32>
    %gt3A_1106 = arith.cmpi sgt, %select_n3A_1080, %select_n3A_1092 : vector<256x128xi32>
    %eq3A_1107 = arith.cmpi eq, %select_n3A_1080, %select_n3A_1092 : vector<256x128xi32>
    %lt3A_1108 = arith.cmpi slt, %select_n3A_1081, %select_n3A_1097 : vector<256x128xi32>
    %and3A_1109 = arith.andi %eq3A_1107, %lt3A_1108 : vector<256x128xi1>
    %or3A_1110 = arith.ori %gt3A_1106, %and3A_1109 : vector<256x128xi1>
    %eq3A_1111 = arith.xori %eq3A_1105, %not3A_1099 : vector<256x128xi1>
    %eq3A_1112 = arith.constant dense<true> : vector<256x128xi1>
    %eq3A_1113 = arith.xori %eq3A_1111, %eq3A_1112 : vector<256x128xi1>
    %ne3A_1114 = arith.xori %eq3A_1113, %or3A_1110 : vector<256x128xi1>
    %select_n3A_1115 = arith.select %ne3A_1114, %select_n3A_1092, %select_n3A_1080 : vector<256x128xi1>, vector<256x128xi32>
    %select_n3A_1116 = arith.select %ne3A_1114, %select_n3A_1097, %select_n3A_1081 : vector<256x128xi1>, vector<256x128xi32>
    %and3A_1117 = arith.constant 8 : i32
    %and3A_1118 = vector.broadcast %and3A_1117 : i32 to vector<256x128xi32>
    %and3A_1119 = arith.andi %iota3A_5, %and3A_1118 : vector<256x128xi32>
    %ne3A_1120 = arith.constant 0 : i32
    %ne3A_1121 = vector.broadcast %ne3A_1120 : i32 to vector<256x128xi32>
    %ne3A_1122 = arith.cmpi ne, %and3A_1119, %ne3A_1121 : vector<256x128xi32>
    %roll3A_1123 = arith.constant 8 : i32
    %roll3A_1124 = tpu.dynamic_rotate %select_n3A_1115 by %roll3A_1123 dim 1 : vector<256x128xi32>, i32 -> vector<256x128xi32>
    %roll3A_1125 = arith.constant 120 : i32
    %roll3A_1126 = tpu.dynamic_rotate %select_n3A_1115 by %roll3A_1125 dim 1 : vector<256x128xi32>, i32 -> vector<256x128xi32>
    %select_n3A_1127 = arith.select %ne3A_1122, %roll3A_1124, %roll3A_1126 : vector<256x128xi1>, vector<256x128xi32>
    %roll3A_1128 = arith.constant 8 : i32
    %roll3A_1129 = tpu.dynamic_rotate %select_n3A_1116 by %roll3A_1128 dim 1 : vector<256x128xi32>, i32 -> vector<256x128xi32>
    %roll3A_1130 = arith.constant 120 : i32
    %roll3A_1131 = tpu.dynamic_rotate %select_n3A_1116 by %roll3A_1130 dim 1 : vector<256x128xi32>, i32 -> vector<256x128xi32>
    %select_n3A_1132 = arith.select %ne3A_1122, %roll3A_1129, %roll3A_1131 : vector<256x128xi1>, vector<256x128xi32>
    %not3A_1133 = arith.constant dense<true> : vector<256x128xi1>
    %not3A_1134 = arith.xori %ne3A_1122, %not3A_1133 : vector<256x128xi1>
    %and3A_1135 = arith.constant 2 : i32
    %and3A_1136 = vector.broadcast %and3A_1135 : i32 to vector<256x128xi32>
    %and3A_1137 = arith.andi %iota3A, %and3A_1136 : vector<256x128xi32>
    %eq3A_1138 = arith.constant 0 : i32
    %eq3A_1139 = vector.broadcast %eq3A_1138 : i32 to vector<256x128xi32>
    %eq3A_1140 = arith.cmpi eq, %and3A_1137, %eq3A_1139 : vector<256x128xi32>
    %gt3A_1141 = arith.cmpi sgt, %select_n3A_1115, %select_n3A_1127 : vector<256x128xi32>
    %eq3A_1142 = arith.cmpi eq, %select_n3A_1115, %select_n3A_1127 : vector<256x128xi32>
    %lt3A_1143 = arith.cmpi slt, %select_n3A_1116, %select_n3A_1132 : vector<256x128xi32>
    %and3A_1144 = arith.andi %eq3A_1142, %lt3A_1143 : vector<256x128xi1>
    %or3A_1145 = arith.ori %gt3A_1141, %and3A_1144 : vector<256x128xi1>
    %eq3A_1146 = arith.xori %eq3A_1140, %not3A_1134 : vector<256x128xi1>
    %eq3A_1147 = arith.constant dense<true> : vector<256x128xi1>
    %eq3A_1148 = arith.xori %eq3A_1146, %eq3A_1147 : vector<256x128xi1>
    %ne3A_1149 = arith.xori %eq3A_1148, %or3A_1145 : vector<256x128xi1>
    %select_n3A_1150 = arith.select %ne3A_1149, %select_n3A_1127, %select_n3A_1115 : vector<256x128xi1>, vector<256x128xi32>
    %select_n3A_1151 = arith.select %ne3A_1149, %select_n3A_1132, %select_n3A_1116 : vector<256x128xi1>, vector<256x128xi32>
    %and3A_1152 = arith.constant 4 : i32
    %and3A_1153 = vector.broadcast %and3A_1152 : i32 to vector<256x128xi32>
    %and3A_1154 = arith.andi %iota3A_5, %and3A_1153 : vector<256x128xi32>
    %ne3A_1155 = arith.constant 0 : i32
    %ne3A_1156 = vector.broadcast %ne3A_1155 : i32 to vector<256x128xi32>
    %ne3A_1157 = arith.cmpi ne, %and3A_1154, %ne3A_1156 : vector<256x128xi32>
    %roll3A_1158 = arith.constant 4 : i32
    %roll3A_1159 = tpu.dynamic_rotate %select_n3A_1150 by %roll3A_1158 dim 1 : vector<256x128xi32>, i32 -> vector<256x128xi32>
    %roll3A_1160 = arith.constant 124 : i32
    %roll3A_1161 = tpu.dynamic_rotate %select_n3A_1150 by %roll3A_1160 dim 1 : vector<256x128xi32>, i32 -> vector<256x128xi32>
    %select_n3A_1162 = arith.select %ne3A_1157, %roll3A_1159, %roll3A_1161 : vector<256x128xi1>, vector<256x128xi32>
    %roll3A_1163 = arith.constant 4 : i32
    %roll3A_1164 = tpu.dynamic_rotate %select_n3A_1151 by %roll3A_1163 dim 1 : vector<256x128xi32>, i32 -> vector<256x128xi32>
    %roll3A_1165 = arith.constant 124 : i32
    %roll3A_1166 = tpu.dynamic_rotate %select_n3A_1151 by %roll3A_1165 dim 1 : vector<256x128xi32>, i32 -> vector<256x128xi32>
    %select_n3A_1167 = arith.select %ne3A_1157, %roll3A_1164, %roll3A_1166 : vector<256x128xi1>, vector<256x128xi32>
    %not3A_1168 = arith.constant dense<true> : vector<256x128xi1>
    %not3A_1169 = arith.xori %ne3A_1157, %not3A_1168 : vector<256x128xi1>
    %and3A_1170 = arith.constant 2 : i32
    %and3A_1171 = vector.broadcast %and3A_1170 : i32 to vector<256x128xi32>
    %and3A_1172 = arith.andi %iota3A, %and3A_1171 : vector<256x128xi32>
    %eq3A_1173 = arith.constant 0 : i32
    %eq3A_1174 = vector.broadcast %eq3A_1173 : i32 to vector<256x128xi32>
    %eq3A_1175 = arith.cmpi eq, %and3A_1172, %eq3A_1174 : vector<256x128xi32>
    %gt3A_1176 = arith.cmpi sgt, %select_n3A_1150, %select_n3A_1162 : vector<256x128xi32>
    %eq3A_1177 = arith.cmpi eq, %select_n3A_1150, %select_n3A_1162 : vector<256x128xi32>
    %lt3A_1178 = arith.cmpi slt, %select_n3A_1151, %select_n3A_1167 : vector<256x128xi32>
    %and3A_1179 = arith.andi %eq3A_1177, %lt3A_1178 : vector<256x128xi1>
    %or3A_1180 = arith.ori %gt3A_1176, %and3A_1179 : vector<256x128xi1>
    %eq3A_1181 = arith.xori %eq3A_1175, %not3A_1169 : vector<256x128xi1>
    %eq3A_1182 = arith.constant dense<true> : vector<256x128xi1>
    %eq3A_1183 = arith.xori %eq3A_1181, %eq3A_1182 : vector<256x128xi1>
    %ne3A_1184 = arith.xori %eq3A_1183, %or3A_1180 : vector<256x128xi1>
    %select_n3A_1185 = arith.select %ne3A_1184, %select_n3A_1162, %select_n3A_1150 : vector<256x128xi1>, vector<256x128xi32>
    %select_n3A_1186 = arith.select %ne3A_1184, %select_n3A_1167, %select_n3A_1151 : vector<256x128xi1>, vector<256x128xi32>
    %and3A_1187 = arith.constant 2 : i32
    %and3A_1188 = vector.broadcast %and3A_1187 : i32 to vector<256x128xi32>
    %and3A_1189 = arith.andi %iota3A_5, %and3A_1188 : vector<256x128xi32>
    %ne3A_1190 = arith.constant 0 : i32
    %ne3A_1191 = vector.broadcast %ne3A_1190 : i32 to vector<256x128xi32>
    %ne3A_1192 = arith.cmpi ne, %and3A_1189, %ne3A_1191 : vector<256x128xi32>
    %roll3A_1193 = arith.constant 2 : i32
    %roll3A_1194 = tpu.dynamic_rotate %select_n3A_1185 by %roll3A_1193 dim 1 : vector<256x128xi32>, i32 -> vector<256x128xi32>
    %roll3A_1195 = arith.constant 126 : i32
    %roll3A_1196 = tpu.dynamic_rotate %select_n3A_1185 by %roll3A_1195 dim 1 : vector<256x128xi32>, i32 -> vector<256x128xi32>
    %select_n3A_1197 = arith.select %ne3A_1192, %roll3A_1194, %roll3A_1196 : vector<256x128xi1>, vector<256x128xi32>
    %roll3A_1198 = arith.constant 2 : i32
    %roll3A_1199 = tpu.dynamic_rotate %select_n3A_1186 by %roll3A_1198 dim 1 : vector<256x128xi32>, i32 -> vector<256x128xi32>
    %roll3A_1200 = arith.constant 126 : i32
    %roll3A_1201 = tpu.dynamic_rotate %select_n3A_1186 by %roll3A_1200 dim 1 : vector<256x128xi32>, i32 -> vector<256x128xi32>
    %select_n3A_1202 = arith.select %ne3A_1192, %roll3A_1199, %roll3A_1201 : vector<256x128xi1>, vector<256x128xi32>
    %not3A_1203 = arith.constant dense<true> : vector<256x128xi1>
    %not3A_1204 = arith.xori %ne3A_1192, %not3A_1203 : vector<256x128xi1>
    %and3A_1205 = arith.constant 2 : i32
    %and3A_1206 = vector.broadcast %and3A_1205 : i32 to vector<256x128xi32>
    %and3A_1207 = arith.andi %iota3A, %and3A_1206 : vector<256x128xi32>
    %eq3A_1208 = arith.constant 0 : i32
    %eq3A_1209 = vector.broadcast %eq3A_1208 : i32 to vector<256x128xi32>
    %eq3A_1210 = arith.cmpi eq, %and3A_1207, %eq3A_1209 : vector<256x128xi32>
    %gt3A_1211 = arith.cmpi sgt, %select_n3A_1185, %select_n3A_1197 : vector<256x128xi32>
    %eq3A_1212 = arith.cmpi eq, %select_n3A_1185, %select_n3A_1197 : vector<256x128xi32>
    %lt3A_1213 = arith.cmpi slt, %select_n3A_1186, %select_n3A_1202 : vector<256x128xi32>
    %and3A_1214 = arith.andi %eq3A_1212, %lt3A_1213 : vector<256x128xi1>
    %or3A_1215 = arith.ori %gt3A_1211, %and3A_1214 : vector<256x128xi1>
    %eq3A_1216 = arith.xori %eq3A_1210, %not3A_1204 : vector<256x128xi1>
    %eq3A_1217 = arith.constant dense<true> : vector<256x128xi1>
    %eq3A_1218 = arith.xori %eq3A_1216, %eq3A_1217 : vector<256x128xi1>
    %ne3A_1219 = arith.xori %eq3A_1218, %or3A_1215 : vector<256x128xi1>
    %select_n3A_1220 = arith.select %ne3A_1219, %select_n3A_1197, %select_n3A_1185 : vector<256x128xi1>, vector<256x128xi32>
    %select_n3A_1221 = arith.select %ne3A_1219, %select_n3A_1202, %select_n3A_1186 : vector<256x128xi1>, vector<256x128xi32>
    %and3A_1222 = arith.constant 1 : i32
    %and3A_1223 = vector.broadcast %and3A_1222 : i32 to vector<256x128xi32>
    %and3A_1224 = arith.andi %iota3A_5, %and3A_1223 : vector<256x128xi32>
    %ne3A_1225 = arith.constant 0 : i32
    %ne3A_1226 = vector.broadcast %ne3A_1225 : i32 to vector<256x128xi32>
    %ne3A_1227 = arith.cmpi ne, %and3A_1224, %ne3A_1226 : vector<256x128xi32>
    %roll3A_1228 = arith.constant 1 : i32
    %roll3A_1229 = tpu.dynamic_rotate %select_n3A_1220 by %roll3A_1228 dim 1 : vector<256x128xi32>, i32 -> vector<256x128xi32>
    %roll3A_1230 = arith.constant 127 : i32
    %roll3A_1231 = tpu.dynamic_rotate %select_n3A_1220 by %roll3A_1230 dim 1 : vector<256x128xi32>, i32 -> vector<256x128xi32>
    %select_n3A_1232 = arith.select %ne3A_1227, %roll3A_1229, %roll3A_1231 : vector<256x128xi1>, vector<256x128xi32>
    %roll3A_1233 = arith.constant 1 : i32
    %roll3A_1234 = tpu.dynamic_rotate %select_n3A_1221 by %roll3A_1233 dim 1 : vector<256x128xi32>, i32 -> vector<256x128xi32>
    %roll3A_1235 = arith.constant 127 : i32
    %roll3A_1236 = tpu.dynamic_rotate %select_n3A_1221 by %roll3A_1235 dim 1 : vector<256x128xi32>, i32 -> vector<256x128xi32>
    %select_n3A_1237 = arith.select %ne3A_1227, %roll3A_1234, %roll3A_1236 : vector<256x128xi1>, vector<256x128xi32>
    %not3A_1238 = arith.constant dense<true> : vector<256x128xi1>
    %not3A_1239 = arith.xori %ne3A_1227, %not3A_1238 : vector<256x128xi1>
    %and3A_1240 = arith.constant 2 : i32
    %and3A_1241 = vector.broadcast %and3A_1240 : i32 to vector<256x128xi32>
    %and3A_1242 = arith.andi %iota3A, %and3A_1241 : vector<256x128xi32>
    %eq3A_1243 = arith.constant 0 : i32
    %eq3A_1244 = vector.broadcast %eq3A_1243 : i32 to vector<256x128xi32>
    %eq3A_1245 = arith.cmpi eq, %and3A_1242, %eq3A_1244 : vector<256x128xi32>
    %gt3A_1246 = arith.cmpi sgt, %select_n3A_1220, %select_n3A_1232 : vector<256x128xi32>
    %eq3A_1247 = arith.cmpi eq, %select_n3A_1220, %select_n3A_1232 : vector<256x128xi32>
    %lt3A_1248 = arith.cmpi slt, %select_n3A_1221, %select_n3A_1237 : vector<256x128xi32>
    %and3A_1249 = arith.andi %eq3A_1247, %lt3A_1248 : vector<256x128xi1>
    %or3A_1250 = arith.ori %gt3A_1246, %and3A_1249 : vector<256x128xi1>
    %eq3A_1251 = arith.xori %eq3A_1245, %not3A_1239 : vector<256x128xi1>
    %eq3A_1252 = arith.constant dense<true> : vector<256x128xi1>
    %eq3A_1253 = arith.xori %eq3A_1251, %eq3A_1252 : vector<256x128xi1>
    %ne3A_1254 = arith.xori %eq3A_1253, %or3A_1250 : vector<256x128xi1>
    %select_n3A_1255 = arith.select %ne3A_1254, %select_n3A_1232, %select_n3A_1220 : vector<256x128xi1>, vector<256x128xi32>
    %select_n3A_1256 = arith.select %ne3A_1254, %select_n3A_1237, %select_n3A_1221 : vector<256x128xi1>, vector<256x128xi32>
    %and3A_1257 = arith.constant 2 : i32
    %and3A_1258 = vector.broadcast %and3A_1257 : i32 to vector<256x128xi32>
    %and3A_1259 = arith.andi %iota3A, %and3A_1258 : vector<256x128xi32>
    %ne3A_1260 = arith.constant 0 : i32
    %ne3A_1261 = vector.broadcast %ne3A_1260 : i32 to vector<256x128xi32>
    %ne3A_1262 = arith.cmpi ne, %and3A_1259, %ne3A_1261 : vector<256x128xi32>
    %roll3A_1263 = arith.constant 2 : i32
    %roll3A_1264 = tpu.dynamic_rotate %select_n3A_1255 by %roll3A_1263 dim 0 : vector<256x128xi32>, i32 -> vector<256x128xi32>
    %roll3A_1265 = arith.constant 254 : i32
    %roll3A_1266 = tpu.dynamic_rotate %select_n3A_1255 by %roll3A_1265 dim 0 : vector<256x128xi32>, i32 -> vector<256x128xi32>
    %select_n3A_1267 = arith.select %ne3A_1262, %roll3A_1264, %roll3A_1266 : vector<256x128xi1>, vector<256x128xi32>
    %roll3A_1268 = arith.constant 2 : i32
    %roll3A_1269 = tpu.dynamic_rotate %select_n3A_1256 by %roll3A_1268 dim 0 : vector<256x128xi32>, i32 -> vector<256x128xi32>
    %roll3A_1270 = arith.constant 254 : i32
    %roll3A_1271 = tpu.dynamic_rotate %select_n3A_1256 by %roll3A_1270 dim 0 : vector<256x128xi32>, i32 -> vector<256x128xi32>
    %select_n3A_1272 = arith.select %ne3A_1262, %roll3A_1269, %roll3A_1271 : vector<256x128xi1>, vector<256x128xi32>
    %not3A_1273 = arith.constant dense<true> : vector<256x128xi1>
    %not3A_1274 = arith.xori %ne3A_1262, %not3A_1273 : vector<256x128xi1>
    %and3A_1275 = arith.constant 4 : i32
    %and3A_1276 = vector.broadcast %and3A_1275 : i32 to vector<256x128xi32>
    %and3A_1277 = arith.andi %iota3A, %and3A_1276 : vector<256x128xi32>
    %eq3A_1278 = arith.constant 0 : i32
    %eq3A_1279 = vector.broadcast %eq3A_1278 : i32 to vector<256x128xi32>
    %eq3A_1280 = arith.cmpi eq, %and3A_1277, %eq3A_1279 : vector<256x128xi32>
    %gt3A_1281 = arith.cmpi sgt, %select_n3A_1255, %select_n3A_1267 : vector<256x128xi32>
    %eq3A_1282 = arith.cmpi eq, %select_n3A_1255, %select_n3A_1267 : vector<256x128xi32>
    %lt3A_1283 = arith.cmpi slt, %select_n3A_1256, %select_n3A_1272 : vector<256x128xi32>
    %and3A_1284 = arith.andi %eq3A_1282, %lt3A_1283 : vector<256x128xi1>
    %or3A_1285 = arith.ori %gt3A_1281, %and3A_1284 : vector<256x128xi1>
    %eq3A_1286 = arith.xori %eq3A_1280, %not3A_1274 : vector<256x128xi1>
    %eq3A_1287 = arith.constant dense<true> : vector<256x128xi1>
    %eq3A_1288 = arith.xori %eq3A_1286, %eq3A_1287 : vector<256x128xi1>
    %ne3A_1289 = arith.xori %eq3A_1288, %or3A_1285 : vector<256x128xi1>
    %select_n3A_1290 = arith.select %ne3A_1289, %select_n3A_1267, %select_n3A_1255 : vector<256x128xi1>, vector<256x128xi32>
    %select_n3A_1291 = arith.select %ne3A_1289, %select_n3A_1272, %select_n3A_1256 : vector<256x128xi1>, vector<256x128xi32>
    %and3A_1292 = arith.constant 1 : i32
    %and3A_1293 = vector.broadcast %and3A_1292 : i32 to vector<256x128xi32>
    %and3A_1294 = arith.andi %iota3A, %and3A_1293 : vector<256x128xi32>
    %ne3A_1295 = arith.constant 0 : i32
    %ne3A_1296 = vector.broadcast %ne3A_1295 : i32 to vector<256x128xi32>
    %ne3A_1297 = arith.cmpi ne, %and3A_1294, %ne3A_1296 : vector<256x128xi32>
    %roll3A_1298 = arith.constant 1 : i32
    %roll3A_1299 = tpu.dynamic_rotate %select_n3A_1290 by %roll3A_1298 dim 0 : vector<256x128xi32>, i32 -> vector<256x128xi32>
    %roll3A_1300 = arith.constant 255 : i32
    %roll3A_1301 = tpu.dynamic_rotate %select_n3A_1290 by %roll3A_1300 dim 0 : vector<256x128xi32>, i32 -> vector<256x128xi32>
    %select_n3A_1302 = arith.select %ne3A_1297, %roll3A_1299, %roll3A_1301 : vector<256x128xi1>, vector<256x128xi32>
    %roll3A_1303 = arith.constant 1 : i32
    %roll3A_1304 = tpu.dynamic_rotate %select_n3A_1291 by %roll3A_1303 dim 0 : vector<256x128xi32>, i32 -> vector<256x128xi32>
    %roll3A_1305 = arith.constant 255 : i32
    %roll3A_1306 = tpu.dynamic_rotate %select_n3A_1291 by %roll3A_1305 dim 0 : vector<256x128xi32>, i32 -> vector<256x128xi32>
    %select_n3A_1307 = arith.select %ne3A_1297, %roll3A_1304, %roll3A_1306 : vector<256x128xi1>, vector<256x128xi32>
    %not3A_1308 = arith.constant dense<true> : vector<256x128xi1>
    %not3A_1309 = arith.xori %ne3A_1297, %not3A_1308 : vector<256x128xi1>
    %and3A_1310 = arith.constant 4 : i32
    %and3A_1311 = vector.broadcast %and3A_1310 : i32 to vector<256x128xi32>
    %and3A_1312 = arith.andi %iota3A, %and3A_1311 : vector<256x128xi32>
    %eq3A_1313 = arith.constant 0 : i32
    %eq3A_1314 = vector.broadcast %eq3A_1313 : i32 to vector<256x128xi32>
    %eq3A_1315 = arith.cmpi eq, %and3A_1312, %eq3A_1314 : vector<256x128xi32>
    %gt3A_1316 = arith.cmpi sgt, %select_n3A_1290, %select_n3A_1302 : vector<256x128xi32>
    %eq3A_1317 = arith.cmpi eq, %select_n3A_1290, %select_n3A_1302 : vector<256x128xi32>
    %lt3A_1318 = arith.cmpi slt, %select_n3A_1291, %select_n3A_1307 : vector<256x128xi32>
    %and3A_1319 = arith.andi %eq3A_1317, %lt3A_1318 : vector<256x128xi1>
    %or3A_1320 = arith.ori %gt3A_1316, %and3A_1319 : vector<256x128xi1>
    %eq3A_1321 = arith.xori %eq3A_1315, %not3A_1309 : vector<256x128xi1>
    %eq3A_1322 = arith.constant dense<true> : vector<256x128xi1>
    %eq3A_1323 = arith.xori %eq3A_1321, %eq3A_1322 : vector<256x128xi1>
    %ne3A_1324 = arith.xori %eq3A_1323, %or3A_1320 : vector<256x128xi1>
    %select_n3A_1325 = arith.select %ne3A_1324, %select_n3A_1302, %select_n3A_1290 : vector<256x128xi1>, vector<256x128xi32>
    %select_n3A_1326 = arith.select %ne3A_1324, %select_n3A_1307, %select_n3A_1291 : vector<256x128xi1>, vector<256x128xi32>
    %and3A_1327 = arith.constant 64 : i32
    %and3A_1328 = vector.broadcast %and3A_1327 : i32 to vector<256x128xi32>
    %and3A_1329 = arith.andi %iota3A_5, %and3A_1328 : vector<256x128xi32>
    %ne3A_1330 = arith.constant 0 : i32
    %ne3A_1331 = vector.broadcast %ne3A_1330 : i32 to vector<256x128xi32>
    %ne3A_1332 = arith.cmpi ne, %and3A_1329, %ne3A_1331 : vector<256x128xi32>
    %roll3A_1333 = arith.constant 64 : i32
    %roll3A_1334 = tpu.dynamic_rotate %select_n3A_1325 by %roll3A_1333 dim 1 : vector<256x128xi32>, i32 -> vector<256x128xi32>
    %roll3A_1335 = arith.constant 64 : i32
    %roll3A_1336 = tpu.dynamic_rotate %select_n3A_1325 by %roll3A_1335 dim 1 : vector<256x128xi32>, i32 -> vector<256x128xi32>
    %select_n3A_1337 = arith.select %ne3A_1332, %roll3A_1334, %roll3A_1336 : vector<256x128xi1>, vector<256x128xi32>
    %roll3A_1338 = arith.constant 64 : i32
    %roll3A_1339 = tpu.dynamic_rotate %select_n3A_1326 by %roll3A_1338 dim 1 : vector<256x128xi32>, i32 -> vector<256x128xi32>
    %roll3A_1340 = arith.constant 64 : i32
    %roll3A_1341 = tpu.dynamic_rotate %select_n3A_1326 by %roll3A_1340 dim 1 : vector<256x128xi32>, i32 -> vector<256x128xi32>
    %select_n3A_1342 = arith.select %ne3A_1332, %roll3A_1339, %roll3A_1341 : vector<256x128xi1>, vector<256x128xi32>
    %not3A_1343 = arith.constant dense<true> : vector<256x128xi1>
    %not3A_1344 = arith.xori %ne3A_1332, %not3A_1343 : vector<256x128xi1>
    %and3A_1345 = arith.constant 4 : i32
    %and3A_1346 = vector.broadcast %and3A_1345 : i32 to vector<256x128xi32>
    %and3A_1347 = arith.andi %iota3A, %and3A_1346 : vector<256x128xi32>
    %eq3A_1348 = arith.constant 0 : i32
    %eq3A_1349 = vector.broadcast %eq3A_1348 : i32 to vector<256x128xi32>
    %eq3A_1350 = arith.cmpi eq, %and3A_1347, %eq3A_1349 : vector<256x128xi32>
    %gt3A_1351 = arith.cmpi sgt, %select_n3A_1325, %select_n3A_1337 : vector<256x128xi32>
    %eq3A_1352 = arith.cmpi eq, %select_n3A_1325, %select_n3A_1337 : vector<256x128xi32>
    %lt3A_1353 = arith.cmpi slt, %select_n3A_1326, %select_n3A_1342 : vector<256x128xi32>
    %and3A_1354 = arith.andi %eq3A_1352, %lt3A_1353 : vector<256x128xi1>
    %or3A_1355 = arith.ori %gt3A_1351, %and3A_1354 : vector<256x128xi1>
    %eq3A_1356 = arith.xori %eq3A_1350, %not3A_1344 : vector<256x128xi1>
    %eq3A_1357 = arith.constant dense<true> : vector<256x128xi1>
    %eq3A_1358 = arith.xori %eq3A_1356, %eq3A_1357 : vector<256x128xi1>
    %ne3A_1359 = arith.xori %eq3A_1358, %or3A_1355 : vector<256x128xi1>
    %select_n3A_1360 = arith.select %ne3A_1359, %select_n3A_1337, %select_n3A_1325 : vector<256x128xi1>, vector<256x128xi32>
    %select_n3A_1361 = arith.select %ne3A_1359, %select_n3A_1342, %select_n3A_1326 : vector<256x128xi1>, vector<256x128xi32>
    %and3A_1362 = arith.constant 32 : i32
    %and3A_1363 = vector.broadcast %and3A_1362 : i32 to vector<256x128xi32>
    %and3A_1364 = arith.andi %iota3A_5, %and3A_1363 : vector<256x128xi32>
    %ne3A_1365 = arith.constant 0 : i32
    %ne3A_1366 = vector.broadcast %ne3A_1365 : i32 to vector<256x128xi32>
    %ne3A_1367 = arith.cmpi ne, %and3A_1364, %ne3A_1366 : vector<256x128xi32>
    %roll3A_1368 = arith.constant 32 : i32
    %roll3A_1369 = tpu.dynamic_rotate %select_n3A_1360 by %roll3A_1368 dim 1 : vector<256x128xi32>, i32 -> vector<256x128xi32>
    %roll3A_1370 = arith.constant 96 : i32
    %roll3A_1371 = tpu.dynamic_rotate %select_n3A_1360 by %roll3A_1370 dim 1 : vector<256x128xi32>, i32 -> vector<256x128xi32>
    %select_n3A_1372 = arith.select %ne3A_1367, %roll3A_1369, %roll3A_1371 : vector<256x128xi1>, vector<256x128xi32>
    %roll3A_1373 = arith.constant 32 : i32
    %roll3A_1374 = tpu.dynamic_rotate %select_n3A_1361 by %roll3A_1373 dim 1 : vector<256x128xi32>, i32 -> vector<256x128xi32>
    %roll3A_1375 = arith.constant 96 : i32
    %roll3A_1376 = tpu.dynamic_rotate %select_n3A_1361 by %roll3A_1375 dim 1 : vector<256x128xi32>, i32 -> vector<256x128xi32>
    %select_n3A_1377 = arith.select %ne3A_1367, %roll3A_1374, %roll3A_1376 : vector<256x128xi1>, vector<256x128xi32>
    %not3A_1378 = arith.constant dense<true> : vector<256x128xi1>
    %not3A_1379 = arith.xori %ne3A_1367, %not3A_1378 : vector<256x128xi1>
    %and3A_1380 = arith.constant 4 : i32
    %and3A_1381 = vector.broadcast %and3A_1380 : i32 to vector<256x128xi32>
    %and3A_1382 = arith.andi %iota3A, %and3A_1381 : vector<256x128xi32>
    %eq3A_1383 = arith.constant 0 : i32
    %eq3A_1384 = vector.broadcast %eq3A_1383 : i32 to vector<256x128xi32>
    %eq3A_1385 = arith.cmpi eq, %and3A_1382, %eq3A_1384 : vector<256x128xi32>
    %gt3A_1386 = arith.cmpi sgt, %select_n3A_1360, %select_n3A_1372 : vector<256x128xi32>
    %eq3A_1387 = arith.cmpi eq, %select_n3A_1360, %select_n3A_1372 : vector<256x128xi32>
    %lt3A_1388 = arith.cmpi slt, %select_n3A_1361, %select_n3A_1377 : vector<256x128xi32>
    %and3A_1389 = arith.andi %eq3A_1387, %lt3A_1388 : vector<256x128xi1>
    %or3A_1390 = arith.ori %gt3A_1386, %and3A_1389 : vector<256x128xi1>
    %eq3A_1391 = arith.xori %eq3A_1385, %not3A_1379 : vector<256x128xi1>
    %eq3A_1392 = arith.constant dense<true> : vector<256x128xi1>
    %eq3A_1393 = arith.xori %eq3A_1391, %eq3A_1392 : vector<256x128xi1>
    %ne3A_1394 = arith.xori %eq3A_1393, %or3A_1390 : vector<256x128xi1>
    %select_n3A_1395 = arith.select %ne3A_1394, %select_n3A_1372, %select_n3A_1360 : vector<256x128xi1>, vector<256x128xi32>
    %select_n3A_1396 = arith.select %ne3A_1394, %select_n3A_1377, %select_n3A_1361 : vector<256x128xi1>, vector<256x128xi32>
    %and3A_1397 = arith.constant 16 : i32
    %and3A_1398 = vector.broadcast %and3A_1397 : i32 to vector<256x128xi32>
    %and3A_1399 = arith.andi %iota3A_5, %and3A_1398 : vector<256x128xi32>
    %ne3A_1400 = arith.constant 0 : i32
    %ne3A_1401 = vector.broadcast %ne3A_1400 : i32 to vector<256x128xi32>
    %ne3A_1402 = arith.cmpi ne, %and3A_1399, %ne3A_1401 : vector<256x128xi32>
    %roll3A_1403 = arith.constant 16 : i32
    %roll3A_1404 = tpu.dynamic_rotate %select_n3A_1395 by %roll3A_1403 dim 1 : vector<256x128xi32>, i32 -> vector<256x128xi32>
    %roll3A_1405 = arith.constant 112 : i32
    %roll3A_1406 = tpu.dynamic_rotate %select_n3A_1395 by %roll3A_1405 dim 1 : vector<256x128xi32>, i32 -> vector<256x128xi32>
    %select_n3A_1407 = arith.select %ne3A_1402, %roll3A_1404, %roll3A_1406 : vector<256x128xi1>, vector<256x128xi32>
    %roll3A_1408 = arith.constant 16 : i32
    %roll3A_1409 = tpu.dynamic_rotate %select_n3A_1396 by %roll3A_1408 dim 1 : vector<256x128xi32>, i32 -> vector<256x128xi32>
    %roll3A_1410 = arith.constant 112 : i32
    %roll3A_1411 = tpu.dynamic_rotate %select_n3A_1396 by %roll3A_1410 dim 1 : vector<256x128xi32>, i32 -> vector<256x128xi32>
    %select_n3A_1412 = arith.select %ne3A_1402, %roll3A_1409, %roll3A_1411 : vector<256x128xi1>, vector<256x128xi32>
    %not3A_1413 = arith.constant dense<true> : vector<256x128xi1>
    %not3A_1414 = arith.xori %ne3A_1402, %not3A_1413 : vector<256x128xi1>
    %and3A_1415 = arith.constant 4 : i32
    %and3A_1416 = vector.broadcast %and3A_1415 : i32 to vector<256x128xi32>
    %and3A_1417 = arith.andi %iota3A, %and3A_1416 : vector<256x128xi32>
    %eq3A_1418 = arith.constant 0 : i32
    %eq3A_1419 = vector.broadcast %eq3A_1418 : i32 to vector<256x128xi32>
    %eq3A_1420 = arith.cmpi eq, %and3A_1417, %eq3A_1419 : vector<256x128xi32>
    %gt3A_1421 = arith.cmpi sgt, %select_n3A_1395, %select_n3A_1407 : vector<256x128xi32>
    %eq3A_1422 = arith.cmpi eq, %select_n3A_1395, %select_n3A_1407 : vector<256x128xi32>
    %lt3A_1423 = arith.cmpi slt, %select_n3A_1396, %select_n3A_1412 : vector<256x128xi32>
    %and3A_1424 = arith.andi %eq3A_1422, %lt3A_1423 : vector<256x128xi1>
    %or3A_1425 = arith.ori %gt3A_1421, %and3A_1424 : vector<256x128xi1>
    %eq3A_1426 = arith.xori %eq3A_1420, %not3A_1414 : vector<256x128xi1>
    %eq3A_1427 = arith.constant dense<true> : vector<256x128xi1>
    %eq3A_1428 = arith.xori %eq3A_1426, %eq3A_1427 : vector<256x128xi1>
    %ne3A_1429 = arith.xori %eq3A_1428, %or3A_1425 : vector<256x128xi1>
    %select_n3A_1430 = arith.select %ne3A_1429, %select_n3A_1407, %select_n3A_1395 : vector<256x128xi1>, vector<256x128xi32>
    %select_n3A_1431 = arith.select %ne3A_1429, %select_n3A_1412, %select_n3A_1396 : vector<256x128xi1>, vector<256x128xi32>
    %and3A_1432 = arith.constant 8 : i32
    %and3A_1433 = vector.broadcast %and3A_1432 : i32 to vector<256x128xi32>
    %and3A_1434 = arith.andi %iota3A_5, %and3A_1433 : vector<256x128xi32>
    %ne3A_1435 = arith.constant 0 : i32
    %ne3A_1436 = vector.broadcast %ne3A_1435 : i32 to vector<256x128xi32>
    %ne3A_1437 = arith.cmpi ne, %and3A_1434, %ne3A_1436 : vector<256x128xi32>
    %roll3A_1438 = arith.constant 8 : i32
    %roll3A_1439 = tpu.dynamic_rotate %select_n3A_1430 by %roll3A_1438 dim 1 : vector<256x128xi32>, i32 -> vector<256x128xi32>
    %roll3A_1440 = arith.constant 120 : i32
    %roll3A_1441 = tpu.dynamic_rotate %select_n3A_1430 by %roll3A_1440 dim 1 : vector<256x128xi32>, i32 -> vector<256x128xi32>
    %select_n3A_1442 = arith.select %ne3A_1437, %roll3A_1439, %roll3A_1441 : vector<256x128xi1>, vector<256x128xi32>
    %roll3A_1443 = arith.constant 8 : i32
    %roll3A_1444 = tpu.dynamic_rotate %select_n3A_1431 by %roll3A_1443 dim 1 : vector<256x128xi32>, i32 -> vector<256x128xi32>
    %roll3A_1445 = arith.constant 120 : i32
    %roll3A_1446 = tpu.dynamic_rotate %select_n3A_1431 by %roll3A_1445 dim 1 : vector<256x128xi32>, i32 -> vector<256x128xi32>
    %select_n3A_1447 = arith.select %ne3A_1437, %roll3A_1444, %roll3A_1446 : vector<256x128xi1>, vector<256x128xi32>
    %not3A_1448 = arith.constant dense<true> : vector<256x128xi1>
    %not3A_1449 = arith.xori %ne3A_1437, %not3A_1448 : vector<256x128xi1>
    %and3A_1450 = arith.constant 4 : i32
    %and3A_1451 = vector.broadcast %and3A_1450 : i32 to vector<256x128xi32>
    %and3A_1452 = arith.andi %iota3A, %and3A_1451 : vector<256x128xi32>
    %eq3A_1453 = arith.constant 0 : i32
    %eq3A_1454 = vector.broadcast %eq3A_1453 : i32 to vector<256x128xi32>
    %eq3A_1455 = arith.cmpi eq, %and3A_1452, %eq3A_1454 : vector<256x128xi32>
    %gt3A_1456 = arith.cmpi sgt, %select_n3A_1430, %select_n3A_1442 : vector<256x128xi32>
    %eq3A_1457 = arith.cmpi eq, %select_n3A_1430, %select_n3A_1442 : vector<256x128xi32>
    %lt3A_1458 = arith.cmpi slt, %select_n3A_1431, %select_n3A_1447 : vector<256x128xi32>
    %and3A_1459 = arith.andi %eq3A_1457, %lt3A_1458 : vector<256x128xi1>
    %or3A_1460 = arith.ori %gt3A_1456, %and3A_1459 : vector<256x128xi1>
    %eq3A_1461 = arith.xori %eq3A_1455, %not3A_1449 : vector<256x128xi1>
    %eq3A_1462 = arith.constant dense<true> : vector<256x128xi1>
    %eq3A_1463 = arith.xori %eq3A_1461, %eq3A_1462 : vector<256x128xi1>
    %ne3A_1464 = arith.xori %eq3A_1463, %or3A_1460 : vector<256x128xi1>
    %select_n3A_1465 = arith.select %ne3A_1464, %select_n3A_1442, %select_n3A_1430 : vector<256x128xi1>, vector<256x128xi32>
    %select_n3A_1466 = arith.select %ne3A_1464, %select_n3A_1447, %select_n3A_1431 : vector<256x128xi1>, vector<256x128xi32>
    %and3A_1467 = arith.constant 4 : i32
    %and3A_1468 = vector.broadcast %and3A_1467 : i32 to vector<256x128xi32>
    %and3A_1469 = arith.andi %iota3A_5, %and3A_1468 : vector<256x128xi32>
    %ne3A_1470 = arith.constant 0 : i32
    %ne3A_1471 = vector.broadcast %ne3A_1470 : i32 to vector<256x128xi32>
    %ne3A_1472 = arith.cmpi ne, %and3A_1469, %ne3A_1471 : vector<256x128xi32>
    %roll3A_1473 = arith.constant 4 : i32
    %roll3A_1474 = tpu.dynamic_rotate %select_n3A_1465 by %roll3A_1473 dim 1 : vector<256x128xi32>, i32 -> vector<256x128xi32>
    %roll3A_1475 = arith.constant 124 : i32
    %roll3A_1476 = tpu.dynamic_rotate %select_n3A_1465 by %roll3A_1475 dim 1 : vector<256x128xi32>, i32 -> vector<256x128xi32>
    %select_n3A_1477 = arith.select %ne3A_1472, %roll3A_1474, %roll3A_1476 : vector<256x128xi1>, vector<256x128xi32>
    %roll3A_1478 = arith.constant 4 : i32
    %roll3A_1479 = tpu.dynamic_rotate %select_n3A_1466 by %roll3A_1478 dim 1 : vector<256x128xi32>, i32 -> vector<256x128xi32>
    %roll3A_1480 = arith.constant 124 : i32
    %roll3A_1481 = tpu.dynamic_rotate %select_n3A_1466 by %roll3A_1480 dim 1 : vector<256x128xi32>, i32 -> vector<256x128xi32>
    %select_n3A_1482 = arith.select %ne3A_1472, %roll3A_1479, %roll3A_1481 : vector<256x128xi1>, vector<256x128xi32>
    %not3A_1483 = arith.constant dense<true> : vector<256x128xi1>
    %not3A_1484 = arith.xori %ne3A_1472, %not3A_1483 : vector<256x128xi1>
    %and3A_1485 = arith.constant 4 : i32
    %and3A_1486 = vector.broadcast %and3A_1485 : i32 to vector<256x128xi32>
    %and3A_1487 = arith.andi %iota3A, %and3A_1486 : vector<256x128xi32>
    %eq3A_1488 = arith.constant 0 : i32
    %eq3A_1489 = vector.broadcast %eq3A_1488 : i32 to vector<256x128xi32>
    %eq3A_1490 = arith.cmpi eq, %and3A_1487, %eq3A_1489 : vector<256x128xi32>
    %gt3A_1491 = arith.cmpi sgt, %select_n3A_1465, %select_n3A_1477 : vector<256x128xi32>
    %eq3A_1492 = arith.cmpi eq, %select_n3A_1465, %select_n3A_1477 : vector<256x128xi32>
    %lt3A_1493 = arith.cmpi slt, %select_n3A_1466, %select_n3A_1482 : vector<256x128xi32>
    %and3A_1494 = arith.andi %eq3A_1492, %lt3A_1493 : vector<256x128xi1>
    %or3A_1495 = arith.ori %gt3A_1491, %and3A_1494 : vector<256x128xi1>
    %eq3A_1496 = arith.xori %eq3A_1490, %not3A_1484 : vector<256x128xi1>
    %eq3A_1497 = arith.constant dense<true> : vector<256x128xi1>
    %eq3A_1498 = arith.xori %eq3A_1496, %eq3A_1497 : vector<256x128xi1>
    %ne3A_1499 = arith.xori %eq3A_1498, %or3A_1495 : vector<256x128xi1>
    %select_n3A_1500 = arith.select %ne3A_1499, %select_n3A_1477, %select_n3A_1465 : vector<256x128xi1>, vector<256x128xi32>
    %select_n3A_1501 = arith.select %ne3A_1499, %select_n3A_1482, %select_n3A_1466 : vector<256x128xi1>, vector<256x128xi32>
    %and3A_1502 = arith.constant 2 : i32
    %and3A_1503 = vector.broadcast %and3A_1502 : i32 to vector<256x128xi32>
    %and3A_1504 = arith.andi %iota3A_5, %and3A_1503 : vector<256x128xi32>
    %ne3A_1505 = arith.constant 0 : i32
    %ne3A_1506 = vector.broadcast %ne3A_1505 : i32 to vector<256x128xi32>
    %ne3A_1507 = arith.cmpi ne, %and3A_1504, %ne3A_1506 : vector<256x128xi32>
    %roll3A_1508 = arith.constant 2 : i32
    %roll3A_1509 = tpu.dynamic_rotate %select_n3A_1500 by %roll3A_1508 dim 1 : vector<256x128xi32>, i32 -> vector<256x128xi32>
    %roll3A_1510 = arith.constant 126 : i32
    %roll3A_1511 = tpu.dynamic_rotate %select_n3A_1500 by %roll3A_1510 dim 1 : vector<256x128xi32>, i32 -> vector<256x128xi32>
    %select_n3A_1512 = arith.select %ne3A_1507, %roll3A_1509, %roll3A_1511 : vector<256x128xi1>, vector<256x128xi32>
    %roll3A_1513 = arith.constant 2 : i32
    %roll3A_1514 = tpu.dynamic_rotate %select_n3A_1501 by %roll3A_1513 dim 1 : vector<256x128xi32>, i32 -> vector<256x128xi32>
    %roll3A_1515 = arith.constant 126 : i32
    %roll3A_1516 = tpu.dynamic_rotate %select_n3A_1501 by %roll3A_1515 dim 1 : vector<256x128xi32>, i32 -> vector<256x128xi32>
    %select_n3A_1517 = arith.select %ne3A_1507, %roll3A_1514, %roll3A_1516 : vector<256x128xi1>, vector<256x128xi32>
    %not3A_1518 = arith.constant dense<true> : vector<256x128xi1>
    %not3A_1519 = arith.xori %ne3A_1507, %not3A_1518 : vector<256x128xi1>
    %and3A_1520 = arith.constant 4 : i32
    %and3A_1521 = vector.broadcast %and3A_1520 : i32 to vector<256x128xi32>
    %and3A_1522 = arith.andi %iota3A, %and3A_1521 : vector<256x128xi32>
    %eq3A_1523 = arith.constant 0 : i32
    %eq3A_1524 = vector.broadcast %eq3A_1523 : i32 to vector<256x128xi32>
    %eq3A_1525 = arith.cmpi eq, %and3A_1522, %eq3A_1524 : vector<256x128xi32>
    %gt3A_1526 = arith.cmpi sgt, %select_n3A_1500, %select_n3A_1512 : vector<256x128xi32>
    %eq3A_1527 = arith.cmpi eq, %select_n3A_1500, %select_n3A_1512 : vector<256x128xi32>
    %lt3A_1528 = arith.cmpi slt, %select_n3A_1501, %select_n3A_1517 : vector<256x128xi32>
    %and3A_1529 = arith.andi %eq3A_1527, %lt3A_1528 : vector<256x128xi1>
    %or3A_1530 = arith.ori %gt3A_1526, %and3A_1529 : vector<256x128xi1>
    %eq3A_1531 = arith.xori %eq3A_1525, %not3A_1519 : vector<256x128xi1>
    %eq3A_1532 = arith.constant dense<true> : vector<256x128xi1>
    %eq3A_1533 = arith.xori %eq3A_1531, %eq3A_1532 : vector<256x128xi1>
    %ne3A_1534 = arith.xori %eq3A_1533, %or3A_1530 : vector<256x128xi1>
    %select_n3A_1535 = arith.select %ne3A_1534, %select_n3A_1512, %select_n3A_1500 : vector<256x128xi1>, vector<256x128xi32>
    %select_n3A_1536 = arith.select %ne3A_1534, %select_n3A_1517, %select_n3A_1501 : vector<256x128xi1>, vector<256x128xi32>
    %and3A_1537 = arith.constant 1 : i32
    %and3A_1538 = vector.broadcast %and3A_1537 : i32 to vector<256x128xi32>
    %and3A_1539 = arith.andi %iota3A_5, %and3A_1538 : vector<256x128xi32>
    %ne3A_1540 = arith.constant 0 : i32
    %ne3A_1541 = vector.broadcast %ne3A_1540 : i32 to vector<256x128xi32>
    %ne3A_1542 = arith.cmpi ne, %and3A_1539, %ne3A_1541 : vector<256x128xi32>
    %roll3A_1543 = arith.constant 1 : i32
    %roll3A_1544 = tpu.dynamic_rotate %select_n3A_1535 by %roll3A_1543 dim 1 : vector<256x128xi32>, i32 -> vector<256x128xi32>
    %roll3A_1545 = arith.constant 127 : i32
    %roll3A_1546 = tpu.dynamic_rotate %select_n3A_1535 by %roll3A_1545 dim 1 : vector<256x128xi32>, i32 -> vector<256x128xi32>
    %select_n3A_1547 = arith.select %ne3A_1542, %roll3A_1544, %roll3A_1546 : vector<256x128xi1>, vector<256x128xi32>
    %roll3A_1548 = arith.constant 1 : i32
    %roll3A_1549 = tpu.dynamic_rotate %select_n3A_1536 by %roll3A_1548 dim 1 : vector<256x128xi32>, i32 -> vector<256x128xi32>
    %roll3A_1550 = arith.constant 127 : i32
    %roll3A_1551 = tpu.dynamic_rotate %select_n3A_1536 by %roll3A_1550 dim 1 : vector<256x128xi32>, i32 -> vector<256x128xi32>
    %select_n3A_1552 = arith.select %ne3A_1542, %roll3A_1549, %roll3A_1551 : vector<256x128xi1>, vector<256x128xi32>
    %not3A_1553 = arith.constant dense<true> : vector<256x128xi1>
    %not3A_1554 = arith.xori %ne3A_1542, %not3A_1553 : vector<256x128xi1>
    %and3A_1555 = arith.constant 4 : i32
    %and3A_1556 = vector.broadcast %and3A_1555 : i32 to vector<256x128xi32>
    %and3A_1557 = arith.andi %iota3A, %and3A_1556 : vector<256x128xi32>
    %eq3A_1558 = arith.constant 0 : i32
    %eq3A_1559 = vector.broadcast %eq3A_1558 : i32 to vector<256x128xi32>
    %eq3A_1560 = arith.cmpi eq, %and3A_1557, %eq3A_1559 : vector<256x128xi32>
    %gt3A_1561 = arith.cmpi sgt, %select_n3A_1535, %select_n3A_1547 : vector<256x128xi32>
    %eq3A_1562 = arith.cmpi eq, %select_n3A_1535, %select_n3A_1547 : vector<256x128xi32>
    %lt3A_1563 = arith.cmpi slt, %select_n3A_1536, %select_n3A_1552 : vector<256x128xi32>
    %and3A_1564 = arith.andi %eq3A_1562, %lt3A_1563 : vector<256x128xi1>
    %or3A_1565 = arith.ori %gt3A_1561, %and3A_1564 : vector<256x128xi1>
    %eq3A_1566 = arith.xori %eq3A_1560, %not3A_1554 : vector<256x128xi1>
    %eq3A_1567 = arith.constant dense<true> : vector<256x128xi1>
    %eq3A_1568 = arith.xori %eq3A_1566, %eq3A_1567 : vector<256x128xi1>
    %ne3A_1569 = arith.xori %eq3A_1568, %or3A_1565 : vector<256x128xi1>
    %select_n3A_1570 = arith.select %ne3A_1569, %select_n3A_1547, %select_n3A_1535 : vector<256x128xi1>, vector<256x128xi32>
    %select_n3A_1571 = arith.select %ne3A_1569, %select_n3A_1552, %select_n3A_1536 : vector<256x128xi1>, vector<256x128xi32>
    %and3A_1572 = arith.constant 4 : i32
    %and3A_1573 = vector.broadcast %and3A_1572 : i32 to vector<256x128xi32>
    %and3A_1574 = arith.andi %iota3A, %and3A_1573 : vector<256x128xi32>
    %ne3A_1575 = arith.constant 0 : i32
    %ne3A_1576 = vector.broadcast %ne3A_1575 : i32 to vector<256x128xi32>
    %ne3A_1577 = arith.cmpi ne, %and3A_1574, %ne3A_1576 : vector<256x128xi32>
    %roll3A_1578 = arith.constant 4 : i32
    %roll3A_1579 = tpu.dynamic_rotate %select_n3A_1570 by %roll3A_1578 dim 0 : vector<256x128xi32>, i32 -> vector<256x128xi32>
    %roll3A_1580 = arith.constant 252 : i32
    %roll3A_1581 = tpu.dynamic_rotate %select_n3A_1570 by %roll3A_1580 dim 0 : vector<256x128xi32>, i32 -> vector<256x128xi32>
    %select_n3A_1582 = arith.select %ne3A_1577, %roll3A_1579, %roll3A_1581 : vector<256x128xi1>, vector<256x128xi32>
    %roll3A_1583 = arith.constant 4 : i32
    %roll3A_1584 = tpu.dynamic_rotate %select_n3A_1571 by %roll3A_1583 dim 0 : vector<256x128xi32>, i32 -> vector<256x128xi32>
    %roll3A_1585 = arith.constant 252 : i32
    %roll3A_1586 = tpu.dynamic_rotate %select_n3A_1571 by %roll3A_1585 dim 0 : vector<256x128xi32>, i32 -> vector<256x128xi32>
    %select_n3A_1587 = arith.select %ne3A_1577, %roll3A_1584, %roll3A_1586 : vector<256x128xi1>, vector<256x128xi32>
    %not3A_1588 = arith.constant dense<true> : vector<256x128xi1>
    %not3A_1589 = arith.xori %ne3A_1577, %not3A_1588 : vector<256x128xi1>
    %and3A_1590 = arith.constant 8 : i32
    %and3A_1591 = vector.broadcast %and3A_1590 : i32 to vector<256x128xi32>
    %and3A_1592 = arith.andi %iota3A, %and3A_1591 : vector<256x128xi32>
    %eq3A_1593 = arith.constant 0 : i32
    %eq3A_1594 = vector.broadcast %eq3A_1593 : i32 to vector<256x128xi32>
    %eq3A_1595 = arith.cmpi eq, %and3A_1592, %eq3A_1594 : vector<256x128xi32>
    %gt3A_1596 = arith.cmpi sgt, %select_n3A_1570, %select_n3A_1582 : vector<256x128xi32>
    %eq3A_1597 = arith.cmpi eq, %select_n3A_1570, %select_n3A_1582 : vector<256x128xi32>
    %lt3A_1598 = arith.cmpi slt, %select_n3A_1571, %select_n3A_1587 : vector<256x128xi32>
    %and3A_1599 = arith.andi %eq3A_1597, %lt3A_1598 : vector<256x128xi1>
    %or3A_1600 = arith.ori %gt3A_1596, %and3A_1599 : vector<256x128xi1>
    %eq3A_1601 = arith.xori %eq3A_1595, %not3A_1589 : vector<256x128xi1>
    %eq3A_1602 = arith.constant dense<true> : vector<256x128xi1>
    %eq3A_1603 = arith.xori %eq3A_1601, %eq3A_1602 : vector<256x128xi1>
    %ne3A_1604 = arith.xori %eq3A_1603, %or3A_1600 : vector<256x128xi1>
    %select_n3A_1605 = arith.select %ne3A_1604, %select_n3A_1582, %select_n3A_1570 : vector<256x128xi1>, vector<256x128xi32>
    %select_n3A_1606 = arith.select %ne3A_1604, %select_n3A_1587, %select_n3A_1571 : vector<256x128xi1>, vector<256x128xi32>
    %and3A_1607 = arith.constant 2 : i32
    %and3A_1608 = vector.broadcast %and3A_1607 : i32 to vector<256x128xi32>
    %and3A_1609 = arith.andi %iota3A, %and3A_1608 : vector<256x128xi32>
    %ne3A_1610 = arith.constant 0 : i32
    %ne3A_1611 = vector.broadcast %ne3A_1610 : i32 to vector<256x128xi32>
    %ne3A_1612 = arith.cmpi ne, %and3A_1609, %ne3A_1611 : vector<256x128xi32>
    %roll3A_1613 = arith.constant 2 : i32
    %roll3A_1614 = tpu.dynamic_rotate %select_n3A_1605 by %roll3A_1613 dim 0 : vector<256x128xi32>, i32 -> vector<256x128xi32>
    %roll3A_1615 = arith.constant 254 : i32
    %roll3A_1616 = tpu.dynamic_rotate %select_n3A_1605 by %roll3A_1615 dim 0 : vector<256x128xi32>, i32 -> vector<256x128xi32>
    %select_n3A_1617 = arith.select %ne3A_1612, %roll3A_1614, %roll3A_1616 : vector<256x128xi1>, vector<256x128xi32>
    %roll3A_1618 = arith.constant 2 : i32
    %roll3A_1619 = tpu.dynamic_rotate %select_n3A_1606 by %roll3A_1618 dim 0 : vector<256x128xi32>, i32 -> vector<256x128xi32>
    %roll3A_1620 = arith.constant 254 : i32
    %roll3A_1621 = tpu.dynamic_rotate %select_n3A_1606 by %roll3A_1620 dim 0 : vector<256x128xi32>, i32 -> vector<256x128xi32>
    %select_n3A_1622 = arith.select %ne3A_1612, %roll3A_1619, %roll3A_1621 : vector<256x128xi1>, vector<256x128xi32>
    %not3A_1623 = arith.constant dense<true> : vector<256x128xi1>
    %not3A_1624 = arith.xori %ne3A_1612, %not3A_1623 : vector<256x128xi1>
    %and3A_1625 = arith.constant 8 : i32
    %and3A_1626 = vector.broadcast %and3A_1625 : i32 to vector<256x128xi32>
    %and3A_1627 = arith.andi %iota3A, %and3A_1626 : vector<256x128xi32>
    %eq3A_1628 = arith.constant 0 : i32
    %eq3A_1629 = vector.broadcast %eq3A_1628 : i32 to vector<256x128xi32>
    %eq3A_1630 = arith.cmpi eq, %and3A_1627, %eq3A_1629 : vector<256x128xi32>
    %gt3A_1631 = arith.cmpi sgt, %select_n3A_1605, %select_n3A_1617 : vector<256x128xi32>
    %eq3A_1632 = arith.cmpi eq, %select_n3A_1605, %select_n3A_1617 : vector<256x128xi32>
    %lt3A_1633 = arith.cmpi slt, %select_n3A_1606, %select_n3A_1622 : vector<256x128xi32>
    %and3A_1634 = arith.andi %eq3A_1632, %lt3A_1633 : vector<256x128xi1>
    %or3A_1635 = arith.ori %gt3A_1631, %and3A_1634 : vector<256x128xi1>
    %eq3A_1636 = arith.xori %eq3A_1630, %not3A_1624 : vector<256x128xi1>
    %eq3A_1637 = arith.constant dense<true> : vector<256x128xi1>
    %eq3A_1638 = arith.xori %eq3A_1636, %eq3A_1637 : vector<256x128xi1>
    %ne3A_1639 = arith.xori %eq3A_1638, %or3A_1635 : vector<256x128xi1>
    %select_n3A_1640 = arith.select %ne3A_1639, %select_n3A_1617, %select_n3A_1605 : vector<256x128xi1>, vector<256x128xi32>
    %select_n3A_1641 = arith.select %ne3A_1639, %select_n3A_1622, %select_n3A_1606 : vector<256x128xi1>, vector<256x128xi32>
    %and3A_1642 = arith.constant 1 : i32
    %and3A_1643 = vector.broadcast %and3A_1642 : i32 to vector<256x128xi32>
    %and3A_1644 = arith.andi %iota3A, %and3A_1643 : vector<256x128xi32>
    %ne3A_1645 = arith.constant 0 : i32
    %ne3A_1646 = vector.broadcast %ne3A_1645 : i32 to vector<256x128xi32>
    %ne3A_1647 = arith.cmpi ne, %and3A_1644, %ne3A_1646 : vector<256x128xi32>
    %roll3A_1648 = arith.constant 1 : i32
    %roll3A_1649 = tpu.dynamic_rotate %select_n3A_1640 by %roll3A_1648 dim 0 : vector<256x128xi32>, i32 -> vector<256x128xi32>
    %roll3A_1650 = arith.constant 255 : i32
    %roll3A_1651 = tpu.dynamic_rotate %select_n3A_1640 by %roll3A_1650 dim 0 : vector<256x128xi32>, i32 -> vector<256x128xi32>
    %select_n3A_1652 = arith.select %ne3A_1647, %roll3A_1649, %roll3A_1651 : vector<256x128xi1>, vector<256x128xi32>
    %roll3A_1653 = arith.constant 1 : i32
    %roll3A_1654 = tpu.dynamic_rotate %select_n3A_1641 by %roll3A_1653 dim 0 : vector<256x128xi32>, i32 -> vector<256x128xi32>
    %roll3A_1655 = arith.constant 255 : i32
    %roll3A_1656 = tpu.dynamic_rotate %select_n3A_1641 by %roll3A_1655 dim 0 : vector<256x128xi32>, i32 -> vector<256x128xi32>
    %select_n3A_1657 = arith.select %ne3A_1647, %roll3A_1654, %roll3A_1656 : vector<256x128xi1>, vector<256x128xi32>
    %not3A_1658 = arith.constant dense<true> : vector<256x128xi1>
    %not3A_1659 = arith.xori %ne3A_1647, %not3A_1658 : vector<256x128xi1>
    %and3A_1660 = arith.constant 8 : i32
    %and3A_1661 = vector.broadcast %and3A_1660 : i32 to vector<256x128xi32>
    %and3A_1662 = arith.andi %iota3A, %and3A_1661 : vector<256x128xi32>
    %eq3A_1663 = arith.constant 0 : i32
    %eq3A_1664 = vector.broadcast %eq3A_1663 : i32 to vector<256x128xi32>
    %eq3A_1665 = arith.cmpi eq, %and3A_1662, %eq3A_1664 : vector<256x128xi32>
    %gt3A_1666 = arith.cmpi sgt, %select_n3A_1640, %select_n3A_1652 : vector<256x128xi32>
    %eq3A_1667 = arith.cmpi eq, %select_n3A_1640, %select_n3A_1652 : vector<256x128xi32>
    %lt3A_1668 = arith.cmpi slt, %select_n3A_1641, %select_n3A_1657 : vector<256x128xi32>
    %and3A_1669 = arith.andi %eq3A_1667, %lt3A_1668 : vector<256x128xi1>
    %or3A_1670 = arith.ori %gt3A_1666, %and3A_1669 : vector<256x128xi1>
    %eq3A_1671 = arith.xori %eq3A_1665, %not3A_1659 : vector<256x128xi1>
    %eq3A_1672 = arith.constant dense<true> : vector<256x128xi1>
    %eq3A_1673 = arith.xori %eq3A_1671, %eq3A_1672 : vector<256x128xi1>
    %ne3A_1674 = arith.xori %eq3A_1673, %or3A_1670 : vector<256x128xi1>
    %select_n3A_1675 = arith.select %ne3A_1674, %select_n3A_1652, %select_n3A_1640 : vector<256x128xi1>, vector<256x128xi32>
    %select_n3A_1676 = arith.select %ne3A_1674, %select_n3A_1657, %select_n3A_1641 : vector<256x128xi1>, vector<256x128xi32>
    %and3A_1677 = arith.constant 64 : i32
    %and3A_1678 = vector.broadcast %and3A_1677 : i32 to vector<256x128xi32>
    %and3A_1679 = arith.andi %iota3A_5, %and3A_1678 : vector<256x128xi32>
    %ne3A_1680 = arith.constant 0 : i32
    %ne3A_1681 = vector.broadcast %ne3A_1680 : i32 to vector<256x128xi32>
    %ne3A_1682 = arith.cmpi ne, %and3A_1679, %ne3A_1681 : vector<256x128xi32>
    %roll3A_1683 = arith.constant 64 : i32
    %roll3A_1684 = tpu.dynamic_rotate %select_n3A_1675 by %roll3A_1683 dim 1 : vector<256x128xi32>, i32 -> vector<256x128xi32>
    %roll3A_1685 = arith.constant 64 : i32
    %roll3A_1686 = tpu.dynamic_rotate %select_n3A_1675 by %roll3A_1685 dim 1 : vector<256x128xi32>, i32 -> vector<256x128xi32>
    %select_n3A_1687 = arith.select %ne3A_1682, %roll3A_1684, %roll3A_1686 : vector<256x128xi1>, vector<256x128xi32>
    %roll3A_1688 = arith.constant 64 : i32
    %roll3A_1689 = tpu.dynamic_rotate %select_n3A_1676 by %roll3A_1688 dim 1 : vector<256x128xi32>, i32 -> vector<256x128xi32>
    %roll3A_1690 = arith.constant 64 : i32
    %roll3A_1691 = tpu.dynamic_rotate %select_n3A_1676 by %roll3A_1690 dim 1 : vector<256x128xi32>, i32 -> vector<256x128xi32>
    %select_n3A_1692 = arith.select %ne3A_1682, %roll3A_1689, %roll3A_1691 : vector<256x128xi1>, vector<256x128xi32>
    %not3A_1693 = arith.constant dense<true> : vector<256x128xi1>
    %not3A_1694 = arith.xori %ne3A_1682, %not3A_1693 : vector<256x128xi1>
    %and3A_1695 = arith.constant 8 : i32
    %and3A_1696 = vector.broadcast %and3A_1695 : i32 to vector<256x128xi32>
    %and3A_1697 = arith.andi %iota3A, %and3A_1696 : vector<256x128xi32>
    %eq3A_1698 = arith.constant 0 : i32
    %eq3A_1699 = vector.broadcast %eq3A_1698 : i32 to vector<256x128xi32>
    %eq3A_1700 = arith.cmpi eq, %and3A_1697, %eq3A_1699 : vector<256x128xi32>
    %gt3A_1701 = arith.cmpi sgt, %select_n3A_1675, %select_n3A_1687 : vector<256x128xi32>
    %eq3A_1702 = arith.cmpi eq, %select_n3A_1675, %select_n3A_1687 : vector<256x128xi32>
    %lt3A_1703 = arith.cmpi slt, %select_n3A_1676, %select_n3A_1692 : vector<256x128xi32>
    %and3A_1704 = arith.andi %eq3A_1702, %lt3A_1703 : vector<256x128xi1>
    %or3A_1705 = arith.ori %gt3A_1701, %and3A_1704 : vector<256x128xi1>
    %eq3A_1706 = arith.xori %eq3A_1700, %not3A_1694 : vector<256x128xi1>
    %eq3A_1707 = arith.constant dense<true> : vector<256x128xi1>
    %eq3A_1708 = arith.xori %eq3A_1706, %eq3A_1707 : vector<256x128xi1>
    %ne3A_1709 = arith.xori %eq3A_1708, %or3A_1705 : vector<256x128xi1>
    %select_n3A_1710 = arith.select %ne3A_1709, %select_n3A_1687, %select_n3A_1675 : vector<256x128xi1>, vector<256x128xi32>
    %select_n3A_1711 = arith.select %ne3A_1709, %select_n3A_1692, %select_n3A_1676 : vector<256x128xi1>, vector<256x128xi32>
    %and3A_1712 = arith.constant 32 : i32
    %and3A_1713 = vector.broadcast %and3A_1712 : i32 to vector<256x128xi32>
    %and3A_1714 = arith.andi %iota3A_5, %and3A_1713 : vector<256x128xi32>
    %ne3A_1715 = arith.constant 0 : i32
    %ne3A_1716 = vector.broadcast %ne3A_1715 : i32 to vector<256x128xi32>
    %ne3A_1717 = arith.cmpi ne, %and3A_1714, %ne3A_1716 : vector<256x128xi32>
    %roll3A_1718 = arith.constant 32 : i32
    %roll3A_1719 = tpu.dynamic_rotate %select_n3A_1710 by %roll3A_1718 dim 1 : vector<256x128xi32>, i32 -> vector<256x128xi32>
    %roll3A_1720 = arith.constant 96 : i32
    %roll3A_1721 = tpu.dynamic_rotate %select_n3A_1710 by %roll3A_1720 dim 1 : vector<256x128xi32>, i32 -> vector<256x128xi32>
    %select_n3A_1722 = arith.select %ne3A_1717, %roll3A_1719, %roll3A_1721 : vector<256x128xi1>, vector<256x128xi32>
    %roll3A_1723 = arith.constant 32 : i32
    %roll3A_1724 = tpu.dynamic_rotate %select_n3A_1711 by %roll3A_1723 dim 1 : vector<256x128xi32>, i32 -> vector<256x128xi32>
    %roll3A_1725 = arith.constant 96 : i32
    %roll3A_1726 = tpu.dynamic_rotate %select_n3A_1711 by %roll3A_1725 dim 1 : vector<256x128xi32>, i32 -> vector<256x128xi32>
    %select_n3A_1727 = arith.select %ne3A_1717, %roll3A_1724, %roll3A_1726 : vector<256x128xi1>, vector<256x128xi32>
    %not3A_1728 = arith.constant dense<true> : vector<256x128xi1>
    %not3A_1729 = arith.xori %ne3A_1717, %not3A_1728 : vector<256x128xi1>
    %and3A_1730 = arith.constant 8 : i32
    %and3A_1731 = vector.broadcast %and3A_1730 : i32 to vector<256x128xi32>
    %and3A_1732 = arith.andi %iota3A, %and3A_1731 : vector<256x128xi32>
    %eq3A_1733 = arith.constant 0 : i32
    %eq3A_1734 = vector.broadcast %eq3A_1733 : i32 to vector<256x128xi32>
    %eq3A_1735 = arith.cmpi eq, %and3A_1732, %eq3A_1734 : vector<256x128xi32>
    %gt3A_1736 = arith.cmpi sgt, %select_n3A_1710, %select_n3A_1722 : vector<256x128xi32>
    %eq3A_1737 = arith.cmpi eq, %select_n3A_1710, %select_n3A_1722 : vector<256x128xi32>
    %lt3A_1738 = arith.cmpi slt, %select_n3A_1711, %select_n3A_1727 : vector<256x128xi32>
    %and3A_1739 = arith.andi %eq3A_1737, %lt3A_1738 : vector<256x128xi1>
    %or3A_1740 = arith.ori %gt3A_1736, %and3A_1739 : vector<256x128xi1>
    %eq3A_1741 = arith.xori %eq3A_1735, %not3A_1729 : vector<256x128xi1>
    %eq3A_1742 = arith.constant dense<true> : vector<256x128xi1>
    %eq3A_1743 = arith.xori %eq3A_1741, %eq3A_1742 : vector<256x128xi1>
    %ne3A_1744 = arith.xori %eq3A_1743, %or3A_1740 : vector<256x128xi1>
    %select_n3A_1745 = arith.select %ne3A_1744, %select_n3A_1722, %select_n3A_1710 : vector<256x128xi1>, vector<256x128xi32>
    %select_n3A_1746 = arith.select %ne3A_1744, %select_n3A_1727, %select_n3A_1711 : vector<256x128xi1>, vector<256x128xi32>
    %and3A_1747 = arith.constant 16 : i32
    %and3A_1748 = vector.broadcast %and3A_1747 : i32 to vector<256x128xi32>
    %and3A_1749 = arith.andi %iota3A_5, %and3A_1748 : vector<256x128xi32>
    %ne3A_1750 = arith.constant 0 : i32
    %ne3A_1751 = vector.broadcast %ne3A_1750 : i32 to vector<256x128xi32>
    %ne3A_1752 = arith.cmpi ne, %and3A_1749, %ne3A_1751 : vector<256x128xi32>
    %roll3A_1753 = arith.constant 16 : i32
    %roll3A_1754 = tpu.dynamic_rotate %select_n3A_1745 by %roll3A_1753 dim 1 : vector<256x128xi32>, i32 -> vector<256x128xi32>
    %roll3A_1755 = arith.constant 112 : i32
    %roll3A_1756 = tpu.dynamic_rotate %select_n3A_1745 by %roll3A_1755 dim 1 : vector<256x128xi32>, i32 -> vector<256x128xi32>
    %select_n3A_1757 = arith.select %ne3A_1752, %roll3A_1754, %roll3A_1756 : vector<256x128xi1>, vector<256x128xi32>
    %roll3A_1758 = arith.constant 16 : i32
    %roll3A_1759 = tpu.dynamic_rotate %select_n3A_1746 by %roll3A_1758 dim 1 : vector<256x128xi32>, i32 -> vector<256x128xi32>
    %roll3A_1760 = arith.constant 112 : i32
    %roll3A_1761 = tpu.dynamic_rotate %select_n3A_1746 by %roll3A_1760 dim 1 : vector<256x128xi32>, i32 -> vector<256x128xi32>
    %select_n3A_1762 = arith.select %ne3A_1752, %roll3A_1759, %roll3A_1761 : vector<256x128xi1>, vector<256x128xi32>
    %not3A_1763 = arith.constant dense<true> : vector<256x128xi1>
    %not3A_1764 = arith.xori %ne3A_1752, %not3A_1763 : vector<256x128xi1>
    %and3A_1765 = arith.constant 8 : i32
    %and3A_1766 = vector.broadcast %and3A_1765 : i32 to vector<256x128xi32>
    %and3A_1767 = arith.andi %iota3A, %and3A_1766 : vector<256x128xi32>
    %eq3A_1768 = arith.constant 0 : i32
    %eq3A_1769 = vector.broadcast %eq3A_1768 : i32 to vector<256x128xi32>
    %eq3A_1770 = arith.cmpi eq, %and3A_1767, %eq3A_1769 : vector<256x128xi32>
    %gt3A_1771 = arith.cmpi sgt, %select_n3A_1745, %select_n3A_1757 : vector<256x128xi32>
    %eq3A_1772 = arith.cmpi eq, %select_n3A_1745, %select_n3A_1757 : vector<256x128xi32>
    %lt3A_1773 = arith.cmpi slt, %select_n3A_1746, %select_n3A_1762 : vector<256x128xi32>
    %and3A_1774 = arith.andi %eq3A_1772, %lt3A_1773 : vector<256x128xi1>
    %or3A_1775 = arith.ori %gt3A_1771, %and3A_1774 : vector<256x128xi1>
    %eq3A_1776 = arith.xori %eq3A_1770, %not3A_1764 : vector<256x128xi1>
    %eq3A_1777 = arith.constant dense<true> : vector<256x128xi1>
    %eq3A_1778 = arith.xori %eq3A_1776, %eq3A_1777 : vector<256x128xi1>
    %ne3A_1779 = arith.xori %eq3A_1778, %or3A_1775 : vector<256x128xi1>
    %select_n3A_1780 = arith.select %ne3A_1779, %select_n3A_1757, %select_n3A_1745 : vector<256x128xi1>, vector<256x128xi32>
    %select_n3A_1781 = arith.select %ne3A_1779, %select_n3A_1762, %select_n3A_1746 : vector<256x128xi1>, vector<256x128xi32>
    %and3A_1782 = arith.constant 8 : i32
    %and3A_1783 = vector.broadcast %and3A_1782 : i32 to vector<256x128xi32>
    %and3A_1784 = arith.andi %iota3A_5, %and3A_1783 : vector<256x128xi32>
    %ne3A_1785 = arith.constant 0 : i32
    %ne3A_1786 = vector.broadcast %ne3A_1785 : i32 to vector<256x128xi32>
    %ne3A_1787 = arith.cmpi ne, %and3A_1784, %ne3A_1786 : vector<256x128xi32>
    %roll3A_1788 = arith.constant 8 : i32
    %roll3A_1789 = tpu.dynamic_rotate %select_n3A_1780 by %roll3A_1788 dim 1 : vector<256x128xi32>, i32 -> vector<256x128xi32>
    %roll3A_1790 = arith.constant 120 : i32
    %roll3A_1791 = tpu.dynamic_rotate %select_n3A_1780 by %roll3A_1790 dim 1 : vector<256x128xi32>, i32 -> vector<256x128xi32>
    %select_n3A_1792 = arith.select %ne3A_1787, %roll3A_1789, %roll3A_1791 : vector<256x128xi1>, vector<256x128xi32>
    %roll3A_1793 = arith.constant 8 : i32
    %roll3A_1794 = tpu.dynamic_rotate %select_n3A_1781 by %roll3A_1793 dim 1 : vector<256x128xi32>, i32 -> vector<256x128xi32>
    %roll3A_1795 = arith.constant 120 : i32
    %roll3A_1796 = tpu.dynamic_rotate %select_n3A_1781 by %roll3A_1795 dim 1 : vector<256x128xi32>, i32 -> vector<256x128xi32>
    %select_n3A_1797 = arith.select %ne3A_1787, %roll3A_1794, %roll3A_1796 : vector<256x128xi1>, vector<256x128xi32>
    %not3A_1798 = arith.constant dense<true> : vector<256x128xi1>
    %not3A_1799 = arith.xori %ne3A_1787, %not3A_1798 : vector<256x128xi1>
    %and3A_1800 = arith.constant 8 : i32
    %and3A_1801 = vector.broadcast %and3A_1800 : i32 to vector<256x128xi32>
    %and3A_1802 = arith.andi %iota3A, %and3A_1801 : vector<256x128xi32>
    %eq3A_1803 = arith.constant 0 : i32
    %eq3A_1804 = vector.broadcast %eq3A_1803 : i32 to vector<256x128xi32>
    %eq3A_1805 = arith.cmpi eq, %and3A_1802, %eq3A_1804 : vector<256x128xi32>
    %gt3A_1806 = arith.cmpi sgt, %select_n3A_1780, %select_n3A_1792 : vector<256x128xi32>
    %eq3A_1807 = arith.cmpi eq, %select_n3A_1780, %select_n3A_1792 : vector<256x128xi32>
    %lt3A_1808 = arith.cmpi slt, %select_n3A_1781, %select_n3A_1797 : vector<256x128xi32>
    %and3A_1809 = arith.andi %eq3A_1807, %lt3A_1808 : vector<256x128xi1>
    %or3A_1810 = arith.ori %gt3A_1806, %and3A_1809 : vector<256x128xi1>
    %eq3A_1811 = arith.xori %eq3A_1805, %not3A_1799 : vector<256x128xi1>
    %eq3A_1812 = arith.constant dense<true> : vector<256x128xi1>
    %eq3A_1813 = arith.xori %eq3A_1811, %eq3A_1812 : vector<256x128xi1>
    %ne3A_1814 = arith.xori %eq3A_1813, %or3A_1810 : vector<256x128xi1>
    %select_n3A_1815 = arith.select %ne3A_1814, %select_n3A_1792, %select_n3A_1780 : vector<256x128xi1>, vector<256x128xi32>
    %select_n3A_1816 = arith.select %ne3A_1814, %select_n3A_1797, %select_n3A_1781 : vector<256x128xi1>, vector<256x128xi32>
    %and3A_1817 = arith.constant 4 : i32
    %and3A_1818 = vector.broadcast %and3A_1817 : i32 to vector<256x128xi32>
    %and3A_1819 = arith.andi %iota3A_5, %and3A_1818 : vector<256x128xi32>
    %ne3A_1820 = arith.constant 0 : i32
    %ne3A_1821 = vector.broadcast %ne3A_1820 : i32 to vector<256x128xi32>
    %ne3A_1822 = arith.cmpi ne, %and3A_1819, %ne3A_1821 : vector<256x128xi32>
    %roll3A_1823 = arith.constant 4 : i32
    %roll3A_1824 = tpu.dynamic_rotate %select_n3A_1815 by %roll3A_1823 dim 1 : vector<256x128xi32>, i32 -> vector<256x128xi32>
    %roll3A_1825 = arith.constant 124 : i32
    %roll3A_1826 = tpu.dynamic_rotate %select_n3A_1815 by %roll3A_1825 dim 1 : vector<256x128xi32>, i32 -> vector<256x128xi32>
    %select_n3A_1827 = arith.select %ne3A_1822, %roll3A_1824, %roll3A_1826 : vector<256x128xi1>, vector<256x128xi32>
    %roll3A_1828 = arith.constant 4 : i32
    %roll3A_1829 = tpu.dynamic_rotate %select_n3A_1816 by %roll3A_1828 dim 1 : vector<256x128xi32>, i32 -> vector<256x128xi32>
    %roll3A_1830 = arith.constant 124 : i32
    %roll3A_1831 = tpu.dynamic_rotate %select_n3A_1816 by %roll3A_1830 dim 1 : vector<256x128xi32>, i32 -> vector<256x128xi32>
    %select_n3A_1832 = arith.select %ne3A_1822, %roll3A_1829, %roll3A_1831 : vector<256x128xi1>, vector<256x128xi32>
    %not3A_1833 = arith.constant dense<true> : vector<256x128xi1>
    %not3A_1834 = arith.xori %ne3A_1822, %not3A_1833 : vector<256x128xi1>
    %and3A_1835 = arith.constant 8 : i32
    %and3A_1836 = vector.broadcast %and3A_1835 : i32 to vector<256x128xi32>
    %and3A_1837 = arith.andi %iota3A, %and3A_1836 : vector<256x128xi32>
    %eq3A_1838 = arith.constant 0 : i32
    %eq3A_1839 = vector.broadcast %eq3A_1838 : i32 to vector<256x128xi32>
    %eq3A_1840 = arith.cmpi eq, %and3A_1837, %eq3A_1839 : vector<256x128xi32>
    %gt3A_1841 = arith.cmpi sgt, %select_n3A_1815, %select_n3A_1827 : vector<256x128xi32>
    %eq3A_1842 = arith.cmpi eq, %select_n3A_1815, %select_n3A_1827 : vector<256x128xi32>
    %lt3A_1843 = arith.cmpi slt, %select_n3A_1816, %select_n3A_1832 : vector<256x128xi32>
    %and3A_1844 = arith.andi %eq3A_1842, %lt3A_1843 : vector<256x128xi1>
    %or3A_1845 = arith.ori %gt3A_1841, %and3A_1844 : vector<256x128xi1>
    %eq3A_1846 = arith.xori %eq3A_1840, %not3A_1834 : vector<256x128xi1>
    %eq3A_1847 = arith.constant dense<true> : vector<256x128xi1>
    %eq3A_1848 = arith.xori %eq3A_1846, %eq3A_1847 : vector<256x128xi1>
    %ne3A_1849 = arith.xori %eq3A_1848, %or3A_1845 : vector<256x128xi1>
    %select_n3A_1850 = arith.select %ne3A_1849, %select_n3A_1827, %select_n3A_1815 : vector<256x128xi1>, vector<256x128xi32>
    %select_n3A_1851 = arith.select %ne3A_1849, %select_n3A_1832, %select_n3A_1816 : vector<256x128xi1>, vector<256x128xi32>
    %and3A_1852 = arith.constant 2 : i32
    %and3A_1853 = vector.broadcast %and3A_1852 : i32 to vector<256x128xi32>
    %and3A_1854 = arith.andi %iota3A_5, %and3A_1853 : vector<256x128xi32>
    %ne3A_1855 = arith.constant 0 : i32
    %ne3A_1856 = vector.broadcast %ne3A_1855 : i32 to vector<256x128xi32>
    %ne3A_1857 = arith.cmpi ne, %and3A_1854, %ne3A_1856 : vector<256x128xi32>
    %roll3A_1858 = arith.constant 2 : i32
    %roll3A_1859 = tpu.dynamic_rotate %select_n3A_1850 by %roll3A_1858 dim 1 : vector<256x128xi32>, i32 -> vector<256x128xi32>
    %roll3A_1860 = arith.constant 126 : i32
    %roll3A_1861 = tpu.dynamic_rotate %select_n3A_1850 by %roll3A_1860 dim 1 : vector<256x128xi32>, i32 -> vector<256x128xi32>
    %select_n3A_1862 = arith.select %ne3A_1857, %roll3A_1859, %roll3A_1861 : vector<256x128xi1>, vector<256x128xi32>
    %roll3A_1863 = arith.constant 2 : i32
    %roll3A_1864 = tpu.dynamic_rotate %select_n3A_1851 by %roll3A_1863 dim 1 : vector<256x128xi32>, i32 -> vector<256x128xi32>
    %roll3A_1865 = arith.constant 126 : i32
    %roll3A_1866 = tpu.dynamic_rotate %select_n3A_1851 by %roll3A_1865 dim 1 : vector<256x128xi32>, i32 -> vector<256x128xi32>
    %select_n3A_1867 = arith.select %ne3A_1857, %roll3A_1864, %roll3A_1866 : vector<256x128xi1>, vector<256x128xi32>
    %not3A_1868 = arith.constant dense<true> : vector<256x128xi1>
    %not3A_1869 = arith.xori %ne3A_1857, %not3A_1868 : vector<256x128xi1>
    %and3A_1870 = arith.constant 8 : i32
    %and3A_1871 = vector.broadcast %and3A_1870 : i32 to vector<256x128xi32>
    %and3A_1872 = arith.andi %iota3A, %and3A_1871 : vector<256x128xi32>
    %eq3A_1873 = arith.constant 0 : i32
    %eq3A_1874 = vector.broadcast %eq3A_1873 : i32 to vector<256x128xi32>
    %eq3A_1875 = arith.cmpi eq, %and3A_1872, %eq3A_1874 : vector<256x128xi32>
    %gt3A_1876 = arith.cmpi sgt, %select_n3A_1850, %select_n3A_1862 : vector<256x128xi32>
    %eq3A_1877 = arith.cmpi eq, %select_n3A_1850, %select_n3A_1862 : vector<256x128xi32>
    %lt3A_1878 = arith.cmpi slt, %select_n3A_1851, %select_n3A_1867 : vector<256x128xi32>
    %and3A_1879 = arith.andi %eq3A_1877, %lt3A_1878 : vector<256x128xi1>
    %or3A_1880 = arith.ori %gt3A_1876, %and3A_1879 : vector<256x128xi1>
    %eq3A_1881 = arith.xori %eq3A_1875, %not3A_1869 : vector<256x128xi1>
    %eq3A_1882 = arith.constant dense<true> : vector<256x128xi1>
    %eq3A_1883 = arith.xori %eq3A_1881, %eq3A_1882 : vector<256x128xi1>
    %ne3A_1884 = arith.xori %eq3A_1883, %or3A_1880 : vector<256x128xi1>
    %select_n3A_1885 = arith.select %ne3A_1884, %select_n3A_1862, %select_n3A_1850 : vector<256x128xi1>, vector<256x128xi32>
    %select_n3A_1886 = arith.select %ne3A_1884, %select_n3A_1867, %select_n3A_1851 : vector<256x128xi1>, vector<256x128xi32>
    %and3A_1887 = arith.constant 1 : i32
    %and3A_1888 = vector.broadcast %and3A_1887 : i32 to vector<256x128xi32>
    %and3A_1889 = arith.andi %iota3A_5, %and3A_1888 : vector<256x128xi32>
    %ne3A_1890 = arith.constant 0 : i32
    %ne3A_1891 = vector.broadcast %ne3A_1890 : i32 to vector<256x128xi32>
    %ne3A_1892 = arith.cmpi ne, %and3A_1889, %ne3A_1891 : vector<256x128xi32>
    %roll3A_1893 = arith.constant 1 : i32
    %roll3A_1894 = tpu.dynamic_rotate %select_n3A_1885 by %roll3A_1893 dim 1 : vector<256x128xi32>, i32 -> vector<256x128xi32>
    %roll3A_1895 = arith.constant 127 : i32
    %roll3A_1896 = tpu.dynamic_rotate %select_n3A_1885 by %roll3A_1895 dim 1 : vector<256x128xi32>, i32 -> vector<256x128xi32>
    %select_n3A_1897 = arith.select %ne3A_1892, %roll3A_1894, %roll3A_1896 : vector<256x128xi1>, vector<256x128xi32>
    %roll3A_1898 = arith.constant 1 : i32
    %roll3A_1899 = tpu.dynamic_rotate %select_n3A_1886 by %roll3A_1898 dim 1 : vector<256x128xi32>, i32 -> vector<256x128xi32>
    %roll3A_1900 = arith.constant 127 : i32
    %roll3A_1901 = tpu.dynamic_rotate %select_n3A_1886 by %roll3A_1900 dim 1 : vector<256x128xi32>, i32 -> vector<256x128xi32>
    %select_n3A_1902 = arith.select %ne3A_1892, %roll3A_1899, %roll3A_1901 : vector<256x128xi1>, vector<256x128xi32>
    %not3A_1903 = arith.constant dense<true> : vector<256x128xi1>
    %not3A_1904 = arith.xori %ne3A_1892, %not3A_1903 : vector<256x128xi1>
    %and3A_1905 = arith.constant 8 : i32
    %and3A_1906 = vector.broadcast %and3A_1905 : i32 to vector<256x128xi32>
    %and3A_1907 = arith.andi %iota3A, %and3A_1906 : vector<256x128xi32>
    %eq3A_1908 = arith.constant 0 : i32
    %eq3A_1909 = vector.broadcast %eq3A_1908 : i32 to vector<256x128xi32>
    %eq3A_1910 = arith.cmpi eq, %and3A_1907, %eq3A_1909 : vector<256x128xi32>
    %gt3A_1911 = arith.cmpi sgt, %select_n3A_1885, %select_n3A_1897 : vector<256x128xi32>
    %eq3A_1912 = arith.cmpi eq, %select_n3A_1885, %select_n3A_1897 : vector<256x128xi32>
    %lt3A_1913 = arith.cmpi slt, %select_n3A_1886, %select_n3A_1902 : vector<256x128xi32>
    %and3A_1914 = arith.andi %eq3A_1912, %lt3A_1913 : vector<256x128xi1>
    %or3A_1915 = arith.ori %gt3A_1911, %and3A_1914 : vector<256x128xi1>
    %eq3A_1916 = arith.xori %eq3A_1910, %not3A_1904 : vector<256x128xi1>
    %eq3A_1917 = arith.constant dense<true> : vector<256x128xi1>
    %eq3A_1918 = arith.xori %eq3A_1916, %eq3A_1917 : vector<256x128xi1>
    %ne3A_1919 = arith.xori %eq3A_1918, %or3A_1915 : vector<256x128xi1>
    %select_n3A_1920 = arith.select %ne3A_1919, %select_n3A_1897, %select_n3A_1885 : vector<256x128xi1>, vector<256x128xi32>
    %select_n3A_1921 = arith.select %ne3A_1919, %select_n3A_1902, %select_n3A_1886 : vector<256x128xi1>, vector<256x128xi32>
    %and3A_1922 = arith.constant 8 : i32
    %and3A_1923 = vector.broadcast %and3A_1922 : i32 to vector<256x128xi32>
    %and3A_1924 = arith.andi %iota3A, %and3A_1923 : vector<256x128xi32>
    %ne3A_1925 = arith.constant 0 : i32
    %ne3A_1926 = vector.broadcast %ne3A_1925 : i32 to vector<256x128xi32>
    %ne3A_1927 = arith.cmpi ne, %and3A_1924, %ne3A_1926 : vector<256x128xi32>
    %roll3A_1928 = arith.constant 8 : i32
    %roll3A_1929 = tpu.dynamic_rotate %select_n3A_1920 by %roll3A_1928 dim 0 : vector<256x128xi32>, i32 -> vector<256x128xi32>
    %roll3A_1930 = arith.constant 248 : i32
    %roll3A_1931 = tpu.dynamic_rotate %select_n3A_1920 by %roll3A_1930 dim 0 : vector<256x128xi32>, i32 -> vector<256x128xi32>
    %select_n3A_1932 = arith.select %ne3A_1927, %roll3A_1929, %roll3A_1931 : vector<256x128xi1>, vector<256x128xi32>
    %roll3A_1933 = arith.constant 8 : i32
    %roll3A_1934 = tpu.dynamic_rotate %select_n3A_1921 by %roll3A_1933 dim 0 : vector<256x128xi32>, i32 -> vector<256x128xi32>
    %roll3A_1935 = arith.constant 248 : i32
    %roll3A_1936 = tpu.dynamic_rotate %select_n3A_1921 by %roll3A_1935 dim 0 : vector<256x128xi32>, i32 -> vector<256x128xi32>
    %select_n3A_1937 = arith.select %ne3A_1927, %roll3A_1934, %roll3A_1936 : vector<256x128xi1>, vector<256x128xi32>
    %not3A_1938 = arith.constant dense<true> : vector<256x128xi1>
    %not3A_1939 = arith.xori %ne3A_1927, %not3A_1938 : vector<256x128xi1>
    %and3A_1940 = arith.constant 16 : i32
    %and3A_1941 = vector.broadcast %and3A_1940 : i32 to vector<256x128xi32>
    %and3A_1942 = arith.andi %iota3A, %and3A_1941 : vector<256x128xi32>
    %eq3A_1943 = arith.constant 0 : i32
    %eq3A_1944 = vector.broadcast %eq3A_1943 : i32 to vector<256x128xi32>
    %eq3A_1945 = arith.cmpi eq, %and3A_1942, %eq3A_1944 : vector<256x128xi32>
    %gt3A_1946 = arith.cmpi sgt, %select_n3A_1920, %select_n3A_1932 : vector<256x128xi32>
    %eq3A_1947 = arith.cmpi eq, %select_n3A_1920, %select_n3A_1932 : vector<256x128xi32>
    %lt3A_1948 = arith.cmpi slt, %select_n3A_1921, %select_n3A_1937 : vector<256x128xi32>
    %and3A_1949 = arith.andi %eq3A_1947, %lt3A_1948 : vector<256x128xi1>
    %or3A_1950 = arith.ori %gt3A_1946, %and3A_1949 : vector<256x128xi1>
    %eq3A_1951 = arith.xori %eq3A_1945, %not3A_1939 : vector<256x128xi1>
    %eq3A_1952 = arith.constant dense<true> : vector<256x128xi1>
    %eq3A_1953 = arith.xori %eq3A_1951, %eq3A_1952 : vector<256x128xi1>
    %ne3A_1954 = arith.xori %eq3A_1953, %or3A_1950 : vector<256x128xi1>
    %select_n3A_1955 = arith.select %ne3A_1954, %select_n3A_1932, %select_n3A_1920 : vector<256x128xi1>, vector<256x128xi32>
    %select_n3A_1956 = arith.select %ne3A_1954, %select_n3A_1937, %select_n3A_1921 : vector<256x128xi1>, vector<256x128xi32>
    %and3A_1957 = arith.constant 4 : i32
    %and3A_1958 = vector.broadcast %and3A_1957 : i32 to vector<256x128xi32>
    %and3A_1959 = arith.andi %iota3A, %and3A_1958 : vector<256x128xi32>
    %ne3A_1960 = arith.constant 0 : i32
    %ne3A_1961 = vector.broadcast %ne3A_1960 : i32 to vector<256x128xi32>
    %ne3A_1962 = arith.cmpi ne, %and3A_1959, %ne3A_1961 : vector<256x128xi32>
    %roll3A_1963 = arith.constant 4 : i32
    %roll3A_1964 = tpu.dynamic_rotate %select_n3A_1955 by %roll3A_1963 dim 0 : vector<256x128xi32>, i32 -> vector<256x128xi32>
    %roll3A_1965 = arith.constant 252 : i32
    %roll3A_1966 = tpu.dynamic_rotate %select_n3A_1955 by %roll3A_1965 dim 0 : vector<256x128xi32>, i32 -> vector<256x128xi32>
    %select_n3A_1967 = arith.select %ne3A_1962, %roll3A_1964, %roll3A_1966 : vector<256x128xi1>, vector<256x128xi32>
    %roll3A_1968 = arith.constant 4 : i32
    %roll3A_1969 = tpu.dynamic_rotate %select_n3A_1956 by %roll3A_1968 dim 0 : vector<256x128xi32>, i32 -> vector<256x128xi32>
    %roll3A_1970 = arith.constant 252 : i32
    %roll3A_1971 = tpu.dynamic_rotate %select_n3A_1956 by %roll3A_1970 dim 0 : vector<256x128xi32>, i32 -> vector<256x128xi32>
    %select_n3A_1972 = arith.select %ne3A_1962, %roll3A_1969, %roll3A_1971 : vector<256x128xi1>, vector<256x128xi32>
    %not3A_1973 = arith.constant dense<true> : vector<256x128xi1>
    %not3A_1974 = arith.xori %ne3A_1962, %not3A_1973 : vector<256x128xi1>
    %and3A_1975 = arith.constant 16 : i32
    %and3A_1976 = vector.broadcast %and3A_1975 : i32 to vector<256x128xi32>
    %and3A_1977 = arith.andi %iota3A, %and3A_1976 : vector<256x128xi32>
    %eq3A_1978 = arith.constant 0 : i32
    %eq3A_1979 = vector.broadcast %eq3A_1978 : i32 to vector<256x128xi32>
    %eq3A_1980 = arith.cmpi eq, %and3A_1977, %eq3A_1979 : vector<256x128xi32>
    %gt3A_1981 = arith.cmpi sgt, %select_n3A_1955, %select_n3A_1967 : vector<256x128xi32>
    %eq3A_1982 = arith.cmpi eq, %select_n3A_1955, %select_n3A_1967 : vector<256x128xi32>
    %lt3A_1983 = arith.cmpi slt, %select_n3A_1956, %select_n3A_1972 : vector<256x128xi32>
    %and3A_1984 = arith.andi %eq3A_1982, %lt3A_1983 : vector<256x128xi1>
    %or3A_1985 = arith.ori %gt3A_1981, %and3A_1984 : vector<256x128xi1>
    %eq3A_1986 = arith.xori %eq3A_1980, %not3A_1974 : vector<256x128xi1>
    %eq3A_1987 = arith.constant dense<true> : vector<256x128xi1>
    %eq3A_1988 = arith.xori %eq3A_1986, %eq3A_1987 : vector<256x128xi1>
    %ne3A_1989 = arith.xori %eq3A_1988, %or3A_1985 : vector<256x128xi1>
    %select_n3A_1990 = arith.select %ne3A_1989, %select_n3A_1967, %select_n3A_1955 : vector<256x128xi1>, vector<256x128xi32>
    %select_n3A_1991 = arith.select %ne3A_1989, %select_n3A_1972, %select_n3A_1956 : vector<256x128xi1>, vector<256x128xi32>
    %and3A_1992 = arith.constant 2 : i32
    %and3A_1993 = vector.broadcast %and3A_1992 : i32 to vector<256x128xi32>
    %and3A_1994 = arith.andi %iota3A, %and3A_1993 : vector<256x128xi32>
    %ne3A_1995 = arith.constant 0 : i32
    %ne3A_1996 = vector.broadcast %ne3A_1995 : i32 to vector<256x128xi32>
    %ne3A_1997 = arith.cmpi ne, %and3A_1994, %ne3A_1996 : vector<256x128xi32>
    %roll3A_1998 = arith.constant 2 : i32
    %roll3A_1999 = tpu.dynamic_rotate %select_n3A_1990 by %roll3A_1998 dim 0 : vector<256x128xi32>, i32 -> vector<256x128xi32>
    %roll3A_2000 = arith.constant 254 : i32
    %roll3A_2001 = tpu.dynamic_rotate %select_n3A_1990 by %roll3A_2000 dim 0 : vector<256x128xi32>, i32 -> vector<256x128xi32>
    %select_n3A_2002 = arith.select %ne3A_1997, %roll3A_1999, %roll3A_2001 : vector<256x128xi1>, vector<256x128xi32>
    %roll3A_2003 = arith.constant 2 : i32
    %roll3A_2004 = tpu.dynamic_rotate %select_n3A_1991 by %roll3A_2003 dim 0 : vector<256x128xi32>, i32 -> vector<256x128xi32>
    %roll3A_2005 = arith.constant 254 : i32
    %roll3A_2006 = tpu.dynamic_rotate %select_n3A_1991 by %roll3A_2005 dim 0 : vector<256x128xi32>, i32 -> vector<256x128xi32>
    %select_n3A_2007 = arith.select %ne3A_1997, %roll3A_2004, %roll3A_2006 : vector<256x128xi1>, vector<256x128xi32>
    %not3A_2008 = arith.constant dense<true> : vector<256x128xi1>
    %not3A_2009 = arith.xori %ne3A_1997, %not3A_2008 : vector<256x128xi1>
    %and3A_2010 = arith.constant 16 : i32
    %and3A_2011 = vector.broadcast %and3A_2010 : i32 to vector<256x128xi32>
    %and3A_2012 = arith.andi %iota3A, %and3A_2011 : vector<256x128xi32>
    %eq3A_2013 = arith.constant 0 : i32
    %eq3A_2014 = vector.broadcast %eq3A_2013 : i32 to vector<256x128xi32>
    %eq3A_2015 = arith.cmpi eq, %and3A_2012, %eq3A_2014 : vector<256x128xi32>
    %gt3A_2016 = arith.cmpi sgt, %select_n3A_1990, %select_n3A_2002 : vector<256x128xi32>
    %eq3A_2017 = arith.cmpi eq, %select_n3A_1990, %select_n3A_2002 : vector<256x128xi32>
    %lt3A_2018 = arith.cmpi slt, %select_n3A_1991, %select_n3A_2007 : vector<256x128xi32>
    %and3A_2019 = arith.andi %eq3A_2017, %lt3A_2018 : vector<256x128xi1>
    %or3A_2020 = arith.ori %gt3A_2016, %and3A_2019 : vector<256x128xi1>
    %eq3A_2021 = arith.xori %eq3A_2015, %not3A_2009 : vector<256x128xi1>
    %eq3A_2022 = arith.constant dense<true> : vector<256x128xi1>
    %eq3A_2023 = arith.xori %eq3A_2021, %eq3A_2022 : vector<256x128xi1>
    %ne3A_2024 = arith.xori %eq3A_2023, %or3A_2020 : vector<256x128xi1>
    %select_n3A_2025 = arith.select %ne3A_2024, %select_n3A_2002, %select_n3A_1990 : vector<256x128xi1>, vector<256x128xi32>
    %select_n3A_2026 = arith.select %ne3A_2024, %select_n3A_2007, %select_n3A_1991 : vector<256x128xi1>, vector<256x128xi32>
    %and3A_2027 = arith.constant 1 : i32
    %and3A_2028 = vector.broadcast %and3A_2027 : i32 to vector<256x128xi32>
    %and3A_2029 = arith.andi %iota3A, %and3A_2028 : vector<256x128xi32>
    %ne3A_2030 = arith.constant 0 : i32
    %ne3A_2031 = vector.broadcast %ne3A_2030 : i32 to vector<256x128xi32>
    %ne3A_2032 = arith.cmpi ne, %and3A_2029, %ne3A_2031 : vector<256x128xi32>
    %roll3A_2033 = arith.constant 1 : i32
    %roll3A_2034 = tpu.dynamic_rotate %select_n3A_2025 by %roll3A_2033 dim 0 : vector<256x128xi32>, i32 -> vector<256x128xi32>
    %roll3A_2035 = arith.constant 255 : i32
    %roll3A_2036 = tpu.dynamic_rotate %select_n3A_2025 by %roll3A_2035 dim 0 : vector<256x128xi32>, i32 -> vector<256x128xi32>
    %select_n3A_2037 = arith.select %ne3A_2032, %roll3A_2034, %roll3A_2036 : vector<256x128xi1>, vector<256x128xi32>
    %roll3A_2038 = arith.constant 1 : i32
    %roll3A_2039 = tpu.dynamic_rotate %select_n3A_2026 by %roll3A_2038 dim 0 : vector<256x128xi32>, i32 -> vector<256x128xi32>
    %roll3A_2040 = arith.constant 255 : i32
    %roll3A_2041 = tpu.dynamic_rotate %select_n3A_2026 by %roll3A_2040 dim 0 : vector<256x128xi32>, i32 -> vector<256x128xi32>
    %select_n3A_2042 = arith.select %ne3A_2032, %roll3A_2039, %roll3A_2041 : vector<256x128xi1>, vector<256x128xi32>
    %not3A_2043 = arith.constant dense<true> : vector<256x128xi1>
    %not3A_2044 = arith.xori %ne3A_2032, %not3A_2043 : vector<256x128xi1>
    %and3A_2045 = arith.constant 16 : i32
    %and3A_2046 = vector.broadcast %and3A_2045 : i32 to vector<256x128xi32>
    %and3A_2047 = arith.andi %iota3A, %and3A_2046 : vector<256x128xi32>
    %eq3A_2048 = arith.constant 0 : i32
    %eq3A_2049 = vector.broadcast %eq3A_2048 : i32 to vector<256x128xi32>
    %eq3A_2050 = arith.cmpi eq, %and3A_2047, %eq3A_2049 : vector<256x128xi32>
    %gt3A_2051 = arith.cmpi sgt, %select_n3A_2025, %select_n3A_2037 : vector<256x128xi32>
    %eq3A_2052 = arith.cmpi eq, %select_n3A_2025, %select_n3A_2037 : vector<256x128xi32>
    %lt3A_2053 = arith.cmpi slt, %select_n3A_2026, %select_n3A_2042 : vector<256x128xi32>
    %and3A_2054 = arith.andi %eq3A_2052, %lt3A_2053 : vector<256x128xi1>
    %or3A_2055 = arith.ori %gt3A_2051, %and3A_2054 : vector<256x128xi1>
    %eq3A_2056 = arith.xori %eq3A_2050, %not3A_2044 : vector<256x128xi1>
    %eq3A_2057 = arith.constant dense<true> : vector<256x128xi1>
    %eq3A_2058 = arith.xori %eq3A_2056, %eq3A_2057 : vector<256x128xi1>
    %ne3A_2059 = arith.xori %eq3A_2058, %or3A_2055 : vector<256x128xi1>
    %select_n3A_2060 = arith.select %ne3A_2059, %select_n3A_2037, %select_n3A_2025 : vector<256x128xi1>, vector<256x128xi32>
    %select_n3A_2061 = arith.select %ne3A_2059, %select_n3A_2042, %select_n3A_2026 : vector<256x128xi1>, vector<256x128xi32>
    %and3A_2062 = arith.constant 64 : i32
    %and3A_2063 = vector.broadcast %and3A_2062 : i32 to vector<256x128xi32>
    %and3A_2064 = arith.andi %iota3A_5, %and3A_2063 : vector<256x128xi32>
    %ne3A_2065 = arith.constant 0 : i32
    %ne3A_2066 = vector.broadcast %ne3A_2065 : i32 to vector<256x128xi32>
    %ne3A_2067 = arith.cmpi ne, %and3A_2064, %ne3A_2066 : vector<256x128xi32>
    %roll3A_2068 = arith.constant 64 : i32
    %roll3A_2069 = tpu.dynamic_rotate %select_n3A_2060 by %roll3A_2068 dim 1 : vector<256x128xi32>, i32 -> vector<256x128xi32>
    %roll3A_2070 = arith.constant 64 : i32
    %roll3A_2071 = tpu.dynamic_rotate %select_n3A_2060 by %roll3A_2070 dim 1 : vector<256x128xi32>, i32 -> vector<256x128xi32>
    %select_n3A_2072 = arith.select %ne3A_2067, %roll3A_2069, %roll3A_2071 : vector<256x128xi1>, vector<256x128xi32>
    %roll3A_2073 = arith.constant 64 : i32
    %roll3A_2074 = tpu.dynamic_rotate %select_n3A_2061 by %roll3A_2073 dim 1 : vector<256x128xi32>, i32 -> vector<256x128xi32>
    %roll3A_2075 = arith.constant 64 : i32
    %roll3A_2076 = tpu.dynamic_rotate %select_n3A_2061 by %roll3A_2075 dim 1 : vector<256x128xi32>, i32 -> vector<256x128xi32>
    %select_n3A_2077 = arith.select %ne3A_2067, %roll3A_2074, %roll3A_2076 : vector<256x128xi1>, vector<256x128xi32>
    %not3A_2078 = arith.constant dense<true> : vector<256x128xi1>
    %not3A_2079 = arith.xori %ne3A_2067, %not3A_2078 : vector<256x128xi1>
    %and3A_2080 = arith.constant 16 : i32
    %and3A_2081 = vector.broadcast %and3A_2080 : i32 to vector<256x128xi32>
    %and3A_2082 = arith.andi %iota3A, %and3A_2081 : vector<256x128xi32>
    %eq3A_2083 = arith.constant 0 : i32
    %eq3A_2084 = vector.broadcast %eq3A_2083 : i32 to vector<256x128xi32>
    %eq3A_2085 = arith.cmpi eq, %and3A_2082, %eq3A_2084 : vector<256x128xi32>
    %gt3A_2086 = arith.cmpi sgt, %select_n3A_2060, %select_n3A_2072 : vector<256x128xi32>
    %eq3A_2087 = arith.cmpi eq, %select_n3A_2060, %select_n3A_2072 : vector<256x128xi32>
    %lt3A_2088 = arith.cmpi slt, %select_n3A_2061, %select_n3A_2077 : vector<256x128xi32>
    %and3A_2089 = arith.andi %eq3A_2087, %lt3A_2088 : vector<256x128xi1>
    %or3A_2090 = arith.ori %gt3A_2086, %and3A_2089 : vector<256x128xi1>
    %eq3A_2091 = arith.xori %eq3A_2085, %not3A_2079 : vector<256x128xi1>
    %eq3A_2092 = arith.constant dense<true> : vector<256x128xi1>
    %eq3A_2093 = arith.xori %eq3A_2091, %eq3A_2092 : vector<256x128xi1>
    %ne3A_2094 = arith.xori %eq3A_2093, %or3A_2090 : vector<256x128xi1>
    %select_n3A_2095 = arith.select %ne3A_2094, %select_n3A_2072, %select_n3A_2060 : vector<256x128xi1>, vector<256x128xi32>
    %select_n3A_2096 = arith.select %ne3A_2094, %select_n3A_2077, %select_n3A_2061 : vector<256x128xi1>, vector<256x128xi32>
    %and3A_2097 = arith.constant 32 : i32
    %and3A_2098 = vector.broadcast %and3A_2097 : i32 to vector<256x128xi32>
    %and3A_2099 = arith.andi %iota3A_5, %and3A_2098 : vector<256x128xi32>
    %ne3A_2100 = arith.constant 0 : i32
    %ne3A_2101 = vector.broadcast %ne3A_2100 : i32 to vector<256x128xi32>
    %ne3A_2102 = arith.cmpi ne, %and3A_2099, %ne3A_2101 : vector<256x128xi32>
    %roll3A_2103 = arith.constant 32 : i32
    %roll3A_2104 = tpu.dynamic_rotate %select_n3A_2095 by %roll3A_2103 dim 1 : vector<256x128xi32>, i32 -> vector<256x128xi32>
    %roll3A_2105 = arith.constant 96 : i32
    %roll3A_2106 = tpu.dynamic_rotate %select_n3A_2095 by %roll3A_2105 dim 1 : vector<256x128xi32>, i32 -> vector<256x128xi32>
    %select_n3A_2107 = arith.select %ne3A_2102, %roll3A_2104, %roll3A_2106 : vector<256x128xi1>, vector<256x128xi32>
    %roll3A_2108 = arith.constant 32 : i32
    %roll3A_2109 = tpu.dynamic_rotate %select_n3A_2096 by %roll3A_2108 dim 1 : vector<256x128xi32>, i32 -> vector<256x128xi32>
    %roll3A_2110 = arith.constant 96 : i32
    %roll3A_2111 = tpu.dynamic_rotate %select_n3A_2096 by %roll3A_2110 dim 1 : vector<256x128xi32>, i32 -> vector<256x128xi32>
    %select_n3A_2112 = arith.select %ne3A_2102, %roll3A_2109, %roll3A_2111 : vector<256x128xi1>, vector<256x128xi32>
    %not3A_2113 = arith.constant dense<true> : vector<256x128xi1>
    %not3A_2114 = arith.xori %ne3A_2102, %not3A_2113 : vector<256x128xi1>
    %and3A_2115 = arith.constant 16 : i32
    %and3A_2116 = vector.broadcast %and3A_2115 : i32 to vector<256x128xi32>
    %and3A_2117 = arith.andi %iota3A, %and3A_2116 : vector<256x128xi32>
    %eq3A_2118 = arith.constant 0 : i32
    %eq3A_2119 = vector.broadcast %eq3A_2118 : i32 to vector<256x128xi32>
    %eq3A_2120 = arith.cmpi eq, %and3A_2117, %eq3A_2119 : vector<256x128xi32>
    %gt3A_2121 = arith.cmpi sgt, %select_n3A_2095, %select_n3A_2107 : vector<256x128xi32>
    %eq3A_2122 = arith.cmpi eq, %select_n3A_2095, %select_n3A_2107 : vector<256x128xi32>
    %lt3A_2123 = arith.cmpi slt, %select_n3A_2096, %select_n3A_2112 : vector<256x128xi32>
    %and3A_2124 = arith.andi %eq3A_2122, %lt3A_2123 : vector<256x128xi1>
    %or3A_2125 = arith.ori %gt3A_2121, %and3A_2124 : vector<256x128xi1>
    %eq3A_2126 = arith.xori %eq3A_2120, %not3A_2114 : vector<256x128xi1>
    %eq3A_2127 = arith.constant dense<true> : vector<256x128xi1>
    %eq3A_2128 = arith.xori %eq3A_2126, %eq3A_2127 : vector<256x128xi1>
    %ne3A_2129 = arith.xori %eq3A_2128, %or3A_2125 : vector<256x128xi1>
    %select_n3A_2130 = arith.select %ne3A_2129, %select_n3A_2107, %select_n3A_2095 : vector<256x128xi1>, vector<256x128xi32>
    %select_n3A_2131 = arith.select %ne3A_2129, %select_n3A_2112, %select_n3A_2096 : vector<256x128xi1>, vector<256x128xi32>
    %and3A_2132 = arith.constant 16 : i32
    %and3A_2133 = vector.broadcast %and3A_2132 : i32 to vector<256x128xi32>
    %and3A_2134 = arith.andi %iota3A_5, %and3A_2133 : vector<256x128xi32>
    %ne3A_2135 = arith.constant 0 : i32
    %ne3A_2136 = vector.broadcast %ne3A_2135 : i32 to vector<256x128xi32>
    %ne3A_2137 = arith.cmpi ne, %and3A_2134, %ne3A_2136 : vector<256x128xi32>
    %roll3A_2138 = arith.constant 16 : i32
    %roll3A_2139 = tpu.dynamic_rotate %select_n3A_2130 by %roll3A_2138 dim 1 : vector<256x128xi32>, i32 -> vector<256x128xi32>
    %roll3A_2140 = arith.constant 112 : i32
    %roll3A_2141 = tpu.dynamic_rotate %select_n3A_2130 by %roll3A_2140 dim 1 : vector<256x128xi32>, i32 -> vector<256x128xi32>
    %select_n3A_2142 = arith.select %ne3A_2137, %roll3A_2139, %roll3A_2141 : vector<256x128xi1>, vector<256x128xi32>
    %roll3A_2143 = arith.constant 16 : i32
    %roll3A_2144 = tpu.dynamic_rotate %select_n3A_2131 by %roll3A_2143 dim 1 : vector<256x128xi32>, i32 -> vector<256x128xi32>
    %roll3A_2145 = arith.constant 112 : i32
    %roll3A_2146 = tpu.dynamic_rotate %select_n3A_2131 by %roll3A_2145 dim 1 : vector<256x128xi32>, i32 -> vector<256x128xi32>
    %select_n3A_2147 = arith.select %ne3A_2137, %roll3A_2144, %roll3A_2146 : vector<256x128xi1>, vector<256x128xi32>
    %not3A_2148 = arith.constant dense<true> : vector<256x128xi1>
    %not3A_2149 = arith.xori %ne3A_2137, %not3A_2148 : vector<256x128xi1>
    %and3A_2150 = arith.constant 16 : i32
    %and3A_2151 = vector.broadcast %and3A_2150 : i32 to vector<256x128xi32>
    %and3A_2152 = arith.andi %iota3A, %and3A_2151 : vector<256x128xi32>
    %eq3A_2153 = arith.constant 0 : i32
    %eq3A_2154 = vector.broadcast %eq3A_2153 : i32 to vector<256x128xi32>
    %eq3A_2155 = arith.cmpi eq, %and3A_2152, %eq3A_2154 : vector<256x128xi32>
    %gt3A_2156 = arith.cmpi sgt, %select_n3A_2130, %select_n3A_2142 : vector<256x128xi32>
    %eq3A_2157 = arith.cmpi eq, %select_n3A_2130, %select_n3A_2142 : vector<256x128xi32>
    %lt3A_2158 = arith.cmpi slt, %select_n3A_2131, %select_n3A_2147 : vector<256x128xi32>
    %and3A_2159 = arith.andi %eq3A_2157, %lt3A_2158 : vector<256x128xi1>
    %or3A_2160 = arith.ori %gt3A_2156, %and3A_2159 : vector<256x128xi1>
    %eq3A_2161 = arith.xori %eq3A_2155, %not3A_2149 : vector<256x128xi1>
    %eq3A_2162 = arith.constant dense<true> : vector<256x128xi1>
    %eq3A_2163 = arith.xori %eq3A_2161, %eq3A_2162 : vector<256x128xi1>
    %ne3A_2164 = arith.xori %eq3A_2163, %or3A_2160 : vector<256x128xi1>
    %select_n3A_2165 = arith.select %ne3A_2164, %select_n3A_2142, %select_n3A_2130 : vector<256x128xi1>, vector<256x128xi32>
    %select_n3A_2166 = arith.select %ne3A_2164, %select_n3A_2147, %select_n3A_2131 : vector<256x128xi1>, vector<256x128xi32>
    %and3A_2167 = arith.constant 8 : i32
    %and3A_2168 = vector.broadcast %and3A_2167 : i32 to vector<256x128xi32>
    %and3A_2169 = arith.andi %iota3A_5, %and3A_2168 : vector<256x128xi32>
    %ne3A_2170 = arith.constant 0 : i32
    %ne3A_2171 = vector.broadcast %ne3A_2170 : i32 to vector<256x128xi32>
    %ne3A_2172 = arith.cmpi ne, %and3A_2169, %ne3A_2171 : vector<256x128xi32>
    %roll3A_2173 = arith.constant 8 : i32
    %roll3A_2174 = tpu.dynamic_rotate %select_n3A_2165 by %roll3A_2173 dim 1 : vector<256x128xi32>, i32 -> vector<256x128xi32>
    %roll3A_2175 = arith.constant 120 : i32
    %roll3A_2176 = tpu.dynamic_rotate %select_n3A_2165 by %roll3A_2175 dim 1 : vector<256x128xi32>, i32 -> vector<256x128xi32>
    %select_n3A_2177 = arith.select %ne3A_2172, %roll3A_2174, %roll3A_2176 : vector<256x128xi1>, vector<256x128xi32>
    %roll3A_2178 = arith.constant 8 : i32
    %roll3A_2179 = tpu.dynamic_rotate %select_n3A_2166 by %roll3A_2178 dim 1 : vector<256x128xi32>, i32 -> vector<256x128xi32>
    %roll3A_2180 = arith.constant 120 : i32
    %roll3A_2181 = tpu.dynamic_rotate %select_n3A_2166 by %roll3A_2180 dim 1 : vector<256x128xi32>, i32 -> vector<256x128xi32>
    %select_n3A_2182 = arith.select %ne3A_2172, %roll3A_2179, %roll3A_2181 : vector<256x128xi1>, vector<256x128xi32>
    %not3A_2183 = arith.constant dense<true> : vector<256x128xi1>
    %not3A_2184 = arith.xori %ne3A_2172, %not3A_2183 : vector<256x128xi1>
    %and3A_2185 = arith.constant 16 : i32
    %and3A_2186 = vector.broadcast %and3A_2185 : i32 to vector<256x128xi32>
    %and3A_2187 = arith.andi %iota3A, %and3A_2186 : vector<256x128xi32>
    %eq3A_2188 = arith.constant 0 : i32
    %eq3A_2189 = vector.broadcast %eq3A_2188 : i32 to vector<256x128xi32>
    %eq3A_2190 = arith.cmpi eq, %and3A_2187, %eq3A_2189 : vector<256x128xi32>
    %gt3A_2191 = arith.cmpi sgt, %select_n3A_2165, %select_n3A_2177 : vector<256x128xi32>
    %eq3A_2192 = arith.cmpi eq, %select_n3A_2165, %select_n3A_2177 : vector<256x128xi32>
    %lt3A_2193 = arith.cmpi slt, %select_n3A_2166, %select_n3A_2182 : vector<256x128xi32>
    %and3A_2194 = arith.andi %eq3A_2192, %lt3A_2193 : vector<256x128xi1>
    %or3A_2195 = arith.ori %gt3A_2191, %and3A_2194 : vector<256x128xi1>
    %eq3A_2196 = arith.xori %eq3A_2190, %not3A_2184 : vector<256x128xi1>
    %eq3A_2197 = arith.constant dense<true> : vector<256x128xi1>
    %eq3A_2198 = arith.xori %eq3A_2196, %eq3A_2197 : vector<256x128xi1>
    %ne3A_2199 = arith.xori %eq3A_2198, %or3A_2195 : vector<256x128xi1>
    %select_n3A_2200 = arith.select %ne3A_2199, %select_n3A_2177, %select_n3A_2165 : vector<256x128xi1>, vector<256x128xi32>
    %select_n3A_2201 = arith.select %ne3A_2199, %select_n3A_2182, %select_n3A_2166 : vector<256x128xi1>, vector<256x128xi32>
    %and3A_2202 = arith.constant 4 : i32
    %and3A_2203 = vector.broadcast %and3A_2202 : i32 to vector<256x128xi32>
    %and3A_2204 = arith.andi %iota3A_5, %and3A_2203 : vector<256x128xi32>
    %ne3A_2205 = arith.constant 0 : i32
    %ne3A_2206 = vector.broadcast %ne3A_2205 : i32 to vector<256x128xi32>
    %ne3A_2207 = arith.cmpi ne, %and3A_2204, %ne3A_2206 : vector<256x128xi32>
    %roll3A_2208 = arith.constant 4 : i32
    %roll3A_2209 = tpu.dynamic_rotate %select_n3A_2200 by %roll3A_2208 dim 1 : vector<256x128xi32>, i32 -> vector<256x128xi32>
    %roll3A_2210 = arith.constant 124 : i32
    %roll3A_2211 = tpu.dynamic_rotate %select_n3A_2200 by %roll3A_2210 dim 1 : vector<256x128xi32>, i32 -> vector<256x128xi32>
    %select_n3A_2212 = arith.select %ne3A_2207, %roll3A_2209, %roll3A_2211 : vector<256x128xi1>, vector<256x128xi32>
    %roll3A_2213 = arith.constant 4 : i32
    %roll3A_2214 = tpu.dynamic_rotate %select_n3A_2201 by %roll3A_2213 dim 1 : vector<256x128xi32>, i32 -> vector<256x128xi32>
    %roll3A_2215 = arith.constant 124 : i32
    %roll3A_2216 = tpu.dynamic_rotate %select_n3A_2201 by %roll3A_2215 dim 1 : vector<256x128xi32>, i32 -> vector<256x128xi32>
    %select_n3A_2217 = arith.select %ne3A_2207, %roll3A_2214, %roll3A_2216 : vector<256x128xi1>, vector<256x128xi32>
    %not3A_2218 = arith.constant dense<true> : vector<256x128xi1>
    %not3A_2219 = arith.xori %ne3A_2207, %not3A_2218 : vector<256x128xi1>
    %and3A_2220 = arith.constant 16 : i32
    %and3A_2221 = vector.broadcast %and3A_2220 : i32 to vector<256x128xi32>
    %and3A_2222 = arith.andi %iota3A, %and3A_2221 : vector<256x128xi32>
    %eq3A_2223 = arith.constant 0 : i32
    %eq3A_2224 = vector.broadcast %eq3A_2223 : i32 to vector<256x128xi32>
    %eq3A_2225 = arith.cmpi eq, %and3A_2222, %eq3A_2224 : vector<256x128xi32>
    %gt3A_2226 = arith.cmpi sgt, %select_n3A_2200, %select_n3A_2212 : vector<256x128xi32>
    %eq3A_2227 = arith.cmpi eq, %select_n3A_2200, %select_n3A_2212 : vector<256x128xi32>
    %lt3A_2228 = arith.cmpi slt, %select_n3A_2201, %select_n3A_2217 : vector<256x128xi32>
    %and3A_2229 = arith.andi %eq3A_2227, %lt3A_2228 : vector<256x128xi1>
    %or3A_2230 = arith.ori %gt3A_2226, %and3A_2229 : vector<256x128xi1>
    %eq3A_2231 = arith.xori %eq3A_2225, %not3A_2219 : vector<256x128xi1>
    %eq3A_2232 = arith.constant dense<true> : vector<256x128xi1>
    %eq3A_2233 = arith.xori %eq3A_2231, %eq3A_2232 : vector<256x128xi1>
    %ne3A_2234 = arith.xori %eq3A_2233, %or3A_2230 : vector<256x128xi1>
    %select_n3A_2235 = arith.select %ne3A_2234, %select_n3A_2212, %select_n3A_2200 : vector<256x128xi1>, vector<256x128xi32>
    %select_n3A_2236 = arith.select %ne3A_2234, %select_n3A_2217, %select_n3A_2201 : vector<256x128xi1>, vector<256x128xi32>
    %and3A_2237 = arith.constant 2 : i32
    %and3A_2238 = vector.broadcast %and3A_2237 : i32 to vector<256x128xi32>
    %and3A_2239 = arith.andi %iota3A_5, %and3A_2238 : vector<256x128xi32>
    %ne3A_2240 = arith.constant 0 : i32
    %ne3A_2241 = vector.broadcast %ne3A_2240 : i32 to vector<256x128xi32>
    %ne3A_2242 = arith.cmpi ne, %and3A_2239, %ne3A_2241 : vector<256x128xi32>
    %roll3A_2243 = arith.constant 2 : i32
    %roll3A_2244 = tpu.dynamic_rotate %select_n3A_2235 by %roll3A_2243 dim 1 : vector<256x128xi32>, i32 -> vector<256x128xi32>
    %roll3A_2245 = arith.constant 126 : i32
    %roll3A_2246 = tpu.dynamic_rotate %select_n3A_2235 by %roll3A_2245 dim 1 : vector<256x128xi32>, i32 -> vector<256x128xi32>
    %select_n3A_2247 = arith.select %ne3A_2242, %roll3A_2244, %roll3A_2246 : vector<256x128xi1>, vector<256x128xi32>
    %roll3A_2248 = arith.constant 2 : i32
    %roll3A_2249 = tpu.dynamic_rotate %select_n3A_2236 by %roll3A_2248 dim 1 : vector<256x128xi32>, i32 -> vector<256x128xi32>
    %roll3A_2250 = arith.constant 126 : i32
    %roll3A_2251 = tpu.dynamic_rotate %select_n3A_2236 by %roll3A_2250 dim 1 : vector<256x128xi32>, i32 -> vector<256x128xi32>
    %select_n3A_2252 = arith.select %ne3A_2242, %roll3A_2249, %roll3A_2251 : vector<256x128xi1>, vector<256x128xi32>
    %not3A_2253 = arith.constant dense<true> : vector<256x128xi1>
    %not3A_2254 = arith.xori %ne3A_2242, %not3A_2253 : vector<256x128xi1>
    %and3A_2255 = arith.constant 16 : i32
    %and3A_2256 = vector.broadcast %and3A_2255 : i32 to vector<256x128xi32>
    %and3A_2257 = arith.andi %iota3A, %and3A_2256 : vector<256x128xi32>
    %eq3A_2258 = arith.constant 0 : i32
    %eq3A_2259 = vector.broadcast %eq3A_2258 : i32 to vector<256x128xi32>
    %eq3A_2260 = arith.cmpi eq, %and3A_2257, %eq3A_2259 : vector<256x128xi32>
    %gt3A_2261 = arith.cmpi sgt, %select_n3A_2235, %select_n3A_2247 : vector<256x128xi32>
    %eq3A_2262 = arith.cmpi eq, %select_n3A_2235, %select_n3A_2247 : vector<256x128xi32>
    %lt3A_2263 = arith.cmpi slt, %select_n3A_2236, %select_n3A_2252 : vector<256x128xi32>
    %and3A_2264 = arith.andi %eq3A_2262, %lt3A_2263 : vector<256x128xi1>
    %or3A_2265 = arith.ori %gt3A_2261, %and3A_2264 : vector<256x128xi1>
    %eq3A_2266 = arith.xori %eq3A_2260, %not3A_2254 : vector<256x128xi1>
    %eq3A_2267 = arith.constant dense<true> : vector<256x128xi1>
    %eq3A_2268 = arith.xori %eq3A_2266, %eq3A_2267 : vector<256x128xi1>
    %ne3A_2269 = arith.xori %eq3A_2268, %or3A_2265 : vector<256x128xi1>
    %select_n3A_2270 = arith.select %ne3A_2269, %select_n3A_2247, %select_n3A_2235 : vector<256x128xi1>, vector<256x128xi32>
    %select_n3A_2271 = arith.select %ne3A_2269, %select_n3A_2252, %select_n3A_2236 : vector<256x128xi1>, vector<256x128xi32>
    %and3A_2272 = arith.constant 1 : i32
    %and3A_2273 = vector.broadcast %and3A_2272 : i32 to vector<256x128xi32>
    %and3A_2274 = arith.andi %iota3A_5, %and3A_2273 : vector<256x128xi32>
    %ne3A_2275 = arith.constant 0 : i32
    %ne3A_2276 = vector.broadcast %ne3A_2275 : i32 to vector<256x128xi32>
    %ne3A_2277 = arith.cmpi ne, %and3A_2274, %ne3A_2276 : vector<256x128xi32>
    %roll3A_2278 = arith.constant 1 : i32
    %roll3A_2279 = tpu.dynamic_rotate %select_n3A_2270 by %roll3A_2278 dim 1 : vector<256x128xi32>, i32 -> vector<256x128xi32>
    %roll3A_2280 = arith.constant 127 : i32
    %roll3A_2281 = tpu.dynamic_rotate %select_n3A_2270 by %roll3A_2280 dim 1 : vector<256x128xi32>, i32 -> vector<256x128xi32>
    %select_n3A_2282 = arith.select %ne3A_2277, %roll3A_2279, %roll3A_2281 : vector<256x128xi1>, vector<256x128xi32>
    %roll3A_2283 = arith.constant 1 : i32
    %roll3A_2284 = tpu.dynamic_rotate %select_n3A_2271 by %roll3A_2283 dim 1 : vector<256x128xi32>, i32 -> vector<256x128xi32>
    %roll3A_2285 = arith.constant 127 : i32
    %roll3A_2286 = tpu.dynamic_rotate %select_n3A_2271 by %roll3A_2285 dim 1 : vector<256x128xi32>, i32 -> vector<256x128xi32>
    %select_n3A_2287 = arith.select %ne3A_2277, %roll3A_2284, %roll3A_2286 : vector<256x128xi1>, vector<256x128xi32>
    %not3A_2288 = arith.constant dense<true> : vector<256x128xi1>
    %not3A_2289 = arith.xori %ne3A_2277, %not3A_2288 : vector<256x128xi1>
    %and3A_2290 = arith.constant 16 : i32
    %and3A_2291 = vector.broadcast %and3A_2290 : i32 to vector<256x128xi32>
    %and3A_2292 = arith.andi %iota3A, %and3A_2291 : vector<256x128xi32>
    %eq3A_2293 = arith.constant 0 : i32
    %eq3A_2294 = vector.broadcast %eq3A_2293 : i32 to vector<256x128xi32>
    %eq3A_2295 = arith.cmpi eq, %and3A_2292, %eq3A_2294 : vector<256x128xi32>
    %gt3A_2296 = arith.cmpi sgt, %select_n3A_2270, %select_n3A_2282 : vector<256x128xi32>
    %eq3A_2297 = arith.cmpi eq, %select_n3A_2270, %select_n3A_2282 : vector<256x128xi32>
    %lt3A_2298 = arith.cmpi slt, %select_n3A_2271, %select_n3A_2287 : vector<256x128xi32>
    %and3A_2299 = arith.andi %eq3A_2297, %lt3A_2298 : vector<256x128xi1>
    %or3A_2300 = arith.ori %gt3A_2296, %and3A_2299 : vector<256x128xi1>
    %eq3A_2301 = arith.xori %eq3A_2295, %not3A_2289 : vector<256x128xi1>
    %eq3A_2302 = arith.constant dense<true> : vector<256x128xi1>
    %eq3A_2303 = arith.xori %eq3A_2301, %eq3A_2302 : vector<256x128xi1>
    %ne3A_2304 = arith.xori %eq3A_2303, %or3A_2300 : vector<256x128xi1>
    %select_n3A_2305 = arith.select %ne3A_2304, %select_n3A_2282, %select_n3A_2270 : vector<256x128xi1>, vector<256x128xi32>
    %select_n3A_2306 = arith.select %ne3A_2304, %select_n3A_2287, %select_n3A_2271 : vector<256x128xi1>, vector<256x128xi32>
    %and3A_2307 = arith.constant 16 : i32
    %and3A_2308 = vector.broadcast %and3A_2307 : i32 to vector<256x128xi32>
    %and3A_2309 = arith.andi %iota3A, %and3A_2308 : vector<256x128xi32>
    %ne3A_2310 = arith.constant 0 : i32
    %ne3A_2311 = vector.broadcast %ne3A_2310 : i32 to vector<256x128xi32>
    %ne3A_2312 = arith.cmpi ne, %and3A_2309, %ne3A_2311 : vector<256x128xi32>
    %roll3A_2313 = arith.constant 16 : i32
    %roll3A_2314 = tpu.dynamic_rotate %select_n3A_2305 by %roll3A_2313 dim 0 : vector<256x128xi32>, i32 -> vector<256x128xi32>
    %roll3A_2315 = arith.constant 240 : i32
    %roll3A_2316 = tpu.dynamic_rotate %select_n3A_2305 by %roll3A_2315 dim 0 : vector<256x128xi32>, i32 -> vector<256x128xi32>
    %select_n3A_2317 = arith.select %ne3A_2312, %roll3A_2314, %roll3A_2316 : vector<256x128xi1>, vector<256x128xi32>
    %roll3A_2318 = arith.constant 16 : i32
    %roll3A_2319 = tpu.dynamic_rotate %select_n3A_2306 by %roll3A_2318 dim 0 : vector<256x128xi32>, i32 -> vector<256x128xi32>
    %roll3A_2320 = arith.constant 240 : i32
    %roll3A_2321 = tpu.dynamic_rotate %select_n3A_2306 by %roll3A_2320 dim 0 : vector<256x128xi32>, i32 -> vector<256x128xi32>
    %select_n3A_2322 = arith.select %ne3A_2312, %roll3A_2319, %roll3A_2321 : vector<256x128xi1>, vector<256x128xi32>
    %not3A_2323 = arith.constant dense<true> : vector<256x128xi1>
    %not3A_2324 = arith.xori %ne3A_2312, %not3A_2323 : vector<256x128xi1>
    %and3A_2325 = arith.constant 32 : i32
    %and3A_2326 = vector.broadcast %and3A_2325 : i32 to vector<256x128xi32>
    %and3A_2327 = arith.andi %iota3A, %and3A_2326 : vector<256x128xi32>
    %eq3A_2328 = arith.constant 0 : i32
    %eq3A_2329 = vector.broadcast %eq3A_2328 : i32 to vector<256x128xi32>
    %eq3A_2330 = arith.cmpi eq, %and3A_2327, %eq3A_2329 : vector<256x128xi32>
    %gt3A_2331 = arith.cmpi sgt, %select_n3A_2305, %select_n3A_2317 : vector<256x128xi32>
    %eq3A_2332 = arith.cmpi eq, %select_n3A_2305, %select_n3A_2317 : vector<256x128xi32>
    %lt3A_2333 = arith.cmpi slt, %select_n3A_2306, %select_n3A_2322 : vector<256x128xi32>
    %and3A_2334 = arith.andi %eq3A_2332, %lt3A_2333 : vector<256x128xi1>
    %or3A_2335 = arith.ori %gt3A_2331, %and3A_2334 : vector<256x128xi1>
    %eq3A_2336 = arith.xori %eq3A_2330, %not3A_2324 : vector<256x128xi1>
    %eq3A_2337 = arith.constant dense<true> : vector<256x128xi1>
    %eq3A_2338 = arith.xori %eq3A_2336, %eq3A_2337 : vector<256x128xi1>
    %ne3A_2339 = arith.xori %eq3A_2338, %or3A_2335 : vector<256x128xi1>
    %select_n3A_2340 = arith.select %ne3A_2339, %select_n3A_2317, %select_n3A_2305 : vector<256x128xi1>, vector<256x128xi32>
    %select_n3A_2341 = arith.select %ne3A_2339, %select_n3A_2322, %select_n3A_2306 : vector<256x128xi1>, vector<256x128xi32>
    %and3A_2342 = arith.constant 8 : i32
    %and3A_2343 = vector.broadcast %and3A_2342 : i32 to vector<256x128xi32>
    %and3A_2344 = arith.andi %iota3A, %and3A_2343 : vector<256x128xi32>
    %ne3A_2345 = arith.constant 0 : i32
    %ne3A_2346 = vector.broadcast %ne3A_2345 : i32 to vector<256x128xi32>
    %ne3A_2347 = arith.cmpi ne, %and3A_2344, %ne3A_2346 : vector<256x128xi32>
    %roll3A_2348 = arith.constant 8 : i32
    %roll3A_2349 = tpu.dynamic_rotate %select_n3A_2340 by %roll3A_2348 dim 0 : vector<256x128xi32>, i32 -> vector<256x128xi32>
    %roll3A_2350 = arith.constant 248 : i32
    %roll3A_2351 = tpu.dynamic_rotate %select_n3A_2340 by %roll3A_2350 dim 0 : vector<256x128xi32>, i32 -> vector<256x128xi32>
    %select_n3A_2352 = arith.select %ne3A_2347, %roll3A_2349, %roll3A_2351 : vector<256x128xi1>, vector<256x128xi32>
    %roll3A_2353 = arith.constant 8 : i32
    %roll3A_2354 = tpu.dynamic_rotate %select_n3A_2341 by %roll3A_2353 dim 0 : vector<256x128xi32>, i32 -> vector<256x128xi32>
    %roll3A_2355 = arith.constant 248 : i32
    %roll3A_2356 = tpu.dynamic_rotate %select_n3A_2341 by %roll3A_2355 dim 0 : vector<256x128xi32>, i32 -> vector<256x128xi32>
    %select_n3A_2357 = arith.select %ne3A_2347, %roll3A_2354, %roll3A_2356 : vector<256x128xi1>, vector<256x128xi32>
    %not3A_2358 = arith.constant dense<true> : vector<256x128xi1>
    %not3A_2359 = arith.xori %ne3A_2347, %not3A_2358 : vector<256x128xi1>
    %and3A_2360 = arith.constant 32 : i32
    %and3A_2361 = vector.broadcast %and3A_2360 : i32 to vector<256x128xi32>
    %and3A_2362 = arith.andi %iota3A, %and3A_2361 : vector<256x128xi32>
    %eq3A_2363 = arith.constant 0 : i32
    %eq3A_2364 = vector.broadcast %eq3A_2363 : i32 to vector<256x128xi32>
    %eq3A_2365 = arith.cmpi eq, %and3A_2362, %eq3A_2364 : vector<256x128xi32>
    %gt3A_2366 = arith.cmpi sgt, %select_n3A_2340, %select_n3A_2352 : vector<256x128xi32>
    %eq3A_2367 = arith.cmpi eq, %select_n3A_2340, %select_n3A_2352 : vector<256x128xi32>
    %lt3A_2368 = arith.cmpi slt, %select_n3A_2341, %select_n3A_2357 : vector<256x128xi32>
    %and3A_2369 = arith.andi %eq3A_2367, %lt3A_2368 : vector<256x128xi1>
    %or3A_2370 = arith.ori %gt3A_2366, %and3A_2369 : vector<256x128xi1>
    %eq3A_2371 = arith.xori %eq3A_2365, %not3A_2359 : vector<256x128xi1>
    %eq3A_2372 = arith.constant dense<true> : vector<256x128xi1>
    %eq3A_2373 = arith.xori %eq3A_2371, %eq3A_2372 : vector<256x128xi1>
    %ne3A_2374 = arith.xori %eq3A_2373, %or3A_2370 : vector<256x128xi1>
    %select_n3A_2375 = arith.select %ne3A_2374, %select_n3A_2352, %select_n3A_2340 : vector<256x128xi1>, vector<256x128xi32>
    %select_n3A_2376 = arith.select %ne3A_2374, %select_n3A_2357, %select_n3A_2341 : vector<256x128xi1>, vector<256x128xi32>
    %and3A_2377 = arith.constant 4 : i32
    %and3A_2378 = vector.broadcast %and3A_2377 : i32 to vector<256x128xi32>
    %and3A_2379 = arith.andi %iota3A, %and3A_2378 : vector<256x128xi32>
    %ne3A_2380 = arith.constant 0 : i32
    %ne3A_2381 = vector.broadcast %ne3A_2380 : i32 to vector<256x128xi32>
    %ne3A_2382 = arith.cmpi ne, %and3A_2379, %ne3A_2381 : vector<256x128xi32>
    %roll3A_2383 = arith.constant 4 : i32
    %roll3A_2384 = tpu.dynamic_rotate %select_n3A_2375 by %roll3A_2383 dim 0 : vector<256x128xi32>, i32 -> vector<256x128xi32>
    %roll3A_2385 = arith.constant 252 : i32
    %roll3A_2386 = tpu.dynamic_rotate %select_n3A_2375 by %roll3A_2385 dim 0 : vector<256x128xi32>, i32 -> vector<256x128xi32>
    %select_n3A_2387 = arith.select %ne3A_2382, %roll3A_2384, %roll3A_2386 : vector<256x128xi1>, vector<256x128xi32>
    %roll3A_2388 = arith.constant 4 : i32
    %roll3A_2389 = tpu.dynamic_rotate %select_n3A_2376 by %roll3A_2388 dim 0 : vector<256x128xi32>, i32 -> vector<256x128xi32>
    %roll3A_2390 = arith.constant 252 : i32
    %roll3A_2391 = tpu.dynamic_rotate %select_n3A_2376 by %roll3A_2390 dim 0 : vector<256x128xi32>, i32 -> vector<256x128xi32>
    %select_n3A_2392 = arith.select %ne3A_2382, %roll3A_2389, %roll3A_2391 : vector<256x128xi1>, vector<256x128xi32>
    %not3A_2393 = arith.constant dense<true> : vector<256x128xi1>
    %not3A_2394 = arith.xori %ne3A_2382, %not3A_2393 : vector<256x128xi1>
    %and3A_2395 = arith.constant 32 : i32
    %and3A_2396 = vector.broadcast %and3A_2395 : i32 to vector<256x128xi32>
    %and3A_2397 = arith.andi %iota3A, %and3A_2396 : vector<256x128xi32>
    %eq3A_2398 = arith.constant 0 : i32
    %eq3A_2399 = vector.broadcast %eq3A_2398 : i32 to vector<256x128xi32>
    %eq3A_2400 = arith.cmpi eq, %and3A_2397, %eq3A_2399 : vector<256x128xi32>
    %gt3A_2401 = arith.cmpi sgt, %select_n3A_2375, %select_n3A_2387 : vector<256x128xi32>
    %eq3A_2402 = arith.cmpi eq, %select_n3A_2375, %select_n3A_2387 : vector<256x128xi32>
    %lt3A_2403 = arith.cmpi slt, %select_n3A_2376, %select_n3A_2392 : vector<256x128xi32>
    %and3A_2404 = arith.andi %eq3A_2402, %lt3A_2403 : vector<256x128xi1>
    %or3A_2405 = arith.ori %gt3A_2401, %and3A_2404 : vector<256x128xi1>
    %eq3A_2406 = arith.xori %eq3A_2400, %not3A_2394 : vector<256x128xi1>
    %eq3A_2407 = arith.constant dense<true> : vector<256x128xi1>
    %eq3A_2408 = arith.xori %eq3A_2406, %eq3A_2407 : vector<256x128xi1>
    %ne3A_2409 = arith.xori %eq3A_2408, %or3A_2405 : vector<256x128xi1>
    %select_n3A_2410 = arith.select %ne3A_2409, %select_n3A_2387, %select_n3A_2375 : vector<256x128xi1>, vector<256x128xi32>
    %select_n3A_2411 = arith.select %ne3A_2409, %select_n3A_2392, %select_n3A_2376 : vector<256x128xi1>, vector<256x128xi32>
    %and3A_2412 = arith.constant 2 : i32
    %and3A_2413 = vector.broadcast %and3A_2412 : i32 to vector<256x128xi32>
    %and3A_2414 = arith.andi %iota3A, %and3A_2413 : vector<256x128xi32>
    %ne3A_2415 = arith.constant 0 : i32
    %ne3A_2416 = vector.broadcast %ne3A_2415 : i32 to vector<256x128xi32>
    %ne3A_2417 = arith.cmpi ne, %and3A_2414, %ne3A_2416 : vector<256x128xi32>
    %roll3A_2418 = arith.constant 2 : i32
    %roll3A_2419 = tpu.dynamic_rotate %select_n3A_2410 by %roll3A_2418 dim 0 : vector<256x128xi32>, i32 -> vector<256x128xi32>
    %roll3A_2420 = arith.constant 254 : i32
    %roll3A_2421 = tpu.dynamic_rotate %select_n3A_2410 by %roll3A_2420 dim 0 : vector<256x128xi32>, i32 -> vector<256x128xi32>
    %select_n3A_2422 = arith.select %ne3A_2417, %roll3A_2419, %roll3A_2421 : vector<256x128xi1>, vector<256x128xi32>
    %roll3A_2423 = arith.constant 2 : i32
    %roll3A_2424 = tpu.dynamic_rotate %select_n3A_2411 by %roll3A_2423 dim 0 : vector<256x128xi32>, i32 -> vector<256x128xi32>
    %roll3A_2425 = arith.constant 254 : i32
    %roll3A_2426 = tpu.dynamic_rotate %select_n3A_2411 by %roll3A_2425 dim 0 : vector<256x128xi32>, i32 -> vector<256x128xi32>
    %select_n3A_2427 = arith.select %ne3A_2417, %roll3A_2424, %roll3A_2426 : vector<256x128xi1>, vector<256x128xi32>
    %not3A_2428 = arith.constant dense<true> : vector<256x128xi1>
    %not3A_2429 = arith.xori %ne3A_2417, %not3A_2428 : vector<256x128xi1>
    %and3A_2430 = arith.constant 32 : i32
    %and3A_2431 = vector.broadcast %and3A_2430 : i32 to vector<256x128xi32>
    %and3A_2432 = arith.andi %iota3A, %and3A_2431 : vector<256x128xi32>
    %eq3A_2433 = arith.constant 0 : i32
    %eq3A_2434 = vector.broadcast %eq3A_2433 : i32 to vector<256x128xi32>
    %eq3A_2435 = arith.cmpi eq, %and3A_2432, %eq3A_2434 : vector<256x128xi32>
    %gt3A_2436 = arith.cmpi sgt, %select_n3A_2410, %select_n3A_2422 : vector<256x128xi32>
    %eq3A_2437 = arith.cmpi eq, %select_n3A_2410, %select_n3A_2422 : vector<256x128xi32>
    %lt3A_2438 = arith.cmpi slt, %select_n3A_2411, %select_n3A_2427 : vector<256x128xi32>
    %and3A_2439 = arith.andi %eq3A_2437, %lt3A_2438 : vector<256x128xi1>
    %or3A_2440 = arith.ori %gt3A_2436, %and3A_2439 : vector<256x128xi1>
    %eq3A_2441 = arith.xori %eq3A_2435, %not3A_2429 : vector<256x128xi1>
    %eq3A_2442 = arith.constant dense<true> : vector<256x128xi1>
    %eq3A_2443 = arith.xori %eq3A_2441, %eq3A_2442 : vector<256x128xi1>
    %ne3A_2444 = arith.xori %eq3A_2443, %or3A_2440 : vector<256x128xi1>
    %select_n3A_2445 = arith.select %ne3A_2444, %select_n3A_2422, %select_n3A_2410 : vector<256x128xi1>, vector<256x128xi32>
    %select_n3A_2446 = arith.select %ne3A_2444, %select_n3A_2427, %select_n3A_2411 : vector<256x128xi1>, vector<256x128xi32>
    %and3A_2447 = arith.constant 1 : i32
    %and3A_2448 = vector.broadcast %and3A_2447 : i32 to vector<256x128xi32>
    %and3A_2449 = arith.andi %iota3A, %and3A_2448 : vector<256x128xi32>
    %ne3A_2450 = arith.constant 0 : i32
    %ne3A_2451 = vector.broadcast %ne3A_2450 : i32 to vector<256x128xi32>
    %ne3A_2452 = arith.cmpi ne, %and3A_2449, %ne3A_2451 : vector<256x128xi32>
    %roll3A_2453 = arith.constant 1 : i32
    %roll3A_2454 = tpu.dynamic_rotate %select_n3A_2445 by %roll3A_2453 dim 0 : vector<256x128xi32>, i32 -> vector<256x128xi32>
    %roll3A_2455 = arith.constant 255 : i32
    %roll3A_2456 = tpu.dynamic_rotate %select_n3A_2445 by %roll3A_2455 dim 0 : vector<256x128xi32>, i32 -> vector<256x128xi32>
    %select_n3A_2457 = arith.select %ne3A_2452, %roll3A_2454, %roll3A_2456 : vector<256x128xi1>, vector<256x128xi32>
    %roll3A_2458 = arith.constant 1 : i32
    %roll3A_2459 = tpu.dynamic_rotate %select_n3A_2446 by %roll3A_2458 dim 0 : vector<256x128xi32>, i32 -> vector<256x128xi32>
    %roll3A_2460 = arith.constant 255 : i32
    %roll3A_2461 = tpu.dynamic_rotate %select_n3A_2446 by %roll3A_2460 dim 0 : vector<256x128xi32>, i32 -> vector<256x128xi32>
    %select_n3A_2462 = arith.select %ne3A_2452, %roll3A_2459, %roll3A_2461 : vector<256x128xi1>, vector<256x128xi32>
    %not3A_2463 = arith.constant dense<true> : vector<256x128xi1>
    %not3A_2464 = arith.xori %ne3A_2452, %not3A_2463 : vector<256x128xi1>
    %and3A_2465 = arith.constant 32 : i32
    %and3A_2466 = vector.broadcast %and3A_2465 : i32 to vector<256x128xi32>
    %and3A_2467 = arith.andi %iota3A, %and3A_2466 : vector<256x128xi32>
    %eq3A_2468 = arith.constant 0 : i32
    %eq3A_2469 = vector.broadcast %eq3A_2468 : i32 to vector<256x128xi32>
    %eq3A_2470 = arith.cmpi eq, %and3A_2467, %eq3A_2469 : vector<256x128xi32>
    %gt3A_2471 = arith.cmpi sgt, %select_n3A_2445, %select_n3A_2457 : vector<256x128xi32>
    %eq3A_2472 = arith.cmpi eq, %select_n3A_2445, %select_n3A_2457 : vector<256x128xi32>
    %lt3A_2473 = arith.cmpi slt, %select_n3A_2446, %select_n3A_2462 : vector<256x128xi32>
    %and3A_2474 = arith.andi %eq3A_2472, %lt3A_2473 : vector<256x128xi1>
    %or3A_2475 = arith.ori %gt3A_2471, %and3A_2474 : vector<256x128xi1>
    %eq3A_2476 = arith.xori %eq3A_2470, %not3A_2464 : vector<256x128xi1>
    %eq3A_2477 = arith.constant dense<true> : vector<256x128xi1>
    %eq3A_2478 = arith.xori %eq3A_2476, %eq3A_2477 : vector<256x128xi1>
    %ne3A_2479 = arith.xori %eq3A_2478, %or3A_2475 : vector<256x128xi1>
    %select_n3A_2480 = arith.select %ne3A_2479, %select_n3A_2457, %select_n3A_2445 : vector<256x128xi1>, vector<256x128xi32>
    %select_n3A_2481 = arith.select %ne3A_2479, %select_n3A_2462, %select_n3A_2446 : vector<256x128xi1>, vector<256x128xi32>
    %and3A_2482 = arith.constant 64 : i32
    %and3A_2483 = vector.broadcast %and3A_2482 : i32 to vector<256x128xi32>
    %and3A_2484 = arith.andi %iota3A_5, %and3A_2483 : vector<256x128xi32>
    %ne3A_2485 = arith.constant 0 : i32
    %ne3A_2486 = vector.broadcast %ne3A_2485 : i32 to vector<256x128xi32>
    %ne3A_2487 = arith.cmpi ne, %and3A_2484, %ne3A_2486 : vector<256x128xi32>
    %roll3A_2488 = arith.constant 64 : i32
    %roll3A_2489 = tpu.dynamic_rotate %select_n3A_2480 by %roll3A_2488 dim 1 : vector<256x128xi32>, i32 -> vector<256x128xi32>
    %roll3A_2490 = arith.constant 64 : i32
    %roll3A_2491 = tpu.dynamic_rotate %select_n3A_2480 by %roll3A_2490 dim 1 : vector<256x128xi32>, i32 -> vector<256x128xi32>
    %select_n3A_2492 = arith.select %ne3A_2487, %roll3A_2489, %roll3A_2491 : vector<256x128xi1>, vector<256x128xi32>
    %roll3A_2493 = arith.constant 64 : i32
    %roll3A_2494 = tpu.dynamic_rotate %select_n3A_2481 by %roll3A_2493 dim 1 : vector<256x128xi32>, i32 -> vector<256x128xi32>
    %roll3A_2495 = arith.constant 64 : i32
    %roll3A_2496 = tpu.dynamic_rotate %select_n3A_2481 by %roll3A_2495 dim 1 : vector<256x128xi32>, i32 -> vector<256x128xi32>
    %select_n3A_2497 = arith.select %ne3A_2487, %roll3A_2494, %roll3A_2496 : vector<256x128xi1>, vector<256x128xi32>
    %not3A_2498 = arith.constant dense<true> : vector<256x128xi1>
    %not3A_2499 = arith.xori %ne3A_2487, %not3A_2498 : vector<256x128xi1>
    %and3A_2500 = arith.constant 32 : i32
    %and3A_2501 = vector.broadcast %and3A_2500 : i32 to vector<256x128xi32>
    %and3A_2502 = arith.andi %iota3A, %and3A_2501 : vector<256x128xi32>
    %eq3A_2503 = arith.constant 0 : i32
    %eq3A_2504 = vector.broadcast %eq3A_2503 : i32 to vector<256x128xi32>
    %eq3A_2505 = arith.cmpi eq, %and3A_2502, %eq3A_2504 : vector<256x128xi32>
    %gt3A_2506 = arith.cmpi sgt, %select_n3A_2480, %select_n3A_2492 : vector<256x128xi32>
    %eq3A_2507 = arith.cmpi eq, %select_n3A_2480, %select_n3A_2492 : vector<256x128xi32>
    %lt3A_2508 = arith.cmpi slt, %select_n3A_2481, %select_n3A_2497 : vector<256x128xi32>
    %and3A_2509 = arith.andi %eq3A_2507, %lt3A_2508 : vector<256x128xi1>
    %or3A_2510 = arith.ori %gt3A_2506, %and3A_2509 : vector<256x128xi1>
    %eq3A_2511 = arith.xori %eq3A_2505, %not3A_2499 : vector<256x128xi1>
    %eq3A_2512 = arith.constant dense<true> : vector<256x128xi1>
    %eq3A_2513 = arith.xori %eq3A_2511, %eq3A_2512 : vector<256x128xi1>
    %ne3A_2514 = arith.xori %eq3A_2513, %or3A_2510 : vector<256x128xi1>
    %select_n3A_2515 = arith.select %ne3A_2514, %select_n3A_2492, %select_n3A_2480 : vector<256x128xi1>, vector<256x128xi32>
    %select_n3A_2516 = arith.select %ne3A_2514, %select_n3A_2497, %select_n3A_2481 : vector<256x128xi1>, vector<256x128xi32>
    %and3A_2517 = arith.constant 32 : i32
    %and3A_2518 = vector.broadcast %and3A_2517 : i32 to vector<256x128xi32>
    %and3A_2519 = arith.andi %iota3A_5, %and3A_2518 : vector<256x128xi32>
    %ne3A_2520 = arith.constant 0 : i32
    %ne3A_2521 = vector.broadcast %ne3A_2520 : i32 to vector<256x128xi32>
    %ne3A_2522 = arith.cmpi ne, %and3A_2519, %ne3A_2521 : vector<256x128xi32>
    %roll3A_2523 = arith.constant 32 : i32
    %roll3A_2524 = tpu.dynamic_rotate %select_n3A_2515 by %roll3A_2523 dim 1 : vector<256x128xi32>, i32 -> vector<256x128xi32>
    %roll3A_2525 = arith.constant 96 : i32
    %roll3A_2526 = tpu.dynamic_rotate %select_n3A_2515 by %roll3A_2525 dim 1 : vector<256x128xi32>, i32 -> vector<256x128xi32>
    %select_n3A_2527 = arith.select %ne3A_2522, %roll3A_2524, %roll3A_2526 : vector<256x128xi1>, vector<256x128xi32>
    %roll3A_2528 = arith.constant 32 : i32
    %roll3A_2529 = tpu.dynamic_rotate %select_n3A_2516 by %roll3A_2528 dim 1 : vector<256x128xi32>, i32 -> vector<256x128xi32>
    %roll3A_2530 = arith.constant 96 : i32
    %roll3A_2531 = tpu.dynamic_rotate %select_n3A_2516 by %roll3A_2530 dim 1 : vector<256x128xi32>, i32 -> vector<256x128xi32>
    %select_n3A_2532 = arith.select %ne3A_2522, %roll3A_2529, %roll3A_2531 : vector<256x128xi1>, vector<256x128xi32>
    %not3A_2533 = arith.constant dense<true> : vector<256x128xi1>
    %not3A_2534 = arith.xori %ne3A_2522, %not3A_2533 : vector<256x128xi1>
    %and3A_2535 = arith.constant 32 : i32
    %and3A_2536 = vector.broadcast %and3A_2535 : i32 to vector<256x128xi32>
    %and3A_2537 = arith.andi %iota3A, %and3A_2536 : vector<256x128xi32>
    %eq3A_2538 = arith.constant 0 : i32
    %eq3A_2539 = vector.broadcast %eq3A_2538 : i32 to vector<256x128xi32>
    %eq3A_2540 = arith.cmpi eq, %and3A_2537, %eq3A_2539 : vector<256x128xi32>
    %gt3A_2541 = arith.cmpi sgt, %select_n3A_2515, %select_n3A_2527 : vector<256x128xi32>
    %eq3A_2542 = arith.cmpi eq, %select_n3A_2515, %select_n3A_2527 : vector<256x128xi32>
    %lt3A_2543 = arith.cmpi slt, %select_n3A_2516, %select_n3A_2532 : vector<256x128xi32>
    %and3A_2544 = arith.andi %eq3A_2542, %lt3A_2543 : vector<256x128xi1>
    %or3A_2545 = arith.ori %gt3A_2541, %and3A_2544 : vector<256x128xi1>
    %eq3A_2546 = arith.xori %eq3A_2540, %not3A_2534 : vector<256x128xi1>
    %eq3A_2547 = arith.constant dense<true> : vector<256x128xi1>
    %eq3A_2548 = arith.xori %eq3A_2546, %eq3A_2547 : vector<256x128xi1>
    %ne3A_2549 = arith.xori %eq3A_2548, %or3A_2545 : vector<256x128xi1>
    %select_n3A_2550 = arith.select %ne3A_2549, %select_n3A_2527, %select_n3A_2515 : vector<256x128xi1>, vector<256x128xi32>
    %select_n3A_2551 = arith.select %ne3A_2549, %select_n3A_2532, %select_n3A_2516 : vector<256x128xi1>, vector<256x128xi32>
    %and3A_2552 = arith.constant 16 : i32
    %and3A_2553 = vector.broadcast %and3A_2552 : i32 to vector<256x128xi32>
    %and3A_2554 = arith.andi %iota3A_5, %and3A_2553 : vector<256x128xi32>
    %ne3A_2555 = arith.constant 0 : i32
    %ne3A_2556 = vector.broadcast %ne3A_2555 : i32 to vector<256x128xi32>
    %ne3A_2557 = arith.cmpi ne, %and3A_2554, %ne3A_2556 : vector<256x128xi32>
    %roll3A_2558 = arith.constant 16 : i32
    %roll3A_2559 = tpu.dynamic_rotate %select_n3A_2550 by %roll3A_2558 dim 1 : vector<256x128xi32>, i32 -> vector<256x128xi32>
    %roll3A_2560 = arith.constant 112 : i32
    %roll3A_2561 = tpu.dynamic_rotate %select_n3A_2550 by %roll3A_2560 dim 1 : vector<256x128xi32>, i32 -> vector<256x128xi32>
    %select_n3A_2562 = arith.select %ne3A_2557, %roll3A_2559, %roll3A_2561 : vector<256x128xi1>, vector<256x128xi32>
    %roll3A_2563 = arith.constant 16 : i32
    %roll3A_2564 = tpu.dynamic_rotate %select_n3A_2551 by %roll3A_2563 dim 1 : vector<256x128xi32>, i32 -> vector<256x128xi32>
    %roll3A_2565 = arith.constant 112 : i32
    %roll3A_2566 = tpu.dynamic_rotate %select_n3A_2551 by %roll3A_2565 dim 1 : vector<256x128xi32>, i32 -> vector<256x128xi32>
    %select_n3A_2567 = arith.select %ne3A_2557, %roll3A_2564, %roll3A_2566 : vector<256x128xi1>, vector<256x128xi32>
    %not3A_2568 = arith.constant dense<true> : vector<256x128xi1>
    %not3A_2569 = arith.xori %ne3A_2557, %not3A_2568 : vector<256x128xi1>
    %and3A_2570 = arith.constant 32 : i32
    %and3A_2571 = vector.broadcast %and3A_2570 : i32 to vector<256x128xi32>
    %and3A_2572 = arith.andi %iota3A, %and3A_2571 : vector<256x128xi32>
    %eq3A_2573 = arith.constant 0 : i32
    %eq3A_2574 = vector.broadcast %eq3A_2573 : i32 to vector<256x128xi32>
    %eq3A_2575 = arith.cmpi eq, %and3A_2572, %eq3A_2574 : vector<256x128xi32>
    %gt3A_2576 = arith.cmpi sgt, %select_n3A_2550, %select_n3A_2562 : vector<256x128xi32>
    %eq3A_2577 = arith.cmpi eq, %select_n3A_2550, %select_n3A_2562 : vector<256x128xi32>
    %lt3A_2578 = arith.cmpi slt, %select_n3A_2551, %select_n3A_2567 : vector<256x128xi32>
    %and3A_2579 = arith.andi %eq3A_2577, %lt3A_2578 : vector<256x128xi1>
    %or3A_2580 = arith.ori %gt3A_2576, %and3A_2579 : vector<256x128xi1>
    %eq3A_2581 = arith.xori %eq3A_2575, %not3A_2569 : vector<256x128xi1>
    %eq3A_2582 = arith.constant dense<true> : vector<256x128xi1>
    %eq3A_2583 = arith.xori %eq3A_2581, %eq3A_2582 : vector<256x128xi1>
    %ne3A_2584 = arith.xori %eq3A_2583, %or3A_2580 : vector<256x128xi1>
    %select_n3A_2585 = arith.select %ne3A_2584, %select_n3A_2562, %select_n3A_2550 : vector<256x128xi1>, vector<256x128xi32>
    %select_n3A_2586 = arith.select %ne3A_2584, %select_n3A_2567, %select_n3A_2551 : vector<256x128xi1>, vector<256x128xi32>
    %and3A_2587 = arith.constant 8 : i32
    %and3A_2588 = vector.broadcast %and3A_2587 : i32 to vector<256x128xi32>
    %and3A_2589 = arith.andi %iota3A_5, %and3A_2588 : vector<256x128xi32>
    %ne3A_2590 = arith.constant 0 : i32
    %ne3A_2591 = vector.broadcast %ne3A_2590 : i32 to vector<256x128xi32>
    %ne3A_2592 = arith.cmpi ne, %and3A_2589, %ne3A_2591 : vector<256x128xi32>
    %roll3A_2593 = arith.constant 8 : i32
    %roll3A_2594 = tpu.dynamic_rotate %select_n3A_2585 by %roll3A_2593 dim 1 : vector<256x128xi32>, i32 -> vector<256x128xi32>
    %roll3A_2595 = arith.constant 120 : i32
    %roll3A_2596 = tpu.dynamic_rotate %select_n3A_2585 by %roll3A_2595 dim 1 : vector<256x128xi32>, i32 -> vector<256x128xi32>
    %select_n3A_2597 = arith.select %ne3A_2592, %roll3A_2594, %roll3A_2596 : vector<256x128xi1>, vector<256x128xi32>
    %roll3A_2598 = arith.constant 8 : i32
    %roll3A_2599 = tpu.dynamic_rotate %select_n3A_2586 by %roll3A_2598 dim 1 : vector<256x128xi32>, i32 -> vector<256x128xi32>
    %roll3A_2600 = arith.constant 120 : i32
    %roll3A_2601 = tpu.dynamic_rotate %select_n3A_2586 by %roll3A_2600 dim 1 : vector<256x128xi32>, i32 -> vector<256x128xi32>
    %select_n3A_2602 = arith.select %ne3A_2592, %roll3A_2599, %roll3A_2601 : vector<256x128xi1>, vector<256x128xi32>
    %not3A_2603 = arith.constant dense<true> : vector<256x128xi1>
    %not3A_2604 = arith.xori %ne3A_2592, %not3A_2603 : vector<256x128xi1>
    %and3A_2605 = arith.constant 32 : i32
    %and3A_2606 = vector.broadcast %and3A_2605 : i32 to vector<256x128xi32>
    %and3A_2607 = arith.andi %iota3A, %and3A_2606 : vector<256x128xi32>
    %eq3A_2608 = arith.constant 0 : i32
    %eq3A_2609 = vector.broadcast %eq3A_2608 : i32 to vector<256x128xi32>
    %eq3A_2610 = arith.cmpi eq, %and3A_2607, %eq3A_2609 : vector<256x128xi32>
    %gt3A_2611 = arith.cmpi sgt, %select_n3A_2585, %select_n3A_2597 : vector<256x128xi32>
    %eq3A_2612 = arith.cmpi eq, %select_n3A_2585, %select_n3A_2597 : vector<256x128xi32>
    %lt3A_2613 = arith.cmpi slt, %select_n3A_2586, %select_n3A_2602 : vector<256x128xi32>
    %and3A_2614 = arith.andi %eq3A_2612, %lt3A_2613 : vector<256x128xi1>
    %or3A_2615 = arith.ori %gt3A_2611, %and3A_2614 : vector<256x128xi1>
    %eq3A_2616 = arith.xori %eq3A_2610, %not3A_2604 : vector<256x128xi1>
    %eq3A_2617 = arith.constant dense<true> : vector<256x128xi1>
    %eq3A_2618 = arith.xori %eq3A_2616, %eq3A_2617 : vector<256x128xi1>
    %ne3A_2619 = arith.xori %eq3A_2618, %or3A_2615 : vector<256x128xi1>
    %select_n3A_2620 = arith.select %ne3A_2619, %select_n3A_2597, %select_n3A_2585 : vector<256x128xi1>, vector<256x128xi32>
    %select_n3A_2621 = arith.select %ne3A_2619, %select_n3A_2602, %select_n3A_2586 : vector<256x128xi1>, vector<256x128xi32>
    %and3A_2622 = arith.constant 4 : i32
    %and3A_2623 = vector.broadcast %and3A_2622 : i32 to vector<256x128xi32>
    %and3A_2624 = arith.andi %iota3A_5, %and3A_2623 : vector<256x128xi32>
    %ne3A_2625 = arith.constant 0 : i32
    %ne3A_2626 = vector.broadcast %ne3A_2625 : i32 to vector<256x128xi32>
    %ne3A_2627 = arith.cmpi ne, %and3A_2624, %ne3A_2626 : vector<256x128xi32>
    %roll3A_2628 = arith.constant 4 : i32
    %roll3A_2629 = tpu.dynamic_rotate %select_n3A_2620 by %roll3A_2628 dim 1 : vector<256x128xi32>, i32 -> vector<256x128xi32>
    %roll3A_2630 = arith.constant 124 : i32
    %roll3A_2631 = tpu.dynamic_rotate %select_n3A_2620 by %roll3A_2630 dim 1 : vector<256x128xi32>, i32 -> vector<256x128xi32>
    %select_n3A_2632 = arith.select %ne3A_2627, %roll3A_2629, %roll3A_2631 : vector<256x128xi1>, vector<256x128xi32>
    %roll3A_2633 = arith.constant 4 : i32
    %roll3A_2634 = tpu.dynamic_rotate %select_n3A_2621 by %roll3A_2633 dim 1 : vector<256x128xi32>, i32 -> vector<256x128xi32>
    %roll3A_2635 = arith.constant 124 : i32
    %roll3A_2636 = tpu.dynamic_rotate %select_n3A_2621 by %roll3A_2635 dim 1 : vector<256x128xi32>, i32 -> vector<256x128xi32>
    %select_n3A_2637 = arith.select %ne3A_2627, %roll3A_2634, %roll3A_2636 : vector<256x128xi1>, vector<256x128xi32>
    %not3A_2638 = arith.constant dense<true> : vector<256x128xi1>
    %not3A_2639 = arith.xori %ne3A_2627, %not3A_2638 : vector<256x128xi1>
    %and3A_2640 = arith.constant 32 : i32
    %and3A_2641 = vector.broadcast %and3A_2640 : i32 to vector<256x128xi32>
    %and3A_2642 = arith.andi %iota3A, %and3A_2641 : vector<256x128xi32>
    %eq3A_2643 = arith.constant 0 : i32
    %eq3A_2644 = vector.broadcast %eq3A_2643 : i32 to vector<256x128xi32>
    %eq3A_2645 = arith.cmpi eq, %and3A_2642, %eq3A_2644 : vector<256x128xi32>
    %gt3A_2646 = arith.cmpi sgt, %select_n3A_2620, %select_n3A_2632 : vector<256x128xi32>
    %eq3A_2647 = arith.cmpi eq, %select_n3A_2620, %select_n3A_2632 : vector<256x128xi32>
    %lt3A_2648 = arith.cmpi slt, %select_n3A_2621, %select_n3A_2637 : vector<256x128xi32>
    %and3A_2649 = arith.andi %eq3A_2647, %lt3A_2648 : vector<256x128xi1>
    %or3A_2650 = arith.ori %gt3A_2646, %and3A_2649 : vector<256x128xi1>
    %eq3A_2651 = arith.xori %eq3A_2645, %not3A_2639 : vector<256x128xi1>
    %eq3A_2652 = arith.constant dense<true> : vector<256x128xi1>
    %eq3A_2653 = arith.xori %eq3A_2651, %eq3A_2652 : vector<256x128xi1>
    %ne3A_2654 = arith.xori %eq3A_2653, %or3A_2650 : vector<256x128xi1>
    %select_n3A_2655 = arith.select %ne3A_2654, %select_n3A_2632, %select_n3A_2620 : vector<256x128xi1>, vector<256x128xi32>
    %select_n3A_2656 = arith.select %ne3A_2654, %select_n3A_2637, %select_n3A_2621 : vector<256x128xi1>, vector<256x128xi32>
    %and3A_2657 = arith.constant 2 : i32
    %and3A_2658 = vector.broadcast %and3A_2657 : i32 to vector<256x128xi32>
    %and3A_2659 = arith.andi %iota3A_5, %and3A_2658 : vector<256x128xi32>
    %ne3A_2660 = arith.constant 0 : i32
    %ne3A_2661 = vector.broadcast %ne3A_2660 : i32 to vector<256x128xi32>
    %ne3A_2662 = arith.cmpi ne, %and3A_2659, %ne3A_2661 : vector<256x128xi32>
    %roll3A_2663 = arith.constant 2 : i32
    %roll3A_2664 = tpu.dynamic_rotate %select_n3A_2655 by %roll3A_2663 dim 1 : vector<256x128xi32>, i32 -> vector<256x128xi32>
    %roll3A_2665 = arith.constant 126 : i32
    %roll3A_2666 = tpu.dynamic_rotate %select_n3A_2655 by %roll3A_2665 dim 1 : vector<256x128xi32>, i32 -> vector<256x128xi32>
    %select_n3A_2667 = arith.select %ne3A_2662, %roll3A_2664, %roll3A_2666 : vector<256x128xi1>, vector<256x128xi32>
    %roll3A_2668 = arith.constant 2 : i32
    %roll3A_2669 = tpu.dynamic_rotate %select_n3A_2656 by %roll3A_2668 dim 1 : vector<256x128xi32>, i32 -> vector<256x128xi32>
    %roll3A_2670 = arith.constant 126 : i32
    %roll3A_2671 = tpu.dynamic_rotate %select_n3A_2656 by %roll3A_2670 dim 1 : vector<256x128xi32>, i32 -> vector<256x128xi32>
    %select_n3A_2672 = arith.select %ne3A_2662, %roll3A_2669, %roll3A_2671 : vector<256x128xi1>, vector<256x128xi32>
    %not3A_2673 = arith.constant dense<true> : vector<256x128xi1>
    %not3A_2674 = arith.xori %ne3A_2662, %not3A_2673 : vector<256x128xi1>
    %and3A_2675 = arith.constant 32 : i32
    %and3A_2676 = vector.broadcast %and3A_2675 : i32 to vector<256x128xi32>
    %and3A_2677 = arith.andi %iota3A, %and3A_2676 : vector<256x128xi32>
    %eq3A_2678 = arith.constant 0 : i32
    %eq3A_2679 = vector.broadcast %eq3A_2678 : i32 to vector<256x128xi32>
    %eq3A_2680 = arith.cmpi eq, %and3A_2677, %eq3A_2679 : vector<256x128xi32>
    %gt3A_2681 = arith.cmpi sgt, %select_n3A_2655, %select_n3A_2667 : vector<256x128xi32>
    %eq3A_2682 = arith.cmpi eq, %select_n3A_2655, %select_n3A_2667 : vector<256x128xi32>
    %lt3A_2683 = arith.cmpi slt, %select_n3A_2656, %select_n3A_2672 : vector<256x128xi32>
    %and3A_2684 = arith.andi %eq3A_2682, %lt3A_2683 : vector<256x128xi1>
    %or3A_2685 = arith.ori %gt3A_2681, %and3A_2684 : vector<256x128xi1>
    %eq3A_2686 = arith.xori %eq3A_2680, %not3A_2674 : vector<256x128xi1>
    %eq3A_2687 = arith.constant dense<true> : vector<256x128xi1>
    %eq3A_2688 = arith.xori %eq3A_2686, %eq3A_2687 : vector<256x128xi1>
    %ne3A_2689 = arith.xori %eq3A_2688, %or3A_2685 : vector<256x128xi1>
    %select_n3A_2690 = arith.select %ne3A_2689, %select_n3A_2667, %select_n3A_2655 : vector<256x128xi1>, vector<256x128xi32>
    %select_n3A_2691 = arith.select %ne3A_2689, %select_n3A_2672, %select_n3A_2656 : vector<256x128xi1>, vector<256x128xi32>
    %and3A_2692 = arith.constant 1 : i32
    %and3A_2693 = vector.broadcast %and3A_2692 : i32 to vector<256x128xi32>
    %and3A_2694 = arith.andi %iota3A_5, %and3A_2693 : vector<256x128xi32>
    %ne3A_2695 = arith.constant 0 : i32
    %ne3A_2696 = vector.broadcast %ne3A_2695 : i32 to vector<256x128xi32>
    %ne3A_2697 = arith.cmpi ne, %and3A_2694, %ne3A_2696 : vector<256x128xi32>
    %roll3A_2698 = arith.constant 1 : i32
    %roll3A_2699 = tpu.dynamic_rotate %select_n3A_2690 by %roll3A_2698 dim 1 : vector<256x128xi32>, i32 -> vector<256x128xi32>
    %roll3A_2700 = arith.constant 127 : i32
    %roll3A_2701 = tpu.dynamic_rotate %select_n3A_2690 by %roll3A_2700 dim 1 : vector<256x128xi32>, i32 -> vector<256x128xi32>
    %select_n3A_2702 = arith.select %ne3A_2697, %roll3A_2699, %roll3A_2701 : vector<256x128xi1>, vector<256x128xi32>
    %roll3A_2703 = arith.constant 1 : i32
    %roll3A_2704 = tpu.dynamic_rotate %select_n3A_2691 by %roll3A_2703 dim 1 : vector<256x128xi32>, i32 -> vector<256x128xi32>
    %roll3A_2705 = arith.constant 127 : i32
    %roll3A_2706 = tpu.dynamic_rotate %select_n3A_2691 by %roll3A_2705 dim 1 : vector<256x128xi32>, i32 -> vector<256x128xi32>
    %select_n3A_2707 = arith.select %ne3A_2697, %roll3A_2704, %roll3A_2706 : vector<256x128xi1>, vector<256x128xi32>
    %not3A_2708 = arith.constant dense<true> : vector<256x128xi1>
    %not3A_2709 = arith.xori %ne3A_2697, %not3A_2708 : vector<256x128xi1>
    %and3A_2710 = arith.constant 32 : i32
    %and3A_2711 = vector.broadcast %and3A_2710 : i32 to vector<256x128xi32>
    %and3A_2712 = arith.andi %iota3A, %and3A_2711 : vector<256x128xi32>
    %eq3A_2713 = arith.constant 0 : i32
    %eq3A_2714 = vector.broadcast %eq3A_2713 : i32 to vector<256x128xi32>
    %eq3A_2715 = arith.cmpi eq, %and3A_2712, %eq3A_2714 : vector<256x128xi32>
    %gt3A_2716 = arith.cmpi sgt, %select_n3A_2690, %select_n3A_2702 : vector<256x128xi32>
    %eq3A_2717 = arith.cmpi eq, %select_n3A_2690, %select_n3A_2702 : vector<256x128xi32>
    %lt3A_2718 = arith.cmpi slt, %select_n3A_2691, %select_n3A_2707 : vector<256x128xi32>
    %and3A_2719 = arith.andi %eq3A_2717, %lt3A_2718 : vector<256x128xi1>
    %or3A_2720 = arith.ori %gt3A_2716, %and3A_2719 : vector<256x128xi1>
    %eq3A_2721 = arith.xori %eq3A_2715, %not3A_2709 : vector<256x128xi1>
    %eq3A_2722 = arith.constant dense<true> : vector<256x128xi1>
    %eq3A_2723 = arith.xori %eq3A_2721, %eq3A_2722 : vector<256x128xi1>
    %ne3A_2724 = arith.xori %eq3A_2723, %or3A_2720 : vector<256x128xi1>
    %select_n3A_2725 = arith.select %ne3A_2724, %select_n3A_2702, %select_n3A_2690 : vector<256x128xi1>, vector<256x128xi32>
    %select_n3A_2726 = arith.select %ne3A_2724, %select_n3A_2707, %select_n3A_2691 : vector<256x128xi1>, vector<256x128xi32>
    %and3A_2727 = arith.constant 32 : i32
    %and3A_2728 = vector.broadcast %and3A_2727 : i32 to vector<256x128xi32>
    %and3A_2729 = arith.andi %iota3A, %and3A_2728 : vector<256x128xi32>
    %ne3A_2730 = arith.constant 0 : i32
    %ne3A_2731 = vector.broadcast %ne3A_2730 : i32 to vector<256x128xi32>
    %ne3A_2732 = arith.cmpi ne, %and3A_2729, %ne3A_2731 : vector<256x128xi32>
    %roll3A_2733 = arith.constant 32 : i32
    %roll3A_2734 = tpu.dynamic_rotate %select_n3A_2725 by %roll3A_2733 dim 0 : vector<256x128xi32>, i32 -> vector<256x128xi32>
    %roll3A_2735 = arith.constant 224 : i32
    %roll3A_2736 = tpu.dynamic_rotate %select_n3A_2725 by %roll3A_2735 dim 0 : vector<256x128xi32>, i32 -> vector<256x128xi32>
    %select_n3A_2737 = arith.select %ne3A_2732, %roll3A_2734, %roll3A_2736 : vector<256x128xi1>, vector<256x128xi32>
    %roll3A_2738 = arith.constant 32 : i32
    %roll3A_2739 = tpu.dynamic_rotate %select_n3A_2726 by %roll3A_2738 dim 0 : vector<256x128xi32>, i32 -> vector<256x128xi32>
    %roll3A_2740 = arith.constant 224 : i32
    %roll3A_2741 = tpu.dynamic_rotate %select_n3A_2726 by %roll3A_2740 dim 0 : vector<256x128xi32>, i32 -> vector<256x128xi32>
    %select_n3A_2742 = arith.select %ne3A_2732, %roll3A_2739, %roll3A_2741 : vector<256x128xi1>, vector<256x128xi32>
    %not3A_2743 = arith.constant dense<true> : vector<256x128xi1>
    %not3A_2744 = arith.xori %ne3A_2732, %not3A_2743 : vector<256x128xi1>
    %and3A_2745 = arith.constant 64 : i32
    %and3A_2746 = vector.broadcast %and3A_2745 : i32 to vector<256x128xi32>
    %and3A_2747 = arith.andi %iota3A, %and3A_2746 : vector<256x128xi32>
    %eq3A_2748 = arith.constant 0 : i32
    %eq3A_2749 = vector.broadcast %eq3A_2748 : i32 to vector<256x128xi32>
    %eq3A_2750 = arith.cmpi eq, %and3A_2747, %eq3A_2749 : vector<256x128xi32>
    %gt3A_2751 = arith.cmpi sgt, %select_n3A_2725, %select_n3A_2737 : vector<256x128xi32>
    %eq3A_2752 = arith.cmpi eq, %select_n3A_2725, %select_n3A_2737 : vector<256x128xi32>
    %lt3A_2753 = arith.cmpi slt, %select_n3A_2726, %select_n3A_2742 : vector<256x128xi32>
    %and3A_2754 = arith.andi %eq3A_2752, %lt3A_2753 : vector<256x128xi1>
    %or3A_2755 = arith.ori %gt3A_2751, %and3A_2754 : vector<256x128xi1>
    %eq3A_2756 = arith.xori %eq3A_2750, %not3A_2744 : vector<256x128xi1>
    %eq3A_2757 = arith.constant dense<true> : vector<256x128xi1>
    %eq3A_2758 = arith.xori %eq3A_2756, %eq3A_2757 : vector<256x128xi1>
    %ne3A_2759 = arith.xori %eq3A_2758, %or3A_2755 : vector<256x128xi1>
    %select_n3A_2760 = arith.select %ne3A_2759, %select_n3A_2737, %select_n3A_2725 : vector<256x128xi1>, vector<256x128xi32>
    %select_n3A_2761 = arith.select %ne3A_2759, %select_n3A_2742, %select_n3A_2726 : vector<256x128xi1>, vector<256x128xi32>
    %and3A_2762 = arith.constant 16 : i32
    %and3A_2763 = vector.broadcast %and3A_2762 : i32 to vector<256x128xi32>
    %and3A_2764 = arith.andi %iota3A, %and3A_2763 : vector<256x128xi32>
    %ne3A_2765 = arith.constant 0 : i32
    %ne3A_2766 = vector.broadcast %ne3A_2765 : i32 to vector<256x128xi32>
    %ne3A_2767 = arith.cmpi ne, %and3A_2764, %ne3A_2766 : vector<256x128xi32>
    %roll3A_2768 = arith.constant 16 : i32
    %roll3A_2769 = tpu.dynamic_rotate %select_n3A_2760 by %roll3A_2768 dim 0 : vector<256x128xi32>, i32 -> vector<256x128xi32>
    %roll3A_2770 = arith.constant 240 : i32
    %roll3A_2771 = tpu.dynamic_rotate %select_n3A_2760 by %roll3A_2770 dim 0 : vector<256x128xi32>, i32 -> vector<256x128xi32>
    %select_n3A_2772 = arith.select %ne3A_2767, %roll3A_2769, %roll3A_2771 : vector<256x128xi1>, vector<256x128xi32>
    %roll3A_2773 = arith.constant 16 : i32
    %roll3A_2774 = tpu.dynamic_rotate %select_n3A_2761 by %roll3A_2773 dim 0 : vector<256x128xi32>, i32 -> vector<256x128xi32>
    %roll3A_2775 = arith.constant 240 : i32
    %roll3A_2776 = tpu.dynamic_rotate %select_n3A_2761 by %roll3A_2775 dim 0 : vector<256x128xi32>, i32 -> vector<256x128xi32>
    %select_n3A_2777 = arith.select %ne3A_2767, %roll3A_2774, %roll3A_2776 : vector<256x128xi1>, vector<256x128xi32>
    %not3A_2778 = arith.constant dense<true> : vector<256x128xi1>
    %not3A_2779 = arith.xori %ne3A_2767, %not3A_2778 : vector<256x128xi1>
    %and3A_2780 = arith.constant 64 : i32
    %and3A_2781 = vector.broadcast %and3A_2780 : i32 to vector<256x128xi32>
    %and3A_2782 = arith.andi %iota3A, %and3A_2781 : vector<256x128xi32>
    %eq3A_2783 = arith.constant 0 : i32
    %eq3A_2784 = vector.broadcast %eq3A_2783 : i32 to vector<256x128xi32>
    %eq3A_2785 = arith.cmpi eq, %and3A_2782, %eq3A_2784 : vector<256x128xi32>
    %gt3A_2786 = arith.cmpi sgt, %select_n3A_2760, %select_n3A_2772 : vector<256x128xi32>
    %eq3A_2787 = arith.cmpi eq, %select_n3A_2760, %select_n3A_2772 : vector<256x128xi32>
    %lt3A_2788 = arith.cmpi slt, %select_n3A_2761, %select_n3A_2777 : vector<256x128xi32>
    %and3A_2789 = arith.andi %eq3A_2787, %lt3A_2788 : vector<256x128xi1>
    %or3A_2790 = arith.ori %gt3A_2786, %and3A_2789 : vector<256x128xi1>
    %eq3A_2791 = arith.xori %eq3A_2785, %not3A_2779 : vector<256x128xi1>
    %eq3A_2792 = arith.constant dense<true> : vector<256x128xi1>
    %eq3A_2793 = arith.xori %eq3A_2791, %eq3A_2792 : vector<256x128xi1>
    %ne3A_2794 = arith.xori %eq3A_2793, %or3A_2790 : vector<256x128xi1>
    %select_n3A_2795 = arith.select %ne3A_2794, %select_n3A_2772, %select_n3A_2760 : vector<256x128xi1>, vector<256x128xi32>
    %select_n3A_2796 = arith.select %ne3A_2794, %select_n3A_2777, %select_n3A_2761 : vector<256x128xi1>, vector<256x128xi32>
    %and3A_2797 = arith.constant 8 : i32
    %and3A_2798 = vector.broadcast %and3A_2797 : i32 to vector<256x128xi32>
    %and3A_2799 = arith.andi %iota3A, %and3A_2798 : vector<256x128xi32>
    %ne3A_2800 = arith.constant 0 : i32
    %ne3A_2801 = vector.broadcast %ne3A_2800 : i32 to vector<256x128xi32>
    %ne3A_2802 = arith.cmpi ne, %and3A_2799, %ne3A_2801 : vector<256x128xi32>
    %roll3A_2803 = arith.constant 8 : i32
    %roll3A_2804 = tpu.dynamic_rotate %select_n3A_2795 by %roll3A_2803 dim 0 : vector<256x128xi32>, i32 -> vector<256x128xi32>
    %roll3A_2805 = arith.constant 248 : i32
    %roll3A_2806 = tpu.dynamic_rotate %select_n3A_2795 by %roll3A_2805 dim 0 : vector<256x128xi32>, i32 -> vector<256x128xi32>
    %select_n3A_2807 = arith.select %ne3A_2802, %roll3A_2804, %roll3A_2806 : vector<256x128xi1>, vector<256x128xi32>
    %roll3A_2808 = arith.constant 8 : i32
    %roll3A_2809 = tpu.dynamic_rotate %select_n3A_2796 by %roll3A_2808 dim 0 : vector<256x128xi32>, i32 -> vector<256x128xi32>
    %roll3A_2810 = arith.constant 248 : i32
    %roll3A_2811 = tpu.dynamic_rotate %select_n3A_2796 by %roll3A_2810 dim 0 : vector<256x128xi32>, i32 -> vector<256x128xi32>
    %select_n3A_2812 = arith.select %ne3A_2802, %roll3A_2809, %roll3A_2811 : vector<256x128xi1>, vector<256x128xi32>
    %not3A_2813 = arith.constant dense<true> : vector<256x128xi1>
    %not3A_2814 = arith.xori %ne3A_2802, %not3A_2813 : vector<256x128xi1>
    %and3A_2815 = arith.constant 64 : i32
    %and3A_2816 = vector.broadcast %and3A_2815 : i32 to vector<256x128xi32>
    %and3A_2817 = arith.andi %iota3A, %and3A_2816 : vector<256x128xi32>
    %eq3A_2818 = arith.constant 0 : i32
    %eq3A_2819 = vector.broadcast %eq3A_2818 : i32 to vector<256x128xi32>
    %eq3A_2820 = arith.cmpi eq, %and3A_2817, %eq3A_2819 : vector<256x128xi32>
    %gt3A_2821 = arith.cmpi sgt, %select_n3A_2795, %select_n3A_2807 : vector<256x128xi32>
    %eq3A_2822 = arith.cmpi eq, %select_n3A_2795, %select_n3A_2807 : vector<256x128xi32>
    %lt3A_2823 = arith.cmpi slt, %select_n3A_2796, %select_n3A_2812 : vector<256x128xi32>
    %and3A_2824 = arith.andi %eq3A_2822, %lt3A_2823 : vector<256x128xi1>
    %or3A_2825 = arith.ori %gt3A_2821, %and3A_2824 : vector<256x128xi1>
    %eq3A_2826 = arith.xori %eq3A_2820, %not3A_2814 : vector<256x128xi1>
    %eq3A_2827 = arith.constant dense<true> : vector<256x128xi1>
    %eq3A_2828 = arith.xori %eq3A_2826, %eq3A_2827 : vector<256x128xi1>
    %ne3A_2829 = arith.xori %eq3A_2828, %or3A_2825 : vector<256x128xi1>
    %select_n3A_2830 = arith.select %ne3A_2829, %select_n3A_2807, %select_n3A_2795 : vector<256x128xi1>, vector<256x128xi32>
    %select_n3A_2831 = arith.select %ne3A_2829, %select_n3A_2812, %select_n3A_2796 : vector<256x128xi1>, vector<256x128xi32>
    %and3A_2832 = arith.constant 4 : i32
    %and3A_2833 = vector.broadcast %and3A_2832 : i32 to vector<256x128xi32>
    %and3A_2834 = arith.andi %iota3A, %and3A_2833 : vector<256x128xi32>
    %ne3A_2835 = arith.constant 0 : i32
    %ne3A_2836 = vector.broadcast %ne3A_2835 : i32 to vector<256x128xi32>
    %ne3A_2837 = arith.cmpi ne, %and3A_2834, %ne3A_2836 : vector<256x128xi32>
    %roll3A_2838 = arith.constant 4 : i32
    %roll3A_2839 = tpu.dynamic_rotate %select_n3A_2830 by %roll3A_2838 dim 0 : vector<256x128xi32>, i32 -> vector<256x128xi32>
    %roll3A_2840 = arith.constant 252 : i32
    %roll3A_2841 = tpu.dynamic_rotate %select_n3A_2830 by %roll3A_2840 dim 0 : vector<256x128xi32>, i32 -> vector<256x128xi32>
    %select_n3A_2842 = arith.select %ne3A_2837, %roll3A_2839, %roll3A_2841 : vector<256x128xi1>, vector<256x128xi32>
    %roll3A_2843 = arith.constant 4 : i32
    %roll3A_2844 = tpu.dynamic_rotate %select_n3A_2831 by %roll3A_2843 dim 0 : vector<256x128xi32>, i32 -> vector<256x128xi32>
    %roll3A_2845 = arith.constant 252 : i32
    %roll3A_2846 = tpu.dynamic_rotate %select_n3A_2831 by %roll3A_2845 dim 0 : vector<256x128xi32>, i32 -> vector<256x128xi32>
    %select_n3A_2847 = arith.select %ne3A_2837, %roll3A_2844, %roll3A_2846 : vector<256x128xi1>, vector<256x128xi32>
    %not3A_2848 = arith.constant dense<true> : vector<256x128xi1>
    %not3A_2849 = arith.xori %ne3A_2837, %not3A_2848 : vector<256x128xi1>
    %and3A_2850 = arith.constant 64 : i32
    %and3A_2851 = vector.broadcast %and3A_2850 : i32 to vector<256x128xi32>
    %and3A_2852 = arith.andi %iota3A, %and3A_2851 : vector<256x128xi32>
    %eq3A_2853 = arith.constant 0 : i32
    %eq3A_2854 = vector.broadcast %eq3A_2853 : i32 to vector<256x128xi32>
    %eq3A_2855 = arith.cmpi eq, %and3A_2852, %eq3A_2854 : vector<256x128xi32>
    %gt3A_2856 = arith.cmpi sgt, %select_n3A_2830, %select_n3A_2842 : vector<256x128xi32>
    %eq3A_2857 = arith.cmpi eq, %select_n3A_2830, %select_n3A_2842 : vector<256x128xi32>
    %lt3A_2858 = arith.cmpi slt, %select_n3A_2831, %select_n3A_2847 : vector<256x128xi32>
    %and3A_2859 = arith.andi %eq3A_2857, %lt3A_2858 : vector<256x128xi1>
    %or3A_2860 = arith.ori %gt3A_2856, %and3A_2859 : vector<256x128xi1>
    %eq3A_2861 = arith.xori %eq3A_2855, %not3A_2849 : vector<256x128xi1>
    %eq3A_2862 = arith.constant dense<true> : vector<256x128xi1>
    %eq3A_2863 = arith.xori %eq3A_2861, %eq3A_2862 : vector<256x128xi1>
    %ne3A_2864 = arith.xori %eq3A_2863, %or3A_2860 : vector<256x128xi1>
    %select_n3A_2865 = arith.select %ne3A_2864, %select_n3A_2842, %select_n3A_2830 : vector<256x128xi1>, vector<256x128xi32>
    %select_n3A_2866 = arith.select %ne3A_2864, %select_n3A_2847, %select_n3A_2831 : vector<256x128xi1>, vector<256x128xi32>
    %and3A_2867 = arith.constant 2 : i32
    %and3A_2868 = vector.broadcast %and3A_2867 : i32 to vector<256x128xi32>
    %and3A_2869 = arith.andi %iota3A, %and3A_2868 : vector<256x128xi32>
    %ne3A_2870 = arith.constant 0 : i32
    %ne3A_2871 = vector.broadcast %ne3A_2870 : i32 to vector<256x128xi32>
    %ne3A_2872 = arith.cmpi ne, %and3A_2869, %ne3A_2871 : vector<256x128xi32>
    %roll3A_2873 = arith.constant 2 : i32
    %roll3A_2874 = tpu.dynamic_rotate %select_n3A_2865 by %roll3A_2873 dim 0 : vector<256x128xi32>, i32 -> vector<256x128xi32>
    %roll3A_2875 = arith.constant 254 : i32
    %roll3A_2876 = tpu.dynamic_rotate %select_n3A_2865 by %roll3A_2875 dim 0 : vector<256x128xi32>, i32 -> vector<256x128xi32>
    %select_n3A_2877 = arith.select %ne3A_2872, %roll3A_2874, %roll3A_2876 : vector<256x128xi1>, vector<256x128xi32>
    %roll3A_2878 = arith.constant 2 : i32
    %roll3A_2879 = tpu.dynamic_rotate %select_n3A_2866 by %roll3A_2878 dim 0 : vector<256x128xi32>, i32 -> vector<256x128xi32>
    %roll3A_2880 = arith.constant 254 : i32
    %roll3A_2881 = tpu.dynamic_rotate %select_n3A_2866 by %roll3A_2880 dim 0 : vector<256x128xi32>, i32 -> vector<256x128xi32>
    %select_n3A_2882 = arith.select %ne3A_2872, %roll3A_2879, %roll3A_2881 : vector<256x128xi1>, vector<256x128xi32>
    %not3A_2883 = arith.constant dense<true> : vector<256x128xi1>
    %not3A_2884 = arith.xori %ne3A_2872, %not3A_2883 : vector<256x128xi1>
    %and3A_2885 = arith.constant 64 : i32
    %and3A_2886 = vector.broadcast %and3A_2885 : i32 to vector<256x128xi32>
    %and3A_2887 = arith.andi %iota3A, %and3A_2886 : vector<256x128xi32>
    %eq3A_2888 = arith.constant 0 : i32
    %eq3A_2889 = vector.broadcast %eq3A_2888 : i32 to vector<256x128xi32>
    %eq3A_2890 = arith.cmpi eq, %and3A_2887, %eq3A_2889 : vector<256x128xi32>
    %gt3A_2891 = arith.cmpi sgt, %select_n3A_2865, %select_n3A_2877 : vector<256x128xi32>
    %eq3A_2892 = arith.cmpi eq, %select_n3A_2865, %select_n3A_2877 : vector<256x128xi32>
    %lt3A_2893 = arith.cmpi slt, %select_n3A_2866, %select_n3A_2882 : vector<256x128xi32>
    %and3A_2894 = arith.andi %eq3A_2892, %lt3A_2893 : vector<256x128xi1>
    %or3A_2895 = arith.ori %gt3A_2891, %and3A_2894 : vector<256x128xi1>
    %eq3A_2896 = arith.xori %eq3A_2890, %not3A_2884 : vector<256x128xi1>
    %eq3A_2897 = arith.constant dense<true> : vector<256x128xi1>
    %eq3A_2898 = arith.xori %eq3A_2896, %eq3A_2897 : vector<256x128xi1>
    %ne3A_2899 = arith.xori %eq3A_2898, %or3A_2895 : vector<256x128xi1>
    %select_n3A_2900 = arith.select %ne3A_2899, %select_n3A_2877, %select_n3A_2865 : vector<256x128xi1>, vector<256x128xi32>
    %select_n3A_2901 = arith.select %ne3A_2899, %select_n3A_2882, %select_n3A_2866 : vector<256x128xi1>, vector<256x128xi32>
    %and3A_2902 = arith.constant 1 : i32
    %and3A_2903 = vector.broadcast %and3A_2902 : i32 to vector<256x128xi32>
    %and3A_2904 = arith.andi %iota3A, %and3A_2903 : vector<256x128xi32>
    %ne3A_2905 = arith.constant 0 : i32
    %ne3A_2906 = vector.broadcast %ne3A_2905 : i32 to vector<256x128xi32>
    %ne3A_2907 = arith.cmpi ne, %and3A_2904, %ne3A_2906 : vector<256x128xi32>
    %roll3A_2908 = arith.constant 1 : i32
    %roll3A_2909 = tpu.dynamic_rotate %select_n3A_2900 by %roll3A_2908 dim 0 : vector<256x128xi32>, i32 -> vector<256x128xi32>
    %roll3A_2910 = arith.constant 255 : i32
    %roll3A_2911 = tpu.dynamic_rotate %select_n3A_2900 by %roll3A_2910 dim 0 : vector<256x128xi32>, i32 -> vector<256x128xi32>
    %select_n3A_2912 = arith.select %ne3A_2907, %roll3A_2909, %roll3A_2911 : vector<256x128xi1>, vector<256x128xi32>
    %roll3A_2913 = arith.constant 1 : i32
    %roll3A_2914 = tpu.dynamic_rotate %select_n3A_2901 by %roll3A_2913 dim 0 : vector<256x128xi32>, i32 -> vector<256x128xi32>
    %roll3A_2915 = arith.constant 255 : i32
    %roll3A_2916 = tpu.dynamic_rotate %select_n3A_2901 by %roll3A_2915 dim 0 : vector<256x128xi32>, i32 -> vector<256x128xi32>
    %select_n3A_2917 = arith.select %ne3A_2907, %roll3A_2914, %roll3A_2916 : vector<256x128xi1>, vector<256x128xi32>
    %not3A_2918 = arith.constant dense<true> : vector<256x128xi1>
    %not3A_2919 = arith.xori %ne3A_2907, %not3A_2918 : vector<256x128xi1>
    %and3A_2920 = arith.constant 64 : i32
    %and3A_2921 = vector.broadcast %and3A_2920 : i32 to vector<256x128xi32>
    %and3A_2922 = arith.andi %iota3A, %and3A_2921 : vector<256x128xi32>
    %eq3A_2923 = arith.constant 0 : i32
    %eq3A_2924 = vector.broadcast %eq3A_2923 : i32 to vector<256x128xi32>
    %eq3A_2925 = arith.cmpi eq, %and3A_2922, %eq3A_2924 : vector<256x128xi32>
    %gt3A_2926 = arith.cmpi sgt, %select_n3A_2900, %select_n3A_2912 : vector<256x128xi32>
    %eq3A_2927 = arith.cmpi eq, %select_n3A_2900, %select_n3A_2912 : vector<256x128xi32>
    %lt3A_2928 = arith.cmpi slt, %select_n3A_2901, %select_n3A_2917 : vector<256x128xi32>
    %and3A_2929 = arith.andi %eq3A_2927, %lt3A_2928 : vector<256x128xi1>
    %or3A_2930 = arith.ori %gt3A_2926, %and3A_2929 : vector<256x128xi1>
    %eq3A_2931 = arith.xori %eq3A_2925, %not3A_2919 : vector<256x128xi1>
    %eq3A_2932 = arith.constant dense<true> : vector<256x128xi1>
    %eq3A_2933 = arith.xori %eq3A_2931, %eq3A_2932 : vector<256x128xi1>
    %ne3A_2934 = arith.xori %eq3A_2933, %or3A_2930 : vector<256x128xi1>
    %select_n3A_2935 = arith.select %ne3A_2934, %select_n3A_2912, %select_n3A_2900 : vector<256x128xi1>, vector<256x128xi32>
    %select_n3A_2936 = arith.select %ne3A_2934, %select_n3A_2917, %select_n3A_2901 : vector<256x128xi1>, vector<256x128xi32>
    %and3A_2937 = arith.constant 64 : i32
    %and3A_2938 = vector.broadcast %and3A_2937 : i32 to vector<256x128xi32>
    %and3A_2939 = arith.andi %iota3A_5, %and3A_2938 : vector<256x128xi32>
    %ne3A_2940 = arith.constant 0 : i32
    %ne3A_2941 = vector.broadcast %ne3A_2940 : i32 to vector<256x128xi32>
    %ne3A_2942 = arith.cmpi ne, %and3A_2939, %ne3A_2941 : vector<256x128xi32>
    %roll3A_2943 = arith.constant 64 : i32
    %roll3A_2944 = tpu.dynamic_rotate %select_n3A_2935 by %roll3A_2943 dim 1 : vector<256x128xi32>, i32 -> vector<256x128xi32>
    %roll3A_2945 = arith.constant 64 : i32
    %roll3A_2946 = tpu.dynamic_rotate %select_n3A_2935 by %roll3A_2945 dim 1 : vector<256x128xi32>, i32 -> vector<256x128xi32>
    %select_n3A_2947 = arith.select %ne3A_2942, %roll3A_2944, %roll3A_2946 : vector<256x128xi1>, vector<256x128xi32>
    %roll3A_2948 = arith.constant 64 : i32
    %roll3A_2949 = tpu.dynamic_rotate %select_n3A_2936 by %roll3A_2948 dim 1 : vector<256x128xi32>, i32 -> vector<256x128xi32>
    %roll3A_2950 = arith.constant 64 : i32
    %roll3A_2951 = tpu.dynamic_rotate %select_n3A_2936 by %roll3A_2950 dim 1 : vector<256x128xi32>, i32 -> vector<256x128xi32>
    %select_n3A_2952 = arith.select %ne3A_2942, %roll3A_2949, %roll3A_2951 : vector<256x128xi1>, vector<256x128xi32>
    %not3A_2953 = arith.constant dense<true> : vector<256x128xi1>
    %not3A_2954 = arith.xori %ne3A_2942, %not3A_2953 : vector<256x128xi1>
    %and3A_2955 = arith.constant 64 : i32
    %and3A_2956 = vector.broadcast %and3A_2955 : i32 to vector<256x128xi32>
    %and3A_2957 = arith.andi %iota3A, %and3A_2956 : vector<256x128xi32>
    %eq3A_2958 = arith.constant 0 : i32
    %eq3A_2959 = vector.broadcast %eq3A_2958 : i32 to vector<256x128xi32>
    %eq3A_2960 = arith.cmpi eq, %and3A_2957, %eq3A_2959 : vector<256x128xi32>
    %gt3A_2961 = arith.cmpi sgt, %select_n3A_2935, %select_n3A_2947 : vector<256x128xi32>
    %eq3A_2962 = arith.cmpi eq, %select_n3A_2935, %select_n3A_2947 : vector<256x128xi32>
    %lt3A_2963 = arith.cmpi slt, %select_n3A_2936, %select_n3A_2952 : vector<256x128xi32>
    %and3A_2964 = arith.andi %eq3A_2962, %lt3A_2963 : vector<256x128xi1>
    %or3A_2965 = arith.ori %gt3A_2961, %and3A_2964 : vector<256x128xi1>
    %eq3A_2966 = arith.xori %eq3A_2960, %not3A_2954 : vector<256x128xi1>
    %eq3A_2967 = arith.constant dense<true> : vector<256x128xi1>
    %eq3A_2968 = arith.xori %eq3A_2966, %eq3A_2967 : vector<256x128xi1>
    %ne3A_2969 = arith.xori %eq3A_2968, %or3A_2965 : vector<256x128xi1>
    %select_n3A_2970 = arith.select %ne3A_2969, %select_n3A_2947, %select_n3A_2935 : vector<256x128xi1>, vector<256x128xi32>
    %select_n3A_2971 = arith.select %ne3A_2969, %select_n3A_2952, %select_n3A_2936 : vector<256x128xi1>, vector<256x128xi32>
    %and3A_2972 = arith.constant 32 : i32
    %and3A_2973 = vector.broadcast %and3A_2972 : i32 to vector<256x128xi32>
    %and3A_2974 = arith.andi %iota3A_5, %and3A_2973 : vector<256x128xi32>
    %ne3A_2975 = arith.constant 0 : i32
    %ne3A_2976 = vector.broadcast %ne3A_2975 : i32 to vector<256x128xi32>
    %ne3A_2977 = arith.cmpi ne, %and3A_2974, %ne3A_2976 : vector<256x128xi32>
    %roll3A_2978 = arith.constant 32 : i32
    %roll3A_2979 = tpu.dynamic_rotate %select_n3A_2970 by %roll3A_2978 dim 1 : vector<256x128xi32>, i32 -> vector<256x128xi32>
    %roll3A_2980 = arith.constant 96 : i32
    %roll3A_2981 = tpu.dynamic_rotate %select_n3A_2970 by %roll3A_2980 dim 1 : vector<256x128xi32>, i32 -> vector<256x128xi32>
    %select_n3A_2982 = arith.select %ne3A_2977, %roll3A_2979, %roll3A_2981 : vector<256x128xi1>, vector<256x128xi32>
    %roll3A_2983 = arith.constant 32 : i32
    %roll3A_2984 = tpu.dynamic_rotate %select_n3A_2971 by %roll3A_2983 dim 1 : vector<256x128xi32>, i32 -> vector<256x128xi32>
    %roll3A_2985 = arith.constant 96 : i32
    %roll3A_2986 = tpu.dynamic_rotate %select_n3A_2971 by %roll3A_2985 dim 1 : vector<256x128xi32>, i32 -> vector<256x128xi32>
    %select_n3A_2987 = arith.select %ne3A_2977, %roll3A_2984, %roll3A_2986 : vector<256x128xi1>, vector<256x128xi32>
    %not3A_2988 = arith.constant dense<true> : vector<256x128xi1>
    %not3A_2989 = arith.xori %ne3A_2977, %not3A_2988 : vector<256x128xi1>
    %and3A_2990 = arith.constant 64 : i32
    %and3A_2991 = vector.broadcast %and3A_2990 : i32 to vector<256x128xi32>
    %and3A_2992 = arith.andi %iota3A, %and3A_2991 : vector<256x128xi32>
    %eq3A_2993 = arith.constant 0 : i32
    %eq3A_2994 = vector.broadcast %eq3A_2993 : i32 to vector<256x128xi32>
    %eq3A_2995 = arith.cmpi eq, %and3A_2992, %eq3A_2994 : vector<256x128xi32>
    %gt3A_2996 = arith.cmpi sgt, %select_n3A_2970, %select_n3A_2982 : vector<256x128xi32>
    %eq3A_2997 = arith.cmpi eq, %select_n3A_2970, %select_n3A_2982 : vector<256x128xi32>
    %lt3A_2998 = arith.cmpi slt, %select_n3A_2971, %select_n3A_2987 : vector<256x128xi32>
    %and3A_2999 = arith.andi %eq3A_2997, %lt3A_2998 : vector<256x128xi1>
    %or3A_3000 = arith.ori %gt3A_2996, %and3A_2999 : vector<256x128xi1>
    %eq3A_3001 = arith.xori %eq3A_2995, %not3A_2989 : vector<256x128xi1>
    %eq3A_3002 = arith.constant dense<true> : vector<256x128xi1>
    %eq3A_3003 = arith.xori %eq3A_3001, %eq3A_3002 : vector<256x128xi1>
    %ne3A_3004 = arith.xori %eq3A_3003, %or3A_3000 : vector<256x128xi1>
    %select_n3A_3005 = arith.select %ne3A_3004, %select_n3A_2982, %select_n3A_2970 : vector<256x128xi1>, vector<256x128xi32>
    %select_n3A_3006 = arith.select %ne3A_3004, %select_n3A_2987, %select_n3A_2971 : vector<256x128xi1>, vector<256x128xi32>
    %and3A_3007 = arith.constant 16 : i32
    %and3A_3008 = vector.broadcast %and3A_3007 : i32 to vector<256x128xi32>
    %and3A_3009 = arith.andi %iota3A_5, %and3A_3008 : vector<256x128xi32>
    %ne3A_3010 = arith.constant 0 : i32
    %ne3A_3011 = vector.broadcast %ne3A_3010 : i32 to vector<256x128xi32>
    %ne3A_3012 = arith.cmpi ne, %and3A_3009, %ne3A_3011 : vector<256x128xi32>
    %roll3A_3013 = arith.constant 16 : i32
    %roll3A_3014 = tpu.dynamic_rotate %select_n3A_3005 by %roll3A_3013 dim 1 : vector<256x128xi32>, i32 -> vector<256x128xi32>
    %roll3A_3015 = arith.constant 112 : i32
    %roll3A_3016 = tpu.dynamic_rotate %select_n3A_3005 by %roll3A_3015 dim 1 : vector<256x128xi32>, i32 -> vector<256x128xi32>
    %select_n3A_3017 = arith.select %ne3A_3012, %roll3A_3014, %roll3A_3016 : vector<256x128xi1>, vector<256x128xi32>
    %roll3A_3018 = arith.constant 16 : i32
    %roll3A_3019 = tpu.dynamic_rotate %select_n3A_3006 by %roll3A_3018 dim 1 : vector<256x128xi32>, i32 -> vector<256x128xi32>
    %roll3A_3020 = arith.constant 112 : i32
    %roll3A_3021 = tpu.dynamic_rotate %select_n3A_3006 by %roll3A_3020 dim 1 : vector<256x128xi32>, i32 -> vector<256x128xi32>
    %select_n3A_3022 = arith.select %ne3A_3012, %roll3A_3019, %roll3A_3021 : vector<256x128xi1>, vector<256x128xi32>
    %not3A_3023 = arith.constant dense<true> : vector<256x128xi1>
    %not3A_3024 = arith.xori %ne3A_3012, %not3A_3023 : vector<256x128xi1>
    %and3A_3025 = arith.constant 64 : i32
    %and3A_3026 = vector.broadcast %and3A_3025 : i32 to vector<256x128xi32>
    %and3A_3027 = arith.andi %iota3A, %and3A_3026 : vector<256x128xi32>
    %eq3A_3028 = arith.constant 0 : i32
    %eq3A_3029 = vector.broadcast %eq3A_3028 : i32 to vector<256x128xi32>
    %eq3A_3030 = arith.cmpi eq, %and3A_3027, %eq3A_3029 : vector<256x128xi32>
    %gt3A_3031 = arith.cmpi sgt, %select_n3A_3005, %select_n3A_3017 : vector<256x128xi32>
    %eq3A_3032 = arith.cmpi eq, %select_n3A_3005, %select_n3A_3017 : vector<256x128xi32>
    %lt3A_3033 = arith.cmpi slt, %select_n3A_3006, %select_n3A_3022 : vector<256x128xi32>
    %and3A_3034 = arith.andi %eq3A_3032, %lt3A_3033 : vector<256x128xi1>
    %or3A_3035 = arith.ori %gt3A_3031, %and3A_3034 : vector<256x128xi1>
    %eq3A_3036 = arith.xori %eq3A_3030, %not3A_3024 : vector<256x128xi1>
    %eq3A_3037 = arith.constant dense<true> : vector<256x128xi1>
    %eq3A_3038 = arith.xori %eq3A_3036, %eq3A_3037 : vector<256x128xi1>
    %ne3A_3039 = arith.xori %eq3A_3038, %or3A_3035 : vector<256x128xi1>
    %select_n3A_3040 = arith.select %ne3A_3039, %select_n3A_3017, %select_n3A_3005 : vector<256x128xi1>, vector<256x128xi32>
    %select_n3A_3041 = arith.select %ne3A_3039, %select_n3A_3022, %select_n3A_3006 : vector<256x128xi1>, vector<256x128xi32>
    %and3A_3042 = arith.constant 8 : i32
    %and3A_3043 = vector.broadcast %and3A_3042 : i32 to vector<256x128xi32>
    %and3A_3044 = arith.andi %iota3A_5, %and3A_3043 : vector<256x128xi32>
    %ne3A_3045 = arith.constant 0 : i32
    %ne3A_3046 = vector.broadcast %ne3A_3045 : i32 to vector<256x128xi32>
    %ne3A_3047 = arith.cmpi ne, %and3A_3044, %ne3A_3046 : vector<256x128xi32>
    %roll3A_3048 = arith.constant 8 : i32
    %roll3A_3049 = tpu.dynamic_rotate %select_n3A_3040 by %roll3A_3048 dim 1 : vector<256x128xi32>, i32 -> vector<256x128xi32>
    %roll3A_3050 = arith.constant 120 : i32
    %roll3A_3051 = tpu.dynamic_rotate %select_n3A_3040 by %roll3A_3050 dim 1 : vector<256x128xi32>, i32 -> vector<256x128xi32>
    %select_n3A_3052 = arith.select %ne3A_3047, %roll3A_3049, %roll3A_3051 : vector<256x128xi1>, vector<256x128xi32>
    %roll3A_3053 = arith.constant 8 : i32
    %roll3A_3054 = tpu.dynamic_rotate %select_n3A_3041 by %roll3A_3053 dim 1 : vector<256x128xi32>, i32 -> vector<256x128xi32>
    %roll3A_3055 = arith.constant 120 : i32
    %roll3A_3056 = tpu.dynamic_rotate %select_n3A_3041 by %roll3A_3055 dim 1 : vector<256x128xi32>, i32 -> vector<256x128xi32>
    %select_n3A_3057 = arith.select %ne3A_3047, %roll3A_3054, %roll3A_3056 : vector<256x128xi1>, vector<256x128xi32>
    %not3A_3058 = arith.constant dense<true> : vector<256x128xi1>
    %not3A_3059 = arith.xori %ne3A_3047, %not3A_3058 : vector<256x128xi1>
    %and3A_3060 = arith.constant 64 : i32
    %and3A_3061 = vector.broadcast %and3A_3060 : i32 to vector<256x128xi32>
    %and3A_3062 = arith.andi %iota3A, %and3A_3061 : vector<256x128xi32>
    %eq3A_3063 = arith.constant 0 : i32
    %eq3A_3064 = vector.broadcast %eq3A_3063 : i32 to vector<256x128xi32>
    %eq3A_3065 = arith.cmpi eq, %and3A_3062, %eq3A_3064 : vector<256x128xi32>
    %gt3A_3066 = arith.cmpi sgt, %select_n3A_3040, %select_n3A_3052 : vector<256x128xi32>
    %eq3A_3067 = arith.cmpi eq, %select_n3A_3040, %select_n3A_3052 : vector<256x128xi32>
    %lt3A_3068 = arith.cmpi slt, %select_n3A_3041, %select_n3A_3057 : vector<256x128xi32>
    %and3A_3069 = arith.andi %eq3A_3067, %lt3A_3068 : vector<256x128xi1>
    %or3A_3070 = arith.ori %gt3A_3066, %and3A_3069 : vector<256x128xi1>
    %eq3A_3071 = arith.xori %eq3A_3065, %not3A_3059 : vector<256x128xi1>
    %eq3A_3072 = arith.constant dense<true> : vector<256x128xi1>
    %eq3A_3073 = arith.xori %eq3A_3071, %eq3A_3072 : vector<256x128xi1>
    %ne3A_3074 = arith.xori %eq3A_3073, %or3A_3070 : vector<256x128xi1>
    %select_n3A_3075 = arith.select %ne3A_3074, %select_n3A_3052, %select_n3A_3040 : vector<256x128xi1>, vector<256x128xi32>
    %select_n3A_3076 = arith.select %ne3A_3074, %select_n3A_3057, %select_n3A_3041 : vector<256x128xi1>, vector<256x128xi32>
    %and3A_3077 = arith.constant 4 : i32
    %and3A_3078 = vector.broadcast %and3A_3077 : i32 to vector<256x128xi32>
    %and3A_3079 = arith.andi %iota3A_5, %and3A_3078 : vector<256x128xi32>
    %ne3A_3080 = arith.constant 0 : i32
    %ne3A_3081 = vector.broadcast %ne3A_3080 : i32 to vector<256x128xi32>
    %ne3A_3082 = arith.cmpi ne, %and3A_3079, %ne3A_3081 : vector<256x128xi32>
    %roll3A_3083 = arith.constant 4 : i32
    %roll3A_3084 = tpu.dynamic_rotate %select_n3A_3075 by %roll3A_3083 dim 1 : vector<256x128xi32>, i32 -> vector<256x128xi32>
    %roll3A_3085 = arith.constant 124 : i32
    %roll3A_3086 = tpu.dynamic_rotate %select_n3A_3075 by %roll3A_3085 dim 1 : vector<256x128xi32>, i32 -> vector<256x128xi32>
    %select_n3A_3087 = arith.select %ne3A_3082, %roll3A_3084, %roll3A_3086 : vector<256x128xi1>, vector<256x128xi32>
    %roll3A_3088 = arith.constant 4 : i32
    %roll3A_3089 = tpu.dynamic_rotate %select_n3A_3076 by %roll3A_3088 dim 1 : vector<256x128xi32>, i32 -> vector<256x128xi32>
    %roll3A_3090 = arith.constant 124 : i32
    %roll3A_3091 = tpu.dynamic_rotate %select_n3A_3076 by %roll3A_3090 dim 1 : vector<256x128xi32>, i32 -> vector<256x128xi32>
    %select_n3A_3092 = arith.select %ne3A_3082, %roll3A_3089, %roll3A_3091 : vector<256x128xi1>, vector<256x128xi32>
    %not3A_3093 = arith.constant dense<true> : vector<256x128xi1>
    %not3A_3094 = arith.xori %ne3A_3082, %not3A_3093 : vector<256x128xi1>
    %and3A_3095 = arith.constant 64 : i32
    %and3A_3096 = vector.broadcast %and3A_3095 : i32 to vector<256x128xi32>
    %and3A_3097 = arith.andi %iota3A, %and3A_3096 : vector<256x128xi32>
    %eq3A_3098 = arith.constant 0 : i32
    %eq3A_3099 = vector.broadcast %eq3A_3098 : i32 to vector<256x128xi32>
    %eq3A_3100 = arith.cmpi eq, %and3A_3097, %eq3A_3099 : vector<256x128xi32>
    %gt3A_3101 = arith.cmpi sgt, %select_n3A_3075, %select_n3A_3087 : vector<256x128xi32>
    %eq3A_3102 = arith.cmpi eq, %select_n3A_3075, %select_n3A_3087 : vector<256x128xi32>
    %lt3A_3103 = arith.cmpi slt, %select_n3A_3076, %select_n3A_3092 : vector<256x128xi32>
    %and3A_3104 = arith.andi %eq3A_3102, %lt3A_3103 : vector<256x128xi1>
    %or3A_3105 = arith.ori %gt3A_3101, %and3A_3104 : vector<256x128xi1>
    %eq3A_3106 = arith.xori %eq3A_3100, %not3A_3094 : vector<256x128xi1>
    %eq3A_3107 = arith.constant dense<true> : vector<256x128xi1>
    %eq3A_3108 = arith.xori %eq3A_3106, %eq3A_3107 : vector<256x128xi1>
    %ne3A_3109 = arith.xori %eq3A_3108, %or3A_3105 : vector<256x128xi1>
    %select_n3A_3110 = arith.select %ne3A_3109, %select_n3A_3087, %select_n3A_3075 : vector<256x128xi1>, vector<256x128xi32>
    %select_n3A_3111 = arith.select %ne3A_3109, %select_n3A_3092, %select_n3A_3076 : vector<256x128xi1>, vector<256x128xi32>
    %and3A_3112 = arith.constant 2 : i32
    %and3A_3113 = vector.broadcast %and3A_3112 : i32 to vector<256x128xi32>
    %and3A_3114 = arith.andi %iota3A_5, %and3A_3113 : vector<256x128xi32>
    %ne3A_3115 = arith.constant 0 : i32
    %ne3A_3116 = vector.broadcast %ne3A_3115 : i32 to vector<256x128xi32>
    %ne3A_3117 = arith.cmpi ne, %and3A_3114, %ne3A_3116 : vector<256x128xi32>
    %roll3A_3118 = arith.constant 2 : i32
    %roll3A_3119 = tpu.dynamic_rotate %select_n3A_3110 by %roll3A_3118 dim 1 : vector<256x128xi32>, i32 -> vector<256x128xi32>
    %roll3A_3120 = arith.constant 126 : i32
    %roll3A_3121 = tpu.dynamic_rotate %select_n3A_3110 by %roll3A_3120 dim 1 : vector<256x128xi32>, i32 -> vector<256x128xi32>
    %select_n3A_3122 = arith.select %ne3A_3117, %roll3A_3119, %roll3A_3121 : vector<256x128xi1>, vector<256x128xi32>
    %roll3A_3123 = arith.constant 2 : i32
    %roll3A_3124 = tpu.dynamic_rotate %select_n3A_3111 by %roll3A_3123 dim 1 : vector<256x128xi32>, i32 -> vector<256x128xi32>
    %roll3A_3125 = arith.constant 126 : i32
    %roll3A_3126 = tpu.dynamic_rotate %select_n3A_3111 by %roll3A_3125 dim 1 : vector<256x128xi32>, i32 -> vector<256x128xi32>
    %select_n3A_3127 = arith.select %ne3A_3117, %roll3A_3124, %roll3A_3126 : vector<256x128xi1>, vector<256x128xi32>
    %not3A_3128 = arith.constant dense<true> : vector<256x128xi1>
    %not3A_3129 = arith.xori %ne3A_3117, %not3A_3128 : vector<256x128xi1>
    %and3A_3130 = arith.constant 64 : i32
    %and3A_3131 = vector.broadcast %and3A_3130 : i32 to vector<256x128xi32>
    %and3A_3132 = arith.andi %iota3A, %and3A_3131 : vector<256x128xi32>
    %eq3A_3133 = arith.constant 0 : i32
    %eq3A_3134 = vector.broadcast %eq3A_3133 : i32 to vector<256x128xi32>
    %eq3A_3135 = arith.cmpi eq, %and3A_3132, %eq3A_3134 : vector<256x128xi32>
    %gt3A_3136 = arith.cmpi sgt, %select_n3A_3110, %select_n3A_3122 : vector<256x128xi32>
    %eq3A_3137 = arith.cmpi eq, %select_n3A_3110, %select_n3A_3122 : vector<256x128xi32>
    %lt3A_3138 = arith.cmpi slt, %select_n3A_3111, %select_n3A_3127 : vector<256x128xi32>
    %and3A_3139 = arith.andi %eq3A_3137, %lt3A_3138 : vector<256x128xi1>
    %or3A_3140 = arith.ori %gt3A_3136, %and3A_3139 : vector<256x128xi1>
    %eq3A_3141 = arith.xori %eq3A_3135, %not3A_3129 : vector<256x128xi1>
    %eq3A_3142 = arith.constant dense<true> : vector<256x128xi1>
    %eq3A_3143 = arith.xori %eq3A_3141, %eq3A_3142 : vector<256x128xi1>
    %ne3A_3144 = arith.xori %eq3A_3143, %or3A_3140 : vector<256x128xi1>
    %select_n3A_3145 = arith.select %ne3A_3144, %select_n3A_3122, %select_n3A_3110 : vector<256x128xi1>, vector<256x128xi32>
    %select_n3A_3146 = arith.select %ne3A_3144, %select_n3A_3127, %select_n3A_3111 : vector<256x128xi1>, vector<256x128xi32>
    %and3A_3147 = arith.constant 1 : i32
    %and3A_3148 = vector.broadcast %and3A_3147 : i32 to vector<256x128xi32>
    %and3A_3149 = arith.andi %iota3A_5, %and3A_3148 : vector<256x128xi32>
    %ne3A_3150 = arith.constant 0 : i32
    %ne3A_3151 = vector.broadcast %ne3A_3150 : i32 to vector<256x128xi32>
    %ne3A_3152 = arith.cmpi ne, %and3A_3149, %ne3A_3151 : vector<256x128xi32>
    %roll3A_3153 = arith.constant 1 : i32
    %roll3A_3154 = tpu.dynamic_rotate %select_n3A_3145 by %roll3A_3153 dim 1 : vector<256x128xi32>, i32 -> vector<256x128xi32>
    %roll3A_3155 = arith.constant 127 : i32
    %roll3A_3156 = tpu.dynamic_rotate %select_n3A_3145 by %roll3A_3155 dim 1 : vector<256x128xi32>, i32 -> vector<256x128xi32>
    %select_n3A_3157 = arith.select %ne3A_3152, %roll3A_3154, %roll3A_3156 : vector<256x128xi1>, vector<256x128xi32>
    %roll3A_3158 = arith.constant 1 : i32
    %roll3A_3159 = tpu.dynamic_rotate %select_n3A_3146 by %roll3A_3158 dim 1 : vector<256x128xi32>, i32 -> vector<256x128xi32>
    %roll3A_3160 = arith.constant 127 : i32
    %roll3A_3161 = tpu.dynamic_rotate %select_n3A_3146 by %roll3A_3160 dim 1 : vector<256x128xi32>, i32 -> vector<256x128xi32>
    %select_n3A_3162 = arith.select %ne3A_3152, %roll3A_3159, %roll3A_3161 : vector<256x128xi1>, vector<256x128xi32>
    %not3A_3163 = arith.constant dense<true> : vector<256x128xi1>
    %not3A_3164 = arith.xori %ne3A_3152, %not3A_3163 : vector<256x128xi1>
    %and3A_3165 = arith.constant 64 : i32
    %and3A_3166 = vector.broadcast %and3A_3165 : i32 to vector<256x128xi32>
    %and3A_3167 = arith.andi %iota3A, %and3A_3166 : vector<256x128xi32>
    %eq3A_3168 = arith.constant 0 : i32
    %eq3A_3169 = vector.broadcast %eq3A_3168 : i32 to vector<256x128xi32>
    %eq3A_3170 = arith.cmpi eq, %and3A_3167, %eq3A_3169 : vector<256x128xi32>
    %gt3A_3171 = arith.cmpi sgt, %select_n3A_3145, %select_n3A_3157 : vector<256x128xi32>
    %eq3A_3172 = arith.cmpi eq, %select_n3A_3145, %select_n3A_3157 : vector<256x128xi32>
    %lt3A_3173 = arith.cmpi slt, %select_n3A_3146, %select_n3A_3162 : vector<256x128xi32>
    %and3A_3174 = arith.andi %eq3A_3172, %lt3A_3173 : vector<256x128xi1>
    %or3A_3175 = arith.ori %gt3A_3171, %and3A_3174 : vector<256x128xi1>
    %eq3A_3176 = arith.xori %eq3A_3170, %not3A_3164 : vector<256x128xi1>
    %eq3A_3177 = arith.constant dense<true> : vector<256x128xi1>
    %eq3A_3178 = arith.xori %eq3A_3176, %eq3A_3177 : vector<256x128xi1>
    %ne3A_3179 = arith.xori %eq3A_3178, %or3A_3175 : vector<256x128xi1>
    %select_n3A_3180 = arith.select %ne3A_3179, %select_n3A_3157, %select_n3A_3145 : vector<256x128xi1>, vector<256x128xi32>
    %select_n3A_3181 = arith.select %ne3A_3179, %select_n3A_3162, %select_n3A_3146 : vector<256x128xi1>, vector<256x128xi32>
    %and3A_3182 = arith.constant 64 : i32
    %and3A_3183 = vector.broadcast %and3A_3182 : i32 to vector<256x128xi32>
    %and3A_3184 = arith.andi %iota3A, %and3A_3183 : vector<256x128xi32>
    %ne3A_3185 = arith.constant 0 : i32
    %ne3A_3186 = vector.broadcast %ne3A_3185 : i32 to vector<256x128xi32>
    %ne3A_3187 = arith.cmpi ne, %and3A_3184, %ne3A_3186 : vector<256x128xi32>
    %roll3A_3188 = arith.constant 64 : i32
    %roll3A_3189 = tpu.dynamic_rotate %select_n3A_3180 by %roll3A_3188 dim 0 : vector<256x128xi32>, i32 -> vector<256x128xi32>
    %roll3A_3190 = arith.constant 192 : i32
    %roll3A_3191 = tpu.dynamic_rotate %select_n3A_3180 by %roll3A_3190 dim 0 : vector<256x128xi32>, i32 -> vector<256x128xi32>
    %select_n3A_3192 = arith.select %ne3A_3187, %roll3A_3189, %roll3A_3191 : vector<256x128xi1>, vector<256x128xi32>
    %roll3A_3193 = arith.constant 64 : i32
    %roll3A_3194 = tpu.dynamic_rotate %select_n3A_3181 by %roll3A_3193 dim 0 : vector<256x128xi32>, i32 -> vector<256x128xi32>
    %roll3A_3195 = arith.constant 192 : i32
    %roll3A_3196 = tpu.dynamic_rotate %select_n3A_3181 by %roll3A_3195 dim 0 : vector<256x128xi32>, i32 -> vector<256x128xi32>
    %select_n3A_3197 = arith.select %ne3A_3187, %roll3A_3194, %roll3A_3196 : vector<256x128xi1>, vector<256x128xi32>
    %not3A_3198 = arith.constant dense<true> : vector<256x128xi1>
    %not3A_3199 = arith.xori %ne3A_3187, %not3A_3198 : vector<256x128xi1>
    %and3A_3200 = arith.constant 128 : i32
    %and3A_3201 = vector.broadcast %and3A_3200 : i32 to vector<256x128xi32>
    %and3A_3202 = arith.andi %iota3A, %and3A_3201 : vector<256x128xi32>
    %eq3A_3203 = arith.constant 0 : i32
    %eq3A_3204 = vector.broadcast %eq3A_3203 : i32 to vector<256x128xi32>
    %eq3A_3205 = arith.cmpi eq, %and3A_3202, %eq3A_3204 : vector<256x128xi32>
    %gt3A_3206 = arith.cmpi sgt, %select_n3A_3180, %select_n3A_3192 : vector<256x128xi32>
    %eq3A_3207 = arith.cmpi eq, %select_n3A_3180, %select_n3A_3192 : vector<256x128xi32>
    %lt3A_3208 = arith.cmpi slt, %select_n3A_3181, %select_n3A_3197 : vector<256x128xi32>
    %and3A_3209 = arith.andi %eq3A_3207, %lt3A_3208 : vector<256x128xi1>
    %or3A_3210 = arith.ori %gt3A_3206, %and3A_3209 : vector<256x128xi1>
    %eq3A_3211 = arith.xori %eq3A_3205, %not3A_3199 : vector<256x128xi1>
    %eq3A_3212 = arith.constant dense<true> : vector<256x128xi1>
    %eq3A_3213 = arith.xori %eq3A_3211, %eq3A_3212 : vector<256x128xi1>
    %ne3A_3214 = arith.xori %eq3A_3213, %or3A_3210 : vector<256x128xi1>
    %select_n3A_3215 = arith.select %ne3A_3214, %select_n3A_3192, %select_n3A_3180 : vector<256x128xi1>, vector<256x128xi32>
    %select_n3A_3216 = arith.select %ne3A_3214, %select_n3A_3197, %select_n3A_3181 : vector<256x128xi1>, vector<256x128xi32>
    %and3A_3217 = arith.constant 32 : i32
    %and3A_3218 = vector.broadcast %and3A_3217 : i32 to vector<256x128xi32>
    %and3A_3219 = arith.andi %iota3A, %and3A_3218 : vector<256x128xi32>
    %ne3A_3220 = arith.constant 0 : i32
    %ne3A_3221 = vector.broadcast %ne3A_3220 : i32 to vector<256x128xi32>
    %ne3A_3222 = arith.cmpi ne, %and3A_3219, %ne3A_3221 : vector<256x128xi32>
    %roll3A_3223 = arith.constant 32 : i32
    %roll3A_3224 = tpu.dynamic_rotate %select_n3A_3215 by %roll3A_3223 dim 0 : vector<256x128xi32>, i32 -> vector<256x128xi32>
    %roll3A_3225 = arith.constant 224 : i32
    %roll3A_3226 = tpu.dynamic_rotate %select_n3A_3215 by %roll3A_3225 dim 0 : vector<256x128xi32>, i32 -> vector<256x128xi32>
    %select_n3A_3227 = arith.select %ne3A_3222, %roll3A_3224, %roll3A_3226 : vector<256x128xi1>, vector<256x128xi32>
    %roll3A_3228 = arith.constant 32 : i32
    %roll3A_3229 = tpu.dynamic_rotate %select_n3A_3216 by %roll3A_3228 dim 0 : vector<256x128xi32>, i32 -> vector<256x128xi32>
    %roll3A_3230 = arith.constant 224 : i32
    %roll3A_3231 = tpu.dynamic_rotate %select_n3A_3216 by %roll3A_3230 dim 0 : vector<256x128xi32>, i32 -> vector<256x128xi32>
    %select_n3A_3232 = arith.select %ne3A_3222, %roll3A_3229, %roll3A_3231 : vector<256x128xi1>, vector<256x128xi32>
    %not3A_3233 = arith.constant dense<true> : vector<256x128xi1>
    %not3A_3234 = arith.xori %ne3A_3222, %not3A_3233 : vector<256x128xi1>
    %and3A_3235 = arith.constant 128 : i32
    %and3A_3236 = vector.broadcast %and3A_3235 : i32 to vector<256x128xi32>
    %and3A_3237 = arith.andi %iota3A, %and3A_3236 : vector<256x128xi32>
    %eq3A_3238 = arith.constant 0 : i32
    %eq3A_3239 = vector.broadcast %eq3A_3238 : i32 to vector<256x128xi32>
    %eq3A_3240 = arith.cmpi eq, %and3A_3237, %eq3A_3239 : vector<256x128xi32>
    %gt3A_3241 = arith.cmpi sgt, %select_n3A_3215, %select_n3A_3227 : vector<256x128xi32>
    %eq3A_3242 = arith.cmpi eq, %select_n3A_3215, %select_n3A_3227 : vector<256x128xi32>
    %lt3A_3243 = arith.cmpi slt, %select_n3A_3216, %select_n3A_3232 : vector<256x128xi32>
    %and3A_3244 = arith.andi %eq3A_3242, %lt3A_3243 : vector<256x128xi1>
    %or3A_3245 = arith.ori %gt3A_3241, %and3A_3244 : vector<256x128xi1>
    %eq3A_3246 = arith.xori %eq3A_3240, %not3A_3234 : vector<256x128xi1>
    %eq3A_3247 = arith.constant dense<true> : vector<256x128xi1>
    %eq3A_3248 = arith.xori %eq3A_3246, %eq3A_3247 : vector<256x128xi1>
    %ne3A_3249 = arith.xori %eq3A_3248, %or3A_3245 : vector<256x128xi1>
    %select_n3A_3250 = arith.select %ne3A_3249, %select_n3A_3227, %select_n3A_3215 : vector<256x128xi1>, vector<256x128xi32>
    %select_n3A_3251 = arith.select %ne3A_3249, %select_n3A_3232, %select_n3A_3216 : vector<256x128xi1>, vector<256x128xi32>
    %and3A_3252 = arith.constant 16 : i32
    %and3A_3253 = vector.broadcast %and3A_3252 : i32 to vector<256x128xi32>
    %and3A_3254 = arith.andi %iota3A, %and3A_3253 : vector<256x128xi32>
    %ne3A_3255 = arith.constant 0 : i32
    %ne3A_3256 = vector.broadcast %ne3A_3255 : i32 to vector<256x128xi32>
    %ne3A_3257 = arith.cmpi ne, %and3A_3254, %ne3A_3256 : vector<256x128xi32>
    %roll3A_3258 = arith.constant 16 : i32
    %roll3A_3259 = tpu.dynamic_rotate %select_n3A_3250 by %roll3A_3258 dim 0 : vector<256x128xi32>, i32 -> vector<256x128xi32>
    %roll3A_3260 = arith.constant 240 : i32
    %roll3A_3261 = tpu.dynamic_rotate %select_n3A_3250 by %roll3A_3260 dim 0 : vector<256x128xi32>, i32 -> vector<256x128xi32>
    %select_n3A_3262 = arith.select %ne3A_3257, %roll3A_3259, %roll3A_3261 : vector<256x128xi1>, vector<256x128xi32>
    %roll3A_3263 = arith.constant 16 : i32
    %roll3A_3264 = tpu.dynamic_rotate %select_n3A_3251 by %roll3A_3263 dim 0 : vector<256x128xi32>, i32 -> vector<256x128xi32>
    %roll3A_3265 = arith.constant 240 : i32
    %roll3A_3266 = tpu.dynamic_rotate %select_n3A_3251 by %roll3A_3265 dim 0 : vector<256x128xi32>, i32 -> vector<256x128xi32>
    %select_n3A_3267 = arith.select %ne3A_3257, %roll3A_3264, %roll3A_3266 : vector<256x128xi1>, vector<256x128xi32>
    %not3A_3268 = arith.constant dense<true> : vector<256x128xi1>
    %not3A_3269 = arith.xori %ne3A_3257, %not3A_3268 : vector<256x128xi1>
    %and3A_3270 = arith.constant 128 : i32
    %and3A_3271 = vector.broadcast %and3A_3270 : i32 to vector<256x128xi32>
    %and3A_3272 = arith.andi %iota3A, %and3A_3271 : vector<256x128xi32>
    %eq3A_3273 = arith.constant 0 : i32
    %eq3A_3274 = vector.broadcast %eq3A_3273 : i32 to vector<256x128xi32>
    %eq3A_3275 = arith.cmpi eq, %and3A_3272, %eq3A_3274 : vector<256x128xi32>
    %gt3A_3276 = arith.cmpi sgt, %select_n3A_3250, %select_n3A_3262 : vector<256x128xi32>
    %eq3A_3277 = arith.cmpi eq, %select_n3A_3250, %select_n3A_3262 : vector<256x128xi32>
    %lt3A_3278 = arith.cmpi slt, %select_n3A_3251, %select_n3A_3267 : vector<256x128xi32>
    %and3A_3279 = arith.andi %eq3A_3277, %lt3A_3278 : vector<256x128xi1>
    %or3A_3280 = arith.ori %gt3A_3276, %and3A_3279 : vector<256x128xi1>
    %eq3A_3281 = arith.xori %eq3A_3275, %not3A_3269 : vector<256x128xi1>
    %eq3A_3282 = arith.constant dense<true> : vector<256x128xi1>
    %eq3A_3283 = arith.xori %eq3A_3281, %eq3A_3282 : vector<256x128xi1>
    %ne3A_3284 = arith.xori %eq3A_3283, %or3A_3280 : vector<256x128xi1>
    %select_n3A_3285 = arith.select %ne3A_3284, %select_n3A_3262, %select_n3A_3250 : vector<256x128xi1>, vector<256x128xi32>
    %select_n3A_3286 = arith.select %ne3A_3284, %select_n3A_3267, %select_n3A_3251 : vector<256x128xi1>, vector<256x128xi32>
    %and3A_3287 = arith.constant 8 : i32
    %and3A_3288 = vector.broadcast %and3A_3287 : i32 to vector<256x128xi32>
    %and3A_3289 = arith.andi %iota3A, %and3A_3288 : vector<256x128xi32>
    %ne3A_3290 = arith.constant 0 : i32
    %ne3A_3291 = vector.broadcast %ne3A_3290 : i32 to vector<256x128xi32>
    %ne3A_3292 = arith.cmpi ne, %and3A_3289, %ne3A_3291 : vector<256x128xi32>
    %roll3A_3293 = arith.constant 8 : i32
    %roll3A_3294 = tpu.dynamic_rotate %select_n3A_3285 by %roll3A_3293 dim 0 : vector<256x128xi32>, i32 -> vector<256x128xi32>
    %roll3A_3295 = arith.constant 248 : i32
    %roll3A_3296 = tpu.dynamic_rotate %select_n3A_3285 by %roll3A_3295 dim 0 : vector<256x128xi32>, i32 -> vector<256x128xi32>
    %select_n3A_3297 = arith.select %ne3A_3292, %roll3A_3294, %roll3A_3296 : vector<256x128xi1>, vector<256x128xi32>
    %roll3A_3298 = arith.constant 8 : i32
    %roll3A_3299 = tpu.dynamic_rotate %select_n3A_3286 by %roll3A_3298 dim 0 : vector<256x128xi32>, i32 -> vector<256x128xi32>
    %roll3A_3300 = arith.constant 248 : i32
    %roll3A_3301 = tpu.dynamic_rotate %select_n3A_3286 by %roll3A_3300 dim 0 : vector<256x128xi32>, i32 -> vector<256x128xi32>
    %select_n3A_3302 = arith.select %ne3A_3292, %roll3A_3299, %roll3A_3301 : vector<256x128xi1>, vector<256x128xi32>
    %not3A_3303 = arith.constant dense<true> : vector<256x128xi1>
    %not3A_3304 = arith.xori %ne3A_3292, %not3A_3303 : vector<256x128xi1>
    %and3A_3305 = arith.constant 128 : i32
    %and3A_3306 = vector.broadcast %and3A_3305 : i32 to vector<256x128xi32>
    %and3A_3307 = arith.andi %iota3A, %and3A_3306 : vector<256x128xi32>
    %eq3A_3308 = arith.constant 0 : i32
    %eq3A_3309 = vector.broadcast %eq3A_3308 : i32 to vector<256x128xi32>
    %eq3A_3310 = arith.cmpi eq, %and3A_3307, %eq3A_3309 : vector<256x128xi32>
    %gt3A_3311 = arith.cmpi sgt, %select_n3A_3285, %select_n3A_3297 : vector<256x128xi32>
    %eq3A_3312 = arith.cmpi eq, %select_n3A_3285, %select_n3A_3297 : vector<256x128xi32>
    %lt3A_3313 = arith.cmpi slt, %select_n3A_3286, %select_n3A_3302 : vector<256x128xi32>
    %and3A_3314 = arith.andi %eq3A_3312, %lt3A_3313 : vector<256x128xi1>
    %or3A_3315 = arith.ori %gt3A_3311, %and3A_3314 : vector<256x128xi1>
    %eq3A_3316 = arith.xori %eq3A_3310, %not3A_3304 : vector<256x128xi1>
    %eq3A_3317 = arith.constant dense<true> : vector<256x128xi1>
    %eq3A_3318 = arith.xori %eq3A_3316, %eq3A_3317 : vector<256x128xi1>
    %ne3A_3319 = arith.xori %eq3A_3318, %or3A_3315 : vector<256x128xi1>
    %select_n3A_3320 = arith.select %ne3A_3319, %select_n3A_3297, %select_n3A_3285 : vector<256x128xi1>, vector<256x128xi32>
    %select_n3A_3321 = arith.select %ne3A_3319, %select_n3A_3302, %select_n3A_3286 : vector<256x128xi1>, vector<256x128xi32>
    %and3A_3322 = arith.constant 4 : i32
    %and3A_3323 = vector.broadcast %and3A_3322 : i32 to vector<256x128xi32>
    %and3A_3324 = arith.andi %iota3A, %and3A_3323 : vector<256x128xi32>
    %ne3A_3325 = arith.constant 0 : i32
    %ne3A_3326 = vector.broadcast %ne3A_3325 : i32 to vector<256x128xi32>
    %ne3A_3327 = arith.cmpi ne, %and3A_3324, %ne3A_3326 : vector<256x128xi32>
    %roll3A_3328 = arith.constant 4 : i32
    %roll3A_3329 = tpu.dynamic_rotate %select_n3A_3320 by %roll3A_3328 dim 0 : vector<256x128xi32>, i32 -> vector<256x128xi32>
    %roll3A_3330 = arith.constant 252 : i32
    %roll3A_3331 = tpu.dynamic_rotate %select_n3A_3320 by %roll3A_3330 dim 0 : vector<256x128xi32>, i32 -> vector<256x128xi32>
    %select_n3A_3332 = arith.select %ne3A_3327, %roll3A_3329, %roll3A_3331 : vector<256x128xi1>, vector<256x128xi32>
    %roll3A_3333 = arith.constant 4 : i32
    %roll3A_3334 = tpu.dynamic_rotate %select_n3A_3321 by %roll3A_3333 dim 0 : vector<256x128xi32>, i32 -> vector<256x128xi32>
    %roll3A_3335 = arith.constant 252 : i32
    %roll3A_3336 = tpu.dynamic_rotate %select_n3A_3321 by %roll3A_3335 dim 0 : vector<256x128xi32>, i32 -> vector<256x128xi32>
    %select_n3A_3337 = arith.select %ne3A_3327, %roll3A_3334, %roll3A_3336 : vector<256x128xi1>, vector<256x128xi32>
    %not3A_3338 = arith.constant dense<true> : vector<256x128xi1>
    %not3A_3339 = arith.xori %ne3A_3327, %not3A_3338 : vector<256x128xi1>
    %and3A_3340 = arith.constant 128 : i32
    %and3A_3341 = vector.broadcast %and3A_3340 : i32 to vector<256x128xi32>
    %and3A_3342 = arith.andi %iota3A, %and3A_3341 : vector<256x128xi32>
    %eq3A_3343 = arith.constant 0 : i32
    %eq3A_3344 = vector.broadcast %eq3A_3343 : i32 to vector<256x128xi32>
    %eq3A_3345 = arith.cmpi eq, %and3A_3342, %eq3A_3344 : vector<256x128xi32>
    %gt3A_3346 = arith.cmpi sgt, %select_n3A_3320, %select_n3A_3332 : vector<256x128xi32>
    %eq3A_3347 = arith.cmpi eq, %select_n3A_3320, %select_n3A_3332 : vector<256x128xi32>
    %lt3A_3348 = arith.cmpi slt, %select_n3A_3321, %select_n3A_3337 : vector<256x128xi32>
    %and3A_3349 = arith.andi %eq3A_3347, %lt3A_3348 : vector<256x128xi1>
    %or3A_3350 = arith.ori %gt3A_3346, %and3A_3349 : vector<256x128xi1>
    %eq3A_3351 = arith.xori %eq3A_3345, %not3A_3339 : vector<256x128xi1>
    %eq3A_3352 = arith.constant dense<true> : vector<256x128xi1>
    %eq3A_3353 = arith.xori %eq3A_3351, %eq3A_3352 : vector<256x128xi1>
    %ne3A_3354 = arith.xori %eq3A_3353, %or3A_3350 : vector<256x128xi1>
    %select_n3A_3355 = arith.select %ne3A_3354, %select_n3A_3332, %select_n3A_3320 : vector<256x128xi1>, vector<256x128xi32>
    %select_n3A_3356 = arith.select %ne3A_3354, %select_n3A_3337, %select_n3A_3321 : vector<256x128xi1>, vector<256x128xi32>
    %and3A_3357 = arith.constant 2 : i32
    %and3A_3358 = vector.broadcast %and3A_3357 : i32 to vector<256x128xi32>
    %and3A_3359 = arith.andi %iota3A, %and3A_3358 : vector<256x128xi32>
    %ne3A_3360 = arith.constant 0 : i32
    %ne3A_3361 = vector.broadcast %ne3A_3360 : i32 to vector<256x128xi32>
    %ne3A_3362 = arith.cmpi ne, %and3A_3359, %ne3A_3361 : vector<256x128xi32>
    %roll3A_3363 = arith.constant 2 : i32
    %roll3A_3364 = tpu.dynamic_rotate %select_n3A_3355 by %roll3A_3363 dim 0 : vector<256x128xi32>, i32 -> vector<256x128xi32>
    %roll3A_3365 = arith.constant 254 : i32
    %roll3A_3366 = tpu.dynamic_rotate %select_n3A_3355 by %roll3A_3365 dim 0 : vector<256x128xi32>, i32 -> vector<256x128xi32>
    %select_n3A_3367 = arith.select %ne3A_3362, %roll3A_3364, %roll3A_3366 : vector<256x128xi1>, vector<256x128xi32>
    %roll3A_3368 = arith.constant 2 : i32
    %roll3A_3369 = tpu.dynamic_rotate %select_n3A_3356 by %roll3A_3368 dim 0 : vector<256x128xi32>, i32 -> vector<256x128xi32>
    %roll3A_3370 = arith.constant 254 : i32
    %roll3A_3371 = tpu.dynamic_rotate %select_n3A_3356 by %roll3A_3370 dim 0 : vector<256x128xi32>, i32 -> vector<256x128xi32>
    %select_n3A_3372 = arith.select %ne3A_3362, %roll3A_3369, %roll3A_3371 : vector<256x128xi1>, vector<256x128xi32>
    %not3A_3373 = arith.constant dense<true> : vector<256x128xi1>
    %not3A_3374 = arith.xori %ne3A_3362, %not3A_3373 : vector<256x128xi1>
    %and3A_3375 = arith.constant 128 : i32
    %and3A_3376 = vector.broadcast %and3A_3375 : i32 to vector<256x128xi32>
    %and3A_3377 = arith.andi %iota3A, %and3A_3376 : vector<256x128xi32>
    %eq3A_3378 = arith.constant 0 : i32
    %eq3A_3379 = vector.broadcast %eq3A_3378 : i32 to vector<256x128xi32>
    %eq3A_3380 = arith.cmpi eq, %and3A_3377, %eq3A_3379 : vector<256x128xi32>
    %gt3A_3381 = arith.cmpi sgt, %select_n3A_3355, %select_n3A_3367 : vector<256x128xi32>
    %eq3A_3382 = arith.cmpi eq, %select_n3A_3355, %select_n3A_3367 : vector<256x128xi32>
    %lt3A_3383 = arith.cmpi slt, %select_n3A_3356, %select_n3A_3372 : vector<256x128xi32>
    %and3A_3384 = arith.andi %eq3A_3382, %lt3A_3383 : vector<256x128xi1>
    %or3A_3385 = arith.ori %gt3A_3381, %and3A_3384 : vector<256x128xi1>
    %eq3A_3386 = arith.xori %eq3A_3380, %not3A_3374 : vector<256x128xi1>
    %eq3A_3387 = arith.constant dense<true> : vector<256x128xi1>
    %eq3A_3388 = arith.xori %eq3A_3386, %eq3A_3387 : vector<256x128xi1>
    %ne3A_3389 = arith.xori %eq3A_3388, %or3A_3385 : vector<256x128xi1>
    %select_n3A_3390 = arith.select %ne3A_3389, %select_n3A_3367, %select_n3A_3355 : vector<256x128xi1>, vector<256x128xi32>
    %select_n3A_3391 = arith.select %ne3A_3389, %select_n3A_3372, %select_n3A_3356 : vector<256x128xi1>, vector<256x128xi32>
    %and3A_3392 = arith.constant 1 : i32
    %and3A_3393 = vector.broadcast %and3A_3392 : i32 to vector<256x128xi32>
    %and3A_3394 = arith.andi %iota3A, %and3A_3393 : vector<256x128xi32>
    %ne3A_3395 = arith.constant 0 : i32
    %ne3A_3396 = vector.broadcast %ne3A_3395 : i32 to vector<256x128xi32>
    %ne3A_3397 = arith.cmpi ne, %and3A_3394, %ne3A_3396 : vector<256x128xi32>
    %roll3A_3398 = arith.constant 1 : i32
    %roll3A_3399 = tpu.dynamic_rotate %select_n3A_3390 by %roll3A_3398 dim 0 : vector<256x128xi32>, i32 -> vector<256x128xi32>
    %roll3A_3400 = arith.constant 255 : i32
    %roll3A_3401 = tpu.dynamic_rotate %select_n3A_3390 by %roll3A_3400 dim 0 : vector<256x128xi32>, i32 -> vector<256x128xi32>
    %select_n3A_3402 = arith.select %ne3A_3397, %roll3A_3399, %roll3A_3401 : vector<256x128xi1>, vector<256x128xi32>
    %roll3A_3403 = arith.constant 1 : i32
    %roll3A_3404 = tpu.dynamic_rotate %select_n3A_3391 by %roll3A_3403 dim 0 : vector<256x128xi32>, i32 -> vector<256x128xi32>
    %roll3A_3405 = arith.constant 255 : i32
    %roll3A_3406 = tpu.dynamic_rotate %select_n3A_3391 by %roll3A_3405 dim 0 : vector<256x128xi32>, i32 -> vector<256x128xi32>
    %select_n3A_3407 = arith.select %ne3A_3397, %roll3A_3404, %roll3A_3406 : vector<256x128xi1>, vector<256x128xi32>
    %not3A_3408 = arith.constant dense<true> : vector<256x128xi1>
    %not3A_3409 = arith.xori %ne3A_3397, %not3A_3408 : vector<256x128xi1>
    %and3A_3410 = arith.constant 128 : i32
    %and3A_3411 = vector.broadcast %and3A_3410 : i32 to vector<256x128xi32>
    %and3A_3412 = arith.andi %iota3A, %and3A_3411 : vector<256x128xi32>
    %eq3A_3413 = arith.constant 0 : i32
    %eq3A_3414 = vector.broadcast %eq3A_3413 : i32 to vector<256x128xi32>
    %eq3A_3415 = arith.cmpi eq, %and3A_3412, %eq3A_3414 : vector<256x128xi32>
    %gt3A_3416 = arith.cmpi sgt, %select_n3A_3390, %select_n3A_3402 : vector<256x128xi32>
    %eq3A_3417 = arith.cmpi eq, %select_n3A_3390, %select_n3A_3402 : vector<256x128xi32>
    %lt3A_3418 = arith.cmpi slt, %select_n3A_3391, %select_n3A_3407 : vector<256x128xi32>
    %and3A_3419 = arith.andi %eq3A_3417, %lt3A_3418 : vector<256x128xi1>
    %or3A_3420 = arith.ori %gt3A_3416, %and3A_3419 : vector<256x128xi1>
    %eq3A_3421 = arith.xori %eq3A_3415, %not3A_3409 : vector<256x128xi1>
    %eq3A_3422 = arith.constant dense<true> : vector<256x128xi1>
    %eq3A_3423 = arith.xori %eq3A_3421, %eq3A_3422 : vector<256x128xi1>
    %ne3A_3424 = arith.xori %eq3A_3423, %or3A_3420 : vector<256x128xi1>
    %select_n3A_3425 = arith.select %ne3A_3424, %select_n3A_3402, %select_n3A_3390 : vector<256x128xi1>, vector<256x128xi32>
    %select_n3A_3426 = arith.select %ne3A_3424, %select_n3A_3407, %select_n3A_3391 : vector<256x128xi1>, vector<256x128xi32>
    %and3A_3427 = arith.constant 64 : i32
    %and3A_3428 = vector.broadcast %and3A_3427 : i32 to vector<256x128xi32>
    %and3A_3429 = arith.andi %iota3A_5, %and3A_3428 : vector<256x128xi32>
    %ne3A_3430 = arith.constant 0 : i32
    %ne3A_3431 = vector.broadcast %ne3A_3430 : i32 to vector<256x128xi32>
    %ne3A_3432 = arith.cmpi ne, %and3A_3429, %ne3A_3431 : vector<256x128xi32>
    %roll3A_3433 = arith.constant 64 : i32
    %roll3A_3434 = tpu.dynamic_rotate %select_n3A_3425 by %roll3A_3433 dim 1 : vector<256x128xi32>, i32 -> vector<256x128xi32>
    %roll3A_3435 = arith.constant 64 : i32
    %roll3A_3436 = tpu.dynamic_rotate %select_n3A_3425 by %roll3A_3435 dim 1 : vector<256x128xi32>, i32 -> vector<256x128xi32>
    %select_n3A_3437 = arith.select %ne3A_3432, %roll3A_3434, %roll3A_3436 : vector<256x128xi1>, vector<256x128xi32>
    %roll3A_3438 = arith.constant 64 : i32
    %roll3A_3439 = tpu.dynamic_rotate %select_n3A_3426 by %roll3A_3438 dim 1 : vector<256x128xi32>, i32 -> vector<256x128xi32>
    %roll3A_3440 = arith.constant 64 : i32
    %roll3A_3441 = tpu.dynamic_rotate %select_n3A_3426 by %roll3A_3440 dim 1 : vector<256x128xi32>, i32 -> vector<256x128xi32>
    %select_n3A_3442 = arith.select %ne3A_3432, %roll3A_3439, %roll3A_3441 : vector<256x128xi1>, vector<256x128xi32>
    %not3A_3443 = arith.constant dense<true> : vector<256x128xi1>
    %not3A_3444 = arith.xori %ne3A_3432, %not3A_3443 : vector<256x128xi1>
    %and3A_3445 = arith.constant 128 : i32
    %and3A_3446 = vector.broadcast %and3A_3445 : i32 to vector<256x128xi32>
    %and3A_3447 = arith.andi %iota3A, %and3A_3446 : vector<256x128xi32>
    %eq3A_3448 = arith.constant 0 : i32
    %eq3A_3449 = vector.broadcast %eq3A_3448 : i32 to vector<256x128xi32>
    %eq3A_3450 = arith.cmpi eq, %and3A_3447, %eq3A_3449 : vector<256x128xi32>
    %gt3A_3451 = arith.cmpi sgt, %select_n3A_3425, %select_n3A_3437 : vector<256x128xi32>
    %eq3A_3452 = arith.cmpi eq, %select_n3A_3425, %select_n3A_3437 : vector<256x128xi32>
    %lt3A_3453 = arith.cmpi slt, %select_n3A_3426, %select_n3A_3442 : vector<256x128xi32>
    %and3A_3454 = arith.andi %eq3A_3452, %lt3A_3453 : vector<256x128xi1>
    %or3A_3455 = arith.ori %gt3A_3451, %and3A_3454 : vector<256x128xi1>
    %eq3A_3456 = arith.xori %eq3A_3450, %not3A_3444 : vector<256x128xi1>
    %eq3A_3457 = arith.constant dense<true> : vector<256x128xi1>
    %eq3A_3458 = arith.xori %eq3A_3456, %eq3A_3457 : vector<256x128xi1>
    %ne3A_3459 = arith.xori %eq3A_3458, %or3A_3455 : vector<256x128xi1>
    %select_n3A_3460 = arith.select %ne3A_3459, %select_n3A_3437, %select_n3A_3425 : vector<256x128xi1>, vector<256x128xi32>
    %select_n3A_3461 = arith.select %ne3A_3459, %select_n3A_3442, %select_n3A_3426 : vector<256x128xi1>, vector<256x128xi32>
    %and3A_3462 = arith.constant 32 : i32
    %and3A_3463 = vector.broadcast %and3A_3462 : i32 to vector<256x128xi32>
    %and3A_3464 = arith.andi %iota3A_5, %and3A_3463 : vector<256x128xi32>
    %ne3A_3465 = arith.constant 0 : i32
    %ne3A_3466 = vector.broadcast %ne3A_3465 : i32 to vector<256x128xi32>
    %ne3A_3467 = arith.cmpi ne, %and3A_3464, %ne3A_3466 : vector<256x128xi32>
    %roll3A_3468 = arith.constant 32 : i32
    %roll3A_3469 = tpu.dynamic_rotate %select_n3A_3460 by %roll3A_3468 dim 1 : vector<256x128xi32>, i32 -> vector<256x128xi32>
    %roll3A_3470 = arith.constant 96 : i32
    %roll3A_3471 = tpu.dynamic_rotate %select_n3A_3460 by %roll3A_3470 dim 1 : vector<256x128xi32>, i32 -> vector<256x128xi32>
    %select_n3A_3472 = arith.select %ne3A_3467, %roll3A_3469, %roll3A_3471 : vector<256x128xi1>, vector<256x128xi32>
    %roll3A_3473 = arith.constant 32 : i32
    %roll3A_3474 = tpu.dynamic_rotate %select_n3A_3461 by %roll3A_3473 dim 1 : vector<256x128xi32>, i32 -> vector<256x128xi32>
    %roll3A_3475 = arith.constant 96 : i32
    %roll3A_3476 = tpu.dynamic_rotate %select_n3A_3461 by %roll3A_3475 dim 1 : vector<256x128xi32>, i32 -> vector<256x128xi32>
    %select_n3A_3477 = arith.select %ne3A_3467, %roll3A_3474, %roll3A_3476 : vector<256x128xi1>, vector<256x128xi32>
    %not3A_3478 = arith.constant dense<true> : vector<256x128xi1>
    %not3A_3479 = arith.xori %ne3A_3467, %not3A_3478 : vector<256x128xi1>
    %and3A_3480 = arith.constant 128 : i32
    %and3A_3481 = vector.broadcast %and3A_3480 : i32 to vector<256x128xi32>
    %and3A_3482 = arith.andi %iota3A, %and3A_3481 : vector<256x128xi32>
    %eq3A_3483 = arith.constant 0 : i32
    %eq3A_3484 = vector.broadcast %eq3A_3483 : i32 to vector<256x128xi32>
    %eq3A_3485 = arith.cmpi eq, %and3A_3482, %eq3A_3484 : vector<256x128xi32>
    %gt3A_3486 = arith.cmpi sgt, %select_n3A_3460, %select_n3A_3472 : vector<256x128xi32>
    %eq3A_3487 = arith.cmpi eq, %select_n3A_3460, %select_n3A_3472 : vector<256x128xi32>
    %lt3A_3488 = arith.cmpi slt, %select_n3A_3461, %select_n3A_3477 : vector<256x128xi32>
    %and3A_3489 = arith.andi %eq3A_3487, %lt3A_3488 : vector<256x128xi1>
    %or3A_3490 = arith.ori %gt3A_3486, %and3A_3489 : vector<256x128xi1>
    %eq3A_3491 = arith.xori %eq3A_3485, %not3A_3479 : vector<256x128xi1>
    %eq3A_3492 = arith.constant dense<true> : vector<256x128xi1>
    %eq3A_3493 = arith.xori %eq3A_3491, %eq3A_3492 : vector<256x128xi1>
    %ne3A_3494 = arith.xori %eq3A_3493, %or3A_3490 : vector<256x128xi1>
    %select_n3A_3495 = arith.select %ne3A_3494, %select_n3A_3472, %select_n3A_3460 : vector<256x128xi1>, vector<256x128xi32>
    %select_n3A_3496 = arith.select %ne3A_3494, %select_n3A_3477, %select_n3A_3461 : vector<256x128xi1>, vector<256x128xi32>
    %and3A_3497 = arith.constant 16 : i32
    %and3A_3498 = vector.broadcast %and3A_3497 : i32 to vector<256x128xi32>
    %and3A_3499 = arith.andi %iota3A_5, %and3A_3498 : vector<256x128xi32>
    %ne3A_3500 = arith.constant 0 : i32
    %ne3A_3501 = vector.broadcast %ne3A_3500 : i32 to vector<256x128xi32>
    %ne3A_3502 = arith.cmpi ne, %and3A_3499, %ne3A_3501 : vector<256x128xi32>
    %roll3A_3503 = arith.constant 16 : i32
    %roll3A_3504 = tpu.dynamic_rotate %select_n3A_3495 by %roll3A_3503 dim 1 : vector<256x128xi32>, i32 -> vector<256x128xi32>
    %roll3A_3505 = arith.constant 112 : i32
    %roll3A_3506 = tpu.dynamic_rotate %select_n3A_3495 by %roll3A_3505 dim 1 : vector<256x128xi32>, i32 -> vector<256x128xi32>
    %select_n3A_3507 = arith.select %ne3A_3502, %roll3A_3504, %roll3A_3506 : vector<256x128xi1>, vector<256x128xi32>
    %roll3A_3508 = arith.constant 16 : i32
    %roll3A_3509 = tpu.dynamic_rotate %select_n3A_3496 by %roll3A_3508 dim 1 : vector<256x128xi32>, i32 -> vector<256x128xi32>
    %roll3A_3510 = arith.constant 112 : i32
    %roll3A_3511 = tpu.dynamic_rotate %select_n3A_3496 by %roll3A_3510 dim 1 : vector<256x128xi32>, i32 -> vector<256x128xi32>
    %select_n3A_3512 = arith.select %ne3A_3502, %roll3A_3509, %roll3A_3511 : vector<256x128xi1>, vector<256x128xi32>
    %not3A_3513 = arith.constant dense<true> : vector<256x128xi1>
    %not3A_3514 = arith.xori %ne3A_3502, %not3A_3513 : vector<256x128xi1>
    %and3A_3515 = arith.constant 128 : i32
    %and3A_3516 = vector.broadcast %and3A_3515 : i32 to vector<256x128xi32>
    %and3A_3517 = arith.andi %iota3A, %and3A_3516 : vector<256x128xi32>
    %eq3A_3518 = arith.constant 0 : i32
    %eq3A_3519 = vector.broadcast %eq3A_3518 : i32 to vector<256x128xi32>
    %eq3A_3520 = arith.cmpi eq, %and3A_3517, %eq3A_3519 : vector<256x128xi32>
    %gt3A_3521 = arith.cmpi sgt, %select_n3A_3495, %select_n3A_3507 : vector<256x128xi32>
    %eq3A_3522 = arith.cmpi eq, %select_n3A_3495, %select_n3A_3507 : vector<256x128xi32>
    %lt3A_3523 = arith.cmpi slt, %select_n3A_3496, %select_n3A_3512 : vector<256x128xi32>
    %and3A_3524 = arith.andi %eq3A_3522, %lt3A_3523 : vector<256x128xi1>
    %or3A_3525 = arith.ori %gt3A_3521, %and3A_3524 : vector<256x128xi1>
    %eq3A_3526 = arith.xori %eq3A_3520, %not3A_3514 : vector<256x128xi1>
    %eq3A_3527 = arith.constant dense<true> : vector<256x128xi1>
    %eq3A_3528 = arith.xori %eq3A_3526, %eq3A_3527 : vector<256x128xi1>
    %ne3A_3529 = arith.xori %eq3A_3528, %or3A_3525 : vector<256x128xi1>
    %select_n3A_3530 = arith.select %ne3A_3529, %select_n3A_3507, %select_n3A_3495 : vector<256x128xi1>, vector<256x128xi32>
    %select_n3A_3531 = arith.select %ne3A_3529, %select_n3A_3512, %select_n3A_3496 : vector<256x128xi1>, vector<256x128xi32>
    %and3A_3532 = arith.constant 8 : i32
    %and3A_3533 = vector.broadcast %and3A_3532 : i32 to vector<256x128xi32>
    %and3A_3534 = arith.andi %iota3A_5, %and3A_3533 : vector<256x128xi32>
    %ne3A_3535 = arith.constant 0 : i32
    %ne3A_3536 = vector.broadcast %ne3A_3535 : i32 to vector<256x128xi32>
    %ne3A_3537 = arith.cmpi ne, %and3A_3534, %ne3A_3536 : vector<256x128xi32>
    %roll3A_3538 = arith.constant 8 : i32
    %roll3A_3539 = tpu.dynamic_rotate %select_n3A_3530 by %roll3A_3538 dim 1 : vector<256x128xi32>, i32 -> vector<256x128xi32>
    %roll3A_3540 = arith.constant 120 : i32
    %roll3A_3541 = tpu.dynamic_rotate %select_n3A_3530 by %roll3A_3540 dim 1 : vector<256x128xi32>, i32 -> vector<256x128xi32>
    %select_n3A_3542 = arith.select %ne3A_3537, %roll3A_3539, %roll3A_3541 : vector<256x128xi1>, vector<256x128xi32>
    %roll3A_3543 = arith.constant 8 : i32
    %roll3A_3544 = tpu.dynamic_rotate %select_n3A_3531 by %roll3A_3543 dim 1 : vector<256x128xi32>, i32 -> vector<256x128xi32>
    %roll3A_3545 = arith.constant 120 : i32
    %roll3A_3546 = tpu.dynamic_rotate %select_n3A_3531 by %roll3A_3545 dim 1 : vector<256x128xi32>, i32 -> vector<256x128xi32>
    %select_n3A_3547 = arith.select %ne3A_3537, %roll3A_3544, %roll3A_3546 : vector<256x128xi1>, vector<256x128xi32>
    %not3A_3548 = arith.constant dense<true> : vector<256x128xi1>
    %not3A_3549 = arith.xori %ne3A_3537, %not3A_3548 : vector<256x128xi1>
    %and3A_3550 = arith.constant 128 : i32
    %and3A_3551 = vector.broadcast %and3A_3550 : i32 to vector<256x128xi32>
    %and3A_3552 = arith.andi %iota3A, %and3A_3551 : vector<256x128xi32>
    %eq3A_3553 = arith.constant 0 : i32
    %eq3A_3554 = vector.broadcast %eq3A_3553 : i32 to vector<256x128xi32>
    %eq3A_3555 = arith.cmpi eq, %and3A_3552, %eq3A_3554 : vector<256x128xi32>
    %gt3A_3556 = arith.cmpi sgt, %select_n3A_3530, %select_n3A_3542 : vector<256x128xi32>
    %eq3A_3557 = arith.cmpi eq, %select_n3A_3530, %select_n3A_3542 : vector<256x128xi32>
    %lt3A_3558 = arith.cmpi slt, %select_n3A_3531, %select_n3A_3547 : vector<256x128xi32>
    %and3A_3559 = arith.andi %eq3A_3557, %lt3A_3558 : vector<256x128xi1>
    %or3A_3560 = arith.ori %gt3A_3556, %and3A_3559 : vector<256x128xi1>
    %eq3A_3561 = arith.xori %eq3A_3555, %not3A_3549 : vector<256x128xi1>
    %eq3A_3562 = arith.constant dense<true> : vector<256x128xi1>
    %eq3A_3563 = arith.xori %eq3A_3561, %eq3A_3562 : vector<256x128xi1>
    %ne3A_3564 = arith.xori %eq3A_3563, %or3A_3560 : vector<256x128xi1>
    %select_n3A_3565 = arith.select %ne3A_3564, %select_n3A_3542, %select_n3A_3530 : vector<256x128xi1>, vector<256x128xi32>
    %select_n3A_3566 = arith.select %ne3A_3564, %select_n3A_3547, %select_n3A_3531 : vector<256x128xi1>, vector<256x128xi32>
    %and3A_3567 = arith.constant 4 : i32
    %and3A_3568 = vector.broadcast %and3A_3567 : i32 to vector<256x128xi32>
    %and3A_3569 = arith.andi %iota3A_5, %and3A_3568 : vector<256x128xi32>
    %ne3A_3570 = arith.constant 0 : i32
    %ne3A_3571 = vector.broadcast %ne3A_3570 : i32 to vector<256x128xi32>
    %ne3A_3572 = arith.cmpi ne, %and3A_3569, %ne3A_3571 : vector<256x128xi32>
    %roll3A_3573 = arith.constant 4 : i32
    %roll3A_3574 = tpu.dynamic_rotate %select_n3A_3565 by %roll3A_3573 dim 1 : vector<256x128xi32>, i32 -> vector<256x128xi32>
    %roll3A_3575 = arith.constant 124 : i32
    %roll3A_3576 = tpu.dynamic_rotate %select_n3A_3565 by %roll3A_3575 dim 1 : vector<256x128xi32>, i32 -> vector<256x128xi32>
    %select_n3A_3577 = arith.select %ne3A_3572, %roll3A_3574, %roll3A_3576 : vector<256x128xi1>, vector<256x128xi32>
    %roll3A_3578 = arith.constant 4 : i32
    %roll3A_3579 = tpu.dynamic_rotate %select_n3A_3566 by %roll3A_3578 dim 1 : vector<256x128xi32>, i32 -> vector<256x128xi32>
    %roll3A_3580 = arith.constant 124 : i32
    %roll3A_3581 = tpu.dynamic_rotate %select_n3A_3566 by %roll3A_3580 dim 1 : vector<256x128xi32>, i32 -> vector<256x128xi32>
    %select_n3A_3582 = arith.select %ne3A_3572, %roll3A_3579, %roll3A_3581 : vector<256x128xi1>, vector<256x128xi32>
    %not3A_3583 = arith.constant dense<true> : vector<256x128xi1>
    %not3A_3584 = arith.xori %ne3A_3572, %not3A_3583 : vector<256x128xi1>
    %and3A_3585 = arith.constant 128 : i32
    %and3A_3586 = vector.broadcast %and3A_3585 : i32 to vector<256x128xi32>
    %and3A_3587 = arith.andi %iota3A, %and3A_3586 : vector<256x128xi32>
    %eq3A_3588 = arith.constant 0 : i32
    %eq3A_3589 = vector.broadcast %eq3A_3588 : i32 to vector<256x128xi32>
    %eq3A_3590 = arith.cmpi eq, %and3A_3587, %eq3A_3589 : vector<256x128xi32>
    %gt3A_3591 = arith.cmpi sgt, %select_n3A_3565, %select_n3A_3577 : vector<256x128xi32>
    %eq3A_3592 = arith.cmpi eq, %select_n3A_3565, %select_n3A_3577 : vector<256x128xi32>
    %lt3A_3593 = arith.cmpi slt, %select_n3A_3566, %select_n3A_3582 : vector<256x128xi32>
    %and3A_3594 = arith.andi %eq3A_3592, %lt3A_3593 : vector<256x128xi1>
    %or3A_3595 = arith.ori %gt3A_3591, %and3A_3594 : vector<256x128xi1>
    %eq3A_3596 = arith.xori %eq3A_3590, %not3A_3584 : vector<256x128xi1>
    %eq3A_3597 = arith.constant dense<true> : vector<256x128xi1>
    %eq3A_3598 = arith.xori %eq3A_3596, %eq3A_3597 : vector<256x128xi1>
    %ne3A_3599 = arith.xori %eq3A_3598, %or3A_3595 : vector<256x128xi1>
    %select_n3A_3600 = arith.select %ne3A_3599, %select_n3A_3577, %select_n3A_3565 : vector<256x128xi1>, vector<256x128xi32>
    %select_n3A_3601 = arith.select %ne3A_3599, %select_n3A_3582, %select_n3A_3566 : vector<256x128xi1>, vector<256x128xi32>
    %and3A_3602 = arith.constant 2 : i32
    %and3A_3603 = vector.broadcast %and3A_3602 : i32 to vector<256x128xi32>
    %and3A_3604 = arith.andi %iota3A_5, %and3A_3603 : vector<256x128xi32>
    %ne3A_3605 = arith.constant 0 : i32
    %ne3A_3606 = vector.broadcast %ne3A_3605 : i32 to vector<256x128xi32>
    %ne3A_3607 = arith.cmpi ne, %and3A_3604, %ne3A_3606 : vector<256x128xi32>
    %roll3A_3608 = arith.constant 2 : i32
    %roll3A_3609 = tpu.dynamic_rotate %select_n3A_3600 by %roll3A_3608 dim 1 : vector<256x128xi32>, i32 -> vector<256x128xi32>
    %roll3A_3610 = arith.constant 126 : i32
    %roll3A_3611 = tpu.dynamic_rotate %select_n3A_3600 by %roll3A_3610 dim 1 : vector<256x128xi32>, i32 -> vector<256x128xi32>
    %select_n3A_3612 = arith.select %ne3A_3607, %roll3A_3609, %roll3A_3611 : vector<256x128xi1>, vector<256x128xi32>
    %roll3A_3613 = arith.constant 2 : i32
    %roll3A_3614 = tpu.dynamic_rotate %select_n3A_3601 by %roll3A_3613 dim 1 : vector<256x128xi32>, i32 -> vector<256x128xi32>
    %roll3A_3615 = arith.constant 126 : i32
    %roll3A_3616 = tpu.dynamic_rotate %select_n3A_3601 by %roll3A_3615 dim 1 : vector<256x128xi32>, i32 -> vector<256x128xi32>
    %select_n3A_3617 = arith.select %ne3A_3607, %roll3A_3614, %roll3A_3616 : vector<256x128xi1>, vector<256x128xi32>
    %not3A_3618 = arith.constant dense<true> : vector<256x128xi1>
    %not3A_3619 = arith.xori %ne3A_3607, %not3A_3618 : vector<256x128xi1>
    %and3A_3620 = arith.constant 128 : i32
    %and3A_3621 = vector.broadcast %and3A_3620 : i32 to vector<256x128xi32>
    %and3A_3622 = arith.andi %iota3A, %and3A_3621 : vector<256x128xi32>
    %eq3A_3623 = arith.constant 0 : i32
    %eq3A_3624 = vector.broadcast %eq3A_3623 : i32 to vector<256x128xi32>
    %eq3A_3625 = arith.cmpi eq, %and3A_3622, %eq3A_3624 : vector<256x128xi32>
    %gt3A_3626 = arith.cmpi sgt, %select_n3A_3600, %select_n3A_3612 : vector<256x128xi32>
    %eq3A_3627 = arith.cmpi eq, %select_n3A_3600, %select_n3A_3612 : vector<256x128xi32>
    %lt3A_3628 = arith.cmpi slt, %select_n3A_3601, %select_n3A_3617 : vector<256x128xi32>
    %and3A_3629 = arith.andi %eq3A_3627, %lt3A_3628 : vector<256x128xi1>
    %or3A_3630 = arith.ori %gt3A_3626, %and3A_3629 : vector<256x128xi1>
    %eq3A_3631 = arith.xori %eq3A_3625, %not3A_3619 : vector<256x128xi1>
    %eq3A_3632 = arith.constant dense<true> : vector<256x128xi1>
    %eq3A_3633 = arith.xori %eq3A_3631, %eq3A_3632 : vector<256x128xi1>
    %ne3A_3634 = arith.xori %eq3A_3633, %or3A_3630 : vector<256x128xi1>
    %select_n3A_3635 = arith.select %ne3A_3634, %select_n3A_3612, %select_n3A_3600 : vector<256x128xi1>, vector<256x128xi32>
    %select_n3A_3636 = arith.select %ne3A_3634, %select_n3A_3617, %select_n3A_3601 : vector<256x128xi1>, vector<256x128xi32>
    %and3A_3637 = arith.constant 1 : i32
    %and3A_3638 = vector.broadcast %and3A_3637 : i32 to vector<256x128xi32>
    %and3A_3639 = arith.andi %iota3A_5, %and3A_3638 : vector<256x128xi32>
    %ne3A_3640 = arith.constant 0 : i32
    %ne3A_3641 = vector.broadcast %ne3A_3640 : i32 to vector<256x128xi32>
    %ne3A_3642 = arith.cmpi ne, %and3A_3639, %ne3A_3641 : vector<256x128xi32>
    %roll3A_3643 = arith.constant 1 : i32
    %roll3A_3644 = tpu.dynamic_rotate %select_n3A_3635 by %roll3A_3643 dim 1 : vector<256x128xi32>, i32 -> vector<256x128xi32>
    %roll3A_3645 = arith.constant 127 : i32
    %roll3A_3646 = tpu.dynamic_rotate %select_n3A_3635 by %roll3A_3645 dim 1 : vector<256x128xi32>, i32 -> vector<256x128xi32>
    %select_n3A_3647 = arith.select %ne3A_3642, %roll3A_3644, %roll3A_3646 : vector<256x128xi1>, vector<256x128xi32>
    %roll3A_3648 = arith.constant 1 : i32
    %roll3A_3649 = tpu.dynamic_rotate %select_n3A_3636 by %roll3A_3648 dim 1 : vector<256x128xi32>, i32 -> vector<256x128xi32>
    %roll3A_3650 = arith.constant 127 : i32
    %roll3A_3651 = tpu.dynamic_rotate %select_n3A_3636 by %roll3A_3650 dim 1 : vector<256x128xi32>, i32 -> vector<256x128xi32>
    %select_n3A_3652 = arith.select %ne3A_3642, %roll3A_3649, %roll3A_3651 : vector<256x128xi1>, vector<256x128xi32>
    %not3A_3653 = arith.constant dense<true> : vector<256x128xi1>
    %not3A_3654 = arith.xori %ne3A_3642, %not3A_3653 : vector<256x128xi1>
    %and3A_3655 = arith.constant 128 : i32
    %and3A_3656 = vector.broadcast %and3A_3655 : i32 to vector<256x128xi32>
    %and3A_3657 = arith.andi %iota3A, %and3A_3656 : vector<256x128xi32>
    %eq3A_3658 = arith.constant 0 : i32
    %eq3A_3659 = vector.broadcast %eq3A_3658 : i32 to vector<256x128xi32>
    %eq3A_3660 = arith.cmpi eq, %and3A_3657, %eq3A_3659 : vector<256x128xi32>
    %gt3A_3661 = arith.cmpi sgt, %select_n3A_3635, %select_n3A_3647 : vector<256x128xi32>
    %eq3A_3662 = arith.cmpi eq, %select_n3A_3635, %select_n3A_3647 : vector<256x128xi32>
    %lt3A_3663 = arith.cmpi slt, %select_n3A_3636, %select_n3A_3652 : vector<256x128xi32>
    %and3A_3664 = arith.andi %eq3A_3662, %lt3A_3663 : vector<256x128xi1>
    %or3A_3665 = arith.ori %gt3A_3661, %and3A_3664 : vector<256x128xi1>
    %eq3A_3666 = arith.xori %eq3A_3660, %not3A_3654 : vector<256x128xi1>
    %eq3A_3667 = arith.constant dense<true> : vector<256x128xi1>
    %eq3A_3668 = arith.xori %eq3A_3666, %eq3A_3667 : vector<256x128xi1>
    %ne3A_3669 = arith.xori %eq3A_3668, %or3A_3665 : vector<256x128xi1>
    %select_n3A_3670 = arith.select %ne3A_3669, %select_n3A_3647, %select_n3A_3635 : vector<256x128xi1>, vector<256x128xi32>
    %select_n3A_3671 = arith.select %ne3A_3669, %select_n3A_3652, %select_n3A_3636 : vector<256x128xi1>, vector<256x128xi32>
    %and3A_3672 = arith.constant 128 : i32
    %and3A_3673 = vector.broadcast %and3A_3672 : i32 to vector<256x128xi32>
    %and3A_3674 = arith.andi %iota3A, %and3A_3673 : vector<256x128xi32>
    %ne3A_3675 = arith.constant 0 : i32
    %ne3A_3676 = vector.broadcast %ne3A_3675 : i32 to vector<256x128xi32>
    %ne3A_3677 = arith.cmpi ne, %and3A_3674, %ne3A_3676 : vector<256x128xi32>
    %roll3A_3678 = arith.constant 128 : i32
    %roll3A_3679 = tpu.dynamic_rotate %select_n3A_3670 by %roll3A_3678 dim 0 : vector<256x128xi32>, i32 -> vector<256x128xi32>
    %roll3A_3680 = arith.constant 128 : i32
    %roll3A_3681 = tpu.dynamic_rotate %select_n3A_3670 by %roll3A_3680 dim 0 : vector<256x128xi32>, i32 -> vector<256x128xi32>
    %select_n3A_3682 = arith.select %ne3A_3677, %roll3A_3679, %roll3A_3681 : vector<256x128xi1>, vector<256x128xi32>
    %roll3A_3683 = arith.constant 128 : i32
    %roll3A_3684 = tpu.dynamic_rotate %select_n3A_3671 by %roll3A_3683 dim 0 : vector<256x128xi32>, i32 -> vector<256x128xi32>
    %roll3A_3685 = arith.constant 128 : i32
    %roll3A_3686 = tpu.dynamic_rotate %select_n3A_3671 by %roll3A_3685 dim 0 : vector<256x128xi32>, i32 -> vector<256x128xi32>
    %select_n3A_3687 = arith.select %ne3A_3677, %roll3A_3684, %roll3A_3686 : vector<256x128xi1>, vector<256x128xi32>
    %not3A_3688 = arith.constant dense<true> : vector<256x128xi1>
    %not3A_3689 = arith.xori %ne3A_3677, %not3A_3688 : vector<256x128xi1>
    %and3A_3690 = arith.constant 256 : i32
    %and3A_3691 = vector.broadcast %and3A_3690 : i32 to vector<256x128xi32>
    %and3A_3692 = arith.andi %iota3A, %and3A_3691 : vector<256x128xi32>
    %eq3A_3693 = arith.constant 0 : i32
    %eq3A_3694 = vector.broadcast %eq3A_3693 : i32 to vector<256x128xi32>
    %eq3A_3695 = arith.cmpi eq, %and3A_3692, %eq3A_3694 : vector<256x128xi32>
    %gt3A_3696 = arith.cmpi sgt, %select_n3A_3670, %select_n3A_3682 : vector<256x128xi32>
    %eq3A_3697 = arith.cmpi eq, %select_n3A_3670, %select_n3A_3682 : vector<256x128xi32>
    %lt3A_3698 = arith.cmpi slt, %select_n3A_3671, %select_n3A_3687 : vector<256x128xi32>
    %and3A_3699 = arith.andi %eq3A_3697, %lt3A_3698 : vector<256x128xi1>
    %or3A_3700 = arith.ori %gt3A_3696, %and3A_3699 : vector<256x128xi1>
    %eq3A_3701 = arith.xori %eq3A_3695, %not3A_3689 : vector<256x128xi1>
    %eq3A_3702 = arith.constant dense<true> : vector<256x128xi1>
    %eq3A_3703 = arith.xori %eq3A_3701, %eq3A_3702 : vector<256x128xi1>
    %ne3A_3704 = arith.xori %eq3A_3703, %or3A_3700 : vector<256x128xi1>
    %select_n3A_3705 = arith.select %ne3A_3704, %select_n3A_3682, %select_n3A_3670 : vector<256x128xi1>, vector<256x128xi32>
    %select_n3A_3706 = arith.select %ne3A_3704, %select_n3A_3687, %select_n3A_3671 : vector<256x128xi1>, vector<256x128xi32>
    %and3A_3707 = arith.constant 64 : i32
    %and3A_3708 = vector.broadcast %and3A_3707 : i32 to vector<256x128xi32>
    %and3A_3709 = arith.andi %iota3A, %and3A_3708 : vector<256x128xi32>
    %ne3A_3710 = arith.constant 0 : i32
    %ne3A_3711 = vector.broadcast %ne3A_3710 : i32 to vector<256x128xi32>
    %ne3A_3712 = arith.cmpi ne, %and3A_3709, %ne3A_3711 : vector<256x128xi32>
    %roll3A_3713 = arith.constant 64 : i32
    %roll3A_3714 = tpu.dynamic_rotate %select_n3A_3705 by %roll3A_3713 dim 0 : vector<256x128xi32>, i32 -> vector<256x128xi32>
    %roll3A_3715 = arith.constant 192 : i32
    %roll3A_3716 = tpu.dynamic_rotate %select_n3A_3705 by %roll3A_3715 dim 0 : vector<256x128xi32>, i32 -> vector<256x128xi32>
    %select_n3A_3717 = arith.select %ne3A_3712, %roll3A_3714, %roll3A_3716 : vector<256x128xi1>, vector<256x128xi32>
    %roll3A_3718 = arith.constant 64 : i32
    %roll3A_3719 = tpu.dynamic_rotate %select_n3A_3706 by %roll3A_3718 dim 0 : vector<256x128xi32>, i32 -> vector<256x128xi32>
    %roll3A_3720 = arith.constant 192 : i32
    %roll3A_3721 = tpu.dynamic_rotate %select_n3A_3706 by %roll3A_3720 dim 0 : vector<256x128xi32>, i32 -> vector<256x128xi32>
    %select_n3A_3722 = arith.select %ne3A_3712, %roll3A_3719, %roll3A_3721 : vector<256x128xi1>, vector<256x128xi32>
    %not3A_3723 = arith.constant dense<true> : vector<256x128xi1>
    %not3A_3724 = arith.xori %ne3A_3712, %not3A_3723 : vector<256x128xi1>
    %and3A_3725 = arith.constant 256 : i32
    %and3A_3726 = vector.broadcast %and3A_3725 : i32 to vector<256x128xi32>
    %and3A_3727 = arith.andi %iota3A, %and3A_3726 : vector<256x128xi32>
    %eq3A_3728 = arith.constant 0 : i32
    %eq3A_3729 = vector.broadcast %eq3A_3728 : i32 to vector<256x128xi32>
    %eq3A_3730 = arith.cmpi eq, %and3A_3727, %eq3A_3729 : vector<256x128xi32>
    %gt3A_3731 = arith.cmpi sgt, %select_n3A_3705, %select_n3A_3717 : vector<256x128xi32>
    %eq3A_3732 = arith.cmpi eq, %select_n3A_3705, %select_n3A_3717 : vector<256x128xi32>
    %lt3A_3733 = arith.cmpi slt, %select_n3A_3706, %select_n3A_3722 : vector<256x128xi32>
    %and3A_3734 = arith.andi %eq3A_3732, %lt3A_3733 : vector<256x128xi1>
    %or3A_3735 = arith.ori %gt3A_3731, %and3A_3734 : vector<256x128xi1>
    %eq3A_3736 = arith.xori %eq3A_3730, %not3A_3724 : vector<256x128xi1>
    %eq3A_3737 = arith.constant dense<true> : vector<256x128xi1>
    %eq3A_3738 = arith.xori %eq3A_3736, %eq3A_3737 : vector<256x128xi1>
    %ne3A_3739 = arith.xori %eq3A_3738, %or3A_3735 : vector<256x128xi1>
    %select_n3A_3740 = arith.select %ne3A_3739, %select_n3A_3717, %select_n3A_3705 : vector<256x128xi1>, vector<256x128xi32>
    %select_n3A_3741 = arith.select %ne3A_3739, %select_n3A_3722, %select_n3A_3706 : vector<256x128xi1>, vector<256x128xi32>
    %and3A_3742 = arith.constant 32 : i32
    %and3A_3743 = vector.broadcast %and3A_3742 : i32 to vector<256x128xi32>
    %and3A_3744 = arith.andi %iota3A, %and3A_3743 : vector<256x128xi32>
    %ne3A_3745 = arith.constant 0 : i32
    %ne3A_3746 = vector.broadcast %ne3A_3745 : i32 to vector<256x128xi32>
    %ne3A_3747 = arith.cmpi ne, %and3A_3744, %ne3A_3746 : vector<256x128xi32>
    %roll3A_3748 = arith.constant 32 : i32
    %roll3A_3749 = tpu.dynamic_rotate %select_n3A_3740 by %roll3A_3748 dim 0 : vector<256x128xi32>, i32 -> vector<256x128xi32>
    %roll3A_3750 = arith.constant 224 : i32
    %roll3A_3751 = tpu.dynamic_rotate %select_n3A_3740 by %roll3A_3750 dim 0 : vector<256x128xi32>, i32 -> vector<256x128xi32>
    %select_n3A_3752 = arith.select %ne3A_3747, %roll3A_3749, %roll3A_3751 : vector<256x128xi1>, vector<256x128xi32>
    %roll3A_3753 = arith.constant 32 : i32
    %roll3A_3754 = tpu.dynamic_rotate %select_n3A_3741 by %roll3A_3753 dim 0 : vector<256x128xi32>, i32 -> vector<256x128xi32>
    %roll3A_3755 = arith.constant 224 : i32
    %roll3A_3756 = tpu.dynamic_rotate %select_n3A_3741 by %roll3A_3755 dim 0 : vector<256x128xi32>, i32 -> vector<256x128xi32>
    %select_n3A_3757 = arith.select %ne3A_3747, %roll3A_3754, %roll3A_3756 : vector<256x128xi1>, vector<256x128xi32>
    %not3A_3758 = arith.constant dense<true> : vector<256x128xi1>
    %not3A_3759 = arith.xori %ne3A_3747, %not3A_3758 : vector<256x128xi1>
    %and3A_3760 = arith.constant 256 : i32
    %and3A_3761 = vector.broadcast %and3A_3760 : i32 to vector<256x128xi32>
    %and3A_3762 = arith.andi %iota3A, %and3A_3761 : vector<256x128xi32>
    %eq3A_3763 = arith.constant 0 : i32
    %eq3A_3764 = vector.broadcast %eq3A_3763 : i32 to vector<256x128xi32>
    %eq3A_3765 = arith.cmpi eq, %and3A_3762, %eq3A_3764 : vector<256x128xi32>
    %gt3A_3766 = arith.cmpi sgt, %select_n3A_3740, %select_n3A_3752 : vector<256x128xi32>
    %eq3A_3767 = arith.cmpi eq, %select_n3A_3740, %select_n3A_3752 : vector<256x128xi32>
    %lt3A_3768 = arith.cmpi slt, %select_n3A_3741, %select_n3A_3757 : vector<256x128xi32>
    %and3A_3769 = arith.andi %eq3A_3767, %lt3A_3768 : vector<256x128xi1>
    %or3A_3770 = arith.ori %gt3A_3766, %and3A_3769 : vector<256x128xi1>
    %eq3A_3771 = arith.xori %eq3A_3765, %not3A_3759 : vector<256x128xi1>
    %eq3A_3772 = arith.constant dense<true> : vector<256x128xi1>
    %eq3A_3773 = arith.xori %eq3A_3771, %eq3A_3772 : vector<256x128xi1>
    %ne3A_3774 = arith.xori %eq3A_3773, %or3A_3770 : vector<256x128xi1>
    %select_n3A_3775 = arith.select %ne3A_3774, %select_n3A_3752, %select_n3A_3740 : vector<256x128xi1>, vector<256x128xi32>
    %select_n3A_3776 = arith.select %ne3A_3774, %select_n3A_3757, %select_n3A_3741 : vector<256x128xi1>, vector<256x128xi32>
    %and3A_3777 = arith.constant 16 : i32
    %and3A_3778 = vector.broadcast %and3A_3777 : i32 to vector<256x128xi32>
    %and3A_3779 = arith.andi %iota3A, %and3A_3778 : vector<256x128xi32>
    %ne3A_3780 = arith.constant 0 : i32
    %ne3A_3781 = vector.broadcast %ne3A_3780 : i32 to vector<256x128xi32>
    %ne3A_3782 = arith.cmpi ne, %and3A_3779, %ne3A_3781 : vector<256x128xi32>
    %roll3A_3783 = arith.constant 16 : i32
    %roll3A_3784 = tpu.dynamic_rotate %select_n3A_3775 by %roll3A_3783 dim 0 : vector<256x128xi32>, i32 -> vector<256x128xi32>
    %roll3A_3785 = arith.constant 240 : i32
    %roll3A_3786 = tpu.dynamic_rotate %select_n3A_3775 by %roll3A_3785 dim 0 : vector<256x128xi32>, i32 -> vector<256x128xi32>
    %select_n3A_3787 = arith.select %ne3A_3782, %roll3A_3784, %roll3A_3786 : vector<256x128xi1>, vector<256x128xi32>
    %roll3A_3788 = arith.constant 16 : i32
    %roll3A_3789 = tpu.dynamic_rotate %select_n3A_3776 by %roll3A_3788 dim 0 : vector<256x128xi32>, i32 -> vector<256x128xi32>
    %roll3A_3790 = arith.constant 240 : i32
    %roll3A_3791 = tpu.dynamic_rotate %select_n3A_3776 by %roll3A_3790 dim 0 : vector<256x128xi32>, i32 -> vector<256x128xi32>
    %select_n3A_3792 = arith.select %ne3A_3782, %roll3A_3789, %roll3A_3791 : vector<256x128xi1>, vector<256x128xi32>
    %not3A_3793 = arith.constant dense<true> : vector<256x128xi1>
    %not3A_3794 = arith.xori %ne3A_3782, %not3A_3793 : vector<256x128xi1>
    %and3A_3795 = arith.constant 256 : i32
    %and3A_3796 = vector.broadcast %and3A_3795 : i32 to vector<256x128xi32>
    %and3A_3797 = arith.andi %iota3A, %and3A_3796 : vector<256x128xi32>
    %eq3A_3798 = arith.constant 0 : i32
    %eq3A_3799 = vector.broadcast %eq3A_3798 : i32 to vector<256x128xi32>
    %eq3A_3800 = arith.cmpi eq, %and3A_3797, %eq3A_3799 : vector<256x128xi32>
    %gt3A_3801 = arith.cmpi sgt, %select_n3A_3775, %select_n3A_3787 : vector<256x128xi32>
    %eq3A_3802 = arith.cmpi eq, %select_n3A_3775, %select_n3A_3787 : vector<256x128xi32>
    %lt3A_3803 = arith.cmpi slt, %select_n3A_3776, %select_n3A_3792 : vector<256x128xi32>
    %and3A_3804 = arith.andi %eq3A_3802, %lt3A_3803 : vector<256x128xi1>
    %or3A_3805 = arith.ori %gt3A_3801, %and3A_3804 : vector<256x128xi1>
    %eq3A_3806 = arith.xori %eq3A_3800, %not3A_3794 : vector<256x128xi1>
    %eq3A_3807 = arith.constant dense<true> : vector<256x128xi1>
    %eq3A_3808 = arith.xori %eq3A_3806, %eq3A_3807 : vector<256x128xi1>
    %ne3A_3809 = arith.xori %eq3A_3808, %or3A_3805 : vector<256x128xi1>
    %select_n3A_3810 = arith.select %ne3A_3809, %select_n3A_3787, %select_n3A_3775 : vector<256x128xi1>, vector<256x128xi32>
    %select_n3A_3811 = arith.select %ne3A_3809, %select_n3A_3792, %select_n3A_3776 : vector<256x128xi1>, vector<256x128xi32>
    %and3A_3812 = arith.constant 8 : i32
    %and3A_3813 = vector.broadcast %and3A_3812 : i32 to vector<256x128xi32>
    %and3A_3814 = arith.andi %iota3A, %and3A_3813 : vector<256x128xi32>
    %ne3A_3815 = arith.constant 0 : i32
    %ne3A_3816 = vector.broadcast %ne3A_3815 : i32 to vector<256x128xi32>
    %ne3A_3817 = arith.cmpi ne, %and3A_3814, %ne3A_3816 : vector<256x128xi32>
    %roll3A_3818 = arith.constant 8 : i32
    %roll3A_3819 = tpu.dynamic_rotate %select_n3A_3810 by %roll3A_3818 dim 0 : vector<256x128xi32>, i32 -> vector<256x128xi32>
    %roll3A_3820 = arith.constant 248 : i32
    %roll3A_3821 = tpu.dynamic_rotate %select_n3A_3810 by %roll3A_3820 dim 0 : vector<256x128xi32>, i32 -> vector<256x128xi32>
    %select_n3A_3822 = arith.select %ne3A_3817, %roll3A_3819, %roll3A_3821 : vector<256x128xi1>, vector<256x128xi32>
    %roll3A_3823 = arith.constant 8 : i32
    %roll3A_3824 = tpu.dynamic_rotate %select_n3A_3811 by %roll3A_3823 dim 0 : vector<256x128xi32>, i32 -> vector<256x128xi32>
    %roll3A_3825 = arith.constant 248 : i32
    %roll3A_3826 = tpu.dynamic_rotate %select_n3A_3811 by %roll3A_3825 dim 0 : vector<256x128xi32>, i32 -> vector<256x128xi32>
    %select_n3A_3827 = arith.select %ne3A_3817, %roll3A_3824, %roll3A_3826 : vector<256x128xi1>, vector<256x128xi32>
    %not3A_3828 = arith.constant dense<true> : vector<256x128xi1>
    %not3A_3829 = arith.xori %ne3A_3817, %not3A_3828 : vector<256x128xi1>
    %and3A_3830 = arith.constant 256 : i32
    %and3A_3831 = vector.broadcast %and3A_3830 : i32 to vector<256x128xi32>
    %and3A_3832 = arith.andi %iota3A, %and3A_3831 : vector<256x128xi32>
    %eq3A_3833 = arith.constant 0 : i32
    %eq3A_3834 = vector.broadcast %eq3A_3833 : i32 to vector<256x128xi32>
    %eq3A_3835 = arith.cmpi eq, %and3A_3832, %eq3A_3834 : vector<256x128xi32>
    %gt3A_3836 = arith.cmpi sgt, %select_n3A_3810, %select_n3A_3822 : vector<256x128xi32>
    %eq3A_3837 = arith.cmpi eq, %select_n3A_3810, %select_n3A_3822 : vector<256x128xi32>
    %lt3A_3838 = arith.cmpi slt, %select_n3A_3811, %select_n3A_3827 : vector<256x128xi32>
    %and3A_3839 = arith.andi %eq3A_3837, %lt3A_3838 : vector<256x128xi1>
    %or3A_3840 = arith.ori %gt3A_3836, %and3A_3839 : vector<256x128xi1>
    %eq3A_3841 = arith.xori %eq3A_3835, %not3A_3829 : vector<256x128xi1>
    %eq3A_3842 = arith.constant dense<true> : vector<256x128xi1>
    %eq3A_3843 = arith.xori %eq3A_3841, %eq3A_3842 : vector<256x128xi1>
    %ne3A_3844 = arith.xori %eq3A_3843, %or3A_3840 : vector<256x128xi1>
    %select_n3A_3845 = arith.select %ne3A_3844, %select_n3A_3822, %select_n3A_3810 : vector<256x128xi1>, vector<256x128xi32>
    %select_n3A_3846 = arith.select %ne3A_3844, %select_n3A_3827, %select_n3A_3811 : vector<256x128xi1>, vector<256x128xi32>
    %and3A_3847 = arith.constant 4 : i32
    %and3A_3848 = vector.broadcast %and3A_3847 : i32 to vector<256x128xi32>
    %and3A_3849 = arith.andi %iota3A, %and3A_3848 : vector<256x128xi32>
    %ne3A_3850 = arith.constant 0 : i32
    %ne3A_3851 = vector.broadcast %ne3A_3850 : i32 to vector<256x128xi32>
    %ne3A_3852 = arith.cmpi ne, %and3A_3849, %ne3A_3851 : vector<256x128xi32>
    %roll3A_3853 = arith.constant 4 : i32
    %roll3A_3854 = tpu.dynamic_rotate %select_n3A_3845 by %roll3A_3853 dim 0 : vector<256x128xi32>, i32 -> vector<256x128xi32>
    %roll3A_3855 = arith.constant 252 : i32
    %roll3A_3856 = tpu.dynamic_rotate %select_n3A_3845 by %roll3A_3855 dim 0 : vector<256x128xi32>, i32 -> vector<256x128xi32>
    %select_n3A_3857 = arith.select %ne3A_3852, %roll3A_3854, %roll3A_3856 : vector<256x128xi1>, vector<256x128xi32>
    %roll3A_3858 = arith.constant 4 : i32
    %roll3A_3859 = tpu.dynamic_rotate %select_n3A_3846 by %roll3A_3858 dim 0 : vector<256x128xi32>, i32 -> vector<256x128xi32>
    %roll3A_3860 = arith.constant 252 : i32
    %roll3A_3861 = tpu.dynamic_rotate %select_n3A_3846 by %roll3A_3860 dim 0 : vector<256x128xi32>, i32 -> vector<256x128xi32>
    %select_n3A_3862 = arith.select %ne3A_3852, %roll3A_3859, %roll3A_3861 : vector<256x128xi1>, vector<256x128xi32>
    %not3A_3863 = arith.constant dense<true> : vector<256x128xi1>
    %not3A_3864 = arith.xori %ne3A_3852, %not3A_3863 : vector<256x128xi1>
    %and3A_3865 = arith.constant 256 : i32
    %and3A_3866 = vector.broadcast %and3A_3865 : i32 to vector<256x128xi32>
    %and3A_3867 = arith.andi %iota3A, %and3A_3866 : vector<256x128xi32>
    %eq3A_3868 = arith.constant 0 : i32
    %eq3A_3869 = vector.broadcast %eq3A_3868 : i32 to vector<256x128xi32>
    %eq3A_3870 = arith.cmpi eq, %and3A_3867, %eq3A_3869 : vector<256x128xi32>
    %gt3A_3871 = arith.cmpi sgt, %select_n3A_3845, %select_n3A_3857 : vector<256x128xi32>
    %eq3A_3872 = arith.cmpi eq, %select_n3A_3845, %select_n3A_3857 : vector<256x128xi32>
    %lt3A_3873 = arith.cmpi slt, %select_n3A_3846, %select_n3A_3862 : vector<256x128xi32>
    %and3A_3874 = arith.andi %eq3A_3872, %lt3A_3873 : vector<256x128xi1>
    %or3A_3875 = arith.ori %gt3A_3871, %and3A_3874 : vector<256x128xi1>
    %eq3A_3876 = arith.xori %eq3A_3870, %not3A_3864 : vector<256x128xi1>
    %eq3A_3877 = arith.constant dense<true> : vector<256x128xi1>
    %eq3A_3878 = arith.xori %eq3A_3876, %eq3A_3877 : vector<256x128xi1>
    %ne3A_3879 = arith.xori %eq3A_3878, %or3A_3875 : vector<256x128xi1>
    %select_n3A_3880 = arith.select %ne3A_3879, %select_n3A_3857, %select_n3A_3845 : vector<256x128xi1>, vector<256x128xi32>
    %select_n3A_3881 = arith.select %ne3A_3879, %select_n3A_3862, %select_n3A_3846 : vector<256x128xi1>, vector<256x128xi32>
    %and3A_3882 = arith.constant 2 : i32
    %and3A_3883 = vector.broadcast %and3A_3882 : i32 to vector<256x128xi32>
    %and3A_3884 = arith.andi %iota3A, %and3A_3883 : vector<256x128xi32>
    %ne3A_3885 = arith.constant 0 : i32
    %ne3A_3886 = vector.broadcast %ne3A_3885 : i32 to vector<256x128xi32>
    %ne3A_3887 = arith.cmpi ne, %and3A_3884, %ne3A_3886 : vector<256x128xi32>
    %roll3A_3888 = arith.constant 2 : i32
    %roll3A_3889 = tpu.dynamic_rotate %select_n3A_3880 by %roll3A_3888 dim 0 : vector<256x128xi32>, i32 -> vector<256x128xi32>
    %roll3A_3890 = arith.constant 254 : i32
    %roll3A_3891 = tpu.dynamic_rotate %select_n3A_3880 by %roll3A_3890 dim 0 : vector<256x128xi32>, i32 -> vector<256x128xi32>
    %select_n3A_3892 = arith.select %ne3A_3887, %roll3A_3889, %roll3A_3891 : vector<256x128xi1>, vector<256x128xi32>
    %roll3A_3893 = arith.constant 2 : i32
    %roll3A_3894 = tpu.dynamic_rotate %select_n3A_3881 by %roll3A_3893 dim 0 : vector<256x128xi32>, i32 -> vector<256x128xi32>
    %roll3A_3895 = arith.constant 254 : i32
    %roll3A_3896 = tpu.dynamic_rotate %select_n3A_3881 by %roll3A_3895 dim 0 : vector<256x128xi32>, i32 -> vector<256x128xi32>
    %select_n3A_3897 = arith.select %ne3A_3887, %roll3A_3894, %roll3A_3896 : vector<256x128xi1>, vector<256x128xi32>
    %not3A_3898 = arith.constant dense<true> : vector<256x128xi1>
    %not3A_3899 = arith.xori %ne3A_3887, %not3A_3898 : vector<256x128xi1>
    %and3A_3900 = arith.constant 256 : i32
    %and3A_3901 = vector.broadcast %and3A_3900 : i32 to vector<256x128xi32>
    %and3A_3902 = arith.andi %iota3A, %and3A_3901 : vector<256x128xi32>
    %eq3A_3903 = arith.constant 0 : i32
    %eq3A_3904 = vector.broadcast %eq3A_3903 : i32 to vector<256x128xi32>
    %eq3A_3905 = arith.cmpi eq, %and3A_3902, %eq3A_3904 : vector<256x128xi32>
    %gt3A_3906 = arith.cmpi sgt, %select_n3A_3880, %select_n3A_3892 : vector<256x128xi32>
    %eq3A_3907 = arith.cmpi eq, %select_n3A_3880, %select_n3A_3892 : vector<256x128xi32>
    %lt3A_3908 = arith.cmpi slt, %select_n3A_3881, %select_n3A_3897 : vector<256x128xi32>
    %and3A_3909 = arith.andi %eq3A_3907, %lt3A_3908 : vector<256x128xi1>
    %or3A_3910 = arith.ori %gt3A_3906, %and3A_3909 : vector<256x128xi1>
    %eq3A_3911 = arith.xori %eq3A_3905, %not3A_3899 : vector<256x128xi1>
    %eq3A_3912 = arith.constant dense<true> : vector<256x128xi1>
    %eq3A_3913 = arith.xori %eq3A_3911, %eq3A_3912 : vector<256x128xi1>
    %ne3A_3914 = arith.xori %eq3A_3913, %or3A_3910 : vector<256x128xi1>
    %select_n3A_3915 = arith.select %ne3A_3914, %select_n3A_3892, %select_n3A_3880 : vector<256x128xi1>, vector<256x128xi32>
    %select_n3A_3916 = arith.select %ne3A_3914, %select_n3A_3897, %select_n3A_3881 : vector<256x128xi1>, vector<256x128xi32>
    %and3A_3917 = arith.constant 1 : i32
    %and3A_3918 = vector.broadcast %and3A_3917 : i32 to vector<256x128xi32>
    %and3A_3919 = arith.andi %iota3A, %and3A_3918 : vector<256x128xi32>
    %ne3A_3920 = arith.constant 0 : i32
    %ne3A_3921 = vector.broadcast %ne3A_3920 : i32 to vector<256x128xi32>
    %ne3A_3922 = arith.cmpi ne, %and3A_3919, %ne3A_3921 : vector<256x128xi32>
    %roll3A_3923 = arith.constant 1 : i32
    %roll3A_3924 = tpu.dynamic_rotate %select_n3A_3915 by %roll3A_3923 dim 0 : vector<256x128xi32>, i32 -> vector<256x128xi32>
    %roll3A_3925 = arith.constant 255 : i32
    %roll3A_3926 = tpu.dynamic_rotate %select_n3A_3915 by %roll3A_3925 dim 0 : vector<256x128xi32>, i32 -> vector<256x128xi32>
    %select_n3A_3927 = arith.select %ne3A_3922, %roll3A_3924, %roll3A_3926 : vector<256x128xi1>, vector<256x128xi32>
    %roll3A_3928 = arith.constant 1 : i32
    %roll3A_3929 = tpu.dynamic_rotate %select_n3A_3916 by %roll3A_3928 dim 0 : vector<256x128xi32>, i32 -> vector<256x128xi32>
    %roll3A_3930 = arith.constant 255 : i32
    %roll3A_3931 = tpu.dynamic_rotate %select_n3A_3916 by %roll3A_3930 dim 0 : vector<256x128xi32>, i32 -> vector<256x128xi32>
    %select_n3A_3932 = arith.select %ne3A_3922, %roll3A_3929, %roll3A_3931 : vector<256x128xi1>, vector<256x128xi32>
    %not3A_3933 = arith.constant dense<true> : vector<256x128xi1>
    %not3A_3934 = arith.xori %ne3A_3922, %not3A_3933 : vector<256x128xi1>
    %and3A_3935 = arith.constant 256 : i32
    %and3A_3936 = vector.broadcast %and3A_3935 : i32 to vector<256x128xi32>
    %and3A_3937 = arith.andi %iota3A, %and3A_3936 : vector<256x128xi32>
    %eq3A_3938 = arith.constant 0 : i32
    %eq3A_3939 = vector.broadcast %eq3A_3938 : i32 to vector<256x128xi32>
    %eq3A_3940 = arith.cmpi eq, %and3A_3937, %eq3A_3939 : vector<256x128xi32>
    %gt3A_3941 = arith.cmpi sgt, %select_n3A_3915, %select_n3A_3927 : vector<256x128xi32>
    %eq3A_3942 = arith.cmpi eq, %select_n3A_3915, %select_n3A_3927 : vector<256x128xi32>
    %lt3A_3943 = arith.cmpi slt, %select_n3A_3916, %select_n3A_3932 : vector<256x128xi32>
    %and3A_3944 = arith.andi %eq3A_3942, %lt3A_3943 : vector<256x128xi1>
    %or3A_3945 = arith.ori %gt3A_3941, %and3A_3944 : vector<256x128xi1>
    %eq3A_3946 = arith.xori %eq3A_3940, %not3A_3934 : vector<256x128xi1>
    %eq3A_3947 = arith.constant dense<true> : vector<256x128xi1>
    %eq3A_3948 = arith.xori %eq3A_3946, %eq3A_3947 : vector<256x128xi1>
    %ne3A_3949 = arith.xori %eq3A_3948, %or3A_3945 : vector<256x128xi1>
    %select_n3A_3950 = arith.select %ne3A_3949, %select_n3A_3927, %select_n3A_3915 : vector<256x128xi1>, vector<256x128xi32>
    %select_n3A_3951 = arith.select %ne3A_3949, %select_n3A_3932, %select_n3A_3916 : vector<256x128xi1>, vector<256x128xi32>
    %and3A_3952 = arith.constant 64 : i32
    %and3A_3953 = vector.broadcast %and3A_3952 : i32 to vector<256x128xi32>
    %and3A_3954 = arith.andi %iota3A_5, %and3A_3953 : vector<256x128xi32>
    %ne3A_3955 = arith.constant 0 : i32
    %ne3A_3956 = vector.broadcast %ne3A_3955 : i32 to vector<256x128xi32>
    %ne3A_3957 = arith.cmpi ne, %and3A_3954, %ne3A_3956 : vector<256x128xi32>
    %roll3A_3958 = arith.constant 64 : i32
    %roll3A_3959 = tpu.dynamic_rotate %select_n3A_3950 by %roll3A_3958 dim 1 : vector<256x128xi32>, i32 -> vector<256x128xi32>
    %roll3A_3960 = arith.constant 64 : i32
    %roll3A_3961 = tpu.dynamic_rotate %select_n3A_3950 by %roll3A_3960 dim 1 : vector<256x128xi32>, i32 -> vector<256x128xi32>
    %select_n3A_3962 = arith.select %ne3A_3957, %roll3A_3959, %roll3A_3961 : vector<256x128xi1>, vector<256x128xi32>
    %roll3A_3963 = arith.constant 64 : i32
    %roll3A_3964 = tpu.dynamic_rotate %select_n3A_3951 by %roll3A_3963 dim 1 : vector<256x128xi32>, i32 -> vector<256x128xi32>
    %roll3A_3965 = arith.constant 64 : i32
    %roll3A_3966 = tpu.dynamic_rotate %select_n3A_3951 by %roll3A_3965 dim 1 : vector<256x128xi32>, i32 -> vector<256x128xi32>
    %select_n3A_3967 = arith.select %ne3A_3957, %roll3A_3964, %roll3A_3966 : vector<256x128xi1>, vector<256x128xi32>
    %not3A_3968 = arith.constant dense<true> : vector<256x128xi1>
    %not3A_3969 = arith.xori %ne3A_3957, %not3A_3968 : vector<256x128xi1>
    %and3A_3970 = arith.constant 256 : i32
    %and3A_3971 = vector.broadcast %and3A_3970 : i32 to vector<256x128xi32>
    %and3A_3972 = arith.andi %iota3A, %and3A_3971 : vector<256x128xi32>
    %eq3A_3973 = arith.constant 0 : i32
    %eq3A_3974 = vector.broadcast %eq3A_3973 : i32 to vector<256x128xi32>
    %eq3A_3975 = arith.cmpi eq, %and3A_3972, %eq3A_3974 : vector<256x128xi32>
    %gt3A_3976 = arith.cmpi sgt, %select_n3A_3950, %select_n3A_3962 : vector<256x128xi32>
    %eq3A_3977 = arith.cmpi eq, %select_n3A_3950, %select_n3A_3962 : vector<256x128xi32>
    %lt3A_3978 = arith.cmpi slt, %select_n3A_3951, %select_n3A_3967 : vector<256x128xi32>
    %and3A_3979 = arith.andi %eq3A_3977, %lt3A_3978 : vector<256x128xi1>
    %or3A_3980 = arith.ori %gt3A_3976, %and3A_3979 : vector<256x128xi1>
    %eq3A_3981 = arith.xori %eq3A_3975, %not3A_3969 : vector<256x128xi1>
    %eq3A_3982 = arith.constant dense<true> : vector<256x128xi1>
    %eq3A_3983 = arith.xori %eq3A_3981, %eq3A_3982 : vector<256x128xi1>
    %ne3A_3984 = arith.xori %eq3A_3983, %or3A_3980 : vector<256x128xi1>
    %select_n3A_3985 = arith.select %ne3A_3984, %select_n3A_3962, %select_n3A_3950 : vector<256x128xi1>, vector<256x128xi32>
    %select_n3A_3986 = arith.select %ne3A_3984, %select_n3A_3967, %select_n3A_3951 : vector<256x128xi1>, vector<256x128xi32>
    %and3A_3987 = arith.constant 32 : i32
    %and3A_3988 = vector.broadcast %and3A_3987 : i32 to vector<256x128xi32>
    %and3A_3989 = arith.andi %iota3A_5, %and3A_3988 : vector<256x128xi32>
    %ne3A_3990 = arith.constant 0 : i32
    %ne3A_3991 = vector.broadcast %ne3A_3990 : i32 to vector<256x128xi32>
    %ne3A_3992 = arith.cmpi ne, %and3A_3989, %ne3A_3991 : vector<256x128xi32>
    %roll3A_3993 = arith.constant 32 : i32
    %roll3A_3994 = tpu.dynamic_rotate %select_n3A_3985 by %roll3A_3993 dim 1 : vector<256x128xi32>, i32 -> vector<256x128xi32>
    %roll3A_3995 = arith.constant 96 : i32
    %roll3A_3996 = tpu.dynamic_rotate %select_n3A_3985 by %roll3A_3995 dim 1 : vector<256x128xi32>, i32 -> vector<256x128xi32>
    %select_n3A_3997 = arith.select %ne3A_3992, %roll3A_3994, %roll3A_3996 : vector<256x128xi1>, vector<256x128xi32>
    %roll3A_3998 = arith.constant 32 : i32
    %roll3A_3999 = tpu.dynamic_rotate %select_n3A_3986 by %roll3A_3998 dim 1 : vector<256x128xi32>, i32 -> vector<256x128xi32>
    %roll3A_4000 = arith.constant 96 : i32
    %roll3A_4001 = tpu.dynamic_rotate %select_n3A_3986 by %roll3A_4000 dim 1 : vector<256x128xi32>, i32 -> vector<256x128xi32>
    %select_n3A_4002 = arith.select %ne3A_3992, %roll3A_3999, %roll3A_4001 : vector<256x128xi1>, vector<256x128xi32>
    %not3A_4003 = arith.constant dense<true> : vector<256x128xi1>
    %not3A_4004 = arith.xori %ne3A_3992, %not3A_4003 : vector<256x128xi1>
    %and3A_4005 = arith.constant 256 : i32
    %and3A_4006 = vector.broadcast %and3A_4005 : i32 to vector<256x128xi32>
    %and3A_4007 = arith.andi %iota3A, %and3A_4006 : vector<256x128xi32>
    %eq3A_4008 = arith.constant 0 : i32
    %eq3A_4009 = vector.broadcast %eq3A_4008 : i32 to vector<256x128xi32>
    %eq3A_4010 = arith.cmpi eq, %and3A_4007, %eq3A_4009 : vector<256x128xi32>
    %gt3A_4011 = arith.cmpi sgt, %select_n3A_3985, %select_n3A_3997 : vector<256x128xi32>
    %eq3A_4012 = arith.cmpi eq, %select_n3A_3985, %select_n3A_3997 : vector<256x128xi32>
    %lt3A_4013 = arith.cmpi slt, %select_n3A_3986, %select_n3A_4002 : vector<256x128xi32>
    %and3A_4014 = arith.andi %eq3A_4012, %lt3A_4013 : vector<256x128xi1>
    %or3A_4015 = arith.ori %gt3A_4011, %and3A_4014 : vector<256x128xi1>
    %eq3A_4016 = arith.xori %eq3A_4010, %not3A_4004 : vector<256x128xi1>
    %eq3A_4017 = arith.constant dense<true> : vector<256x128xi1>
    %eq3A_4018 = arith.xori %eq3A_4016, %eq3A_4017 : vector<256x128xi1>
    %ne3A_4019 = arith.xori %eq3A_4018, %or3A_4015 : vector<256x128xi1>
    %select_n3A_4020 = arith.select %ne3A_4019, %select_n3A_3997, %select_n3A_3985 : vector<256x128xi1>, vector<256x128xi32>
    %select_n3A_4021 = arith.select %ne3A_4019, %select_n3A_4002, %select_n3A_3986 : vector<256x128xi1>, vector<256x128xi32>
    %and3A_4022 = arith.constant 16 : i32
    %and3A_4023 = vector.broadcast %and3A_4022 : i32 to vector<256x128xi32>
    %and3A_4024 = arith.andi %iota3A_5, %and3A_4023 : vector<256x128xi32>
    %ne3A_4025 = arith.constant 0 : i32
    %ne3A_4026 = vector.broadcast %ne3A_4025 : i32 to vector<256x128xi32>
    %ne3A_4027 = arith.cmpi ne, %and3A_4024, %ne3A_4026 : vector<256x128xi32>
    %roll3A_4028 = arith.constant 16 : i32
    %roll3A_4029 = tpu.dynamic_rotate %select_n3A_4020 by %roll3A_4028 dim 1 : vector<256x128xi32>, i32 -> vector<256x128xi32>
    %roll3A_4030 = arith.constant 112 : i32
    %roll3A_4031 = tpu.dynamic_rotate %select_n3A_4020 by %roll3A_4030 dim 1 : vector<256x128xi32>, i32 -> vector<256x128xi32>
    %select_n3A_4032 = arith.select %ne3A_4027, %roll3A_4029, %roll3A_4031 : vector<256x128xi1>, vector<256x128xi32>
    %roll3A_4033 = arith.constant 16 : i32
    %roll3A_4034 = tpu.dynamic_rotate %select_n3A_4021 by %roll3A_4033 dim 1 : vector<256x128xi32>, i32 -> vector<256x128xi32>
    %roll3A_4035 = arith.constant 112 : i32
    %roll3A_4036 = tpu.dynamic_rotate %select_n3A_4021 by %roll3A_4035 dim 1 : vector<256x128xi32>, i32 -> vector<256x128xi32>
    %select_n3A_4037 = arith.select %ne3A_4027, %roll3A_4034, %roll3A_4036 : vector<256x128xi1>, vector<256x128xi32>
    %not3A_4038 = arith.constant dense<true> : vector<256x128xi1>
    %not3A_4039 = arith.xori %ne3A_4027, %not3A_4038 : vector<256x128xi1>
    %and3A_4040 = arith.constant 256 : i32
    %and3A_4041 = vector.broadcast %and3A_4040 : i32 to vector<256x128xi32>
    %and3A_4042 = arith.andi %iota3A, %and3A_4041 : vector<256x128xi32>
    %eq3A_4043 = arith.constant 0 : i32
    %eq3A_4044 = vector.broadcast %eq3A_4043 : i32 to vector<256x128xi32>
    %eq3A_4045 = arith.cmpi eq, %and3A_4042, %eq3A_4044 : vector<256x128xi32>
    %gt3A_4046 = arith.cmpi sgt, %select_n3A_4020, %select_n3A_4032 : vector<256x128xi32>
    %eq3A_4047 = arith.cmpi eq, %select_n3A_4020, %select_n3A_4032 : vector<256x128xi32>
    %lt3A_4048 = arith.cmpi slt, %select_n3A_4021, %select_n3A_4037 : vector<256x128xi32>
    %and3A_4049 = arith.andi %eq3A_4047, %lt3A_4048 : vector<256x128xi1>
    %or3A_4050 = arith.ori %gt3A_4046, %and3A_4049 : vector<256x128xi1>
    %eq3A_4051 = arith.xori %eq3A_4045, %not3A_4039 : vector<256x128xi1>
    %eq3A_4052 = arith.constant dense<true> : vector<256x128xi1>
    %eq3A_4053 = arith.xori %eq3A_4051, %eq3A_4052 : vector<256x128xi1>
    %ne3A_4054 = arith.xori %eq3A_4053, %or3A_4050 : vector<256x128xi1>
    %select_n3A_4055 = arith.select %ne3A_4054, %select_n3A_4032, %select_n3A_4020 : vector<256x128xi1>, vector<256x128xi32>
    %select_n3A_4056 = arith.select %ne3A_4054, %select_n3A_4037, %select_n3A_4021 : vector<256x128xi1>, vector<256x128xi32>
    %and3A_4057 = arith.constant 8 : i32
    %and3A_4058 = vector.broadcast %and3A_4057 : i32 to vector<256x128xi32>
    %and3A_4059 = arith.andi %iota3A_5, %and3A_4058 : vector<256x128xi32>
    %ne3A_4060 = arith.constant 0 : i32
    %ne3A_4061 = vector.broadcast %ne3A_4060 : i32 to vector<256x128xi32>
    %ne3A_4062 = arith.cmpi ne, %and3A_4059, %ne3A_4061 : vector<256x128xi32>
    %roll3A_4063 = arith.constant 8 : i32
    %roll3A_4064 = tpu.dynamic_rotate %select_n3A_4055 by %roll3A_4063 dim 1 : vector<256x128xi32>, i32 -> vector<256x128xi32>
    %roll3A_4065 = arith.constant 120 : i32
    %roll3A_4066 = tpu.dynamic_rotate %select_n3A_4055 by %roll3A_4065 dim 1 : vector<256x128xi32>, i32 -> vector<256x128xi32>
    %select_n3A_4067 = arith.select %ne3A_4062, %roll3A_4064, %roll3A_4066 : vector<256x128xi1>, vector<256x128xi32>
    %roll3A_4068 = arith.constant 8 : i32
    %roll3A_4069 = tpu.dynamic_rotate %select_n3A_4056 by %roll3A_4068 dim 1 : vector<256x128xi32>, i32 -> vector<256x128xi32>
    %roll3A_4070 = arith.constant 120 : i32
    %roll3A_4071 = tpu.dynamic_rotate %select_n3A_4056 by %roll3A_4070 dim 1 : vector<256x128xi32>, i32 -> vector<256x128xi32>
    %select_n3A_4072 = arith.select %ne3A_4062, %roll3A_4069, %roll3A_4071 : vector<256x128xi1>, vector<256x128xi32>
    %not3A_4073 = arith.constant dense<true> : vector<256x128xi1>
    %not3A_4074 = arith.xori %ne3A_4062, %not3A_4073 : vector<256x128xi1>
    %and3A_4075 = arith.constant 256 : i32
    %and3A_4076 = vector.broadcast %and3A_4075 : i32 to vector<256x128xi32>
    %and3A_4077 = arith.andi %iota3A, %and3A_4076 : vector<256x128xi32>
    %eq3A_4078 = arith.constant 0 : i32
    %eq3A_4079 = vector.broadcast %eq3A_4078 : i32 to vector<256x128xi32>
    %eq3A_4080 = arith.cmpi eq, %and3A_4077, %eq3A_4079 : vector<256x128xi32>
    %gt3A_4081 = arith.cmpi sgt, %select_n3A_4055, %select_n3A_4067 : vector<256x128xi32>
    %eq3A_4082 = arith.cmpi eq, %select_n3A_4055, %select_n3A_4067 : vector<256x128xi32>
    %lt3A_4083 = arith.cmpi slt, %select_n3A_4056, %select_n3A_4072 : vector<256x128xi32>
    %and3A_4084 = arith.andi %eq3A_4082, %lt3A_4083 : vector<256x128xi1>
    %or3A_4085 = arith.ori %gt3A_4081, %and3A_4084 : vector<256x128xi1>
    %eq3A_4086 = arith.xori %eq3A_4080, %not3A_4074 : vector<256x128xi1>
    %eq3A_4087 = arith.constant dense<true> : vector<256x128xi1>
    %eq3A_4088 = arith.xori %eq3A_4086, %eq3A_4087 : vector<256x128xi1>
    %ne3A_4089 = arith.xori %eq3A_4088, %or3A_4085 : vector<256x128xi1>
    %select_n3A_4090 = arith.select %ne3A_4089, %select_n3A_4067, %select_n3A_4055 : vector<256x128xi1>, vector<256x128xi32>
    %select_n3A_4091 = arith.select %ne3A_4089, %select_n3A_4072, %select_n3A_4056 : vector<256x128xi1>, vector<256x128xi32>
    %and3A_4092 = arith.constant 4 : i32
    %and3A_4093 = vector.broadcast %and3A_4092 : i32 to vector<256x128xi32>
    %and3A_4094 = arith.andi %iota3A_5, %and3A_4093 : vector<256x128xi32>
    %ne3A_4095 = arith.constant 0 : i32
    %ne3A_4096 = vector.broadcast %ne3A_4095 : i32 to vector<256x128xi32>
    %ne3A_4097 = arith.cmpi ne, %and3A_4094, %ne3A_4096 : vector<256x128xi32>
    %roll3A_4098 = arith.constant 4 : i32
    %roll3A_4099 = tpu.dynamic_rotate %select_n3A_4090 by %roll3A_4098 dim 1 : vector<256x128xi32>, i32 -> vector<256x128xi32>
    %roll3A_4100 = arith.constant 124 : i32
    %roll3A_4101 = tpu.dynamic_rotate %select_n3A_4090 by %roll3A_4100 dim 1 : vector<256x128xi32>, i32 -> vector<256x128xi32>
    %select_n3A_4102 = arith.select %ne3A_4097, %roll3A_4099, %roll3A_4101 : vector<256x128xi1>, vector<256x128xi32>
    %roll3A_4103 = arith.constant 4 : i32
    %roll3A_4104 = tpu.dynamic_rotate %select_n3A_4091 by %roll3A_4103 dim 1 : vector<256x128xi32>, i32 -> vector<256x128xi32>
    %roll3A_4105 = arith.constant 124 : i32
    %roll3A_4106 = tpu.dynamic_rotate %select_n3A_4091 by %roll3A_4105 dim 1 : vector<256x128xi32>, i32 -> vector<256x128xi32>
    %select_n3A_4107 = arith.select %ne3A_4097, %roll3A_4104, %roll3A_4106 : vector<256x128xi1>, vector<256x128xi32>
    %not3A_4108 = arith.constant dense<true> : vector<256x128xi1>
    %not3A_4109 = arith.xori %ne3A_4097, %not3A_4108 : vector<256x128xi1>
    %and3A_4110 = arith.constant 256 : i32
    %and3A_4111 = vector.broadcast %and3A_4110 : i32 to vector<256x128xi32>
    %and3A_4112 = arith.andi %iota3A, %and3A_4111 : vector<256x128xi32>
    %eq3A_4113 = arith.constant 0 : i32
    %eq3A_4114 = vector.broadcast %eq3A_4113 : i32 to vector<256x128xi32>
    %eq3A_4115 = arith.cmpi eq, %and3A_4112, %eq3A_4114 : vector<256x128xi32>
    %gt3A_4116 = arith.cmpi sgt, %select_n3A_4090, %select_n3A_4102 : vector<256x128xi32>
    %eq3A_4117 = arith.cmpi eq, %select_n3A_4090, %select_n3A_4102 : vector<256x128xi32>
    %lt3A_4118 = arith.cmpi slt, %select_n3A_4091, %select_n3A_4107 : vector<256x128xi32>
    %and3A_4119 = arith.andi %eq3A_4117, %lt3A_4118 : vector<256x128xi1>
    %or3A_4120 = arith.ori %gt3A_4116, %and3A_4119 : vector<256x128xi1>
    %eq3A_4121 = arith.xori %eq3A_4115, %not3A_4109 : vector<256x128xi1>
    %eq3A_4122 = arith.constant dense<true> : vector<256x128xi1>
    %eq3A_4123 = arith.xori %eq3A_4121, %eq3A_4122 : vector<256x128xi1>
    %ne3A_4124 = arith.xori %eq3A_4123, %or3A_4120 : vector<256x128xi1>
    %select_n3A_4125 = arith.select %ne3A_4124, %select_n3A_4102, %select_n3A_4090 : vector<256x128xi1>, vector<256x128xi32>
    %select_n3A_4126 = arith.select %ne3A_4124, %select_n3A_4107, %select_n3A_4091 : vector<256x128xi1>, vector<256x128xi32>
    %and3A_4127 = arith.constant 2 : i32
    %and3A_4128 = vector.broadcast %and3A_4127 : i32 to vector<256x128xi32>
    %and3A_4129 = arith.andi %iota3A_5, %and3A_4128 : vector<256x128xi32>
    %ne3A_4130 = arith.constant 0 : i32
    %ne3A_4131 = vector.broadcast %ne3A_4130 : i32 to vector<256x128xi32>
    %ne3A_4132 = arith.cmpi ne, %and3A_4129, %ne3A_4131 : vector<256x128xi32>
    %roll3A_4133 = arith.constant 2 : i32
    %roll3A_4134 = tpu.dynamic_rotate %select_n3A_4125 by %roll3A_4133 dim 1 : vector<256x128xi32>, i32 -> vector<256x128xi32>
    %roll3A_4135 = arith.constant 126 : i32
    %roll3A_4136 = tpu.dynamic_rotate %select_n3A_4125 by %roll3A_4135 dim 1 : vector<256x128xi32>, i32 -> vector<256x128xi32>
    %select_n3A_4137 = arith.select %ne3A_4132, %roll3A_4134, %roll3A_4136 : vector<256x128xi1>, vector<256x128xi32>
    %roll3A_4138 = arith.constant 2 : i32
    %roll3A_4139 = tpu.dynamic_rotate %select_n3A_4126 by %roll3A_4138 dim 1 : vector<256x128xi32>, i32 -> vector<256x128xi32>
    %roll3A_4140 = arith.constant 126 : i32
    %roll3A_4141 = tpu.dynamic_rotate %select_n3A_4126 by %roll3A_4140 dim 1 : vector<256x128xi32>, i32 -> vector<256x128xi32>
    %select_n3A_4142 = arith.select %ne3A_4132, %roll3A_4139, %roll3A_4141 : vector<256x128xi1>, vector<256x128xi32>
    %not3A_4143 = arith.constant dense<true> : vector<256x128xi1>
    %not3A_4144 = arith.xori %ne3A_4132, %not3A_4143 : vector<256x128xi1>
    %and3A_4145 = arith.constant 256 : i32
    %and3A_4146 = vector.broadcast %and3A_4145 : i32 to vector<256x128xi32>
    %and3A_4147 = arith.andi %iota3A, %and3A_4146 : vector<256x128xi32>
    %eq3A_4148 = arith.constant 0 : i32
    %eq3A_4149 = vector.broadcast %eq3A_4148 : i32 to vector<256x128xi32>
    %eq3A_4150 = arith.cmpi eq, %and3A_4147, %eq3A_4149 : vector<256x128xi32>
    %gt3A_4151 = arith.cmpi sgt, %select_n3A_4125, %select_n3A_4137 : vector<256x128xi32>
    %eq3A_4152 = arith.cmpi eq, %select_n3A_4125, %select_n3A_4137 : vector<256x128xi32>
    %lt3A_4153 = arith.cmpi slt, %select_n3A_4126, %select_n3A_4142 : vector<256x128xi32>
    %and3A_4154 = arith.andi %eq3A_4152, %lt3A_4153 : vector<256x128xi1>
    %or3A_4155 = arith.ori %gt3A_4151, %and3A_4154 : vector<256x128xi1>
    %eq3A_4156 = arith.xori %eq3A_4150, %not3A_4144 : vector<256x128xi1>
    %eq3A_4157 = arith.constant dense<true> : vector<256x128xi1>
    %eq3A_4158 = arith.xori %eq3A_4156, %eq3A_4157 : vector<256x128xi1>
    %ne3A_4159 = arith.xori %eq3A_4158, %or3A_4155 : vector<256x128xi1>
    %select_n3A_4160 = arith.select %ne3A_4159, %select_n3A_4137, %select_n3A_4125 : vector<256x128xi1>, vector<256x128xi32>
    %select_n3A_4161 = arith.select %ne3A_4159, %select_n3A_4142, %select_n3A_4126 : vector<256x128xi1>, vector<256x128xi32>
    %and3A_4162 = arith.constant 1 : i32
    %and3A_4163 = vector.broadcast %and3A_4162 : i32 to vector<256x128xi32>
    %and3A_4164 = arith.andi %iota3A_5, %and3A_4163 : vector<256x128xi32>
    %ne3A_4165 = arith.constant 0 : i32
    %ne3A_4166 = vector.broadcast %ne3A_4165 : i32 to vector<256x128xi32>
    %ne3A_4167 = arith.cmpi ne, %and3A_4164, %ne3A_4166 : vector<256x128xi32>
    %roll3A_4168 = arith.constant 1 : i32
    %roll3A_4169 = tpu.dynamic_rotate %select_n3A_4160 by %roll3A_4168 dim 1 : vector<256x128xi32>, i32 -> vector<256x128xi32>
    %roll3A_4170 = arith.constant 127 : i32
    %roll3A_4171 = tpu.dynamic_rotate %select_n3A_4160 by %roll3A_4170 dim 1 : vector<256x128xi32>, i32 -> vector<256x128xi32>
    %select_n3A_4172 = arith.select %ne3A_4167, %roll3A_4169, %roll3A_4171 : vector<256x128xi1>, vector<256x128xi32>
    %roll3A_4173 = arith.constant 1 : i32
    %roll3A_4174 = tpu.dynamic_rotate %select_n3A_4161 by %roll3A_4173 dim 1 : vector<256x128xi32>, i32 -> vector<256x128xi32>
    %roll3A_4175 = arith.constant 127 : i32
    %roll3A_4176 = tpu.dynamic_rotate %select_n3A_4161 by %roll3A_4175 dim 1 : vector<256x128xi32>, i32 -> vector<256x128xi32>
    %select_n3A_4177 = arith.select %ne3A_4167, %roll3A_4174, %roll3A_4176 : vector<256x128xi1>, vector<256x128xi32>
    %not3A_4178 = arith.constant dense<true> : vector<256x128xi1>
    %not3A_4179 = arith.xori %ne3A_4167, %not3A_4178 : vector<256x128xi1>
    %and3A_4180 = arith.constant 256 : i32
    %and3A_4181 = vector.broadcast %and3A_4180 : i32 to vector<256x128xi32>
    %and3A_4182 = arith.andi %iota3A, %and3A_4181 : vector<256x128xi32>
    %eq3A_4183 = arith.constant 0 : i32
    %eq3A_4184 = vector.broadcast %eq3A_4183 : i32 to vector<256x128xi32>
    %eq3A_4185 = arith.cmpi eq, %and3A_4182, %eq3A_4184 : vector<256x128xi32>
    %gt3A_4186 = arith.cmpi sgt, %select_n3A_4160, %select_n3A_4172 : vector<256x128xi32>
    %eq3A_4187 = arith.cmpi eq, %select_n3A_4160, %select_n3A_4172 : vector<256x128xi32>
    %lt3A_4188 = arith.cmpi slt, %select_n3A_4161, %select_n3A_4177 : vector<256x128xi32>
    %and3A_4189 = arith.andi %eq3A_4187, %lt3A_4188 : vector<256x128xi1>
    %or3A_4190 = arith.ori %gt3A_4186, %and3A_4189 : vector<256x128xi1>
    %eq3A_4191 = arith.xori %eq3A_4185, %not3A_4179 : vector<256x128xi1>
    %eq3A_4192 = arith.constant dense<true> : vector<256x128xi1>
    %eq3A_4193 = arith.xori %eq3A_4191, %eq3A_4192 : vector<256x128xi1>
    %ne3A_4194 = arith.xori %eq3A_4193, %or3A_4190 : vector<256x128xi1>
    %select_n3A_4195 = arith.select %ne3A_4194, %select_n3A_4177, %select_n3A_4161 : vector<256x128xi1>, vector<256x128xi32>
    %swap3A = arith.constant 0 : index
    %swap3A_4196 = arith.constant 0 : index
    %swap3A_4197 = vector.load %arg2[%swap3A, %swap3A_4196] : memref<256x128xi32, #tpu.memory_space<vmem>>, vector<256x128xi32>
    tpu.vector_store %arg2[%swap3A, %swap3A_4196], %select_n3A_4195 {strides = array<i32>} : memref<256x128xi32, #tpu.memory_space<vmem>>, vector<256x128xi32>,
    return
  }
}

module attributes {stable_mosaic.version = 14 : i64} {
  func.func @_nms_body(%arg0: memref<4096x1xf32, #tpu.memory_space<vmem>>, %arg1: memref<4096x1xf32, #tpu.memory_space<vmem>>, %arg2: memref<4096x1xf32, #tpu.memory_space<vmem>>, %arg3: memref<4096x1xf32, #tpu.memory_space<vmem>>, %arg4: memref<1x4096xf32, #tpu.memory_space<vmem>>, %arg5: memref<1x4096xf32, #tpu.memory_space<vmem>>, %arg6: memref<1x4096xf32, #tpu.memory_space<vmem>>, %arg7: memref<1x4096xf32, #tpu.memory_space<vmem>>, %arg8: memref<1x4096xf32, #tpu.memory_space<vmem>>, %arg9: memref<1x4096xf32, #tpu.memory_space<vmem>>) attributes {dimension_semantics = [], scalar_prefetch = 0 : i64, scratch_operands = 1 : i64, tpu.core_type = #tpu.core_type<tc>} {
    %broadcast_in_dim3A = arith.constant 1.000000e+00 : f32
    %broadcast_in_dim3A_0 = vector.broadcast %broadcast_in_dim3A : f32 to vector<1x4096xf32>
    %swap3A = arith.constant 0 : index
    %swap3A_1 = arith.constant 0 : index
    %swap3A_2 = vector.load %arg9[%swap3A, %swap3A_1] : memref<1x4096xf32, #tpu.memory_space<vmem>>, vector<1x4096xf32>
    tpu.vector_store %arg9[%swap3A, %swap3A_1], %broadcast_in_dim3A_0 {strides = array<i32>} : memref<1x4096xf32, #tpu.memory_space<vmem>>, vector<1x4096xf32>,
    %iota3A = tpu.iota {dimensions = array<i32: 1>} : vector<1x4096xi32>
    %get3A = arith.constant 0 : index
    %get3A_3 = arith.constant 0 : index
    %get3A_4 = vector.load %arg4[%get3A, %get3A_3] : memref<1x4096xf32, #tpu.memory_space<vmem>>, vector<1x4096xf32>
    %get3A_5 = arith.constant 0 : index
    %get3A_6 = arith.constant 0 : index
    %get3A_7 = vector.load %arg6[%get3A_5, %get3A_6] : memref<1x4096xf32, #tpu.memory_space<vmem>>, vector<1x4096xf32>
    %mul3A = arith.constant 5.000000e-01 : f32
    %mul3A_8 = vector.broadcast %mul3A : f32 to vector<1x4096xf32>
    %mul3A_9 = arith.mulf %get3A_7, %mul3A_8 : vector<1x4096xf32>
    %sub3A = arith.subf %get3A_4, %mul3A_9 : vector<1x4096xf32>
    %get3A_10 = arith.constant 0 : index
    %get3A_11 = arith.constant 0 : index
    %get3A_12 = vector.load %arg4[%get3A_10, %get3A_11] : memref<1x4096xf32, #tpu.memory_space<vmem>>, vector<1x4096xf32>
    %get3A_13 = arith.constant 0 : index
    %get3A_14 = arith.constant 0 : index
    %get3A_15 = vector.load %arg6[%get3A_13, %get3A_14] : memref<1x4096xf32, #tpu.memory_space<vmem>>, vector<1x4096xf32>
    %mul3A_16 = arith.constant 5.000000e-01 : f32
    %mul3A_17 = vector.broadcast %mul3A_16 : f32 to vector<1x4096xf32>
    %mul3A_18 = arith.mulf %get3A_15, %mul3A_17 : vector<1x4096xf32>
    %add3A = arith.addf %get3A_12, %mul3A_18 : vector<1x4096xf32>
    %get3A_19 = arith.constant 0 : index
    %get3A_20 = arith.constant 0 : index
    %get3A_21 = vector.load %arg5[%get3A_19, %get3A_20] : memref<1x4096xf32, #tpu.memory_space<vmem>>, vector<1x4096xf32>
    %get3A_22 = arith.constant 0 : index
    %get3A_23 = arith.constant 0 : index
    %get3A_24 = vector.load %arg7[%get3A_22, %get3A_23] : memref<1x4096xf32, #tpu.memory_space<vmem>>, vector<1x4096xf32>
    %mul3A_25 = arith.constant 5.000000e-01 : f32
    %mul3A_26 = vector.broadcast %mul3A_25 : f32 to vector<1x4096xf32>
    %mul3A_27 = arith.mulf %get3A_24, %mul3A_26 : vector<1x4096xf32>
    %sub3A_28 = arith.subf %get3A_21, %mul3A_27 : vector<1x4096xf32>
    %get3A_29 = arith.constant 0 : index
    %get3A_30 = arith.constant 0 : index
    %get3A_31 = vector.load %arg5[%get3A_29, %get3A_30] : memref<1x4096xf32, #tpu.memory_space<vmem>>, vector<1x4096xf32>
    %get3A_32 = arith.constant 0 : index
    %get3A_33 = arith.constant 0 : index
    %get3A_34 = vector.load %arg7[%get3A_32, %get3A_33] : memref<1x4096xf32, #tpu.memory_space<vmem>>, vector<1x4096xf32>
    %mul3A_35 = arith.constant 5.000000e-01 : f32
    %mul3A_36 = vector.broadcast %mul3A_35 : f32 to vector<1x4096xf32>
    %mul3A_37 = arith.mulf %get3A_34, %mul3A_36 : vector<1x4096xf32>
    %add3A_38 = arith.addf %get3A_31, %mul3A_37 : vector<1x4096xf32>
    %get3A_39 = arith.constant 0 : index
    %get3A_40 = arith.constant 0 : index
    %get3A_41 = vector.load %arg6[%get3A_39, %get3A_40] : memref<1x4096xf32, #tpu.memory_space<vmem>>, vector<1x4096xf32>
    %get3A_42 = arith.constant 0 : index
    %get3A_43 = arith.constant 0 : index
    %get3A_44 = vector.load %arg7[%get3A_42, %get3A_43] : memref<1x4096xf32, #tpu.memory_space<vmem>>, vector<1x4096xf32>
    %mul3A_45 = arith.mulf %get3A_41, %get3A_44 : vector<1x4096xf32>
    %get3A_46 = arith.constant 0 : index
    %get3A_47 = arith.constant 0 : index
    %get3A_48 = vector.load %arg0[%get3A_46, %get3A_47] : memref<4096x1xf32, #tpu.memory_space<vmem>>, vector<512x1xf32>
    %get3A_49 = arith.constant 0 : index
    %get3A_50 = arith.constant 0 : index
    %get3A_51 = vector.load %arg2[%get3A_49, %get3A_50] : memref<4096x1xf32, #tpu.memory_space<vmem>>, vector<512x1xf32>
    %get3A_52 = arith.constant 0 : index
    %get3A_53 = arith.constant 0 : index
    %get3A_54 = vector.load %arg1[%get3A_52, %get3A_53] : memref<4096x1xf32, #tpu.memory_space<vmem>>, vector<512x1xf32>
    %get3A_55 = arith.constant 0 : index
    %get3A_56 = arith.constant 0 : index
    %get3A_57 = vector.load %arg3[%get3A_55, %get3A_56] : memref<4096x1xf32, #tpu.memory_space<vmem>>, vector<512x1xf32>
    %mul3A_58 = arith.constant 5.000000e-01 : f32
    %mul3A_59 = vector.broadcast %mul3A_58 : f32 to vector<512x1xf32>
    %mul3A_60 = arith.mulf %get3A_51, %mul3A_59 : vector<512x1xf32>
    %sub3A_61 = arith.subf %get3A_48, %mul3A_60 : vector<512x1xf32>
    %mul3A_62 = arith.constant 5.000000e-01 : f32
    %mul3A_63 = vector.broadcast %mul3A_62 : f32 to vector<512x1xf32>
    %mul3A_64 = arith.mulf %get3A_51, %mul3A_63 : vector<512x1xf32>
    %add3A_65 = arith.addf %get3A_48, %mul3A_64 : vector<512x1xf32>
    %mul3A_66 = arith.constant 5.000000e-01 : f32
    %mul3A_67 = vector.broadcast %mul3A_66 : f32 to vector<512x1xf32>
    %mul3A_68 = arith.mulf %get3A_57, %mul3A_67 : vector<512x1xf32>
    %sub3A_69 = arith.subf %get3A_54, %mul3A_68 : vector<512x1xf32>
    %mul3A_70 = arith.constant 5.000000e-01 : f32
    %mul3A_71 = vector.broadcast %mul3A_70 : f32 to vector<512x1xf32>
    %mul3A_72 = arith.mulf %get3A_57, %mul3A_71 : vector<512x1xf32>
    %add3A_73 = arith.addf %get3A_54, %mul3A_72 : vector<512x1xf32>
    %mul3A_74 = arith.mulf %get3A_51, %get3A_57 : vector<512x1xf32>
    %min3A = vector.broadcast %add3A_65 : vector<512x1xf32> to vector<512x4096xf32>
    %min3A_75 = vector.broadcast %add3A : vector<1x4096xf32> to vector<512x4096xf32>
    %min3A_76 = arith.minimumf %min3A, %min3A_75 : vector<512x4096xf32>
    %max3A = vector.broadcast %sub3A_61 : vector<512x1xf32> to vector<512x4096xf32>
    %max3A_77 = vector.broadcast %sub3A : vector<1x4096xf32> to vector<512x4096xf32>
    %max3A_78 = arith.maximumf %max3A, %max3A_77 : vector<512x4096xf32>
    %sub3A_79 = arith.subf %min3A_76, %max3A_78 : vector<512x4096xf32>
    %jit3A = arith.constant 0.000000e+00 : f32
    %max3A_80 = vector.broadcast %jit3A : f32 to vector<512x4096xf32>
    %max3A_81 = arith.maximumf %max3A_80, %sub3A_79 : vector<512x4096xf32>
    %min3A_82 = vector.broadcast %add3A_73 : vector<512x1xf32> to vector<512x4096xf32>
    %min3A_83 = vector.broadcast %add3A_38 : vector<1x4096xf32> to vector<512x4096xf32>
    %min3A_84 = arith.minimumf %min3A_82, %min3A_83 : vector<512x4096xf32>
    %max3A_85 = vector.broadcast %sub3A_69 : vector<512x1xf32> to vector<512x4096xf32>
    %max3A_86 = vector.broadcast %sub3A_28 : vector<1x4096xf32> to vector<512x4096xf32>
    %max3A_87 = arith.maximumf %max3A_85, %max3A_86 : vector<512x4096xf32>
    %sub3A_88 = arith.subf %min3A_84, %max3A_87 : vector<512x4096xf32>
    %jit3A_89 = arith.constant 0.000000e+00 : f32
    %max3A_90 = vector.broadcast %jit3A_89 : f32 to vector<512x4096xf32>
    %max3A_91 = arith.maximumf %max3A_90, %sub3A_88 : vector<512x4096xf32>
    %mul3A_92 = arith.mulf %max3A_81, %max3A_91 : vector<512x4096xf32>
    %add3A_93 = vector.broadcast %mul3A_74 : vector<512x1xf32> to vector<512x4096xf32>
    %add3A_94 = vector.broadcast %mul3A_45 : vector<1x4096xf32> to vector<512x4096xf32>
    %add3A_95 = arith.addf %add3A_93, %add3A_94 : vector<512x4096xf32>
    %sub3A_96 = arith.subf %add3A_95, %mul3A_92 : vector<512x4096xf32>
    %jit3A_97 = arith.constant 9.99999993E-9 : f32
    %max3A_98 = vector.broadcast %jit3A_97 : f32 to vector<512x4096xf32>
    %max3A_99 = arith.maximumf %max3A_98, %sub3A_96 : vector<512x4096xf32>
    %div3A = arith.divf %mul3A_92, %max3A_99 : vector<512x4096xf32>
    %iota3A_100 = tpu.iota {dimensions = array<i32: 0>} : vector<512x1xi32>
    %gt3A = arith.constant 1.000000e-01 : f32
    %gt3A_101 = vector.broadcast %gt3A : f32 to vector<512x4096xf32>
    %gt3A_102 = arith.cmpf ogt, %div3A, %gt3A_101 : vector<512x4096xf32>
    %sub3A_103 = arith.constant 0 : i32
    %sub3A_104 = vector.broadcast %sub3A_103 : i32 to vector<1x4096xi32>
    %sub3A_105 = arith.subi %iota3A, %sub3A_104 : vector<1x4096xi32>
    %gt3A_106 = vector.broadcast %sub3A_105 : vector<1x4096xi32> to vector<512x4096xi32>
    %gt3A_107 = vector.broadcast %iota3A_100 : vector<512x1xi32> to vector<512x4096xi32>
    %gt3A_108 = arith.cmpi sgt, %gt3A_106, %gt3A_107 : vector<512x4096xi32>
    %and3A = arith.andi %gt3A_102, %gt3A_108 : vector<512x4096xi1>
    %convert_element_type3A = arith.extui %and3A : vector<512x4096xi1> to vector<512x4096xi32>
    %convert_element_type3A_109 = arith.sitofp %convert_element_type3A : vector<512x4096xi32> to vector<512x4096xf32>
    %slice3A = vector.extract_strided_slice %convert_element_type3A_109 {offsets = [0, 0], sizes = [512, 512], strides = [1, 1]} : vector<512x4096xf32> to vector<512x512xf32>
    %get3A_110 = arith.constant 0 : index
    %get3A_111 = arith.constant 0 : index
    %get3A_112 = vector.load %arg9[%get3A_110, %get3A_111] : memref<1x4096xf32, #tpu.memory_space<vmem>>, vector<1x512xf32>
    %while3A = arith.constant true
    %while3A_113 = arith.constant 0 : i32
    %while3A_114:3 = scf.while (%while3A_842 = %get3A_112, %while3A_843 = %while3A, %while3A_844 = %while3A_113) : (vector<1x512xf32>, i1, i32) -> (vector<1x512xf32>, i1, i32) {
      %lt3A_845 = arith.constant 512 : i32
      %lt3A_846 = arith.cmpi slt, %while3A_844, %lt3A_845 : i32
      %and3A_847 = arith.andi %while3A_843, %lt3A_846 : i1
      scf.condition(%and3A_847) %while3A_842, %while3A_843, %while3A_844 : vector<1x512xf32>, i1, i32
    } do {
    ^bb0(%while3A_842: vector<1x512xf32>, %while3A_843: i1, %while3A_844: i32):
      %dot_general3A_845 = arith.constant dense<0.000000e+00> : vector<1x512xf32>
      %dot_general3A_846 = tpu.matmul %while3A_842, %slice3A, %dot_general3A_845 {dimension_numbers = #tpu.dot_dimension_numbers<[1], [0], [0], [1], [0, 0, 1, 1], [], []>, transpose_lhs_hint = false} : vector<1x512xf32>, vector<512x512xf32>, vector<1x512xf32> -> vector<1x512xf32>
      %lt3A_847 = arith.constant 5.000000e-01 : f32
      %lt3A_848 = vector.broadcast %lt3A_847 : f32 to vector<1x512xf32>
      %lt3A_849 = arith.cmpf olt, %dot_general3A_846, %lt3A_848 : vector<1x512xf32>
      %convert_element_type3A_850 = arith.extui %lt3A_849 : vector<1x512xi1> to vector<1x512xi32>
      %convert_element_type3A_851 = arith.sitofp %convert_element_type3A_850 : vector<1x512xi32> to vector<1x512xf32>
      %mul3A_852 = arith.mulf %get3A_112, %convert_element_type3A_851 : vector<1x512xf32>
      %dot_general3A_853 = arith.constant dense<0.000000e+00> : vector<1x512xf32>
      %dot_general3A_854 = tpu.matmul %mul3A_852, %slice3A, %dot_general3A_853 {dimension_numbers = #tpu.dot_dimension_numbers<[1], [0], [0], [1], [0, 0, 1, 1], [], []>, transpose_lhs_hint = false} : vector<1x512xf32>, vector<512x512xf32>, vector<1x512xf32> -> vector<1x512xf32>
      %lt3A_855 = arith.constant 5.000000e-01 : f32
      %lt3A_856 = vector.broadcast %lt3A_855 : f32 to vector<1x512xf32>
      %lt3A_857 = arith.cmpf olt, %dot_general3A_854, %lt3A_856 : vector<1x512xf32>
      %convert_element_type3A_858 = arith.extui %lt3A_857 : vector<1x512xi1> to vector<1x512xi32>
      %convert_element_type3A_859 = arith.sitofp %convert_element_type3A_858 : vector<1x512xi32> to vector<1x512xf32>
      %mul3A_860 = arith.mulf %get3A_112, %convert_element_type3A_859 : vector<1x512xf32>
      %ne3A = arith.cmpf one, %mul3A_860, %while3A_842 : vector<1x512xf32>
      %reduce_or3A = arith.constant 1.000000e+00 : f32
      %reduce_or3A_861 = arith.constant 0.000000e+00 : f32
      %reduce_or3A_862 = vector.broadcast %reduce_or3A : f32 to vector<1x512xf32>
      %reduce_or3A_863 = vector.broadcast %reduce_or3A_861 : f32 to vector<1x512xf32>
      %reduce_or3A_864 = arith.select %ne3A, %reduce_or3A_862, %reduce_or3A_863 : vector<1x512xi1>, vector<1x512xf32>
      %reduce_or3A_865 = vector.shape_cast %reduce_or3A_864 : vector<1x512xf32> to vector<1x1x512xf32>
      %reduce_or3A_866 = arith.constant dense<0xFF800000> : vector<1xf32>
      %reduce_or3A_867 = vector.multi_reduction <maximumf>, %reduce_or3A_865, %reduce_or3A_866 [1, 2] : vector<1x1x512xf32> to vector<1xf32>
      %reduce_or3A_868 = vector.shape_cast %reduce_or3A_867 : vector<1xf32> to vector<1x1x1xf32>
      %reduce_or3A_869 = vector.extract %reduce_or3A_868[0, 0, 0] : f32 from vector<1x1x1xf32>
      %reduce_or3A_870 = arith.constant 0.000000e+00 : f32
      %reduce_or3A_871 = arith.cmpf ogt, %reduce_or3A_869, %reduce_or3A_870 : f32
      %add3A_872 = arith.constant 1 : i32
      %add3A_873 = arith.addi %while3A_844, %add3A_872 : i32
      scf.yield %mul3A_860, %reduce_or3A_871, %add3A_873 : vector<1x512xf32>, i1, i32
    }
    %swap3A_115 = arith.constant 0 : index
    %swap3A_116 = arith.constant 0 : index
    %swap3A_117 = vector.load %arg9[%swap3A_115, %swap3A_116] : memref<1x4096xf32, #tpu.memory_space<vmem>>, vector<1x512xf32>
    tpu.vector_store %arg9[%swap3A_115, %swap3A_116], %while3A_114#0 {strides = array<i32>} : memref<1x4096xf32, #tpu.memory_space<vmem>>, vector<1x512xf32>,
    %dot_general3A = arith.constant dense<0.000000e+00> : vector<1x4096xf32>
    %dot_general3A_118 = tpu.matmul %while3A_114#0, %convert_element_type3A_109, %dot_general3A {dimension_numbers = #tpu.dot_dimension_numbers<[1], [0], [0], [1], [0, 0, 1, 1], [], []>, transpose_lhs_hint = false} : vector<1x512xf32>, vector<512x4096xf32>, vector<1x4096xf32> -> vector<1x4096xf32>
    %get3A_119 = arith.constant 0 : index
    %get3A_120 = arith.constant 0 : index
    %get3A_121 = vector.load %arg9[%get3A_119, %get3A_120] : memref<1x4096xf32, #tpu.memory_space<vmem>>, vector<1x4096xf32>
    %lt3A = arith.constant 5.000000e-01 : f32
    %lt3A_122 = vector.broadcast %lt3A : f32 to vector<1x4096xf32>
    %lt3A_123 = arith.cmpf olt, %dot_general3A_118, %lt3A_122 : vector<1x4096xf32>
    %convert_element_type3A_124 = arith.extui %lt3A_123 : vector<1x4096xi1> to vector<1x4096xi32>
    %convert_element_type3A_125 = arith.sitofp %convert_element_type3A_124 : vector<1x4096xi32> to vector<1x4096xf32>
    %mul3A_126 = arith.mulf %get3A_121, %convert_element_type3A_125 : vector<1x4096xf32>
    %swap3A_127 = arith.constant 0 : index
    %swap3A_128 = arith.constant 0 : index
    %swap3A_129 = vector.load %arg9[%swap3A_127, %swap3A_128] : memref<1x4096xf32, #tpu.memory_space<vmem>>, vector<1x4096xf32>
    tpu.vector_store %arg9[%swap3A_127, %swap3A_128], %mul3A_126 {strides = array<i32>} : memref<1x4096xf32, #tpu.memory_space<vmem>>, vector<1x4096xf32>,
    %get3A_130 = arith.constant 512 : index
    %get3A_131 = arith.constant 0 : index
    %get3A_132 = vector.load %arg0[%get3A_130, %get3A_131] : memref<4096x1xf32, #tpu.memory_space<vmem>>, vector<512x1xf32>
    %get3A_133 = arith.constant 512 : index
    %get3A_134 = arith.constant 0 : index
    %get3A_135 = vector.load %arg2[%get3A_133, %get3A_134] : memref<4096x1xf32, #tpu.memory_space<vmem>>, vector<512x1xf32>
    %get3A_136 = arith.constant 512 : index
    %get3A_137 = arith.constant 0 : index
    %get3A_138 = vector.load %arg1[%get3A_136, %get3A_137] : memref<4096x1xf32, #tpu.memory_space<vmem>>, vector<512x1xf32>
    %get3A_139 = arith.constant 512 : index
    %get3A_140 = arith.constant 0 : index
    %get3A_141 = vector.load %arg3[%get3A_139, %get3A_140] : memref<4096x1xf32, #tpu.memory_space<vmem>>, vector<512x1xf32>
    %mul3A_142 = arith.constant 5.000000e-01 : f32
    %mul3A_143 = vector.broadcast %mul3A_142 : f32 to vector<512x1xf32>
    %mul3A_144 = arith.mulf %get3A_135, %mul3A_143 : vector<512x1xf32>
    %sub3A_145 = arith.subf %get3A_132, %mul3A_144 : vector<512x1xf32>
    %mul3A_146 = arith.constant 5.000000e-01 : f32
    %mul3A_147 = vector.broadcast %mul3A_146 : f32 to vector<512x1xf32>
    %mul3A_148 = arith.mulf %get3A_135, %mul3A_147 : vector<512x1xf32>
    %add3A_149 = arith.addf %get3A_132, %mul3A_148 : vector<512x1xf32>
    %mul3A_150 = arith.constant 5.000000e-01 : f32
    %mul3A_151 = vector.broadcast %mul3A_150 : f32 to vector<512x1xf32>
    %mul3A_152 = arith.mulf %get3A_141, %mul3A_151 : vector<512x1xf32>
    %sub3A_153 = arith.subf %get3A_138, %mul3A_152 : vector<512x1xf32>
    %mul3A_154 = arith.constant 5.000000e-01 : f32
    %mul3A_155 = vector.broadcast %mul3A_154 : f32 to vector<512x1xf32>
    %mul3A_156 = arith.mulf %get3A_141, %mul3A_155 : vector<512x1xf32>
    %add3A_157 = arith.addf %get3A_138, %mul3A_156 : vector<512x1xf32>
    %mul3A_158 = arith.mulf %get3A_135, %get3A_141 : vector<512x1xf32>
    %slice3A_159 = vector.extract_strided_slice %add3A {offsets = [0, 512], sizes = [1, 3584], strides = [1, 1]} : vector<1x4096xf32> to vector<1x3584xf32>
    %min3A_160 = vector.broadcast %add3A_149 : vector<512x1xf32> to vector<512x3584xf32>
    %min3A_161 = vector.broadcast %slice3A_159 : vector<1x3584xf32> to vector<512x3584xf32>
    %min3A_162 = arith.minimumf %min3A_160, %min3A_161 : vector<512x3584xf32>
    %slice3A_163 = vector.extract_strided_slice %sub3A {offsets = [0, 512], sizes = [1, 3584], strides = [1, 1]} : vector<1x4096xf32> to vector<1x3584xf32>
    %max3A_164 = vector.broadcast %sub3A_145 : vector<512x1xf32> to vector<512x3584xf32>
    %max3A_165 = vector.broadcast %slice3A_163 : vector<1x3584xf32> to vector<512x3584xf32>
    %max3A_166 = arith.maximumf %max3A_164, %max3A_165 : vector<512x3584xf32>
    %sub3A_167 = arith.subf %min3A_162, %max3A_166 : vector<512x3584xf32>
    %jit3A_168 = arith.constant 0.000000e+00 : f32
    %max3A_169 = vector.broadcast %jit3A_168 : f32 to vector<512x3584xf32>
    %max3A_170 = arith.maximumf %max3A_169, %sub3A_167 : vector<512x3584xf32>
    %slice3A_171 = vector.extract_strided_slice %add3A_38 {offsets = [0, 512], sizes = [1, 3584], strides = [1, 1]} : vector<1x4096xf32> to vector<1x3584xf32>
    %min3A_172 = vector.broadcast %add3A_157 : vector<512x1xf32> to vector<512x3584xf32>
    %min3A_173 = vector.broadcast %slice3A_171 : vector<1x3584xf32> to vector<512x3584xf32>
    %min3A_174 = arith.minimumf %min3A_172, %min3A_173 : vector<512x3584xf32>
    %slice3A_175 = vector.extract_strided_slice %sub3A_28 {offsets = [0, 512], sizes = [1, 3584], strides = [1, 1]} : vector<1x4096xf32> to vector<1x3584xf32>
    %max3A_176 = vector.broadcast %sub3A_153 : vector<512x1xf32> to vector<512x3584xf32>
    %max3A_177 = vector.broadcast %slice3A_175 : vector<1x3584xf32> to vector<512x3584xf32>
    %max3A_178 = arith.maximumf %max3A_176, %max3A_177 : vector<512x3584xf32>
    %sub3A_179 = arith.subf %min3A_174, %max3A_178 : vector<512x3584xf32>
    %jit3A_180 = arith.constant 0.000000e+00 : f32
    %max3A_181 = vector.broadcast %jit3A_180 : f32 to vector<512x3584xf32>
    %max3A_182 = arith.maximumf %max3A_181, %sub3A_179 : vector<512x3584xf32>
    %mul3A_183 = arith.mulf %max3A_170, %max3A_182 : vector<512x3584xf32>
    %slice3A_184 = vector.extract_strided_slice %mul3A_45 {offsets = [0, 512], sizes = [1, 3584], strides = [1, 1]} : vector<1x4096xf32> to vector<1x3584xf32>
    %add3A_185 = vector.broadcast %mul3A_158 : vector<512x1xf32> to vector<512x3584xf32>
    %add3A_186 = vector.broadcast %slice3A_184 : vector<1x3584xf32> to vector<512x3584xf32>
    %add3A_187 = arith.addf %add3A_185, %add3A_186 : vector<512x3584xf32>
    %sub3A_188 = arith.subf %add3A_187, %mul3A_183 : vector<512x3584xf32>
    %jit3A_189 = arith.constant 9.99999993E-9 : f32
    %max3A_190 = vector.broadcast %jit3A_189 : f32 to vector<512x3584xf32>
    %max3A_191 = arith.maximumf %max3A_190, %sub3A_188 : vector<512x3584xf32>
    %div3A_192 = arith.divf %mul3A_183, %max3A_191 : vector<512x3584xf32>
    %iota3A_193 = tpu.iota {dimensions = array<i32: 0>} : vector<512x1xi32>
    %gt3A_194 = arith.constant 1.000000e-01 : f32
    %gt3A_195 = vector.broadcast %gt3A_194 : f32 to vector<512x3584xf32>
    %gt3A_196 = arith.cmpf ogt, %div3A_192, %gt3A_195 : vector<512x3584xf32>
    %slice3A_197 = vector.extract_strided_slice %iota3A {offsets = [0, 512], sizes = [1, 3584], strides = [1, 1]} : vector<1x4096xi32> to vector<1x3584xi32>
    %sub3A_198 = arith.constant 512 : i32
    %sub3A_199 = vector.broadcast %sub3A_198 : i32 to vector<1x3584xi32>
    %sub3A_200 = arith.subi %slice3A_197, %sub3A_199 : vector<1x3584xi32>
    %gt3A_201 = vector.broadcast %sub3A_200 : vector<1x3584xi32> to vector<512x3584xi32>
    %gt3A_202 = vector.broadcast %iota3A_193 : vector<512x1xi32> to vector<512x3584xi32>
    %gt3A_203 = arith.cmpi sgt, %gt3A_201, %gt3A_202 : vector<512x3584xi32>
    %and3A_204 = arith.andi %gt3A_196, %gt3A_203 : vector<512x3584xi1>
    %convert_element_type3A_205 = arith.extui %and3A_204 : vector<512x3584xi1> to vector<512x3584xi32>
    %convert_element_type3A_206 = arith.sitofp %convert_element_type3A_205 : vector<512x3584xi32> to vector<512x3584xf32>
    %slice3A_207 = vector.extract_strided_slice %convert_element_type3A_206 {offsets = [0, 0], sizes = [512, 512], strides = [1, 1]} : vector<512x3584xf32> to vector<512x512xf32>
    %get3A_208 = arith.constant 0 : index
    %get3A_209 = arith.constant 512 : index
    %get3A_210 = vector.load %arg9[%get3A_208, %get3A_209] : memref<1x4096xf32, #tpu.memory_space<vmem>>, vector<1x512xf32>
    %while3A_211 = arith.constant true
    %while3A_212 = arith.constant 0 : i32
    %while3A_213:3 = scf.while (%while3A_842 = %get3A_210, %while3A_843 = %while3A_211, %while3A_844 = %while3A_212) : (vector<1x512xf32>, i1, i32) -> (vector<1x512xf32>, i1, i32) {
      %lt3A_845 = arith.constant 512 : i32
      %lt3A_846 = arith.cmpi slt, %while3A_844, %lt3A_845 : i32
      %and3A_847 = arith.andi %while3A_843, %lt3A_846 : i1
      scf.condition(%and3A_847) %while3A_842, %while3A_843, %while3A_844 : vector<1x512xf32>, i1, i32
    } do {
    ^bb0(%while3A_842: vector<1x512xf32>, %while3A_843: i1, %while3A_844: i32):
      %dot_general3A_845 = arith.constant dense<0.000000e+00> : vector<1x512xf32>
      %dot_general3A_846 = tpu.matmul %while3A_842, %slice3A_207, %dot_general3A_845 {dimension_numbers = #tpu.dot_dimension_numbers<[1], [0], [0], [1], [0, 0, 1, 1], [], []>, transpose_lhs_hint = false} : vector<1x512xf32>, vector<512x512xf32>, vector<1x512xf32> -> vector<1x512xf32>
      %lt3A_847 = arith.constant 5.000000e-01 : f32
      %lt3A_848 = vector.broadcast %lt3A_847 : f32 to vector<1x512xf32>
      %lt3A_849 = arith.cmpf olt, %dot_general3A_846, %lt3A_848 : vector<1x512xf32>
      %convert_element_type3A_850 = arith.extui %lt3A_849 : vector<1x512xi1> to vector<1x512xi32>
      %convert_element_type3A_851 = arith.sitofp %convert_element_type3A_850 : vector<1x512xi32> to vector<1x512xf32>
      %mul3A_852 = arith.mulf %get3A_210, %convert_element_type3A_851 : vector<1x512xf32>
      %dot_general3A_853 = arith.constant dense<0.000000e+00> : vector<1x512xf32>
      %dot_general3A_854 = tpu.matmul %mul3A_852, %slice3A_207, %dot_general3A_853 {dimension_numbers = #tpu.dot_dimension_numbers<[1], [0], [0], [1], [0, 0, 1, 1], [], []>, transpose_lhs_hint = false} : vector<1x512xf32>, vector<512x512xf32>, vector<1x512xf32> -> vector<1x512xf32>
      %lt3A_855 = arith.constant 5.000000e-01 : f32
      %lt3A_856 = vector.broadcast %lt3A_855 : f32 to vector<1x512xf32>
      %lt3A_857 = arith.cmpf olt, %dot_general3A_854, %lt3A_856 : vector<1x512xf32>
      %convert_element_type3A_858 = arith.extui %lt3A_857 : vector<1x512xi1> to vector<1x512xi32>
      %convert_element_type3A_859 = arith.sitofp %convert_element_type3A_858 : vector<1x512xi32> to vector<1x512xf32>
      %mul3A_860 = arith.mulf %get3A_210, %convert_element_type3A_859 : vector<1x512xf32>
      %ne3A = arith.cmpf one, %mul3A_860, %while3A_842 : vector<1x512xf32>
      %reduce_or3A = arith.constant 1.000000e+00 : f32
      %reduce_or3A_861 = arith.constant 0.000000e+00 : f32
      %reduce_or3A_862 = vector.broadcast %reduce_or3A : f32 to vector<1x512xf32>
      %reduce_or3A_863 = vector.broadcast %reduce_or3A_861 : f32 to vector<1x512xf32>
      %reduce_or3A_864 = arith.select %ne3A, %reduce_or3A_862, %reduce_or3A_863 : vector<1x512xi1>, vector<1x512xf32>
      %reduce_or3A_865 = vector.shape_cast %reduce_or3A_864 : vector<1x512xf32> to vector<1x1x512xf32>
      %reduce_or3A_866 = arith.constant dense<0xFF800000> : vector<1xf32>
      %reduce_or3A_867 = vector.multi_reduction <maximumf>, %reduce_or3A_865, %reduce_or3A_866 [1, 2] : vector<1x1x512xf32> to vector<1xf32>
      %reduce_or3A_868 = vector.shape_cast %reduce_or3A_867 : vector<1xf32> to vector<1x1x1xf32>
      %reduce_or3A_869 = vector.extract %reduce_or3A_868[0, 0, 0] : f32 from vector<1x1x1xf32>
      %reduce_or3A_870 = arith.constant 0.000000e+00 : f32
      %reduce_or3A_871 = arith.cmpf ogt, %reduce_or3A_869, %reduce_or3A_870 : f32
      %add3A_872 = arith.constant 1 : i32
      %add3A_873 = arith.addi %while3A_844, %add3A_872 : i32
      scf.yield %mul3A_860, %reduce_or3A_871, %add3A_873 : vector<1x512xf32>, i1, i32
    }
    %swap3A_214 = arith.constant 0 : index
    %swap3A_215 = arith.constant 512 : index
    %swap3A_216 = vector.load %arg9[%swap3A_214, %swap3A_215] : memref<1x4096xf32, #tpu.memory_space<vmem>>, vector<1x512xf32>
    tpu.vector_store %arg9[%swap3A_214, %swap3A_215], %while3A_213#0 {strides = array<i32>} : memref<1x4096xf32, #tpu.memory_space<vmem>>, vector<1x512xf32>,
    %dot_general3A_217 = arith.constant dense<0.000000e+00> : vector<1x3584xf32>
    %dot_general3A_218 = tpu.matmul %while3A_213#0, %convert_element_type3A_206, %dot_general3A_217 {dimension_numbers = #tpu.dot_dimension_numbers<[1], [0], [0], [1], [0, 0, 1, 1], [], []>, transpose_lhs_hint = false} : vector<1x512xf32>, vector<512x3584xf32>, vector<1x3584xf32> -> vector<1x3584xf32>
    %get3A_219 = arith.constant 0 : index
    %get3A_220 = arith.constant 512 : index
    %get3A_221 = vector.load %arg9[%get3A_219, %get3A_220] : memref<1x4096xf32, #tpu.memory_space<vmem>>, vector<1x3584xf32>
    %lt3A_222 = arith.constant 5.000000e-01 : f32
    %lt3A_223 = vector.broadcast %lt3A_222 : f32 to vector<1x3584xf32>
    %lt3A_224 = arith.cmpf olt, %dot_general3A_218, %lt3A_223 : vector<1x3584xf32>
    %convert_element_type3A_225 = arith.extui %lt3A_224 : vector<1x3584xi1> to vector<1x3584xi32>
    %convert_element_type3A_226 = arith.sitofp %convert_element_type3A_225 : vector<1x3584xi32> to vector<1x3584xf32>
    %mul3A_227 = arith.mulf %get3A_221, %convert_element_type3A_226 : vector<1x3584xf32>
    %swap3A_228 = arith.constant 0 : index
    %swap3A_229 = arith.constant 512 : index
    %swap3A_230 = vector.load %arg9[%swap3A_228, %swap3A_229] : memref<1x4096xf32, #tpu.memory_space<vmem>>, vector<1x3584xf32>
    tpu.vector_store %arg9[%swap3A_228, %swap3A_229], %mul3A_227 {strides = array<i32>} : memref<1x4096xf32, #tpu.memory_space<vmem>>, vector<1x3584xf32>,
    %get3A_231 = arith.constant 1024 : index
    %get3A_232 = arith.constant 0 : index
    %get3A_233 = vector.load %arg0[%get3A_231, %get3A_232] : memref<4096x1xf32, #tpu.memory_space<vmem>>, vector<512x1xf32>
    %get3A_234 = arith.constant 1024 : index
    %get3A_235 = arith.constant 0 : index
    %get3A_236 = vector.load %arg2[%get3A_234, %get3A_235] : memref<4096x1xf32, #tpu.memory_space<vmem>>, vector<512x1xf32>
    %get3A_237 = arith.constant 1024 : index
    %get3A_238 = arith.constant 0 : index
    %get3A_239 = vector.load %arg1[%get3A_237, %get3A_238] : memref<4096x1xf32, #tpu.memory_space<vmem>>, vector<512x1xf32>
    %get3A_240 = arith.constant 1024 : index
    %get3A_241 = arith.constant 0 : index
    %get3A_242 = vector.load %arg3[%get3A_240, %get3A_241] : memref<4096x1xf32, #tpu.memory_space<vmem>>, vector<512x1xf32>
    %mul3A_243 = arith.constant 5.000000e-01 : f32
    %mul3A_244 = vector.broadcast %mul3A_243 : f32 to vector<512x1xf32>
    %mul3A_245 = arith.mulf %get3A_236, %mul3A_244 : vector<512x1xf32>
    %sub3A_246 = arith.subf %get3A_233, %mul3A_245 : vector<512x1xf32>
    %mul3A_247 = arith.constant 5.000000e-01 : f32
    %mul3A_248 = vector.broadcast %mul3A_247 : f32 to vector<512x1xf32>
    %mul3A_249 = arith.mulf %get3A_236, %mul3A_248 : vector<512x1xf32>
    %add3A_250 = arith.addf %get3A_233, %mul3A_249 : vector<512x1xf32>
    %mul3A_251 = arith.constant 5.000000e-01 : f32
    %mul3A_252 = vector.broadcast %mul3A_251 : f32 to vector<512x1xf32>
    %mul3A_253 = arith.mulf %get3A_242, %mul3A_252 : vector<512x1xf32>
    %sub3A_254 = arith.subf %get3A_239, %mul3A_253 : vector<512x1xf32>
    %mul3A_255 = arith.constant 5.000000e-01 : f32
    %mul3A_256 = vector.broadcast %mul3A_255 : f32 to vector<512x1xf32>
    %mul3A_257 = arith.mulf %get3A_242, %mul3A_256 : vector<512x1xf32>
    %add3A_258 = arith.addf %get3A_239, %mul3A_257 : vector<512x1xf32>
    %mul3A_259 = arith.mulf %get3A_236, %get3A_242 : vector<512x1xf32>
    %slice3A_260 = vector.extract_strided_slice %add3A {offsets = [0, 1024], sizes = [1, 3072], strides = [1, 1]} : vector<1x4096xf32> to vector<1x3072xf32>
    %min3A_261 = vector.broadcast %add3A_250 : vector<512x1xf32> to vector<512x3072xf32>
    %min3A_262 = vector.broadcast %slice3A_260 : vector<1x3072xf32> to vector<512x3072xf32>
    %min3A_263 = arith.minimumf %min3A_261, %min3A_262 : vector<512x3072xf32>
    %slice3A_264 = vector.extract_strided_slice %sub3A {offsets = [0, 1024], sizes = [1, 3072], strides = [1, 1]} : vector<1x4096xf32> to vector<1x3072xf32>
    %max3A_265 = vector.broadcast %sub3A_246 : vector<512x1xf32> to vector<512x3072xf32>
    %max3A_266 = vector.broadcast %slice3A_264 : vector<1x3072xf32> to vector<512x3072xf32>
    %max3A_267 = arith.maximumf %max3A_265, %max3A_266 : vector<512x3072xf32>
    %sub3A_268 = arith.subf %min3A_263, %max3A_267 : vector<512x3072xf32>
    %jit3A_269 = arith.constant 0.000000e+00 : f32
    %max3A_270 = vector.broadcast %jit3A_269 : f32 to vector<512x3072xf32>
    %max3A_271 = arith.maximumf %max3A_270, %sub3A_268 : vector<512x3072xf32>
    %slice3A_272 = vector.extract_strided_slice %add3A_38 {offsets = [0, 1024], sizes = [1, 3072], strides = [1, 1]} : vector<1x4096xf32> to vector<1x3072xf32>
    %min3A_273 = vector.broadcast %add3A_258 : vector<512x1xf32> to vector<512x3072xf32>
    %min3A_274 = vector.broadcast %slice3A_272 : vector<1x3072xf32> to vector<512x3072xf32>
    %min3A_275 = arith.minimumf %min3A_273, %min3A_274 : vector<512x3072xf32>
    %slice3A_276 = vector.extract_strided_slice %sub3A_28 {offsets = [0, 1024], sizes = [1, 3072], strides = [1, 1]} : vector<1x4096xf32> to vector<1x3072xf32>
    %max3A_277 = vector.broadcast %sub3A_254 : vector<512x1xf32> to vector<512x3072xf32>
    %max3A_278 = vector.broadcast %slice3A_276 : vector<1x3072xf32> to vector<512x3072xf32>
    %max3A_279 = arith.maximumf %max3A_277, %max3A_278 : vector<512x3072xf32>
    %sub3A_280 = arith.subf %min3A_275, %max3A_279 : vector<512x3072xf32>
    %jit3A_281 = arith.constant 0.000000e+00 : f32
    %max3A_282 = vector.broadcast %jit3A_281 : f32 to vector<512x3072xf32>
    %max3A_283 = arith.maximumf %max3A_282, %sub3A_280 : vector<512x3072xf32>
    %mul3A_284 = arith.mulf %max3A_271, %max3A_283 : vector<512x3072xf32>
    %slice3A_285 = vector.extract_strided_slice %mul3A_45 {offsets = [0, 1024], sizes = [1, 3072], strides = [1, 1]} : vector<1x4096xf32> to vector<1x3072xf32>
    %add3A_286 = vector.broadcast %mul3A_259 : vector<512x1xf32> to vector<512x3072xf32>
    %add3A_287 = vector.broadcast %slice3A_285 : vector<1x3072xf32> to vector<512x3072xf32>
    %add3A_288 = arith.addf %add3A_286, %add3A_287 : vector<512x3072xf32>
    %sub3A_289 = arith.subf %add3A_288, %mul3A_284 : vector<512x3072xf32>
    %jit3A_290 = arith.constant 9.99999993E-9 : f32
    %max3A_291 = vector.broadcast %jit3A_290 : f32 to vector<512x3072xf32>
    %max3A_292 = arith.maximumf %max3A_291, %sub3A_289 : vector<512x3072xf32>
    %div3A_293 = arith.divf %mul3A_284, %max3A_292 : vector<512x3072xf32>
    %iota3A_294 = tpu.iota {dimensions = array<i32: 0>} : vector<512x1xi32>
    %gt3A_295 = arith.constant 1.000000e-01 : f32
    %gt3A_296 = vector.broadcast %gt3A_295 : f32 to vector<512x3072xf32>
    %gt3A_297 = arith.cmpf ogt, %div3A_293, %gt3A_296 : vector<512x3072xf32>
    %slice3A_298 = vector.extract_strided_slice %iota3A {offsets = [0, 1024], sizes = [1, 3072], strides = [1, 1]} : vector<1x4096xi32> to vector<1x3072xi32>
    %sub3A_299 = arith.constant 1024 : i32
    %sub3A_300 = vector.broadcast %sub3A_299 : i32 to vector<1x3072xi32>
    %sub3A_301 = arith.subi %slice3A_298, %sub3A_300 : vector<1x3072xi32>
    %gt3A_302 = vector.broadcast %sub3A_301 : vector<1x3072xi32> to vector<512x3072xi32>
    %gt3A_303 = vector.broadcast %iota3A_294 : vector<512x1xi32> to vector<512x3072xi32>
    %gt3A_304 = arith.cmpi sgt, %gt3A_302, %gt3A_303 : vector<512x3072xi32>
    %and3A_305 = arith.andi %gt3A_297, %gt3A_304 : vector<512x3072xi1>
    %convert_element_type3A_306 = arith.extui %and3A_305 : vector<512x3072xi1> to vector<512x3072xi32>
    %convert_element_type3A_307 = arith.sitofp %convert_element_type3A_306 : vector<512x3072xi32> to vector<512x3072xf32>
    %slice3A_308 = vector.extract_strided_slice %convert_element_type3A_307 {offsets = [0, 0], sizes = [512, 512], strides = [1, 1]} : vector<512x3072xf32> to vector<512x512xf32>
    %get3A_309 = arith.constant 0 : index
    %get3A_310 = arith.constant 1024 : index
    %get3A_311 = vector.load %arg9[%get3A_309, %get3A_310] : memref<1x4096xf32, #tpu.memory_space<vmem>>, vector<1x512xf32>
    %while3A_312 = arith.constant true
    %while3A_313 = arith.constant 0 : i32
    %while3A_314:3 = scf.while (%while3A_842 = %get3A_311, %while3A_843 = %while3A_312, %while3A_844 = %while3A_313) : (vector<1x512xf32>, i1, i32) -> (vector<1x512xf32>, i1, i32) {
      %lt3A_845 = arith.constant 512 : i32
      %lt3A_846 = arith.cmpi slt, %while3A_844, %lt3A_845 : i32
      %and3A_847 = arith.andi %while3A_843, %lt3A_846 : i1
      scf.condition(%and3A_847) %while3A_842, %while3A_843, %while3A_844 : vector<1x512xf32>, i1, i32
    } do {
    ^bb0(%while3A_842: vector<1x512xf32>, %while3A_843: i1, %while3A_844: i32):
      %dot_general3A_845 = arith.constant dense<0.000000e+00> : vector<1x512xf32>
      %dot_general3A_846 = tpu.matmul %while3A_842, %slice3A_308, %dot_general3A_845 {dimension_numbers = #tpu.dot_dimension_numbers<[1], [0], [0], [1], [0, 0, 1, 1], [], []>, transpose_lhs_hint = false} : vector<1x512xf32>, vector<512x512xf32>, vector<1x512xf32> -> vector<1x512xf32>
      %lt3A_847 = arith.constant 5.000000e-01 : f32
      %lt3A_848 = vector.broadcast %lt3A_847 : f32 to vector<1x512xf32>
      %lt3A_849 = arith.cmpf olt, %dot_general3A_846, %lt3A_848 : vector<1x512xf32>
      %convert_element_type3A_850 = arith.extui %lt3A_849 : vector<1x512xi1> to vector<1x512xi32>
      %convert_element_type3A_851 = arith.sitofp %convert_element_type3A_850 : vector<1x512xi32> to vector<1x512xf32>
      %mul3A_852 = arith.mulf %get3A_311, %convert_element_type3A_851 : vector<1x512xf32>
      %dot_general3A_853 = arith.constant dense<0.000000e+00> : vector<1x512xf32>
      %dot_general3A_854 = tpu.matmul %mul3A_852, %slice3A_308, %dot_general3A_853 {dimension_numbers = #tpu.dot_dimension_numbers<[1], [0], [0], [1], [0, 0, 1, 1], [], []>, transpose_lhs_hint = false} : vector<1x512xf32>, vector<512x512xf32>, vector<1x512xf32> -> vector<1x512xf32>
      %lt3A_855 = arith.constant 5.000000e-01 : f32
      %lt3A_856 = vector.broadcast %lt3A_855 : f32 to vector<1x512xf32>
      %lt3A_857 = arith.cmpf olt, %dot_general3A_854, %lt3A_856 : vector<1x512xf32>
      %convert_element_type3A_858 = arith.extui %lt3A_857 : vector<1x512xi1> to vector<1x512xi32>
      %convert_element_type3A_859 = arith.sitofp %convert_element_type3A_858 : vector<1x512xi32> to vector<1x512xf32>
      %mul3A_860 = arith.mulf %get3A_311, %convert_element_type3A_859 : vector<1x512xf32>
      %ne3A = arith.cmpf one, %mul3A_860, %while3A_842 : vector<1x512xf32>
      %reduce_or3A = arith.constant 1.000000e+00 : f32
      %reduce_or3A_861 = arith.constant 0.000000e+00 : f32
      %reduce_or3A_862 = vector.broadcast %reduce_or3A : f32 to vector<1x512xf32>
      %reduce_or3A_863 = vector.broadcast %reduce_or3A_861 : f32 to vector<1x512xf32>
      %reduce_or3A_864 = arith.select %ne3A, %reduce_or3A_862, %reduce_or3A_863 : vector<1x512xi1>, vector<1x512xf32>
      %reduce_or3A_865 = vector.shape_cast %reduce_or3A_864 : vector<1x512xf32> to vector<1x1x512xf32>
      %reduce_or3A_866 = arith.constant dense<0xFF800000> : vector<1xf32>
      %reduce_or3A_867 = vector.multi_reduction <maximumf>, %reduce_or3A_865, %reduce_or3A_866 [1, 2] : vector<1x1x512xf32> to vector<1xf32>
      %reduce_or3A_868 = vector.shape_cast %reduce_or3A_867 : vector<1xf32> to vector<1x1x1xf32>
      %reduce_or3A_869 = vector.extract %reduce_or3A_868[0, 0, 0] : f32 from vector<1x1x1xf32>
      %reduce_or3A_870 = arith.constant 0.000000e+00 : f32
      %reduce_or3A_871 = arith.cmpf ogt, %reduce_or3A_869, %reduce_or3A_870 : f32
      %add3A_872 = arith.constant 1 : i32
      %add3A_873 = arith.addi %while3A_844, %add3A_872 : i32
      scf.yield %mul3A_860, %reduce_or3A_871, %add3A_873 : vector<1x512xf32>, i1, i32
    }
    %swap3A_315 = arith.constant 0 : index
    %swap3A_316 = arith.constant 1024 : index
    %swap3A_317 = vector.load %arg9[%swap3A_315, %swap3A_316] : memref<1x4096xf32, #tpu.memory_space<vmem>>, vector<1x512xf32>
    tpu.vector_store %arg9[%swap3A_315, %swap3A_316], %while3A_314#0 {strides = array<i32>} : memref<1x4096xf32, #tpu.memory_space<vmem>>, vector<1x512xf32>,
    %dot_general3A_318 = arith.constant dense<0.000000e+00> : vector<1x3072xf32>
    %dot_general3A_319 = tpu.matmul %while3A_314#0, %convert_element_type3A_307, %dot_general3A_318 {dimension_numbers = #tpu.dot_dimension_numbers<[1], [0], [0], [1], [0, 0, 1, 1], [], []>, transpose_lhs_hint = false} : vector<1x512xf32>, vector<512x3072xf32>, vector<1x3072xf32> -> vector<1x3072xf32>
    %get3A_320 = arith.constant 0 : index
    %get3A_321 = arith.constant 1024 : index
    %get3A_322 = vector.load %arg9[%get3A_320, %get3A_321] : memref<1x4096xf32, #tpu.memory_space<vmem>>, vector<1x3072xf32>
    %lt3A_323 = arith.constant 5.000000e-01 : f32
    %lt3A_324 = vector.broadcast %lt3A_323 : f32 to vector<1x3072xf32>
    %lt3A_325 = arith.cmpf olt, %dot_general3A_319, %lt3A_324 : vector<1x3072xf32>
    %convert_element_type3A_326 = arith.extui %lt3A_325 : vector<1x3072xi1> to vector<1x3072xi32>
    %convert_element_type3A_327 = arith.sitofp %convert_element_type3A_326 : vector<1x3072xi32> to vector<1x3072xf32>
    %mul3A_328 = arith.mulf %get3A_322, %convert_element_type3A_327 : vector<1x3072xf32>
    %swap3A_329 = arith.constant 0 : index
    %swap3A_330 = arith.constant 1024 : index
    %swap3A_331 = vector.load %arg9[%swap3A_329, %swap3A_330] : memref<1x4096xf32, #tpu.memory_space<vmem>>, vector<1x3072xf32>
    tpu.vector_store %arg9[%swap3A_329, %swap3A_330], %mul3A_328 {strides = array<i32>} : memref<1x4096xf32, #tpu.memory_space<vmem>>, vector<1x3072xf32>,
    %get3A_332 = arith.constant 1536 : index
    %get3A_333 = arith.constant 0 : index
    %get3A_334 = vector.load %arg0[%get3A_332, %get3A_333] : memref<4096x1xf32, #tpu.memory_space<vmem>>, vector<512x1xf32>
    %get3A_335 = arith.constant 1536 : index
    %get3A_336 = arith.constant 0 : index
    %get3A_337 = vector.load %arg2[%get3A_335, %get3A_336] : memref<4096x1xf32, #tpu.memory_space<vmem>>, vector<512x1xf32>
    %get3A_338 = arith.constant 1536 : index
    %get3A_339 = arith.constant 0 : index
    %get3A_340 = vector.load %arg1[%get3A_338, %get3A_339] : memref<4096x1xf32, #tpu.memory_space<vmem>>, vector<512x1xf32>
    %get3A_341 = arith.constant 1536 : index
    %get3A_342 = arith.constant 0 : index
    %get3A_343 = vector.load %arg3[%get3A_341, %get3A_342] : memref<4096x1xf32, #tpu.memory_space<vmem>>, vector<512x1xf32>
    %mul3A_344 = arith.constant 5.000000e-01 : f32
    %mul3A_345 = vector.broadcast %mul3A_344 : f32 to vector<512x1xf32>
    %mul3A_346 = arith.mulf %get3A_337, %mul3A_345 : vector<512x1xf32>
    %sub3A_347 = arith.subf %get3A_334, %mul3A_346 : vector<512x1xf32>
    %mul3A_348 = arith.constant 5.000000e-01 : f32
    %mul3A_349 = vector.broadcast %mul3A_348 : f32 to vector<512x1xf32>
    %mul3A_350 = arith.mulf %get3A_337, %mul3A_349 : vector<512x1xf32>
    %add3A_351 = arith.addf %get3A_334, %mul3A_350 : vector<512x1xf32>
    %mul3A_352 = arith.constant 5.000000e-01 : f32
    %mul3A_353 = vector.broadcast %mul3A_352 : f32 to vector<512x1xf32>
    %mul3A_354 = arith.mulf %get3A_343, %mul3A_353 : vector<512x1xf32>
    %sub3A_355 = arith.subf %get3A_340, %mul3A_354 : vector<512x1xf32>
    %mul3A_356 = arith.constant 5.000000e-01 : f32
    %mul3A_357 = vector.broadcast %mul3A_356 : f32 to vector<512x1xf32>
    %mul3A_358 = arith.mulf %get3A_343, %mul3A_357 : vector<512x1xf32>
    %add3A_359 = arith.addf %get3A_340, %mul3A_358 : vector<512x1xf32>
    %mul3A_360 = arith.mulf %get3A_337, %get3A_343 : vector<512x1xf32>
    %slice3A_361 = vector.extract_strided_slice %add3A {offsets = [0, 1536], sizes = [1, 2560], strides = [1, 1]} : vector<1x4096xf32> to vector<1x2560xf32>
    %min3A_362 = vector.broadcast %add3A_351 : vector<512x1xf32> to vector<512x2560xf32>
    %min3A_363 = vector.broadcast %slice3A_361 : vector<1x2560xf32> to vector<512x2560xf32>
    %min3A_364 = arith.minimumf %min3A_362, %min3A_363 : vector<512x2560xf32>
    %slice3A_365 = vector.extract_strided_slice %sub3A {offsets = [0, 1536], sizes = [1, 2560], strides = [1, 1]} : vector<1x4096xf32> to vector<1x2560xf32>
    %max3A_366 = vector.broadcast %sub3A_347 : vector<512x1xf32> to vector<512x2560xf32>
    %max3A_367 = vector.broadcast %slice3A_365 : vector<1x2560xf32> to vector<512x2560xf32>
    %max3A_368 = arith.maximumf %max3A_366, %max3A_367 : vector<512x2560xf32>
    %sub3A_369 = arith.subf %min3A_364, %max3A_368 : vector<512x2560xf32>
    %jit3A_370 = arith.constant 0.000000e+00 : f32
    %max3A_371 = vector.broadcast %jit3A_370 : f32 to vector<512x2560xf32>
    %max3A_372 = arith.maximumf %max3A_371, %sub3A_369 : vector<512x2560xf32>
    %slice3A_373 = vector.extract_strided_slice %add3A_38 {offsets = [0, 1536], sizes = [1, 2560], strides = [1, 1]} : vector<1x4096xf32> to vector<1x2560xf32>
    %min3A_374 = vector.broadcast %add3A_359 : vector<512x1xf32> to vector<512x2560xf32>
    %min3A_375 = vector.broadcast %slice3A_373 : vector<1x2560xf32> to vector<512x2560xf32>
    %min3A_376 = arith.minimumf %min3A_374, %min3A_375 : vector<512x2560xf32>
    %slice3A_377 = vector.extract_strided_slice %sub3A_28 {offsets = [0, 1536], sizes = [1, 2560], strides = [1, 1]} : vector<1x4096xf32> to vector<1x2560xf32>
    %max3A_378 = vector.broadcast %sub3A_355 : vector<512x1xf32> to vector<512x2560xf32>
    %max3A_379 = vector.broadcast %slice3A_377 : vector<1x2560xf32> to vector<512x2560xf32>
    %max3A_380 = arith.maximumf %max3A_378, %max3A_379 : vector<512x2560xf32>
    %sub3A_381 = arith.subf %min3A_376, %max3A_380 : vector<512x2560xf32>
    %jit3A_382 = arith.constant 0.000000e+00 : f32
    %max3A_383 = vector.broadcast %jit3A_382 : f32 to vector<512x2560xf32>
    %max3A_384 = arith.maximumf %max3A_383, %sub3A_381 : vector<512x2560xf32>
    %mul3A_385 = arith.mulf %max3A_372, %max3A_384 : vector<512x2560xf32>
    %slice3A_386 = vector.extract_strided_slice %mul3A_45 {offsets = [0, 1536], sizes = [1, 2560], strides = [1, 1]} : vector<1x4096xf32> to vector<1x2560xf32>
    %add3A_387 = vector.broadcast %mul3A_360 : vector<512x1xf32> to vector<512x2560xf32>
    %add3A_388 = vector.broadcast %slice3A_386 : vector<1x2560xf32> to vector<512x2560xf32>
    %add3A_389 = arith.addf %add3A_387, %add3A_388 : vector<512x2560xf32>
    %sub3A_390 = arith.subf %add3A_389, %mul3A_385 : vector<512x2560xf32>
    %jit3A_391 = arith.constant 9.99999993E-9 : f32
    %max3A_392 = vector.broadcast %jit3A_391 : f32 to vector<512x2560xf32>
    %max3A_393 = arith.maximumf %max3A_392, %sub3A_390 : vector<512x2560xf32>
    %div3A_394 = arith.divf %mul3A_385, %max3A_393 : vector<512x2560xf32>
    %iota3A_395 = tpu.iota {dimensions = array<i32: 0>} : vector<512x1xi32>
    %gt3A_396 = arith.constant 1.000000e-01 : f32
    %gt3A_397 = vector.broadcast %gt3A_396 : f32 to vector<512x2560xf32>
    %gt3A_398 = arith.cmpf ogt, %div3A_394, %gt3A_397 : vector<512x2560xf32>
    %slice3A_399 = vector.extract_strided_slice %iota3A {offsets = [0, 1536], sizes = [1, 2560], strides = [1, 1]} : vector<1x4096xi32> to vector<1x2560xi32>
    %sub3A_400 = arith.constant 1536 : i32
    %sub3A_401 = vector.broadcast %sub3A_400 : i32 to vector<1x2560xi32>
    %sub3A_402 = arith.subi %slice3A_399, %sub3A_401 : vector<1x2560xi32>
    %gt3A_403 = vector.broadcast %sub3A_402 : vector<1x2560xi32> to vector<512x2560xi32>
    %gt3A_404 = vector.broadcast %iota3A_395 : vector<512x1xi32> to vector<512x2560xi32>
    %gt3A_405 = arith.cmpi sgt, %gt3A_403, %gt3A_404 : vector<512x2560xi32>
    %and3A_406 = arith.andi %gt3A_398, %gt3A_405 : vector<512x2560xi1>
    %convert_element_type3A_407 = arith.extui %and3A_406 : vector<512x2560xi1> to vector<512x2560xi32>
    %convert_element_type3A_408 = arith.sitofp %convert_element_type3A_407 : vector<512x2560xi32> to vector<512x2560xf32>
    %slice3A_409 = vector.extract_strided_slice %convert_element_type3A_408 {offsets = [0, 0], sizes = [512, 512], strides = [1, 1]} : vector<512x2560xf32> to vector<512x512xf32>
    %get3A_410 = arith.constant 0 : index
    %get3A_411 = arith.constant 1536 : index
    %get3A_412 = vector.load %arg9[%get3A_410, %get3A_411] : memref<1x4096xf32, #tpu.memory_space<vmem>>, vector<1x512xf32>
    %while3A_413 = arith.constant true
    %while3A_414 = arith.constant 0 : i32
    %while3A_415:3 = scf.while (%while3A_842 = %get3A_412, %while3A_843 = %while3A_413, %while3A_844 = %while3A_414) : (vector<1x512xf32>, i1, i32) -> (vector<1x512xf32>, i1, i32) {
      %lt3A_845 = arith.constant 512 : i32
      %lt3A_846 = arith.cmpi slt, %while3A_844, %lt3A_845 : i32
      %and3A_847 = arith.andi %while3A_843, %lt3A_846 : i1
      scf.condition(%and3A_847) %while3A_842, %while3A_843, %while3A_844 : vector<1x512xf32>, i1, i32
    } do {
    ^bb0(%while3A_842: vector<1x512xf32>, %while3A_843: i1, %while3A_844: i32):
      %dot_general3A_845 = arith.constant dense<0.000000e+00> : vector<1x512xf32>
      %dot_general3A_846 = tpu.matmul %while3A_842, %slice3A_409, %dot_general3A_845 {dimension_numbers = #tpu.dot_dimension_numbers<[1], [0], [0], [1], [0, 0, 1, 1], [], []>, transpose_lhs_hint = false} : vector<1x512xf32>, vector<512x512xf32>, vector<1x512xf32> -> vector<1x512xf32>
      %lt3A_847 = arith.constant 5.000000e-01 : f32
      %lt3A_848 = vector.broadcast %lt3A_847 : f32 to vector<1x512xf32>
      %lt3A_849 = arith.cmpf olt, %dot_general3A_846, %lt3A_848 : vector<1x512xf32>
      %convert_element_type3A_850 = arith.extui %lt3A_849 : vector<1x512xi1> to vector<1x512xi32>
      %convert_element_type3A_851 = arith.sitofp %convert_element_type3A_850 : vector<1x512xi32> to vector<1x512xf32>
      %mul3A_852 = arith.mulf %get3A_412, %convert_element_type3A_851 : vector<1x512xf32>
      %dot_general3A_853 = arith.constant dense<0.000000e+00> : vector<1x512xf32>
      %dot_general3A_854 = tpu.matmul %mul3A_852, %slice3A_409, %dot_general3A_853 {dimension_numbers = #tpu.dot_dimension_numbers<[1], [0], [0], [1], [0, 0, 1, 1], [], []>, transpose_lhs_hint = false} : vector<1x512xf32>, vector<512x512xf32>, vector<1x512xf32> -> vector<1x512xf32>
      %lt3A_855 = arith.constant 5.000000e-01 : f32
      %lt3A_856 = vector.broadcast %lt3A_855 : f32 to vector<1x512xf32>
      %lt3A_857 = arith.cmpf olt, %dot_general3A_854, %lt3A_856 : vector<1x512xf32>
      %convert_element_type3A_858 = arith.extui %lt3A_857 : vector<1x512xi1> to vector<1x512xi32>
      %convert_element_type3A_859 = arith.sitofp %convert_element_type3A_858 : vector<1x512xi32> to vector<1x512xf32>
      %mul3A_860 = arith.mulf %get3A_412, %convert_element_type3A_859 : vector<1x512xf32>
      %ne3A = arith.cmpf one, %mul3A_860, %while3A_842 : vector<1x512xf32>
      %reduce_or3A = arith.constant 1.000000e+00 : f32
      %reduce_or3A_861 = arith.constant 0.000000e+00 : f32
      %reduce_or3A_862 = vector.broadcast %reduce_or3A : f32 to vector<1x512xf32>
      %reduce_or3A_863 = vector.broadcast %reduce_or3A_861 : f32 to vector<1x512xf32>
      %reduce_or3A_864 = arith.select %ne3A, %reduce_or3A_862, %reduce_or3A_863 : vector<1x512xi1>, vector<1x512xf32>
      %reduce_or3A_865 = vector.shape_cast %reduce_or3A_864 : vector<1x512xf32> to vector<1x1x512xf32>
      %reduce_or3A_866 = arith.constant dense<0xFF800000> : vector<1xf32>
      %reduce_or3A_867 = vector.multi_reduction <maximumf>, %reduce_or3A_865, %reduce_or3A_866 [1, 2] : vector<1x1x512xf32> to vector<1xf32>
      %reduce_or3A_868 = vector.shape_cast %reduce_or3A_867 : vector<1xf32> to vector<1x1x1xf32>
      %reduce_or3A_869 = vector.extract %reduce_or3A_868[0, 0, 0] : f32 from vector<1x1x1xf32>
      %reduce_or3A_870 = arith.constant 0.000000e+00 : f32
      %reduce_or3A_871 = arith.cmpf ogt, %reduce_or3A_869, %reduce_or3A_870 : f32
      %add3A_872 = arith.constant 1 : i32
      %add3A_873 = arith.addi %while3A_844, %add3A_872 : i32
      scf.yield %mul3A_860, %reduce_or3A_871, %add3A_873 : vector<1x512xf32>, i1, i32
    }
    %swap3A_416 = arith.constant 0 : index
    %swap3A_417 = arith.constant 1536 : index
    %swap3A_418 = vector.load %arg9[%swap3A_416, %swap3A_417] : memref<1x4096xf32, #tpu.memory_space<vmem>>, vector<1x512xf32>
    tpu.vector_store %arg9[%swap3A_416, %swap3A_417], %while3A_415#0 {strides = array<i32>} : memref<1x4096xf32, #tpu.memory_space<vmem>>, vector<1x512xf32>,
    %dot_general3A_419 = arith.constant dense<0.000000e+00> : vector<1x2560xf32>
    %dot_general3A_420 = tpu.matmul %while3A_415#0, %convert_element_type3A_408, %dot_general3A_419 {dimension_numbers = #tpu.dot_dimension_numbers<[1], [0], [0], [1], [0, 0, 1, 1], [], []>, transpose_lhs_hint = false} : vector<1x512xf32>, vector<512x2560xf32>, vector<1x2560xf32> -> vector<1x2560xf32>
    %get3A_421 = arith.constant 0 : index
    %get3A_422 = arith.constant 1536 : index
    %get3A_423 = vector.load %arg9[%get3A_421, %get3A_422] : memref<1x4096xf32, #tpu.memory_space<vmem>>, vector<1x2560xf32>
    %lt3A_424 = arith.constant 5.000000e-01 : f32
    %lt3A_425 = vector.broadcast %lt3A_424 : f32 to vector<1x2560xf32>
    %lt3A_426 = arith.cmpf olt, %dot_general3A_420, %lt3A_425 : vector<1x2560xf32>
    %convert_element_type3A_427 = arith.extui %lt3A_426 : vector<1x2560xi1> to vector<1x2560xi32>
    %convert_element_type3A_428 = arith.sitofp %convert_element_type3A_427 : vector<1x2560xi32> to vector<1x2560xf32>
    %mul3A_429 = arith.mulf %get3A_423, %convert_element_type3A_428 : vector<1x2560xf32>
    %swap3A_430 = arith.constant 0 : index
    %swap3A_431 = arith.constant 1536 : index
    %swap3A_432 = vector.load %arg9[%swap3A_430, %swap3A_431] : memref<1x4096xf32, #tpu.memory_space<vmem>>, vector<1x2560xf32>
    tpu.vector_store %arg9[%swap3A_430, %swap3A_431], %mul3A_429 {strides = array<i32>} : memref<1x4096xf32, #tpu.memory_space<vmem>>, vector<1x2560xf32>,
    %get3A_433 = arith.constant 2048 : index
    %get3A_434 = arith.constant 0 : index
    %get3A_435 = vector.load %arg0[%get3A_433, %get3A_434] : memref<4096x1xf32, #tpu.memory_space<vmem>>, vector<512x1xf32>
    %get3A_436 = arith.constant 2048 : index
    %get3A_437 = arith.constant 0 : index
    %get3A_438 = vector.load %arg2[%get3A_436, %get3A_437] : memref<4096x1xf32, #tpu.memory_space<vmem>>, vector<512x1xf32>
    %get3A_439 = arith.constant 2048 : index
    %get3A_440 = arith.constant 0 : index
    %get3A_441 = vector.load %arg1[%get3A_439, %get3A_440] : memref<4096x1xf32, #tpu.memory_space<vmem>>, vector<512x1xf32>
    %get3A_442 = arith.constant 2048 : index
    %get3A_443 = arith.constant 0 : index
    %get3A_444 = vector.load %arg3[%get3A_442, %get3A_443] : memref<4096x1xf32, #tpu.memory_space<vmem>>, vector<512x1xf32>
    %mul3A_445 = arith.constant 5.000000e-01 : f32
    %mul3A_446 = vector.broadcast %mul3A_445 : f32 to vector<512x1xf32>
    %mul3A_447 = arith.mulf %get3A_438, %mul3A_446 : vector<512x1xf32>
    %sub3A_448 = arith.subf %get3A_435, %mul3A_447 : vector<512x1xf32>
    %mul3A_449 = arith.constant 5.000000e-01 : f32
    %mul3A_450 = vector.broadcast %mul3A_449 : f32 to vector<512x1xf32>
    %mul3A_451 = arith.mulf %get3A_438, %mul3A_450 : vector<512x1xf32>
    %add3A_452 = arith.addf %get3A_435, %mul3A_451 : vector<512x1xf32>
    %mul3A_453 = arith.constant 5.000000e-01 : f32
    %mul3A_454 = vector.broadcast %mul3A_453 : f32 to vector<512x1xf32>
    %mul3A_455 = arith.mulf %get3A_444, %mul3A_454 : vector<512x1xf32>
    %sub3A_456 = arith.subf %get3A_441, %mul3A_455 : vector<512x1xf32>
    %mul3A_457 = arith.constant 5.000000e-01 : f32
    %mul3A_458 = vector.broadcast %mul3A_457 : f32 to vector<512x1xf32>
    %mul3A_459 = arith.mulf %get3A_444, %mul3A_458 : vector<512x1xf32>
    %add3A_460 = arith.addf %get3A_441, %mul3A_459 : vector<512x1xf32>
    %mul3A_461 = arith.mulf %get3A_438, %get3A_444 : vector<512x1xf32>
    %slice3A_462 = vector.extract_strided_slice %add3A {offsets = [0, 2048], sizes = [1, 2048], strides = [1, 1]} : vector<1x4096xf32> to vector<1x2048xf32>
    %min3A_463 = vector.broadcast %add3A_452 : vector<512x1xf32> to vector<512x2048xf32>
    %min3A_464 = vector.broadcast %slice3A_462 : vector<1x2048xf32> to vector<512x2048xf32>
    %min3A_465 = arith.minimumf %min3A_463, %min3A_464 : vector<512x2048xf32>
    %slice3A_466 = vector.extract_strided_slice %sub3A {offsets = [0, 2048], sizes = [1, 2048], strides = [1, 1]} : vector<1x4096xf32> to vector<1x2048xf32>
    %max3A_467 = vector.broadcast %sub3A_448 : vector<512x1xf32> to vector<512x2048xf32>
    %max3A_468 = vector.broadcast %slice3A_466 : vector<1x2048xf32> to vector<512x2048xf32>
    %max3A_469 = arith.maximumf %max3A_467, %max3A_468 : vector<512x2048xf32>
    %sub3A_470 = arith.subf %min3A_465, %max3A_469 : vector<512x2048xf32>
    %jit3A_471 = arith.constant 0.000000e+00 : f32
    %max3A_472 = vector.broadcast %jit3A_471 : f32 to vector<512x2048xf32>
    %max3A_473 = arith.maximumf %max3A_472, %sub3A_470 : vector<512x2048xf32>
    %slice3A_474 = vector.extract_strided_slice %add3A_38 {offsets = [0, 2048], sizes = [1, 2048], strides = [1, 1]} : vector<1x4096xf32> to vector<1x2048xf32>
    %min3A_475 = vector.broadcast %add3A_460 : vector<512x1xf32> to vector<512x2048xf32>
    %min3A_476 = vector.broadcast %slice3A_474 : vector<1x2048xf32> to vector<512x2048xf32>
    %min3A_477 = arith.minimumf %min3A_475, %min3A_476 : vector<512x2048xf32>
    %slice3A_478 = vector.extract_strided_slice %sub3A_28 {offsets = [0, 2048], sizes = [1, 2048], strides = [1, 1]} : vector<1x4096xf32> to vector<1x2048xf32>
    %max3A_479 = vector.broadcast %sub3A_456 : vector<512x1xf32> to vector<512x2048xf32>
    %max3A_480 = vector.broadcast %slice3A_478 : vector<1x2048xf32> to vector<512x2048xf32>
    %max3A_481 = arith.maximumf %max3A_479, %max3A_480 : vector<512x2048xf32>
    %sub3A_482 = arith.subf %min3A_477, %max3A_481 : vector<512x2048xf32>
    %jit3A_483 = arith.constant 0.000000e+00 : f32
    %max3A_484 = vector.broadcast %jit3A_483 : f32 to vector<512x2048xf32>
    %max3A_485 = arith.maximumf %max3A_484, %sub3A_482 : vector<512x2048xf32>
    %mul3A_486 = arith.mulf %max3A_473, %max3A_485 : vector<512x2048xf32>
    %slice3A_487 = vector.extract_strided_slice %mul3A_45 {offsets = [0, 2048], sizes = [1, 2048], strides = [1, 1]} : vector<1x4096xf32> to vector<1x2048xf32>
    %add3A_488 = vector.broadcast %mul3A_461 : vector<512x1xf32> to vector<512x2048xf32>
    %add3A_489 = vector.broadcast %slice3A_487 : vector<1x2048xf32> to vector<512x2048xf32>
    %add3A_490 = arith.addf %add3A_488, %add3A_489 : vector<512x2048xf32>
    %sub3A_491 = arith.subf %add3A_490, %mul3A_486 : vector<512x2048xf32>
    %jit3A_492 = arith.constant 9.99999993E-9 : f32
    %max3A_493 = vector.broadcast %jit3A_492 : f32 to vector<512x2048xf32>
    %max3A_494 = arith.maximumf %max3A_493, %sub3A_491 : vector<512x2048xf32>
    %div3A_495 = arith.divf %mul3A_486, %max3A_494 : vector<512x2048xf32>
    %iota3A_496 = tpu.iota {dimensions = array<i32: 0>} : vector<512x1xi32>
    %gt3A_497 = arith.constant 1.000000e-01 : f32
    %gt3A_498 = vector.broadcast %gt3A_497 : f32 to vector<512x2048xf32>
    %gt3A_499 = arith.cmpf ogt, %div3A_495, %gt3A_498 : vector<512x2048xf32>
    %slice3A_500 = vector.extract_strided_slice %iota3A {offsets = [0, 2048], sizes = [1, 2048], strides = [1, 1]} : vector<1x4096xi32> to vector<1x2048xi32>
    %sub3A_501 = arith.constant 2048 : i32
    %sub3A_502 = vector.broadcast %sub3A_501 : i32 to vector<1x2048xi32>
    %sub3A_503 = arith.subi %slice3A_500, %sub3A_502 : vector<1x2048xi32>
    %gt3A_504 = vector.broadcast %sub3A_503 : vector<1x2048xi32> to vector<512x2048xi32>
    %gt3A_505 = vector.broadcast %iota3A_496 : vector<512x1xi32> to vector<512x2048xi32>
    %gt3A_506 = arith.cmpi sgt, %gt3A_504, %gt3A_505 : vector<512x2048xi32>
    %and3A_507 = arith.andi %gt3A_499, %gt3A_506 : vector<512x2048xi1>
    %convert_element_type3A_508 = arith.extui %and3A_507 : vector<512x2048xi1> to vector<512x2048xi32>
    %convert_element_type3A_509 = arith.sitofp %convert_element_type3A_508 : vector<512x2048xi32> to vector<512x2048xf32>
    %slice3A_510 = vector.extract_strided_slice %convert_element_type3A_509 {offsets = [0, 0], sizes = [512, 512], strides = [1, 1]} : vector<512x2048xf32> to vector<512x512xf32>
    %get3A_511 = arith.constant 0 : index
    %get3A_512 = arith.constant 2048 : index
    %get3A_513 = vector.load %arg9[%get3A_511, %get3A_512] : memref<1x4096xf32, #tpu.memory_space<vmem>>, vector<1x512xf32>
    %while3A_514 = arith.constant true
    %while3A_515 = arith.constant 0 : i32
    %while3A_516:3 = scf.while (%while3A_842 = %get3A_513, %while3A_843 = %while3A_514, %while3A_844 = %while3A_515) : (vector<1x512xf32>, i1, i32) -> (vector<1x512xf32>, i1, i32) {
      %lt3A_845 = arith.constant 512 : i32
      %lt3A_846 = arith.cmpi slt, %while3A_844, %lt3A_845 : i32
      %and3A_847 = arith.andi %while3A_843, %lt3A_846 : i1
      scf.condition(%and3A_847) %while3A_842, %while3A_843, %while3A_844 : vector<1x512xf32>, i1, i32
    } do {
    ^bb0(%while3A_842: vector<1x512xf32>, %while3A_843: i1, %while3A_844: i32):
      %dot_general3A_845 = arith.constant dense<0.000000e+00> : vector<1x512xf32>
      %dot_general3A_846 = tpu.matmul %while3A_842, %slice3A_510, %dot_general3A_845 {dimension_numbers = #tpu.dot_dimension_numbers<[1], [0], [0], [1], [0, 0, 1, 1], [], []>, transpose_lhs_hint = false} : vector<1x512xf32>, vector<512x512xf32>, vector<1x512xf32> -> vector<1x512xf32>
      %lt3A_847 = arith.constant 5.000000e-01 : f32
      %lt3A_848 = vector.broadcast %lt3A_847 : f32 to vector<1x512xf32>
      %lt3A_849 = arith.cmpf olt, %dot_general3A_846, %lt3A_848 : vector<1x512xf32>
      %convert_element_type3A_850 = arith.extui %lt3A_849 : vector<1x512xi1> to vector<1x512xi32>
      %convert_element_type3A_851 = arith.sitofp %convert_element_type3A_850 : vector<1x512xi32> to vector<1x512xf32>
      %mul3A_852 = arith.mulf %get3A_513, %convert_element_type3A_851 : vector<1x512xf32>
      %dot_general3A_853 = arith.constant dense<0.000000e+00> : vector<1x512xf32>
      %dot_general3A_854 = tpu.matmul %mul3A_852, %slice3A_510, %dot_general3A_853 {dimension_numbers = #tpu.dot_dimension_numbers<[1], [0], [0], [1], [0, 0, 1, 1], [], []>, transpose_lhs_hint = false} : vector<1x512xf32>, vector<512x512xf32>, vector<1x512xf32> -> vector<1x512xf32>
      %lt3A_855 = arith.constant 5.000000e-01 : f32
      %lt3A_856 = vector.broadcast %lt3A_855 : f32 to vector<1x512xf32>
      %lt3A_857 = arith.cmpf olt, %dot_general3A_854, %lt3A_856 : vector<1x512xf32>
      %convert_element_type3A_858 = arith.extui %lt3A_857 : vector<1x512xi1> to vector<1x512xi32>
      %convert_element_type3A_859 = arith.sitofp %convert_element_type3A_858 : vector<1x512xi32> to vector<1x512xf32>
      %mul3A_860 = arith.mulf %get3A_513, %convert_element_type3A_859 : vector<1x512xf32>
      %ne3A = arith.cmpf one, %mul3A_860, %while3A_842 : vector<1x512xf32>
      %reduce_or3A = arith.constant 1.000000e+00 : f32
      %reduce_or3A_861 = arith.constant 0.000000e+00 : f32
      %reduce_or3A_862 = vector.broadcast %reduce_or3A : f32 to vector<1x512xf32>
      %reduce_or3A_863 = vector.broadcast %reduce_or3A_861 : f32 to vector<1x512xf32>
      %reduce_or3A_864 = arith.select %ne3A, %reduce_or3A_862, %reduce_or3A_863 : vector<1x512xi1>, vector<1x512xf32>
      %reduce_or3A_865 = vector.shape_cast %reduce_or3A_864 : vector<1x512xf32> to vector<1x1x512xf32>
      %reduce_or3A_866 = arith.constant dense<0xFF800000> : vector<1xf32>
      %reduce_or3A_867 = vector.multi_reduction <maximumf>, %reduce_or3A_865, %reduce_or3A_866 [1, 2] : vector<1x1x512xf32> to vector<1xf32>
      %reduce_or3A_868 = vector.shape_cast %reduce_or3A_867 : vector<1xf32> to vector<1x1x1xf32>
      %reduce_or3A_869 = vector.extract %reduce_or3A_868[0, 0, 0] : f32 from vector<1x1x1xf32>
      %reduce_or3A_870 = arith.constant 0.000000e+00 : f32
      %reduce_or3A_871 = arith.cmpf ogt, %reduce_or3A_869, %reduce_or3A_870 : f32
      %add3A_872 = arith.constant 1 : i32
      %add3A_873 = arith.addi %while3A_844, %add3A_872 : i32
      scf.yield %mul3A_860, %reduce_or3A_871, %add3A_873 : vector<1x512xf32>, i1, i32
    }
    %swap3A_517 = arith.constant 0 : index
    %swap3A_518 = arith.constant 2048 : index
    %swap3A_519 = vector.load %arg9[%swap3A_517, %swap3A_518] : memref<1x4096xf32, #tpu.memory_space<vmem>>, vector<1x512xf32>
    tpu.vector_store %arg9[%swap3A_517, %swap3A_518], %while3A_516#0 {strides = array<i32>} : memref<1x4096xf32, #tpu.memory_space<vmem>>, vector<1x512xf32>,
    %dot_general3A_520 = arith.constant dense<0.000000e+00> : vector<1x2048xf32>
    %dot_general3A_521 = tpu.matmul %while3A_516#0, %convert_element_type3A_509, %dot_general3A_520 {dimension_numbers = #tpu.dot_dimension_numbers<[1], [0], [0], [1], [0, 0, 1, 1], [], []>, transpose_lhs_hint = false} : vector<1x512xf32>, vector<512x2048xf32>, vector<1x2048xf32> -> vector<1x2048xf32>
    %get3A_522 = arith.constant 0 : index
    %get3A_523 = arith.constant 2048 : index
    %get3A_524 = vector.load %arg9[%get3A_522, %get3A_523] : memref<1x4096xf32, #tpu.memory_space<vmem>>, vector<1x2048xf32>
    %lt3A_525 = arith.constant 5.000000e-01 : f32
    %lt3A_526 = vector.broadcast %lt3A_525 : f32 to vector<1x2048xf32>
    %lt3A_527 = arith.cmpf olt, %dot_general3A_521, %lt3A_526 : vector<1x2048xf32>
    %convert_element_type3A_528 = arith.extui %lt3A_527 : vector<1x2048xi1> to vector<1x2048xi32>
    %convert_element_type3A_529 = arith.sitofp %convert_element_type3A_528 : vector<1x2048xi32> to vector<1x2048xf32>
    %mul3A_530 = arith.mulf %get3A_524, %convert_element_type3A_529 : vector<1x2048xf32>
    %swap3A_531 = arith.constant 0 : index
    %swap3A_532 = arith.constant 2048 : index
    %swap3A_533 = vector.load %arg9[%swap3A_531, %swap3A_532] : memref<1x4096xf32, #tpu.memory_space<vmem>>, vector<1x2048xf32>
    tpu.vector_store %arg9[%swap3A_531, %swap3A_532], %mul3A_530 {strides = array<i32>} : memref<1x4096xf32, #tpu.memory_space<vmem>>, vector<1x2048xf32>,
    %get3A_534 = arith.constant 2560 : index
    %get3A_535 = arith.constant 0 : index
    %get3A_536 = vector.load %arg0[%get3A_534, %get3A_535] : memref<4096x1xf32, #tpu.memory_space<vmem>>, vector<512x1xf32>
    %get3A_537 = arith.constant 2560 : index
    %get3A_538 = arith.constant 0 : index
    %get3A_539 = vector.load %arg2[%get3A_537, %get3A_538] : memref<4096x1xf32, #tpu.memory_space<vmem>>, vector<512x1xf32>
    %get3A_540 = arith.constant 2560 : index
    %get3A_541 = arith.constant 0 : index
    %get3A_542 = vector.load %arg1[%get3A_540, %get3A_541] : memref<4096x1xf32, #tpu.memory_space<vmem>>, vector<512x1xf32>
    %get3A_543 = arith.constant 2560 : index
    %get3A_544 = arith.constant 0 : index
    %get3A_545 = vector.load %arg3[%get3A_543, %get3A_544] : memref<4096x1xf32, #tpu.memory_space<vmem>>, vector<512x1xf32>
    %mul3A_546 = arith.constant 5.000000e-01 : f32
    %mul3A_547 = vector.broadcast %mul3A_546 : f32 to vector<512x1xf32>
    %mul3A_548 = arith.mulf %get3A_539, %mul3A_547 : vector<512x1xf32>
    %sub3A_549 = arith.subf %get3A_536, %mul3A_548 : vector<512x1xf32>
    %mul3A_550 = arith.constant 5.000000e-01 : f32
    %mul3A_551 = vector.broadcast %mul3A_550 : f32 to vector<512x1xf32>
    %mul3A_552 = arith.mulf %get3A_539, %mul3A_551 : vector<512x1xf32>
    %add3A_553 = arith.addf %get3A_536, %mul3A_552 : vector<512x1xf32>
    %mul3A_554 = arith.constant 5.000000e-01 : f32
    %mul3A_555 = vector.broadcast %mul3A_554 : f32 to vector<512x1xf32>
    %mul3A_556 = arith.mulf %get3A_545, %mul3A_555 : vector<512x1xf32>
    %sub3A_557 = arith.subf %get3A_542, %mul3A_556 : vector<512x1xf32>
    %mul3A_558 = arith.constant 5.000000e-01 : f32
    %mul3A_559 = vector.broadcast %mul3A_558 : f32 to vector<512x1xf32>
    %mul3A_560 = arith.mulf %get3A_545, %mul3A_559 : vector<512x1xf32>
    %add3A_561 = arith.addf %get3A_542, %mul3A_560 : vector<512x1xf32>
    %mul3A_562 = arith.mulf %get3A_539, %get3A_545 : vector<512x1xf32>
    %slice3A_563 = vector.extract_strided_slice %add3A {offsets = [0, 2560], sizes = [1, 1536], strides = [1, 1]} : vector<1x4096xf32> to vector<1x1536xf32>
    %min3A_564 = vector.broadcast %add3A_553 : vector<512x1xf32> to vector<512x1536xf32>
    %min3A_565 = vector.broadcast %slice3A_563 : vector<1x1536xf32> to vector<512x1536xf32>
    %min3A_566 = arith.minimumf %min3A_564, %min3A_565 : vector<512x1536xf32>
    %slice3A_567 = vector.extract_strided_slice %sub3A {offsets = [0, 2560], sizes = [1, 1536], strides = [1, 1]} : vector<1x4096xf32> to vector<1x1536xf32>
    %max3A_568 = vector.broadcast %sub3A_549 : vector<512x1xf32> to vector<512x1536xf32>
    %max3A_569 = vector.broadcast %slice3A_567 : vector<1x1536xf32> to vector<512x1536xf32>
    %max3A_570 = arith.maximumf %max3A_568, %max3A_569 : vector<512x1536xf32>
    %sub3A_571 = arith.subf %min3A_566, %max3A_570 : vector<512x1536xf32>
    %jit3A_572 = arith.constant 0.000000e+00 : f32
    %max3A_573 = vector.broadcast %jit3A_572 : f32 to vector<512x1536xf32>
    %max3A_574 = arith.maximumf %max3A_573, %sub3A_571 : vector<512x1536xf32>
    %slice3A_575 = vector.extract_strided_slice %add3A_38 {offsets = [0, 2560], sizes = [1, 1536], strides = [1, 1]} : vector<1x4096xf32> to vector<1x1536xf32>
    %min3A_576 = vector.broadcast %add3A_561 : vector<512x1xf32> to vector<512x1536xf32>
    %min3A_577 = vector.broadcast %slice3A_575 : vector<1x1536xf32> to vector<512x1536xf32>
    %min3A_578 = arith.minimumf %min3A_576, %min3A_577 : vector<512x1536xf32>
    %slice3A_579 = vector.extract_strided_slice %sub3A_28 {offsets = [0, 2560], sizes = [1, 1536], strides = [1, 1]} : vector<1x4096xf32> to vector<1x1536xf32>
    %max3A_580 = vector.broadcast %sub3A_557 : vector<512x1xf32> to vector<512x1536xf32>
    %max3A_581 = vector.broadcast %slice3A_579 : vector<1x1536xf32> to vector<512x1536xf32>
    %max3A_582 = arith.maximumf %max3A_580, %max3A_581 : vector<512x1536xf32>
    %sub3A_583 = arith.subf %min3A_578, %max3A_582 : vector<512x1536xf32>
    %jit3A_584 = arith.constant 0.000000e+00 : f32
    %max3A_585 = vector.broadcast %jit3A_584 : f32 to vector<512x1536xf32>
    %max3A_586 = arith.maximumf %max3A_585, %sub3A_583 : vector<512x1536xf32>
    %mul3A_587 = arith.mulf %max3A_574, %max3A_586 : vector<512x1536xf32>
    %slice3A_588 = vector.extract_strided_slice %mul3A_45 {offsets = [0, 2560], sizes = [1, 1536], strides = [1, 1]} : vector<1x4096xf32> to vector<1x1536xf32>
    %add3A_589 = vector.broadcast %mul3A_562 : vector<512x1xf32> to vector<512x1536xf32>
    %add3A_590 = vector.broadcast %slice3A_588 : vector<1x1536xf32> to vector<512x1536xf32>
    %add3A_591 = arith.addf %add3A_589, %add3A_590 : vector<512x1536xf32>
    %sub3A_592 = arith.subf %add3A_591, %mul3A_587 : vector<512x1536xf32>
    %jit3A_593 = arith.constant 9.99999993E-9 : f32
    %max3A_594 = vector.broadcast %jit3A_593 : f32 to vector<512x1536xf32>
    %max3A_595 = arith.maximumf %max3A_594, %sub3A_592 : vector<512x1536xf32>
    %div3A_596 = arith.divf %mul3A_587, %max3A_595 : vector<512x1536xf32>
    %iota3A_597 = tpu.iota {dimensions = array<i32: 0>} : vector<512x1xi32>
    %gt3A_598 = arith.constant 1.000000e-01 : f32
    %gt3A_599 = vector.broadcast %gt3A_598 : f32 to vector<512x1536xf32>
    %gt3A_600 = arith.cmpf ogt, %div3A_596, %gt3A_599 : vector<512x1536xf32>
    %slice3A_601 = vector.extract_strided_slice %iota3A {offsets = [0, 2560], sizes = [1, 1536], strides = [1, 1]} : vector<1x4096xi32> to vector<1x1536xi32>
    %sub3A_602 = arith.constant 2560 : i32
    %sub3A_603 = vector.broadcast %sub3A_602 : i32 to vector<1x1536xi32>
    %sub3A_604 = arith.subi %slice3A_601, %sub3A_603 : vector<1x1536xi32>
    %gt3A_605 = vector.broadcast %sub3A_604 : vector<1x1536xi32> to vector<512x1536xi32>
    %gt3A_606 = vector.broadcast %iota3A_597 : vector<512x1xi32> to vector<512x1536xi32>
    %gt3A_607 = arith.cmpi sgt, %gt3A_605, %gt3A_606 : vector<512x1536xi32>
    %and3A_608 = arith.andi %gt3A_600, %gt3A_607 : vector<512x1536xi1>
    %convert_element_type3A_609 = arith.extui %and3A_608 : vector<512x1536xi1> to vector<512x1536xi32>
    %convert_element_type3A_610 = arith.sitofp %convert_element_type3A_609 : vector<512x1536xi32> to vector<512x1536xf32>
    %slice3A_611 = vector.extract_strided_slice %convert_element_type3A_610 {offsets = [0, 0], sizes = [512, 512], strides = [1, 1]} : vector<512x1536xf32> to vector<512x512xf32>
    %get3A_612 = arith.constant 0 : index
    %get3A_613 = arith.constant 2560 : index
    %get3A_614 = vector.load %arg9[%get3A_612, %get3A_613] : memref<1x4096xf32, #tpu.memory_space<vmem>>, vector<1x512xf32>
    %while3A_615 = arith.constant true
    %while3A_616 = arith.constant 0 : i32
    %while3A_617:3 = scf.while (%while3A_842 = %get3A_614, %while3A_843 = %while3A_615, %while3A_844 = %while3A_616) : (vector<1x512xf32>, i1, i32) -> (vector<1x512xf32>, i1, i32) {
      %lt3A_845 = arith.constant 512 : i32
      %lt3A_846 = arith.cmpi slt, %while3A_844, %lt3A_845 : i32
      %and3A_847 = arith.andi %while3A_843, %lt3A_846 : i1
      scf.condition(%and3A_847) %while3A_842, %while3A_843, %while3A_844 : vector<1x512xf32>, i1, i32
    } do {
    ^bb0(%while3A_842: vector<1x512xf32>, %while3A_843: i1, %while3A_844: i32):
      %dot_general3A_845 = arith.constant dense<0.000000e+00> : vector<1x512xf32>
      %dot_general3A_846 = tpu.matmul %while3A_842, %slice3A_611, %dot_general3A_845 {dimension_numbers = #tpu.dot_dimension_numbers<[1], [0], [0], [1], [0, 0, 1, 1], [], []>, transpose_lhs_hint = false} : vector<1x512xf32>, vector<512x512xf32>, vector<1x512xf32> -> vector<1x512xf32>
      %lt3A_847 = arith.constant 5.000000e-01 : f32
      %lt3A_848 = vector.broadcast %lt3A_847 : f32 to vector<1x512xf32>
      %lt3A_849 = arith.cmpf olt, %dot_general3A_846, %lt3A_848 : vector<1x512xf32>
      %convert_element_type3A_850 = arith.extui %lt3A_849 : vector<1x512xi1> to vector<1x512xi32>
      %convert_element_type3A_851 = arith.sitofp %convert_element_type3A_850 : vector<1x512xi32> to vector<1x512xf32>
      %mul3A_852 = arith.mulf %get3A_614, %convert_element_type3A_851 : vector<1x512xf32>
      %dot_general3A_853 = arith.constant dense<0.000000e+00> : vector<1x512xf32>
      %dot_general3A_854 = tpu.matmul %mul3A_852, %slice3A_611, %dot_general3A_853 {dimension_numbers = #tpu.dot_dimension_numbers<[1], [0], [0], [1], [0, 0, 1, 1], [], []>, transpose_lhs_hint = false} : vector<1x512xf32>, vector<512x512xf32>, vector<1x512xf32> -> vector<1x512xf32>
      %lt3A_855 = arith.constant 5.000000e-01 : f32
      %lt3A_856 = vector.broadcast %lt3A_855 : f32 to vector<1x512xf32>
      %lt3A_857 = arith.cmpf olt, %dot_general3A_854, %lt3A_856 : vector<1x512xf32>
      %convert_element_type3A_858 = arith.extui %lt3A_857 : vector<1x512xi1> to vector<1x512xi32>
      %convert_element_type3A_859 = arith.sitofp %convert_element_type3A_858 : vector<1x512xi32> to vector<1x512xf32>
      %mul3A_860 = arith.mulf %get3A_614, %convert_element_type3A_859 : vector<1x512xf32>
      %ne3A = arith.cmpf one, %mul3A_860, %while3A_842 : vector<1x512xf32>
      %reduce_or3A = arith.constant 1.000000e+00 : f32
      %reduce_or3A_861 = arith.constant 0.000000e+00 : f32
      %reduce_or3A_862 = vector.broadcast %reduce_or3A : f32 to vector<1x512xf32>
      %reduce_or3A_863 = vector.broadcast %reduce_or3A_861 : f32 to vector<1x512xf32>
      %reduce_or3A_864 = arith.select %ne3A, %reduce_or3A_862, %reduce_or3A_863 : vector<1x512xi1>, vector<1x512xf32>
      %reduce_or3A_865 = vector.shape_cast %reduce_or3A_864 : vector<1x512xf32> to vector<1x1x512xf32>
      %reduce_or3A_866 = arith.constant dense<0xFF800000> : vector<1xf32>
      %reduce_or3A_867 = vector.multi_reduction <maximumf>, %reduce_or3A_865, %reduce_or3A_866 [1, 2] : vector<1x1x512xf32> to vector<1xf32>
      %reduce_or3A_868 = vector.shape_cast %reduce_or3A_867 : vector<1xf32> to vector<1x1x1xf32>
      %reduce_or3A_869 = vector.extract %reduce_or3A_868[0, 0, 0] : f32 from vector<1x1x1xf32>
      %reduce_or3A_870 = arith.constant 0.000000e+00 : f32
      %reduce_or3A_871 = arith.cmpf ogt, %reduce_or3A_869, %reduce_or3A_870 : f32
      %add3A_872 = arith.constant 1 : i32
      %add3A_873 = arith.addi %while3A_844, %add3A_872 : i32
      scf.yield %mul3A_860, %reduce_or3A_871, %add3A_873 : vector<1x512xf32>, i1, i32
    }
    %swap3A_618 = arith.constant 0 : index
    %swap3A_619 = arith.constant 2560 : index
    %swap3A_620 = vector.load %arg9[%swap3A_618, %swap3A_619] : memref<1x4096xf32, #tpu.memory_space<vmem>>, vector<1x512xf32>
    tpu.vector_store %arg9[%swap3A_618, %swap3A_619], %while3A_617#0 {strides = array<i32>} : memref<1x4096xf32, #tpu.memory_space<vmem>>, vector<1x512xf32>,
    %dot_general3A_621 = arith.constant dense<0.000000e+00> : vector<1x1536xf32>
    %dot_general3A_622 = tpu.matmul %while3A_617#0, %convert_element_type3A_610, %dot_general3A_621 {dimension_numbers = #tpu.dot_dimension_numbers<[1], [0], [0], [1], [0, 0, 1, 1], [], []>, transpose_lhs_hint = false} : vector<1x512xf32>, vector<512x1536xf32>, vector<1x1536xf32> -> vector<1x1536xf32>
    %get3A_623 = arith.constant 0 : index
    %get3A_624 = arith.constant 2560 : index
    %get3A_625 = vector.load %arg9[%get3A_623, %get3A_624] : memref<1x4096xf32, #tpu.memory_space<vmem>>, vector<1x1536xf32>
    %lt3A_626 = arith.constant 5.000000e-01 : f32
    %lt3A_627 = vector.broadcast %lt3A_626 : f32 to vector<1x1536xf32>
    %lt3A_628 = arith.cmpf olt, %dot_general3A_622, %lt3A_627 : vector<1x1536xf32>
    %convert_element_type3A_629 = arith.extui %lt3A_628 : vector<1x1536xi1> to vector<1x1536xi32>
    %convert_element_type3A_630 = arith.sitofp %convert_element_type3A_629 : vector<1x1536xi32> to vector<1x1536xf32>
    %mul3A_631 = arith.mulf %get3A_625, %convert_element_type3A_630 : vector<1x1536xf32>
    %swap3A_632 = arith.constant 0 : index
    %swap3A_633 = arith.constant 2560 : index
    %swap3A_634 = vector.load %arg9[%swap3A_632, %swap3A_633] : memref<1x4096xf32, #tpu.memory_space<vmem>>, vector<1x1536xf32>
    tpu.vector_store %arg9[%swap3A_632, %swap3A_633], %mul3A_631 {strides = array<i32>} : memref<1x4096xf32, #tpu.memory_space<vmem>>, vector<1x1536xf32>,
    %get3A_635 = arith.constant 3072 : index
    %get3A_636 = arith.constant 0 : index
    %get3A_637 = vector.load %arg0[%get3A_635, %get3A_636] : memref<4096x1xf32, #tpu.memory_space<vmem>>, vector<512x1xf32>
    %get3A_638 = arith.constant 3072 : index
    %get3A_639 = arith.constant 0 : index
    %get3A_640 = vector.load %arg2[%get3A_638, %get3A_639] : memref<4096x1xf32, #tpu.memory_space<vmem>>, vector<512x1xf32>
    %get3A_641 = arith.constant 3072 : index
    %get3A_642 = arith.constant 0 : index
    %get3A_643 = vector.load %arg1[%get3A_641, %get3A_642] : memref<4096x1xf32, #tpu.memory_space<vmem>>, vector<512x1xf32>
    %get3A_644 = arith.constant 3072 : index
    %get3A_645 = arith.constant 0 : index
    %get3A_646 = vector.load %arg3[%get3A_644, %get3A_645] : memref<4096x1xf32, #tpu.memory_space<vmem>>, vector<512x1xf32>
    %mul3A_647 = arith.constant 5.000000e-01 : f32
    %mul3A_648 = vector.broadcast %mul3A_647 : f32 to vector<512x1xf32>
    %mul3A_649 = arith.mulf %get3A_640, %mul3A_648 : vector<512x1xf32>
    %sub3A_650 = arith.subf %get3A_637, %mul3A_649 : vector<512x1xf32>
    %mul3A_651 = arith.constant 5.000000e-01 : f32
    %mul3A_652 = vector.broadcast %mul3A_651 : f32 to vector<512x1xf32>
    %mul3A_653 = arith.mulf %get3A_640, %mul3A_652 : vector<512x1xf32>
    %add3A_654 = arith.addf %get3A_637, %mul3A_653 : vector<512x1xf32>
    %mul3A_655 = arith.constant 5.000000e-01 : f32
    %mul3A_656 = vector.broadcast %mul3A_655 : f32 to vector<512x1xf32>
    %mul3A_657 = arith.mulf %get3A_646, %mul3A_656 : vector<512x1xf32>
    %sub3A_658 = arith.subf %get3A_643, %mul3A_657 : vector<512x1xf32>
    %mul3A_659 = arith.constant 5.000000e-01 : f32
    %mul3A_660 = vector.broadcast %mul3A_659 : f32 to vector<512x1xf32>
    %mul3A_661 = arith.mulf %get3A_646, %mul3A_660 : vector<512x1xf32>
    %add3A_662 = arith.addf %get3A_643, %mul3A_661 : vector<512x1xf32>
    %mul3A_663 = arith.mulf %get3A_640, %get3A_646 : vector<512x1xf32>
    %slice3A_664 = vector.extract_strided_slice %add3A {offsets = [0, 3072], sizes = [1, 1024], strides = [1, 1]} : vector<1x4096xf32> to vector<1x1024xf32>
    %min3A_665 = vector.broadcast %add3A_654 : vector<512x1xf32> to vector<512x1024xf32>
    %min3A_666 = vector.broadcast %slice3A_664 : vector<1x1024xf32> to vector<512x1024xf32>
    %min3A_667 = arith.minimumf %min3A_665, %min3A_666 : vector<512x1024xf32>
    %slice3A_668 = vector.extract_strided_slice %sub3A {offsets = [0, 3072], sizes = [1, 1024], strides = [1, 1]} : vector<1x4096xf32> to vector<1x1024xf32>
    %max3A_669 = vector.broadcast %sub3A_650 : vector<512x1xf32> to vector<512x1024xf32>
    %max3A_670 = vector.broadcast %slice3A_668 : vector<1x1024xf32> to vector<512x1024xf32>
    %max3A_671 = arith.maximumf %max3A_669, %max3A_670 : vector<512x1024xf32>
    %sub3A_672 = arith.subf %min3A_667, %max3A_671 : vector<512x1024xf32>
    %jit3A_673 = arith.constant 0.000000e+00 : f32
    %max3A_674 = vector.broadcast %jit3A_673 : f32 to vector<512x1024xf32>
    %max3A_675 = arith.maximumf %max3A_674, %sub3A_672 : vector<512x1024xf32>
    %slice3A_676 = vector.extract_strided_slice %add3A_38 {offsets = [0, 3072], sizes = [1, 1024], strides = [1, 1]} : vector<1x4096xf32> to vector<1x1024xf32>
    %min3A_677 = vector.broadcast %add3A_662 : vector<512x1xf32> to vector<512x1024xf32>
    %min3A_678 = vector.broadcast %slice3A_676 : vector<1x1024xf32> to vector<512x1024xf32>
    %min3A_679 = arith.minimumf %min3A_677, %min3A_678 : vector<512x1024xf32>
    %slice3A_680 = vector.extract_strided_slice %sub3A_28 {offsets = [0, 3072], sizes = [1, 1024], strides = [1, 1]} : vector<1x4096xf32> to vector<1x1024xf32>
    %max3A_681 = vector.broadcast %sub3A_658 : vector<512x1xf32> to vector<512x1024xf32>
    %max3A_682 = vector.broadcast %slice3A_680 : vector<1x1024xf32> to vector<512x1024xf32>
    %max3A_683 = arith.maximumf %max3A_681, %max3A_682 : vector<512x1024xf32>
    %sub3A_684 = arith.subf %min3A_679, %max3A_683 : vector<512x1024xf32>
    %jit3A_685 = arith.constant 0.000000e+00 : f32
    %max3A_686 = vector.broadcast %jit3A_685 : f32 to vector<512x1024xf32>
    %max3A_687 = arith.maximumf %max3A_686, %sub3A_684 : vector<512x1024xf32>
    %mul3A_688 = arith.mulf %max3A_675, %max3A_687 : vector<512x1024xf32>
    %slice3A_689 = vector.extract_strided_slice %mul3A_45 {offsets = [0, 3072], sizes = [1, 1024], strides = [1, 1]} : vector<1x4096xf32> to vector<1x1024xf32>
    %add3A_690 = vector.broadcast %mul3A_663 : vector<512x1xf32> to vector<512x1024xf32>
    %add3A_691 = vector.broadcast %slice3A_689 : vector<1x1024xf32> to vector<512x1024xf32>
    %add3A_692 = arith.addf %add3A_690, %add3A_691 : vector<512x1024xf32>
    %sub3A_693 = arith.subf %add3A_692, %mul3A_688 : vector<512x1024xf32>
    %jit3A_694 = arith.constant 9.99999993E-9 : f32
    %max3A_695 = vector.broadcast %jit3A_694 : f32 to vector<512x1024xf32>
    %max3A_696 = arith.maximumf %max3A_695, %sub3A_693 : vector<512x1024xf32>
    %div3A_697 = arith.divf %mul3A_688, %max3A_696 : vector<512x1024xf32>
    %iota3A_698 = tpu.iota {dimensions = array<i32: 0>} : vector<512x1xi32>
    %gt3A_699 = arith.constant 1.000000e-01 : f32
    %gt3A_700 = vector.broadcast %gt3A_699 : f32 to vector<512x1024xf32>
    %gt3A_701 = arith.cmpf ogt, %div3A_697, %gt3A_700 : vector<512x1024xf32>
    %slice3A_702 = vector.extract_strided_slice %iota3A {offsets = [0, 3072], sizes = [1, 1024], strides = [1, 1]} : vector<1x4096xi32> to vector<1x1024xi32>
    %sub3A_703 = arith.constant 3072 : i32
    %sub3A_704 = vector.broadcast %sub3A_703 : i32 to vector<1x1024xi32>
    %sub3A_705 = arith.subi %slice3A_702, %sub3A_704 : vector<1x1024xi32>
    %gt3A_706 = vector.broadcast %sub3A_705 : vector<1x1024xi32> to vector<512x1024xi32>
    %gt3A_707 = vector.broadcast %iota3A_698 : vector<512x1xi32> to vector<512x1024xi32>
    %gt3A_708 = arith.cmpi sgt, %gt3A_706, %gt3A_707 : vector<512x1024xi32>
    %and3A_709 = arith.andi %gt3A_701, %gt3A_708 : vector<512x1024xi1>
    %convert_element_type3A_710 = arith.extui %and3A_709 : vector<512x1024xi1> to vector<512x1024xi32>
    %convert_element_type3A_711 = arith.sitofp %convert_element_type3A_710 : vector<512x1024xi32> to vector<512x1024xf32>
    %slice3A_712 = vector.extract_strided_slice %convert_element_type3A_711 {offsets = [0, 0], sizes = [512, 512], strides = [1, 1]} : vector<512x1024xf32> to vector<512x512xf32>
    %get3A_713 = arith.constant 0 : index
    %get3A_714 = arith.constant 3072 : index
    %get3A_715 = vector.load %arg9[%get3A_713, %get3A_714] : memref<1x4096xf32, #tpu.memory_space<vmem>>, vector<1x512xf32>
    %while3A_716 = arith.constant true
    %while3A_717 = arith.constant 0 : i32
    %while3A_718:3 = scf.while (%while3A_842 = %get3A_715, %while3A_843 = %while3A_716, %while3A_844 = %while3A_717) : (vector<1x512xf32>, i1, i32) -> (vector<1x512xf32>, i1, i32) {
      %lt3A_845 = arith.constant 512 : i32
      %lt3A_846 = arith.cmpi slt, %while3A_844, %lt3A_845 : i32
      %and3A_847 = arith.andi %while3A_843, %lt3A_846 : i1
      scf.condition(%and3A_847) %while3A_842, %while3A_843, %while3A_844 : vector<1x512xf32>, i1, i32
    } do {
    ^bb0(%while3A_842: vector<1x512xf32>, %while3A_843: i1, %while3A_844: i32):
      %dot_general3A_845 = arith.constant dense<0.000000e+00> : vector<1x512xf32>
      %dot_general3A_846 = tpu.matmul %while3A_842, %slice3A_712, %dot_general3A_845 {dimension_numbers = #tpu.dot_dimension_numbers<[1], [0], [0], [1], [0, 0, 1, 1], [], []>, transpose_lhs_hint = false} : vector<1x512xf32>, vector<512x512xf32>, vector<1x512xf32> -> vector<1x512xf32>
      %lt3A_847 = arith.constant 5.000000e-01 : f32
      %lt3A_848 = vector.broadcast %lt3A_847 : f32 to vector<1x512xf32>
      %lt3A_849 = arith.cmpf olt, %dot_general3A_846, %lt3A_848 : vector<1x512xf32>
      %convert_element_type3A_850 = arith.extui %lt3A_849 : vector<1x512xi1> to vector<1x512xi32>
      %convert_element_type3A_851 = arith.sitofp %convert_element_type3A_850 : vector<1x512xi32> to vector<1x512xf32>
      %mul3A_852 = arith.mulf %get3A_715, %convert_element_type3A_851 : vector<1x512xf32>
      %dot_general3A_853 = arith.constant dense<0.000000e+00> : vector<1x512xf32>
      %dot_general3A_854 = tpu.matmul %mul3A_852, %slice3A_712, %dot_general3A_853 {dimension_numbers = #tpu.dot_dimension_numbers<[1], [0], [0], [1], [0, 0, 1, 1], [], []>, transpose_lhs_hint = false} : vector<1x512xf32>, vector<512x512xf32>, vector<1x512xf32> -> vector<1x512xf32>
      %lt3A_855 = arith.constant 5.000000e-01 : f32
      %lt3A_856 = vector.broadcast %lt3A_855 : f32 to vector<1x512xf32>
      %lt3A_857 = arith.cmpf olt, %dot_general3A_854, %lt3A_856 : vector<1x512xf32>
      %convert_element_type3A_858 = arith.extui %lt3A_857 : vector<1x512xi1> to vector<1x512xi32>
      %convert_element_type3A_859 = arith.sitofp %convert_element_type3A_858 : vector<1x512xi32> to vector<1x512xf32>
      %mul3A_860 = arith.mulf %get3A_715, %convert_element_type3A_859 : vector<1x512xf32>
      %ne3A = arith.cmpf one, %mul3A_860, %while3A_842 : vector<1x512xf32>
      %reduce_or3A = arith.constant 1.000000e+00 : f32
      %reduce_or3A_861 = arith.constant 0.000000e+00 : f32
      %reduce_or3A_862 = vector.broadcast %reduce_or3A : f32 to vector<1x512xf32>
      %reduce_or3A_863 = vector.broadcast %reduce_or3A_861 : f32 to vector<1x512xf32>
      %reduce_or3A_864 = arith.select %ne3A, %reduce_or3A_862, %reduce_or3A_863 : vector<1x512xi1>, vector<1x512xf32>
      %reduce_or3A_865 = vector.shape_cast %reduce_or3A_864 : vector<1x512xf32> to vector<1x1x512xf32>
      %reduce_or3A_866 = arith.constant dense<0xFF800000> : vector<1xf32>
      %reduce_or3A_867 = vector.multi_reduction <maximumf>, %reduce_or3A_865, %reduce_or3A_866 [1, 2] : vector<1x1x512xf32> to vector<1xf32>
      %reduce_or3A_868 = vector.shape_cast %reduce_or3A_867 : vector<1xf32> to vector<1x1x1xf32>
      %reduce_or3A_869 = vector.extract %reduce_or3A_868[0, 0, 0] : f32 from vector<1x1x1xf32>
      %reduce_or3A_870 = arith.constant 0.000000e+00 : f32
      %reduce_or3A_871 = arith.cmpf ogt, %reduce_or3A_869, %reduce_or3A_870 : f32
      %add3A_872 = arith.constant 1 : i32
      %add3A_873 = arith.addi %while3A_844, %add3A_872 : i32
      scf.yield %mul3A_860, %reduce_or3A_871, %add3A_873 : vector<1x512xf32>, i1, i32
    }
    %swap3A_719 = arith.constant 0 : index
    %swap3A_720 = arith.constant 3072 : index
    %swap3A_721 = vector.load %arg9[%swap3A_719, %swap3A_720] : memref<1x4096xf32, #tpu.memory_space<vmem>>, vector<1x512xf32>
    tpu.vector_store %arg9[%swap3A_719, %swap3A_720], %while3A_718#0 {strides = array<i32>} : memref<1x4096xf32, #tpu.memory_space<vmem>>, vector<1x512xf32>,
    %dot_general3A_722 = arith.constant dense<0.000000e+00> : vector<1x1024xf32>
    %dot_general3A_723 = tpu.matmul %while3A_718#0, %convert_element_type3A_711, %dot_general3A_722 {dimension_numbers = #tpu.dot_dimension_numbers<[1], [0], [0], [1], [0, 0, 1, 1], [], []>, transpose_lhs_hint = false} : vector<1x512xf32>, vector<512x1024xf32>, vector<1x1024xf32> -> vector<1x1024xf32>
    %get3A_724 = arith.constant 0 : index
    %get3A_725 = arith.constant 3072 : index
    %get3A_726 = vector.load %arg9[%get3A_724, %get3A_725] : memref<1x4096xf32, #tpu.memory_space<vmem>>, vector<1x1024xf32>
    %lt3A_727 = arith.constant 5.000000e-01 : f32
    %lt3A_728 = vector.broadcast %lt3A_727 : f32 to vector<1x1024xf32>
    %lt3A_729 = arith.cmpf olt, %dot_general3A_723, %lt3A_728 : vector<1x1024xf32>
    %convert_element_type3A_730 = arith.extui %lt3A_729 : vector<1x1024xi1> to vector<1x1024xi32>
    %convert_element_type3A_731 = arith.sitofp %convert_element_type3A_730 : vector<1x1024xi32> to vector<1x1024xf32>
    %mul3A_732 = arith.mulf %get3A_726, %convert_element_type3A_731 : vector<1x1024xf32>
    %swap3A_733 = arith.constant 0 : index
    %swap3A_734 = arith.constant 3072 : index
    %swap3A_735 = vector.load %arg9[%swap3A_733, %swap3A_734] : memref<1x4096xf32, #tpu.memory_space<vmem>>, vector<1x1024xf32>
    tpu.vector_store %arg9[%swap3A_733, %swap3A_734], %mul3A_732 {strides = array<i32>} : memref<1x4096xf32, #tpu.memory_space<vmem>>, vector<1x1024xf32>,
    %get3A_736 = arith.constant 3584 : index
    %get3A_737 = arith.constant 0 : index
    %get3A_738 = vector.load %arg0[%get3A_736, %get3A_737] : memref<4096x1xf32, #tpu.memory_space<vmem>>, vector<512x1xf32>
    %get3A_739 = arith.constant 3584 : index
    %get3A_740 = arith.constant 0 : index
    %get3A_741 = vector.load %arg2[%get3A_739, %get3A_740] : memref<4096x1xf32, #tpu.memory_space<vmem>>, vector<512x1xf32>
    %get3A_742 = arith.constant 3584 : index
    %get3A_743 = arith.constant 0 : index
    %get3A_744 = vector.load %arg1[%get3A_742, %get3A_743] : memref<4096x1xf32, #tpu.memory_space<vmem>>, vector<512x1xf32>
    %get3A_745 = arith.constant 3584 : index
    %get3A_746 = arith.constant 0 : index
    %get3A_747 = vector.load %arg3[%get3A_745, %get3A_746] : memref<4096x1xf32, #tpu.memory_space<vmem>>, vector<512x1xf32>
    %mul3A_748 = arith.constant 5.000000e-01 : f32
    %mul3A_749 = vector.broadcast %mul3A_748 : f32 to vector<512x1xf32>
    %mul3A_750 = arith.mulf %get3A_741, %mul3A_749 : vector<512x1xf32>
    %sub3A_751 = arith.subf %get3A_738, %mul3A_750 : vector<512x1xf32>
    %mul3A_752 = arith.constant 5.000000e-01 : f32
    %mul3A_753 = vector.broadcast %mul3A_752 : f32 to vector<512x1xf32>
    %mul3A_754 = arith.mulf %get3A_741, %mul3A_753 : vector<512x1xf32>
    %add3A_755 = arith.addf %get3A_738, %mul3A_754 : vector<512x1xf32>
    %mul3A_756 = arith.constant 5.000000e-01 : f32
    %mul3A_757 = vector.broadcast %mul3A_756 : f32 to vector<512x1xf32>
    %mul3A_758 = arith.mulf %get3A_747, %mul3A_757 : vector<512x1xf32>
    %sub3A_759 = arith.subf %get3A_744, %mul3A_758 : vector<512x1xf32>
    %mul3A_760 = arith.constant 5.000000e-01 : f32
    %mul3A_761 = vector.broadcast %mul3A_760 : f32 to vector<512x1xf32>
    %mul3A_762 = arith.mulf %get3A_747, %mul3A_761 : vector<512x1xf32>
    %add3A_763 = arith.addf %get3A_744, %mul3A_762 : vector<512x1xf32>
    %mul3A_764 = arith.mulf %get3A_741, %get3A_747 : vector<512x1xf32>
    %slice3A_765 = vector.extract_strided_slice %add3A {offsets = [0, 3584], sizes = [1, 512], strides = [1, 1]} : vector<1x4096xf32> to vector<1x512xf32>
    %min3A_766 = vector.broadcast %add3A_755 : vector<512x1xf32> to vector<512x512xf32>
    %min3A_767 = vector.broadcast %slice3A_765 : vector<1x512xf32> to vector<512x512xf32>
    %min3A_768 = arith.minimumf %min3A_766, %min3A_767 : vector<512x512xf32>
    %slice3A_769 = vector.extract_strided_slice %sub3A {offsets = [0, 3584], sizes = [1, 512], strides = [1, 1]} : vector<1x4096xf32> to vector<1x512xf32>
    %max3A_770 = vector.broadcast %sub3A_751 : vector<512x1xf32> to vector<512x512xf32>
    %max3A_771 = vector.broadcast %slice3A_769 : vector<1x512xf32> to vector<512x512xf32>
    %max3A_772 = arith.maximumf %max3A_770, %max3A_771 : vector<512x512xf32>
    %sub3A_773 = arith.subf %min3A_768, %max3A_772 : vector<512x512xf32>
    %jit3A_774 = arith.constant 0.000000e+00 : f32
    %max3A_775 = vector.broadcast %jit3A_774 : f32 to vector<512x512xf32>
    %max3A_776 = arith.maximumf %max3A_775, %sub3A_773 : vector<512x512xf32>
    %slice3A_777 = vector.extract_strided_slice %add3A_38 {offsets = [0, 3584], sizes = [1, 512], strides = [1, 1]} : vector<1x4096xf32> to vector<1x512xf32>
    %min3A_778 = vector.broadcast %add3A_763 : vector<512x1xf32> to vector<512x512xf32>
    %min3A_779 = vector.broadcast %slice3A_777 : vector<1x512xf32> to vector<512x512xf32>
    %min3A_780 = arith.minimumf %min3A_778, %min3A_779 : vector<512x512xf32>
    %slice3A_781 = vector.extract_strided_slice %sub3A_28 {offsets = [0, 3584], sizes = [1, 512], strides = [1, 1]} : vector<1x4096xf32> to vector<1x512xf32>
    %max3A_782 = vector.broadcast %sub3A_759 : vector<512x1xf32> to vector<512x512xf32>
    %max3A_783 = vector.broadcast %slice3A_781 : vector<1x512xf32> to vector<512x512xf32>
    %max3A_784 = arith.maximumf %max3A_782, %max3A_783 : vector<512x512xf32>
    %sub3A_785 = arith.subf %min3A_780, %max3A_784 : vector<512x512xf32>
    %jit3A_786 = arith.constant 0.000000e+00 : f32
    %max3A_787 = vector.broadcast %jit3A_786 : f32 to vector<512x512xf32>
    %max3A_788 = arith.maximumf %max3A_787, %sub3A_785 : vector<512x512xf32>
    %mul3A_789 = arith.mulf %max3A_776, %max3A_788 : vector<512x512xf32>
    %slice3A_790 = vector.extract_strided_slice %mul3A_45 {offsets = [0, 3584], sizes = [1, 512], strides = [1, 1]} : vector<1x4096xf32> to vector<1x512xf32>
    %add3A_791 = vector.broadcast %mul3A_764 : vector<512x1xf32> to vector<512x512xf32>
    %add3A_792 = vector.broadcast %slice3A_790 : vector<1x512xf32> to vector<512x512xf32>
    %add3A_793 = arith.addf %add3A_791, %add3A_792 : vector<512x512xf32>
    %sub3A_794 = arith.subf %add3A_793, %mul3A_789 : vector<512x512xf32>
    %jit3A_795 = arith.constant 9.99999993E-9 : f32
    %max3A_796 = vector.broadcast %jit3A_795 : f32 to vector<512x512xf32>
    %max3A_797 = arith.maximumf %max3A_796, %sub3A_794 : vector<512x512xf32>
    %div3A_798 = arith.divf %mul3A_789, %max3A_797 : vector<512x512xf32>
    %iota3A_799 = tpu.iota {dimensions = array<i32: 0>} : vector<512x1xi32>
    %gt3A_800 = arith.constant 1.000000e-01 : f32
    %gt3A_801 = vector.broadcast %gt3A_800 : f32 to vector<512x512xf32>
    %gt3A_802 = arith.cmpf ogt, %div3A_798, %gt3A_801 : vector<512x512xf32>
    %slice3A_803 = vector.extract_strided_slice %iota3A {offsets = [0, 3584], sizes = [1, 512], strides = [1, 1]} : vector<1x4096xi32> to vector<1x512xi32>
    %sub3A_804 = arith.constant 3584 : i32
    %sub3A_805 = vector.broadcast %sub3A_804 : i32 to vector<1x512xi32>
    %sub3A_806 = arith.subi %slice3A_803, %sub3A_805 : vector<1x512xi32>
    %gt3A_807 = vector.broadcast %sub3A_806 : vector<1x512xi32> to vector<512x512xi32>
    %gt3A_808 = vector.broadcast %iota3A_799 : vector<512x1xi32> to vector<512x512xi32>
    %gt3A_809 = arith.cmpi sgt, %gt3A_807, %gt3A_808 : vector<512x512xi32>
    %and3A_810 = arith.andi %gt3A_802, %gt3A_809 : vector<512x512xi1>
    %convert_element_type3A_811 = arith.extui %and3A_810 : vector<512x512xi1> to vector<512x512xi32>
    %convert_element_type3A_812 = arith.sitofp %convert_element_type3A_811 : vector<512x512xi32> to vector<512x512xf32>
    %get3A_813 = arith.constant 0 : index
    %get3A_814 = arith.constant 3584 : index
    %get3A_815 = vector.load %arg9[%get3A_813, %get3A_814] : memref<1x4096xf32, #tpu.memory_space<vmem>>, vector<1x512xf32>
    %while3A_816 = arith.constant true
    %while3A_817 = arith.constant 0 : i32
    %while3A_818:3 = scf.while (%while3A_842 = %get3A_815, %while3A_843 = %while3A_816, %while3A_844 = %while3A_817) : (vector<1x512xf32>, i1, i32) -> (vector<1x512xf32>, i1, i32) {
      %lt3A_845 = arith.constant 512 : i32
      %lt3A_846 = arith.cmpi slt, %while3A_844, %lt3A_845 : i32
      %and3A_847 = arith.andi %while3A_843, %lt3A_846 : i1
      scf.condition(%and3A_847) %while3A_842, %while3A_843, %while3A_844 : vector<1x512xf32>, i1, i32
    } do {
    ^bb0(%while3A_842: vector<1x512xf32>, %while3A_843: i1, %while3A_844: i32):
      %dot_general3A_845 = arith.constant dense<0.000000e+00> : vector<1x512xf32>
      %dot_general3A_846 = tpu.matmul %while3A_842, %convert_element_type3A_812, %dot_general3A_845 {dimension_numbers = #tpu.dot_dimension_numbers<[1], [0], [0], [1], [0, 0, 1, 1], [], []>, transpose_lhs_hint = false} : vector<1x512xf32>, vector<512x512xf32>, vector<1x512xf32> -> vector<1x512xf32>
      %lt3A_847 = arith.constant 5.000000e-01 : f32
      %lt3A_848 = vector.broadcast %lt3A_847 : f32 to vector<1x512xf32>
      %lt3A_849 = arith.cmpf olt, %dot_general3A_846, %lt3A_848 : vector<1x512xf32>
      %convert_element_type3A_850 = arith.extui %lt3A_849 : vector<1x512xi1> to vector<1x512xi32>
      %convert_element_type3A_851 = arith.sitofp %convert_element_type3A_850 : vector<1x512xi32> to vector<1x512xf32>
      %mul3A_852 = arith.mulf %get3A_815, %convert_element_type3A_851 : vector<1x512xf32>
      %dot_general3A_853 = arith.constant dense<0.000000e+00> : vector<1x512xf32>
      %dot_general3A_854 = tpu.matmul %mul3A_852, %convert_element_type3A_812, %dot_general3A_853 {dimension_numbers = #tpu.dot_dimension_numbers<[1], [0], [0], [1], [0, 0, 1, 1], [], []>, transpose_lhs_hint = false} : vector<1x512xf32>, vector<512x512xf32>, vector<1x512xf32> -> vector<1x512xf32>
      %lt3A_855 = arith.constant 5.000000e-01 : f32
      %lt3A_856 = vector.broadcast %lt3A_855 : f32 to vector<1x512xf32>
      %lt3A_857 = arith.cmpf olt, %dot_general3A_854, %lt3A_856 : vector<1x512xf32>
      %convert_element_type3A_858 = arith.extui %lt3A_857 : vector<1x512xi1> to vector<1x512xi32>
      %convert_element_type3A_859 = arith.sitofp %convert_element_type3A_858 : vector<1x512xi32> to vector<1x512xf32>
      %mul3A_860 = arith.mulf %get3A_815, %convert_element_type3A_859 : vector<1x512xf32>
      %ne3A = arith.cmpf one, %mul3A_860, %while3A_842 : vector<1x512xf32>
      %reduce_or3A = arith.constant 1.000000e+00 : f32
      %reduce_or3A_861 = arith.constant 0.000000e+00 : f32
      %reduce_or3A_862 = vector.broadcast %reduce_or3A : f32 to vector<1x512xf32>
      %reduce_or3A_863 = vector.broadcast %reduce_or3A_861 : f32 to vector<1x512xf32>
      %reduce_or3A_864 = arith.select %ne3A, %reduce_or3A_862, %reduce_or3A_863 : vector<1x512xi1>, vector<1x512xf32>
      %reduce_or3A_865 = vector.shape_cast %reduce_or3A_864 : vector<1x512xf32> to vector<1x1x512xf32>
      %reduce_or3A_866 = arith.constant dense<0xFF800000> : vector<1xf32>
      %reduce_or3A_867 = vector.multi_reduction <maximumf>, %reduce_or3A_865, %reduce_or3A_866 [1, 2] : vector<1x1x512xf32> to vector<1xf32>
      %reduce_or3A_868 = vector.shape_cast %reduce_or3A_867 : vector<1xf32> to vector<1x1x1xf32>
      %reduce_or3A_869 = vector.extract %reduce_or3A_868[0, 0, 0] : f32 from vector<1x1x1xf32>
      %reduce_or3A_870 = arith.constant 0.000000e+00 : f32
      %reduce_or3A_871 = arith.cmpf ogt, %reduce_or3A_869, %reduce_or3A_870 : f32
      %add3A_872 = arith.constant 1 : i32
      %add3A_873 = arith.addi %while3A_844, %add3A_872 : i32
      scf.yield %mul3A_860, %reduce_or3A_871, %add3A_873 : vector<1x512xf32>, i1, i32
    }
    %swap3A_819 = arith.constant 0 : index
    %swap3A_820 = arith.constant 3584 : index
    %swap3A_821 = vector.load %arg9[%swap3A_819, %swap3A_820] : memref<1x4096xf32, #tpu.memory_space<vmem>>, vector<1x512xf32>
    tpu.vector_store %arg9[%swap3A_819, %swap3A_820], %while3A_818#0 {strides = array<i32>} : memref<1x4096xf32, #tpu.memory_space<vmem>>, vector<1x512xf32>,
    %dot_general3A_822 = arith.constant dense<0.000000e+00> : vector<1x512xf32>
    %dot_general3A_823 = tpu.matmul %while3A_818#0, %convert_element_type3A_812, %dot_general3A_822 {dimension_numbers = #tpu.dot_dimension_numbers<[1], [0], [0], [1], [0, 0, 1, 1], [], []>, transpose_lhs_hint = false} : vector<1x512xf32>, vector<512x512xf32>, vector<1x512xf32> -> vector<1x512xf32>
    %get3A_824 = arith.constant 0 : index
    %get3A_825 = arith.constant 3584 : index
    %get3A_826 = vector.load %arg9[%get3A_824, %get3A_825] : memref<1x4096xf32, #tpu.memory_space<vmem>>, vector<1x512xf32>
    %lt3A_827 = arith.constant 5.000000e-01 : f32
    %lt3A_828 = vector.broadcast %lt3A_827 : f32 to vector<1x512xf32>
    %lt3A_829 = arith.cmpf olt, %dot_general3A_823, %lt3A_828 : vector<1x512xf32>
    %convert_element_type3A_830 = arith.extui %lt3A_829 : vector<1x512xi1> to vector<1x512xi32>
    %convert_element_type3A_831 = arith.sitofp %convert_element_type3A_830 : vector<1x512xi32> to vector<1x512xf32>
    %mul3A_832 = arith.mulf %get3A_826, %convert_element_type3A_831 : vector<1x512xf32>
    %swap3A_833 = arith.constant 0 : index
    %swap3A_834 = arith.constant 3584 : index
    %swap3A_835 = vector.load %arg9[%swap3A_833, %swap3A_834] : memref<1x4096xf32, #tpu.memory_space<vmem>>, vector<1x512xf32>
    tpu.vector_store %arg9[%swap3A_833, %swap3A_834], %mul3A_832 {strides = array<i32>} : memref<1x4096xf32, #tpu.memory_space<vmem>>, vector<1x512xf32>,
    %get3A_836 = arith.constant 0 : index
    %get3A_837 = arith.constant 0 : index
    %get3A_838 = vector.load %arg9[%get3A_836, %get3A_837] : memref<1x4096xf32, #tpu.memory_space<vmem>>, vector<1x4096xf32>
    %swap3A_839 = arith.constant 0 : index
    %swap3A_840 = arith.constant 0 : index
    %swap3A_841 = vector.load %arg8[%swap3A_839, %swap3A_840] : memref<1x4096xf32, #tpu.memory_space<vmem>>, vector<1x4096xf32>
    tpu.vector_store %arg8[%swap3A_839, %swap3A_840], %get3A_838 {strides = array<i32>} : memref<1x4096xf32, #tpu.memory_space<vmem>>, vector<1x4096xf32>,
    return
  }
}

</mosaic_0001>

<sc_bundles>
// kernel: kernel.6.cloned.1.call-start
scs
__scs_entry_jumppad:
0x0: {  	(pc) =	sbr.rel $0x88, $3  }
0x1: {  	(tag) =	ssettag $0x0;
	lr =	simm.s32 $0x1  }
0x2: {  	[smem:$0x3F9E] =	sst lr;
	_ =	strace $0xD0000000  }
0x3: {  	_ = 	snop  }
0x4: {  	_ = 	snop  }
0x5: {  	_ = 	snop  }
0x6: {  	_ = 	snop  }
0x7: {  	_ = 	snop  }
__scs_overlays_trampoline_lowered:
0x8: {  	[smem:$0x3FAD] =	sst s0  }
0x9: {  	[smem:$0x3FAE] =	sst s1  }
0xa: {  	[smem:$0x3FAF] =	sst s2  }
0xb: {  	[smem:$0x3FB0] =	sst s3  }
0xc: {  	[smem:$0x3FB1] =	sst s4  }
0xd: {  	[smem:$0x3FB2] =	sst s5  }
0xe: {  	[smem:$0x3FB3] =	sst s6  }
0xf: {  	[smem:$0x3FB4] =	sst s7  }
0x10: {  	[smem:$0x3FB5] =	sst s8  }
0x11: {  	[smem:$0x3FB6] =	sst s9;
	s0 =	simm.s32 @!p0 $0x0  }
0x12: {  	s1 =	sld [smem:$0x3F9C];
	s0 =	simm.s32 @p0 $0x1  }
0x13: {  	[smem:$0x3FB7] =	sst s0;
	s0 =	simm.s32 @!p1 $0x0  }
0x14: {  	s2 =	sld [smem:$0x3F9B];
	s0 =	simm.s32 @p1 $0x1  }
0x15: {  	[smem:$0x3FB8] =	sst s0;
	s0 =	simm.s32 @!p2 $0x0  }
0x16: {  	s3 =	sld [smem:$0x3FDB];
	s0 =	simm.s32 @p2 $0x1  }
0x17: {  	s4 =	simm.s32 $0x1BF5;
	[smem:$0x3FBA] =	sst s0  }
0x18: {  	s0 =	sld [smem:$0x3F9D];
	_ =	swait.ge [sflag:s4], $0x0  }
0x19: {  	s7 =	sld [smem:$0x3F9E]  }
0x1a: {  	s8 =	sadd.s32 $0xFFFFE003, lr  }
0x1b: {  	s9 =	sadd.s32 $0xFFFFFEF7, lr;
	s5 =	simm.s32 $0xFFFFFFFF;
	p2 =	slt.u32 s8, $0xFFFFF086  }
0x1c: {  	p1 =	slt.u32 s9, $0xF7A;
	s5 =	simm.s32 @!p2 $0x0  }
0x1d: {  	s5 =	simm.s32 @p1 $0x1;
	p0 =	seq.s32 s7, s2  }
0x1e: {  	s7 =	smul.u32 @!p0 $0xF7A, s2;
	p2 =	seq.s32 @!p0 s5, $0x0  }
0x1f: {  	s9 =	smul.u32 $0xF7A, s1;
	s8 =	simm.s32 @!p0 $0x1BF5;
	p2 =	por !p2, p0  }
0x20: {  	[sflag:s8] =	ssyncset.s32 @!p0 $0xFFFFF086;
	s6 =	sadd.s32 @!p0 s3, s7;
	s7 =	simm.s32 @!p0 $0x108  }
0x21: {  	s3 =	sadd.s32 s3, s9;
	s6 =	sadd.s32 @!p0 $0x88, s6;
	s7 =	simm.s32 @p2 $0x1082  }
0x22: {  	[simem:s7], [sflag:s8] =	dma.local @!p0 [hbm:s6], $0xF7A  }
0x23: {  	s9 =	sor.u32 $0xD0000000, s2;
	s6 =	simm.s32 $0x108;
	_ =	swait.ge @!p0 [sflag:s8], $0x0  }
0x24: {  	s3 =	sadd.s32 $0x88, s3;
	s6 =	simm.s32 @!p1 $0x1082;
	[sflag:s4] =	ssyncset.s32 $0xFFFFF086  }
0x25: {  	[simem:s6], [sflag:s4] =	dma.local [hbm:s3], $0xF7A  }
0x26: {  	[smem:$0x3F9E] =	sst s1;
	(tag) =	ssettag s2;
	_ =	strace s9  }
0x27: {  	s1 =	sld [smem:$0x3FAE]  }
0x28: {  	s2 =	sld [smem:$0x3FAF]  }
0x29: {  	s4 =	sld [smem:$0x3FB1]  }
0x2a: {  	p0 =	seq.s32 s5, $0x0;
	s5 =	sld [smem:$0x3FB2]  }
0x2b: {  	s6 =	sld [smem:$0x3FB3]  }
0x2c: {  	s7 =	sld [smem:$0x3FB4]  }
0x2d: {  	s3 =	simm.s32 $0x108;
	s8 =	sld [smem:$0x3FB5]  }
0x2e: {  	s3 =	simm.s32 @!p0 $0x1082;
	s9 =	sld [smem:$0x3FB6]  }
0x2f: {  	lr =	sadd.s32 s0, s3;
	s0 =	sld [smem:$0x3FAD]  }
0x30: {  	s3 =	sld [smem:$0x3FB0]  }
0x31: {  	[smem:$0x3FB9] =	sst s10  }
0x32: {  	s10 =	sld [smem:$0x3FB7];
	_ =	sdelay $0x3  }
0x33: {  	p0 =	seq.s32 s10, $0x1;
	s10 =	sld [smem:$0x3FB9];
	_ =	sdelay $0x3  }
0x34: {  	[smem:$0x3FB9] =	sst s10  }
0x35: {  	s10 =	sld [smem:$0x3FB8];
	_ =	sdelay $0x3  }
0x36: {  	p1 =	seq.s32 s10, $0x1;
	s10 =	sld [smem:$0x3FB9];
	_ =	sdelay $0x3  }
0x37: {  	[smem:$0x3FB9] =	sst s10  }
0x38: {  	s10 =	sld [smem:$0x3FBA]  }
0x39: {  	_ = 	snop;
	(pc) =	sbr.ind lr, $3  }
0x3a: {  	_ = 	snop  }
0x3b: {  	_ = 	snop  }
0x3c: {  	p2 =	seq.s32 s10, $0x1;
	s10 =	sld [smem:$0x3FB9]  }
0x3d: {  	_ =	shalt  }
0x3e: {  	_ =	shalt  }
0x3f: {  	_ =	shalt  }
0x40: {  	_ =	shalt  }
0x41: {  	_ =	shalt  }
0x42: {  	_ =	shalt  }
0x43: {  	_ =	shalt  }
0x44: {  	_ =	shalt  }
0x45: {  	_ =	shalt  }
0x46: {  	_ =	shalt  }
0x47: {  	_ =	shalt  }
0x48: {  	_ =	shalt  }
0x49: {  	_ =	shalt  }
0x4a: {  	_ =	shalt  }
0x4b: {  	_ =	shalt  }
0x4c: {  	_ =	shalt  }
0x4d: {  	_ =	shalt  }
0x4e: {  	_ =	shalt  }
0x4f: {  	_ =	shalt  }
0x50: {  	_ =	shalt  }
0x51: {  	_ =	shalt  }
0x52: {  	_ =	shalt  }
0x53: {  	_ =	shalt  }
0x54: {  	_ =	shalt  }
0x55: {  	_ =	shalt  }
0x56: {  	_ =	shalt  }
0x57: {  	_ =	shalt  }
0x58: {  	_ =	shalt  }
0x59: {  	_ =	shalt  }
0x5a: {  	_ =	shalt  }
0x5b: {  	_ =	shalt  }
0x5c: {  	_ =	shalt  }
0x5d: {  	_ =	shalt  }
0x5e: {  	_ =	shalt  }
0x5f: {  	_ =	shalt  }
0x60: {  	_ =	shalt  }
0x61: {  	_ =	shalt  }
0x62: {  	_ =	shalt  }
0x63: {  	_ =	shalt  }
0x64: {  	_ =	shalt  }
0x65: {  	_ =	shalt  }
0x66: {  	_ =	shalt  }
0x67: {  	_ =	shalt  }
0x68: {  	_ =	shalt  }
0x69: {  	_ =	shalt  }
0x6a: {  	_ =	shalt  }
0x6b: {  	_ =	shalt  }
0x6c: {  	_ =	shalt  }
0x6d: {  	_ =	shalt  }
0x6e: {  	_ =	shalt  }
0x6f: {  	_ =	shalt  }
0x70: {  	_ =	shalt  }
0x71: {  	_ =	shalt  }
0x72: {  	_ =	shalt  }
0x73: {  	_ =	shalt  }
0x74: {  	_ =	shalt  }
0x75: {  	_ =	shalt  }
0x76: {  	_ =	shalt  }
0x77: {  	_ =	shalt  }
0x78: {  	_ =	shalt  }
0x79: {  	_ =	shalt  }
0x7a: {  	_ =	shalt  }
0x7b: {  	_ =	shalt  }
0x7c: {  	_ =	shalt  }
0x7d: {  	_ =	shalt  }
0x7e: {  	_ =	shalt  }
0x7f: {  	_ =	shalt  }
0x80: {  	_ =	shalt  }
0x81: {  	_ =	shalt  }
0x82: {  	_ =	shalt  }
0x83: {  	_ =	shalt  }
0x84: {  	_ =	shalt  }
0x85: {  	_ =	shalt  }
0x86: {  	_ =	shalt  }
0x87: {  	_ =	shalt  }
.Lfunc_end0:
.L_simem_size_0:
called_computation_lowered:
.L_overlay_start_0:
0x88: {  	s2 =	sld [smem:$0x3FD9]  }
0x89: {  	s3 =	sld [smem:$0x3FFE];
	_ =	sdelay $0x1  }
0x8a: {  	s1 =	srdreg.scid  }
0x8b: {  	s0 =	sand.u32 $0x1, s1  }
0x8c: {  	s16 =	sshll.u32 s0, $0xA;
	s2 =	sadd.s32 s3, s2  }
0x8d: {  	s2 =	sadd.s32 s2, s16  }
0x8e: {  	[smem:$0x3FC5] =	sst s2  }
0x8f: {  	_ = 	snop  }
0x90: {  	(tm) =	ssettm $0x1  }
0x91: {  	s17 =	sld [smem:$0x3FFB];
	_ =	sdelay $0x3  }
0x92: {  	_ =	strace s17  }
0x93: {  	s2 =	sld [smem:$0x3FFC];
	_ =	sdelay $0x3  }
0x94: {  	_ =	strace s2  }
0x95: {  	s2 =	sld [smem:$0x3FFD];
	_ =	sdelay $0x3  }
0x96: {  	_ =	strace s2  }
0x97: {  	_ =	strace $0x8FFFFFFF  }
0x98: {  	s18 =	sld [smem:$0x3FDB];
	_ =	sdelay $0x1  }
0x99: {  	s19 =	simm.s32 $_scs_section_size  }
0x9a: {  	s4 =	simm.s32 $_size__tile_overlayer_lowered;
	s5 =	simm.s32 $_tile_overlayer_lowered  }
0x9b: {  	s22 =	simm.s32 $0x1BFF;
	s21 =	sshll.u32 s5, $0x1;
	s2 =	sadd.s32 s19, s18  }
0x9c: {  	s6 =	simm.s32 $0x0;
	s20 =	sshll.u32 s4, $0x1;
	s4 =	sadd.s32 s21, s2  }
0x9d: {  	[timem:s6], [sflag:s22] =	dma.local [hbm:s4], s20  }
0x9e: {  	_ =	swait.ge [sflag:s22], s20  }
0x9f: {  	s3 =	ssub.s32 $0x0, s20;
	[sflag:s22] =	ssyncset.done $0x0  }
0xa0: {  	[sflag:s22] =	ssyncadd.s32 s3;
	_ =	sdelay $0x1  }
0xa1: {  	s23 =	simm.s32 $0x1B8B  }
0xa2: {  	_ =	swait.ge [sflag:s23], $0x1  }
0xa3: {  	[sflag:s23] =	ssyncset.done $0x0  }
0xa4: {  	s25 =	simm.s32 $0x1B8E;
	s24 =	sld [smem:$0x3FFE];
	[sflag:s23] =	ssyncadd.s32 $0xFFFFFFFF  }
0xa5: {  	s26 =	simm.s32 $execute0_lowered;
	[smem:$0x3FD2] =	sst s25  }
0xa6: {  	s4 =	sshll.u32 s26, $0x1;
	_ =	strace $0x80000046;
	[dreg:$0x1] =	wrdreg $0xFFFFFFFF  }
0xa7: {  	s28 =	simm.s32 $_size_execute0_lowered;
	s2 =	sadd.s32 s2, s4;
	[dreg:$0x0] =	wrdreg $0x0  }
0xa8: {  	s4 =	sshll.u32 s28, $0x1;
	[dreg:$0x2] =	wrdreg s2  }
0xa9: {  	[dreg:$0x3] =	wrdreg s4  }
0xaa: {  	[dreg:$0x4] =	wrdreg $0xC0  }
0xab: {  	_ =	task [dreg:s6], $0x5FFFF  }
0xac: {  	[dreg:$0x1] =	wrdreg $0xFFFFFFFF  }
0xad: {  	[dreg:$0x0] =	wrdreg $0x60  }
0xae: {  	[dreg:$0x2] =	wrdreg s24  }
0xaf: {  	[dreg:$0x3] =	wrdreg $0x9  }
0xb0: {  	_ =	task.clear_ibuf [dreg:s6], $0x4FFFF;
	_ =	strace $0x90000046  }
0xb1: {  	s29 =	simm.s32 $0x9;
	_ =	strace $0x80000048  }
0xb2: {  	_ =	swait.ge [sflag:s29], $0x1  }
0xb3: {  	[sflag:s29] =	ssyncadd.s32 $0xFFFFFFFF  }
0xb4: {  	_ =	strace $0x90000048  }
0xb5: {  	_ =	sfence  }
0xb6: {  	s30 =	sld [smem:$0x0];
	_ =	sdelay $0x2  }
0xb7: {  	s31 =	sshll.u32 s1, $0xD;
	s1 =	sshrl.u32 s1, $0x2  }
0xb8: {  	s3 =	sand.u32 $0x4000, s31;
	s1 =	sadd.s32 s1, s30  }
0xb9: {  	s0 =	sor.u32 s3, s0;
	s1 =	sshll.u32 s1, $0x11  }
0xba: {  	s0 =	sor.u32 s1, s0  }
0xbb: {  	s0 =	sadd.s32 $0x8F2B, s0  }
0xbc: {  	[sflag:s0] =	ssyncadd.remote.s32 $0x1  }
0xbd: {  	_ =	sfence.sel $0xFFFF  }
0xbe: {  	[dreg:$0x0] =	wrdreg $0xFFFFFFFF;
	(pc) =	sbr.abs _section_cstart, $3  }
0xbf: {  	[dreg:$0x1] =	wrdreg $0xFFFFFFFF  }
0xc0: {  	_ =	task.clear_ibuf [dreg:s6], $0x2FFFF;
	_ =	strace $0x9FFFFFFF  }
0xc1: {  	(tm) =	ssettm $0x7FFFFFFF  }
tec
execute0_lowered:
.L_overlay_start_1:
0x0: {  	(tag) =	ssettag $0x1  }
0x1: {  	s1 =	srdreg.scid  }
0x2: {  	s0 =	stileid.u32;
	s6 =	sand.u32 $0x1, s1  }
0x3: {  	s31 =	sshll.u32 s0, $0x8;
	s3 =	sshll.u32 s6, $0x7  }
0x4: {  	s2 =	rddreg [dreg:$0x0];
	s8 =	sor.u32 s3, s31  }
0x5: {  	s1 =	rddreg [dreg:$0x1];
	s3 =	simm.s32 $0x0;
	s4 =	sshrl.u32 s8, $0x3  }
0x6: {  	s9 =	ssub.s32 $0x2, s6;
	[smem:$0x7FF] =	sst s3;
	s4 =	sadd.s32 s4, s2  }
0x7: {  	_ =	strace $0x80000047;
	s5 =	sadd.s32 $0x5000, s4;
	s4 =	simm.s32 $0x2  }
0x8: {  	[tilespmem:s3], [sflag:$0x2] =	stream.linear.gather [hbm4b:s5+s3], $0x80, $0x38;
	[tilespmem:$0x480] =	vst v63  }
0x9: {  	s10 =	sshrl.u32 s9, $0x1;
	_ =	swait.ge [sflag:s4], $0x80  }
0xa: {  	s7 =	simm.s32 $0x1;
	s9 =	ssub.s32 s9, s10;
	[sflag:s4] =	ssyncset.done $0x0  }
0xb: {  	s6 =	simm.s32 $0x80;
	s9 =	smax.u32 s9, $0x1;
	[sflag:s4] =	ssyncadd.s32 $0xFFFFFF80  }
0xc: {  	[tilespmem:s6], [sflag:$0x1] =	stream.indirect.gather [hbm4b:s2+s6], $0x8, s3, s6, $0xb8;
	[tilespmem:$0x480] =	vst v63  }
0xd: {  	p0 =	sne.s32 s9, $0x1;
	_ =	swait.ge [sflag:s7], $0x400  }
.Ltmp0:
0xe: {  	s8 =	sadd.s32 s8, s2;
	[sflag:s7] =	ssyncset.done $0x0;
	(pc) =	sbr.rel @!p0 .LBB2_2-.Ltmp0, $4  }
0xf: {  	s8 =	sadd.s32 $0x5200, s8;
	[sflag:s7] =	ssyncadd.s32 $0xFFFFFC00  }
0x10: {  	[hbm4b:s8+s3] =	stream.linear.scatter [tilespmem:s6], [sflag:$0x2], $0x400, $0x38;
	[tilespmem:$0x480] =	vst v63  }
0x11: {  	_ =	swait.ge [sflag:s4], $0x400  }
0x12: {  	s9 =	sadd.s32 $0xFFFFFFFF, s9;
	[sflag:s4] =	ssyncset.done $0x0  }
.LBB2_1:
0x13: {  	p0 =	sne.s32 s9, $0x1;
	s9 =	sadd.s32 $0xFFFFFFFF, s9;
	[sflag:s4] =	ssyncadd.s32 $0xFFFFFC00  }
0x14: {  	[tilespmem:s3], [sflag:$0x2] =	stream.linear.gather [hbm4b:s5+s3], $0x80, $0x38;
	[tilespmem:$0x480] =	vst v63  }
0x15: {  	_ =	swait.ge [sflag:s4], $0x80  }
0x16: {  	[sflag:s4] =	ssyncset.done $0x0  }
0x17: {  	[sflag:s4] =	ssyncadd.s32 $0xFFFFFF80  }
0x18: {  	[tilespmem:s6], [sflag:$0x1] =	stream.indirect.gather [hbm4b:s2+s6], $0x8, s3, s6, $0xb8;
	[tilespmem:$0x480] =	vst v63  }
0x19: {  	_ =	swait.ge [sflag:s7], $0x400  }
.Ltmp1:
0x1a: {  	[sflag:s7] =	ssyncset.done $0x0;
	(pc) =	sbr.rel @p0 .LBB2_1-.Ltmp1, $4  }
0x1b: {  	[sflag:s7] =	ssyncadd.s32 $0xFFFFFC00  }
0x1c: {  	[hbm4b:s8+s3] =	stream.linear.scatter [tilespmem:s6], [sflag:$0x2], $0x400, $0x38;
	[tilespmem:$0x480] =	vst v63  }
0x1d: {  	_ =	swait.ge [sflag:s4], $0x400  }
0x1e: {  	[sflag:s4] =	ssyncset.done $0x0  }
.LBB2_2:
0x1f: {  	[sflag:s4] =	ssyncadd.s32 $0xFFFFFC00  }
0x20: {  	_ =	sfence.sel $0x180000  }
0x21: {  	[bflag:$0x0] =	sbarrier.arrive $0xFFFF  }
0x22: {  	p0 =	sne.s32 s0, $0x0;
	_ =	strace $0x90000047  }
0x23: {  	s0 =	sadd.s32 @!p0 $0x100000, s1;
	[bflag:$0x2] =	sbarrier.arrive $0xFFFF  }
0x24: {  	[sflag:s0] =	ssyncadd.tile.s32 @!p0 $0x1;
	_ =	shalt  }
.Lfunc_end2:
_tile_overlayer_lowered:
.L_overlay_start_2:
0x25: {  	(tag) =	ssettag $0x2  }
0x26: {  	s0 =	rddreg [dreg:$0x0];
	s2 =	stileid.u32  }
0x27: {  	s1 =	rddreg [dreg:$0x1];
	p0 =	sne.s32 s2, $0x0  }
0x28: {  	s3 =	rddreg [dreg:$0x2];
	[bflag:$0x3] =	sbarrier.arrive $0xFFFF;
	s2 =	simm.s32 @!p0 $0x1C02  }
0x29: {  	[timem:s3], [sflag:s2] =	dma.local @!p0 [hbm:s0], s1  }
0x2a: {  	s0 =	simm.s32 @!p0 $0x2  }
0x2b: {  	_ =	swait.ge @!p0 [sflag:s0], s1  }
0x2c: {  	s1 =	ssub.s32 @!p0 $0x0, s1;
	[sflag:s0] =	ssyncset.done @!p0 $0x0  }
0x2d: {  	[sflag:s0] =	ssyncadd.s32 @!p0 s1  }
0x2e: {  	[bflag:$0x3] =	sbarrier.arrive $0xFFFF  }
0x2f: {  	_ =	shalt  }

// kernel: kernel.9.cloned.1.call-start
scs
__scs_entry_jumppad:
0x0: {  	(pc) =	sbr.rel $0x88, $3  }
0x1: {  	(tag) =	ssettag $0x0;
	lr =	simm.s32 $0x1  }
0x2: {  	[smem:$0x3F9E] =	sst lr;
	_ =	strace $0xD0000000  }
0x3: {  	_ = 	snop  }
0x4: {  	_ = 	snop  }
0x5: {  	_ = 	snop  }
0x6: {  	_ = 	snop  }
0x7: {  	_ = 	snop  }
__scs_overlays_trampoline_lowered:
0x8: {  	[smem:$0x3FAD] =	sst s0  }
0x9: {  	[smem:$0x3FAE] =	sst s1  }
0xa: {  	[smem:$0x3FAF] =	sst s2  }
0xb: {  	[smem:$0x3FB0] =	sst s3  }
0xc: {  	[smem:$0x3FB1] =	sst s4  }
0xd: {  	[smem:$0x3FB2] =	sst s5  }
0xe: {  	[smem:$0x3FB3] =	sst s6  }
0xf: {  	[smem:$0x3FB4] =	sst s7  }
0x10: {  	[smem:$0x3FB5] =	sst s8  }
0x11: {  	[smem:$0x3FB6] =	sst s9;
	s0 =	simm.s32 @!p0 $0x0  }
0x12: {  	s1 =	sld [smem:$0x3F9C];
	s0 =	simm.s32 @p0 $0x1  }
0x13: {  	[smem:$0x3FB7] =	sst s0;
	s0 =	simm.s32 @!p1 $0x0  }
0x14: {  	s2 =	sld [smem:$0x3F9B];
	s0 =	simm.s32 @p1 $0x1  }
0x15: {  	[smem:$0x3FB8] =	sst s0;
	s0 =	simm.s32 @!p2 $0x0  }
0x16: {  	s3 =	sld [smem:$0x3FDB];
	s0 =	simm.s32 @p2 $0x1  }
0x17: {  	s4 =	simm.s32 $0x1BF5;
	[smem:$0x3FBA] =	sst s0  }
0x18: {  	s0 =	sld [smem:$0x3F9D];
	_ =	swait.ge [sflag:s4], $0x0  }
0x19: {  	s7 =	sld [smem:$0x3F9E]  }
0x1a: {  	s8 =	sadd.s32 $0xFFFFE003, lr  }
0x1b: {  	s9 =	sadd.s32 $0xFFFFFEF7, lr;
	s5 =	simm.s32 $0xFFFFFFFF;
	p2 =	slt.u32 s8, $0xFFFFF086  }
0x1c: {  	p1 =	slt.u32 s9, $0xF7A;
	s5 =	simm.s32 @!p2 $0x0  }
0x1d: {  	s5 =	simm.s32 @p1 $0x1;
	p0 =	seq.s32 s7, s2  }
0x1e: {  	s7 =	smul.u32 @!p0 $0xF7A, s2;
	p2 =	seq.s32 @!p0 s5, $0x0  }
0x1f: {  	s9 =	smul.u32 $0xF7A, s1;
	s8 =	simm.s32 @!p0 $0x1BF5;
	p2 =	por !p2, p0  }
0x20: {  	[sflag:s8] =	ssyncset.s32 @!p0 $0xFFFFF086;
	s6 =	sadd.s32 @!p0 s3, s7;
	s7 =	simm.s32 @!p0 $0x108  }
0x21: {  	s3 =	sadd.s32 s3, s9;
	s6 =	sadd.s32 @!p0 $0x88, s6;
	s7 =	simm.s32 @p2 $0x1082  }
0x22: {  	[simem:s7], [sflag:s8] =	dma.local @!p0 [hbm:s6], $0xF7A  }
0x23: {  	s9 =	sor.u32 $0xD0000000, s2;
	s6 =	simm.s32 $0x108;
	_ =	swait.ge @!p0 [sflag:s8], $0x0  }
0x24: {  	s3 =	sadd.s32 $0x88, s3;
	s6 =	simm.s32 @!p1 $0x1082;
	[sflag:s4] =	ssyncset.s32 $0xFFFFF086  }
0x25: {  	[simem:s6], [sflag:s4] =	dma.local [hbm:s3], $0xF7A  }
0x26: {  	[smem:$0x3F9E] =	sst s1;
	(tag) =	ssettag s2;
	_ =	strace s9  }
0x27: {  	s1 =	sld [smem:$0x3FAE]  }
0x28: {  	s2 =	sld [smem:$0x3FAF]  }
0x29: {  	s4 =	sld [smem:$0x3FB1]  }
0x2a: {  	p0 =	seq.s32 s5, $0x0;
	s5 =	sld [smem:$0x3FB2]  }
0x2b: {  	s6 =	sld [smem:$0x3FB3]  }
0x2c: {  	s7 =	sld [smem:$0x3FB4]  }
0x2d: {  	s3 =	simm.s32 $0x108;
	s8 =	sld [smem:$0x3FB5]  }
0x2e: {  	s3 =	simm.s32 @!p0 $0x1082;
	s9 =	sld [smem:$0x3FB6]  }
0x2f: {  	lr =	sadd.s32 s0, s3;
	s0 =	sld [smem:$0x3FAD]  }
0x30: {  	s3 =	sld [smem:$0x3FB0]  }
0x31: {  	[smem:$0x3FB9] =	sst s10  }
0x32: {  	s10 =	sld [smem:$0x3FB7];
	_ =	sdelay $0x3  }
0x33: {  	p0 =	seq.s32 s10, $0x1;
	s10 =	sld [smem:$0x3FB9];
	_ =	sdelay $0x3  }
0x34: {  	[smem:$0x3FB9] =	sst s10  }
0x35: {  	s10 =	sld [smem:$0x3FB8];
	_ =	sdelay $0x3  }
0x36: {  	p1 =	seq.s32 s10, $0x1;
	s10 =	sld [smem:$0x3FB9];
	_ =	sdelay $0x3  }
0x37: {  	[smem:$0x3FB9] =	sst s10  }
0x38: {  	s10 =	sld [smem:$0x3FBA]  }
0x39: {  	_ = 	snop;
	(pc) =	sbr.ind lr, $3  }
0x3a: {  	_ = 	snop  }
0x3b: {  	_ = 	snop  }
0x3c: {  	p2 =	seq.s32 s10, $0x1;
	s10 =	sld [smem:$0x3FB9]  }
0x3d: {  	_ =	shalt  }
0x3e: {  	_ =	shalt  }
0x3f: {  	_ =	shalt  }
0x40: {  	_ =	shalt  }
0x41: {  	_ =	shalt  }
0x42: {  	_ =	shalt  }
0x43: {  	_ =	shalt  }
0x44: {  	_ =	shalt  }
0x45: {  	_ =	shalt  }
0x46: {  	_ =	shalt  }
0x47: {  	_ =	shalt  }
0x48: {  	_ =	shalt  }
0x49: {  	_ =	shalt  }
0x4a: {  	_ =	shalt  }
0x4b: {  	_ =	shalt  }
0x4c: {  	_ =	shalt  }
0x4d: {  	_ =	shalt  }
0x4e: {  	_ =	shalt  }
0x4f: {  	_ =	shalt  }
0x50: {  	_ =	shalt  }
0x51: {  	_ =	shalt  }
0x52: {  	_ =	shalt  }
0x53: {  	_ =	shalt  }
0x54: {  	_ =	shalt  }
0x55: {  	_ =	shalt  }
0x56: {  	_ =	shalt  }
0x57: {  	_ =	shalt  }
0x58: {  	_ =	shalt  }
0x59: {  	_ =	shalt  }
0x5a: {  	_ =	shalt  }
0x5b: {  	_ =	shalt  }
0x5c: {  	_ =	shalt  }
0x5d: {  	_ =	shalt  }
0x5e: {  	_ =	shalt  }
0x5f: {  	_ =	shalt  }
0x60: {  	_ =	shalt  }
0x61: {  	_ =	shalt  }
0x62: {  	_ =	shalt  }
0x63: {  	_ =	shalt  }
0x64: {  	_ =	shalt  }
0x65: {  	_ =	shalt  }
0x66: {  	_ =	shalt  }
0x67: {  	_ =	shalt  }
0x68: {  	_ =	shalt  }
0x69: {  	_ =	shalt  }
0x6a: {  	_ =	shalt  }
0x6b: {  	_ =	shalt  }
0x6c: {  	_ =	shalt  }
0x6d: {  	_ =	shalt  }
0x6e: {  	_ =	shalt  }
0x6f: {  	_ =	shalt  }
0x70: {  	_ =	shalt  }
0x71: {  	_ =	shalt  }
0x72: {  	_ =	shalt  }
0x73: {  	_ =	shalt  }
0x74: {  	_ =	shalt  }
0x75: {  	_ =	shalt  }
0x76: {  	_ =	shalt  }
0x77: {  	_ =	shalt  }
0x78: {  	_ =	shalt  }
0x79: {  	_ =	shalt  }
0x7a: {  	_ =	shalt  }
0x7b: {  	_ =	shalt  }
0x7c: {  	_ =	shalt  }
0x7d: {  	_ =	shalt  }
0x7e: {  	_ =	shalt  }
0x7f: {  	_ =	shalt  }
0x80: {  	_ =	shalt  }
0x81: {  	_ =	shalt  }
0x82: {  	_ =	shalt  }
0x83: {  	_ =	shalt  }
0x84: {  	_ =	shalt  }
0x85: {  	_ =	shalt  }
0x86: {  	_ =	shalt  }
0x87: {  	_ =	shalt  }
.Lfunc_end0:
.L_simem_size_0:
called_computation.1_lowered:
.L_overlay_start_0:
0x88: {  	s2 =	sld [smem:$0x3FD9]  }
0x89: {  	s3 =	sld [smem:$0x3FFE];
	_ =	sdelay $0x1  }
0x8a: {  	s1 =	srdreg.scid  }
0x8b: {  	s0 =	sand.u32 $0x1, s1  }
0x8c: {  	s14 =	sshll.u32 s0, $0xA;
	s2 =	sadd.s32 s3, s2  }
0x8d: {  	s2 =	sadd.s32 s2, s14  }
0x8e: {  	[smem:$0x3FC5] =	sst s2  }
0x8f: {  	_ = 	snop  }
0x90: {  	s2 =	sld [smem:$0x3FD0];
	_ =	sdelay $0x2  }
0x91: {  	s15 =	simm.s32 $0xA;
	s4 =	simm.s32 $0x10  }
0x92: {  	[smem:s4], [sflag:s15] =	dma.local [hbm:s2], $0x1  }
0x93: {  	_ =	swait.eq [sflag:s15], $0x1  }
0x94: {  	[sflag:s15] =	ssyncset.done $0x0  }
0x95: {  	s16 =	sld [smem:$0x10];
	[sflag:s15] =	ssyncadd.s32 $0xFFFFFFFF  }
0x96: {  	s17 =	sld [smem:$0x11];
	(tm) =	ssettm $0x1  }
0x97: {  	s18 =	sld [smem:$0x3FFB];
	_ =	sdelay $0x3  }
0x98: {  	_ =	strace s18  }
0x99: {  	s4 =	sld [smem:$0x3FFC];
	_ =	sdelay $0x3  }
0x9a: {  	_ =	strace s4  }
0x9b: {  	s4 =	sld [smem:$0x3FFD];
	_ =	sdelay $0x3  }
0x9c: {  	_ =	strace s4  }
0x9d: {  	_ =	strace $0x8FFFFFFF  }
0x9e: {  	s19 =	sld [smem:$0x3FDB];
	_ =	sdelay $0x1  }
0x9f: {  	s5 =	simm.s32 $_scs_section_size  }
0xa0: {  	s6 =	simm.s32 $_size__tile_overlayer_lowered;
	s7 =	simm.s32 $_tile_overlayer_lowered  }
0xa1: {  	s22 =	simm.s32 $0x1BFF;
	s21 =	sshll.u32 s7, $0x1;
	s4 =	sadd.s32 s5, s19  }
0xa2: {  	s8 =	simm.s32 $0x0;
	s20 =	sshll.u32 s6, $0x1;
	s6 =	sadd.s32 s21, s4  }
0xa3: {  	[timem:s8], [sflag:s22] =	dma.local [hbm:s6], s20  }
0xa4: {  	_ =	swait.ge [sflag:s22], s20  }
0xa5: {  	s5 =	ssub.s32 $0x0, s20;
	[sflag:s22] =	ssyncset.done $0x0  }
0xa6: {  	[sflag:s22] =	ssyncadd.s32 s5;
	_ =	sdelay $0x1  }
0xa7: {  	s23 =	simm.s32 $0x1B8B  }
0xa8: {  	_ =	swait.ge [sflag:s23], $0x1  }
0xa9: {  	[sflag:s23] =	ssyncset.done $0x0  }
0xaa: {  	s25 =	simm.s32 $0x1B8E;
	s24 =	sld [smem:$0x3FFE];
	[sflag:s23] =	ssyncadd.s32 $0xFFFFFFFF  }
0xab: {  	s26 =	simm.s32 $execute0_lowered;
	[smem:$0x3FD2] =	sst s25  }
0xac: {  	s6 =	sshll.u32 s26, $0x1;
	_ =	strace $0x80000049;
	[dreg:$0x1] =	wrdreg $0xFFFFFFFF  }
0xad: {  	s28 =	simm.s32 $_size_execute0_lowered;
	s4 =	sadd.s32 s4, s6;
	[dreg:$0x0] =	wrdreg $0x0  }
0xae: {  	s6 =	sshll.u32 s28, $0x1;
	[dreg:$0x2] =	wrdreg s4  }
0xaf: {  	[dreg:$0x3] =	wrdreg s6  }
0xb0: {  	[dreg:$0x4] =	wrdreg $0xC0  }
0xb1: {  	_ =	task [dreg:s8], $0x5FFFF  }
0xb2: {  	[dreg:$0x1] =	wrdreg $0xFFFFFFFF  }
0xb3: {  	[dreg:$0x0] =	wrdreg $0x60  }
0xb4: {  	[dreg:$0x2] =	wrdreg s24  }
0xb5: {  	[dreg:$0x3] =	wrdreg s17  }
0xb6: {  	[dreg:$0x4] =	wrdreg s16  }
0xb7: {  	[dreg:$0x5] =	wrdreg $0x9  }
0xb8: {  	_ =	task.clear_ibuf [dreg:s8], $0x6FFFF;
	_ =	strace $0x90000049  }
0xb9: {  	s29 =	simm.s32 $0x9;
	_ =	strace $0x8000004B  }
0xba: {  	_ =	swait.ge [sflag:s29], $0x1  }
0xbb: {  	[sflag:s29] =	ssyncadd.s32 $0xFFFFFFFF  }
0xbc: {  	_ =	strace $0x9000004B  }
0xbd: {  	_ =	sfence  }
0xbe: {  	s30 =	sld [smem:$0x0];
	_ =	sdelay $0x2  }
0xbf: {  	s31 =	sshll.u32 s1, $0xD;
	s1 =	sshrl.u32 s1, $0x2  }
0xc0: {  	s3 =	sand.u32 $0x4000, s31;
	s1 =	sadd.s32 s1, s30  }
0xc1: {  	s0 =	sor.u32 s3, s0;
	s1 =	sshll.u32 s1, $0x11  }
0xc2: {  	s0 =	sor.u32 s1, s0  }
0xc3: {  	s0 =	sadd.s32 $0x8F2B, s0  }
0xc4: {  	[sflag:s0] =	ssyncadd.remote.s32 $0x1  }
0xc5: {  	_ =	sfence.sel $0xFFFF  }
0xc6: {  	[dreg:$0x0] =	wrdreg $0xFFFFFFFF;
	(pc) =	sbr.abs _section_cstart, $3  }
0xc7: {  	[dreg:$0x1] =	wrdreg $0xFFFFFFFF  }
0xc8: {  	_ =	task.clear_ibuf [dreg:s8], $0x2FFFF;
	_ =	strace $0x9FFFFFFF  }
0xc9: {  	(tm) =	ssettm $0x7FFFFFFF  }
tec
execute0_lowered:
.L_overlay_start_1:
0x0: {  	(tag) =	ssettag $0x1  }
0x1: {  	s1 =	rddreg [dreg:$0x0]  }
0x2: {  	s10 =	rddreg [dreg:$0x1]  }
0x3: {  	s11 =	rddreg [dreg:$0x2]  }
0x4: {  	s0 =	rddreg [dreg:$0x3];
	s2 =	simm.s32 $0x0;
	s6 =	srdreg.scid  }
0x5: {  	s3 =	stileid.u32;
	s15 =	simm.s32 $0x2000;
	s16 =	simm.s32 $0x10  }
0x6: {  	s17 =	simm.s32 $0x2200;
	s18 =	simm.s32 $0x2210;
	s19 =	simm.s32 $0x1  }
0x7: {  	s20 =	simm.s32 $0x2290;
	s21 =	simm.s32 $0x22A0;
	s22 =	simm.s32 $0x0  }
0x8: {  	[smem:$0x7FF] =	sst s2;
	s4 =	sadd.s32 $0x5200, s1;
	s5 =	sadd.s32 $0x5000, s1  }
0x9: {  	s9 =	sand.u32 $0x1, s6;
	s6 =	sadd.s32 $0x6200, s1;
	s8 =	sshll.u32 s3, $0x5  }
0xa: {  	s7 =	sadd.s32 $0x6C00, s1;
	s12 =	sshll.u32 s9, $0x4;
	s9 =	ssub.s32 $0x2, s9  }
0xb: {  	_ =	strace $0x8000004A;
	s8 =	sor.u32 s12, s8;
	s13 =	sshrl.u32 s9, $0x1  }
0xc: {  	s12 =	sadd.s32 s8, s1;
	s14 =	sshrl.u32 s8, $0x3;
	s13 =	ssub.s32 s9, s13  }
0xd: {  	s9 =	sadd.s32 $0x5400, s12;
	s10 =	sadd.s32 s10, s14;
	s11 =	sadd.s32 s11, s14  }
0xe: {  	v0 =	vimm.s32 $0x4E20;
	s12 =	smax.u32 s13, $0x1;
	s13 =	simm.s32 $0x2;
	s14 =	simm.s32 $0x1000  }
.LBB2_1:
0xf: {  	[tilespmem:s2], [sflag:$0x2] =	stream.linear.gather [hbm4b:s4+s2], $0x1000, $0x38;
	[tilespmem:$0x22B0] =	vst v63  }
0x10: {  	_ =	swait.ge [sflag:s13], $0x1000  }
0x11: {  	[sflag:s13] =	ssyncset.done $0x0  }
0x12: {  	[sflag:s13] =	ssyncadd.s32 $0xFFFFF000  }
0x13: {  	[tilespmem:s14], [sflag:$0x2] =	stream.linear.gather [hbm4b:s5+s2], $0x1000, $0x38;
	[tilespmem:$0x22B0] =	vst v63  }
0x14: {  	_ =	swait.ge [sflag:s13], $0x1000  }
0x15: {  	[sflag:s13] =	ssyncset.done $0x0  }
0x16: {  	[sflag:s13] =	ssyncadd.s32 $0xFFFFF000  }
0x17: {  	[tilespmem:$0x2000] =	vst v0  }
0x18: {  	[tilespmem:$0x2010] =	vst v0  }
0x19: {  	[tilespmem:$0x2020] =	vst v0  }
0x1a: {  	[tilespmem:$0x2030] =	vst v0  }
0x1b: {  	[tilespmem:$0x2040] =	vst v0  }
0x1c: {  	[tilespmem:$0x2050] =	vst v0  }
0x1d: {  	[tilespmem:$0x2060] =	vst v0  }
0x1e: {  	[tilespmem:$0x2070] =	vst v0  }
0x1f: {  	[tilespmem:$0x2080] =	vst v0  }
0x20: {  	[tilespmem:$0x2090] =	vst v0  }
0x21: {  	[tilespmem:$0x20A0] =	vst v0  }
0x22: {  	[tilespmem:$0x20B0] =	vst v0  }
0x23: {  	[tilespmem:$0x20C0] =	vst v0  }
0x24: {  	[tilespmem:$0x20D0] =	vst v0  }
0x25: {  	[tilespmem:$0x20E0] =	vst v0  }
0x26: {  	[tilespmem:$0x20F0] =	vst v0  }
0x27: {  	[tilespmem:$0x2100] =	vst v0  }
0x28: {  	[tilespmem:$0x2110] =	vst v0  }
0x29: {  	[tilespmem:$0x2120] =	vst v0  }
0x2a: {  	[tilespmem:$0x2130] =	vst v0  }
0x2b: {  	[tilespmem:$0x2140] =	vst v0  }
0x2c: {  	[tilespmem:$0x2150] =	vst v0  }
0x2d: {  	[tilespmem:$0x2160] =	vst v0  }
0x2e: {  	[tilespmem:$0x2170] =	vst v0  }
0x2f: {  	[tilespmem:$0x2180] =	vst v0  }
0x30: {  	[tilespmem:$0x2190] =	vst v0  }
0x31: {  	[tilespmem:$0x21A0] =	vst v0  }
0x32: {  	[tilespmem:$0x21B0] =	vst v0  }
0x33: {  	[tilespmem:$0x21C0] =	vst v0  }
0x34: {  	[tilespmem:$0x21D0] =	vst v0  }
0x35: {  	[tilespmem:$0x21E0] =	vst v0  }
0x36: {  	s24 =	simm.s32 $0x0;
	[tilespmem:$0x21F0] =	vst v0  }
0x37: {  	v1 =	vld [tilespmem:s24+$0x0];
	_ =	sdelay $0x4  }
0x38: {  	(xrf2) =	vadd.scan.msk.f32 $0xffff, v1;
	_ =	sdelay $0x9  }
0x39: {  	s23 =	simm.f32 $0.0e+00;
	v2, _, _ =	vpop (xrf2)  }
0x3a: {  	v3 =	vadd.f32 s23, v2;
	(v2sf) =	vpush v2, $0xF;
	_ =	sdelay $0x1  }
0x3b: {  	v3 =	vtrunc.f32 v3  }
0x3c: {  	v3 =	vcvt.f32.s32 v3;
	_ =	sdelay $0x1  }
0x3d: {  	v3 =	vadd.s32 $0xFFFFFFFF, v3  }
0x3e: {  	vm0 =	vgt.f32 v1, $5.000000000e-01;
	vm1 =	vlt.s32 v3, $0x1F4  }
0x3f: {  	vm0 =	vmand vm0, vm1  }
0x40: {  	v1 =	vnsel vm0, $0x0, v3;
	v3 =	vld [tilespmem:s24+$0x1000];
	_ =	sdelay $0x4  }
0x41: {  	s25 =	simm.s32 $0x80;
	s24 =	simm.s32 $0x10;
	[tilespmem:v1+s15+$0x0] =	vst.idx.msk vm0, v3  }
.LBB2_2:
0x42: {  	p0 =	sne.s32 s25, $0x3FC0;
	v1 =	vld [tilespmem:s24+$0x0]  }
0x43: {  	s26 =	spop (v2sf)  }
0x44: {  	s23 =	sadd.f32 s26, s23;
	_ =	sdelay $0x2  }
0x45: {  	vm0 =	vgt.f32 v1, $5.000000000e-01;
	(xrf2) =	vadd.scan.msk.f32 $0xffff, v1;
	_ =	sdelay $0x9  }
0x46: {  	v1, _, _ =	vpop (xrf2)  }
0x47: {  	v2 =	vadd.f32 s23, v1;
	(v2sf) =	vpush v1, $0xF;
	_ =	sdelay $0x1  }
0x48: {  	v1 =	vtrunc.f32 v2  }
0x49: {  	v1 =	vcvt.f32.s32 v1;
	_ =	sdelay $0x1  }
0x4a: {  	v1 =	vadd.s32 $0xFFFFFFFF, v1  }
0x4b: {  	vm1 =	vlt.s32 v1, $0x1F4  }
0x4c: {  	vm0 =	vmand vm0, vm1  }
0x4d: {  	v1 =	vnsel vm0, $0x0, v1;
	v2 =	vld [tilespmem:s24+$0x1000]  }
.Ltmp0:
0x4e: {  	(pc) =	sbr.rel @p0 .LBB2_2-.Ltmp0, $2  }
0x4f: {  	_ =	sdelay $0x2  }
0x50: {  	s24 =	sshra.s32 s25, $0x2;
	s25 =	sadd.s32 $0x40, s25;
	[tilespmem:v1+s15+$0x0] =	vst.idx.msk vm0, v2  }
0x51: {  	v1 =	vld [tilespmem:s24+$0x0];
	_ =	sdelay $0x4  }
0x52: {  	(xrf2) =	vadd.scan.msk.f32 $0xffff, v1;
	_ =	sdelay $0x7  }
0x53: {  	s25 =	spop (v2sf)  }
0x54: {  	s23 =	sadd.f32 s25, s23  }
0x55: {  	v2, _, _ =	vpop (xrf2)  }
0x56: {  	v3 =	vadd.f32 s23, v2;
	_ =	sdelay $0x1  }
0x57: {  	v3 =	vtrunc.f32 v3  }
0x58: {  	v3 =	vcvt.f32.s32 v3  }
0x59: {  	(v2sf) =	vpush v2, $0xF  }
0x5a: {  	v2 =	vadd.s32 $0xFFFFFFFF, v3  }
0x5b: {  	vm0 =	vgt.f32 v1, $5.000000000e-01;
	vm1 =	vlt.s32 v2, $0x1F4  }
0x5c: {  	vm0 =	vmand vm0, vm1  }
0x5d: {  	v1 =	vnsel vm0, $0x0, v2;
	v2 =	vld [tilespmem:s24+$0x1000];
	_ =	sdelay $0x4  }
0x5e: {  	[tilespmem:v1+s15+$0x0] =	vst.idx.msk vm0, v2  }
0x5f: {  	v1 =	vld [tilespmem:s8+$0x2000];
	_ =	sdelay $0x4  }
0x60: {  	s31 =	spop (v2sf);
	[tilespmem:$0x2200] =	vst v1  }
0x61: {  	[tilespmem:s18], [sflag:$0x1] =	stream.indirect.gather [hbm4b:s1+s16], $0x8, s17, s16, $0xb8;
	[tilespmem:$0x22B0] =	vst v63  }
0x62: {  	_ =	swait.ge [sflag:s19], $0x80  }
0x63: {  	[sflag:s19] =	ssyncset.done $0x0  }
0x64: {  	[sflag:s19] =	ssyncadd.s32 $0xFFFFFF80  }
0x65: {  	[tilespmem:s20], [sflag:$0x1] =	stream.indirect.gather [hbm4b:s6+s16], $0x1, s17, s16, $0xb8;
	[tilespmem:$0x22B0] =	vst v63  }
0x66: {  	_ =	swait.ge [sflag:s19], $0x10  }
0x67: {  	[sflag:s19] =	ssyncset.done $0x0  }
0x68: {  	[sflag:s19] =	ssyncadd.s32 $0xFFFFFFF0  }
0x69: {  	[tilespmem:s21], [sflag:$0x1] =	stream.indirect.gather [hbm4b:s7+s16], $0x1, s17, s16, $0xb8;
	[tilespmem:$0x22B0] =	vst v63  }
0x6a: {  	_ =	swait.ge [sflag:s19], $0x10  }
0x6b: {  	[sflag:s19] =	ssyncset.done $0x0  }
0x6c: {  	[sflag:s19] =	ssyncadd.s32 $0xFFFFFFF0  }
0x6d: {  	[hbm4b:s9+s2] =	stream.linear.scatter [tilespmem:s18], [sflag:$0x2], $0x80, $0x38;
	[tilespmem:$0x22B0] =	vst v63  }
0x6e: {  	_ =	swait.ge [sflag:s13], $0x80  }
0x6f: {  	[sflag:s13] =	ssyncset.done $0x0  }
0x70: {  	[sflag:s13] =	ssyncadd.s32 $0xFFFFFF80  }
0x71: {  	[hbm4b:s10+s2] =	stream.linear.scatter [tilespmem:s20], [sflag:$0x2], $0x10, $0x38;
	[tilespmem:$0x22B0] =	vst v63  }
0x72: {  	s22 =	sadd.s32 $0x1, s22;
	_ =	swait.ge [sflag:s13], $0x10  }
0x73: {  	p0 =	sne.s32 s22, s12;
	[sflag:s13] =	ssyncset.done $0x0  }
.Ltmp1:
0x74: {  	[sflag:s13] =	ssyncadd.s32 $0xFFFFFFF0;
	(pc) =	sbr.rel @p0 .LBB2_1-.Ltmp1, $4  }
0x75: {  	[hbm4b:s11+s2] =	stream.linear.scatter [tilespmem:s21], [sflag:$0x2], $0x10, $0x38;
	[tilespmem:$0x22B0] =	vst v63  }
0x76: {  	_ =	swait.ge [sflag:s13], $0x10  }
0x77: {  	[sflag:s13] =	ssyncset.done $0x0  }
0x78: {  	[sflag:s13] =	ssyncadd.s32 $0xFFFFFFF0  }
0x79: {  	_ =	sfence.sel $0x180000  }
0x7a: {  	[bflag:$0x0] =	sbarrier.arrive $0xFFFF  }
0x7b: {  	p0 =	sne.s32 s3, $0x0;
	_ =	strace $0x9000004A  }
0x7c: {  	s0 =	sadd.s32 @!p0 $0x100000, s0;
	[bflag:$0x2] =	sbarrier.arrive $0xFFFF  }
0x7d: {  	[sflag:s0] =	ssyncadd.tile.s32 @!p0 $0x1;
	_ =	shalt  }
.Lfunc_end2:
_tile_overlayer_lowered:
.L_overlay_start_2:
0x7e: {  	(tag) =	ssettag $0x2  }
0x7f: {  	s0 =	rddreg [dreg:$0x0];
	s2 =	stileid.u32  }
0x80: {  	s1 =	rddreg [dreg:$0x1];
	p0 =	sne.s32 s2, $0x0  }
0x81: {  	s3 =	rddreg [dreg:$0x2];
	[bflag:$0x3] =	sbarrier.arrive $0xFFFF;
	s2 =	simm.s32 @!p0 $0x1C02  }
0x82: {  	[timem:s3], [sflag:s2] =	dma.local @!p0 [hbm:s0], s1  }
0x83: {  	s0 =	simm.s32 @!p0 $0x2  }
0x84: {  	_ =	swait.ge @!p0 [sflag:s0], s1  }
0x85: {  	s1 =	ssub.s32 @!p0 $0x0, s1;
	[sflag:s0] =	ssyncset.done @!p0 $0x0  }
0x86: {  	[sflag:s0] =	ssyncadd.s32 @!p0 s1  }
0x87: {  	[bflag:$0x3] =	sbarrier.arrive $0xFFFF  }
0x88: {  	_ =	shalt  }

</sc_bundles>
